<compile_context>
chip_gen: v7x
topology: tpu7x:2x2x1
jax: 0.10.2.dev20260603
libtpu: 0.0.44.dev20260713+nightly
codegen_flags: <defaults>
</compile_context>

<pallas_src>
import functools

import jax
import jax.numpy as jnp
from jax import lax
from jax.experimental import pallas as pl
from jax.experimental.pallas import tpu as pltpu
from jax.experimental.pallas import tpu_sc as plsc

HIDDEN = 1024
NUM_CORES = 2
NUM_SUBCORES = 16
COLS = 128
N_SLICES = HIDDEN // (NUM_CORES * COLS)
CHUNK = 64
NBUF = 7
GDEPTH = 3
SDEPTH = NBUF - GDEPTH


def _gather_flat(flat_ids, table):
    B = flat_ids.shape[0]
    V = table.shape[0]
    b_per_w = B // NUM_SUBCORES
    n_per = b_per_w // CHUNK
    rows_per_sub = V // NUM_SUBCORES

    mesh = plsc.VectorSubcoreMesh(core_axis_name="c", subcore_axis_name="s")

    @functools.partial(
        pl.kernel,
        mesh=mesh,
        out_type=jax.ShapeDtypeStruct((B, HIDDEN), jnp.float32),
        scratch_types=[
            pltpu.VMEM_SHARED((V, COLS), jnp.float32),
            pltpu.VMEM((b_per_w,), jnp.int32),
        ]
        + [pltpu.VMEM((CHUNK, COLS), jnp.float32)] * NBUF
        + [pltpu.SemaphoreType.DMA] * NBUF,
    )
    def emb(idx_hbm, table_hbm, out_hbm, shared, idx_v, *rest):
        bufs = rest[:NBUF]
        sems = rest[NBUF:]
        c = lax.axis_index("c")
        s = lax.axis_index("s")
        base = s * b_per_w
        pltpu.sync_copy(idx_hbm.at[pl.ds(base, b_per_w)], idx_v)

        def row_off(G):
            return (G % n_per) * CHUNK

        def col0(G):
            return (c * N_SLICES + G // n_per) * COLS

        def start_gather(G, k):
            pltpu.async_copy(
                shared.at[idx_v.at[pl.ds(row_off(G), CHUNK)]], bufs[k], sems[k]
            )

        def wait_gather(G, k):
            pltpu.make_async_copy(
                shared.at[idx_v.at[pl.ds(row_off(G), CHUNK)]], bufs[k], sems[k]
            ).wait()

        def start_store(G, k):
            pltpu.async_copy(
                bufs[k],
                out_hbm.at[pl.ds(base + row_off(G), CHUNK), pl.ds(col0(G), COLS)],
                sems[k],
            )

        def wait_store(G, k):
            pltpu.make_async_copy(
                bufs[k],
                out_hbm.at[pl.ds(base + row_off(G), CHUNK), pl.ds(col0(G), COLS)],
                sems[k],
            ).wait()

        def phase(G, k, store_wait, gather_start):
            wait_gather(G, k)
            if store_wait:
                wait_store(G - SDEPTH, (k + GDEPTH) % NBUF)
            if gather_start:
                start_gather(G + GDEPTH, (k + GDEPTH) % NBUF)
            start_store(G, k)

        for i in range(N_SLICES):
            g_lo = i * n_per
            g_hi = g_lo + n_per
            if i > 0:
                plsc.subcore_barrier()
            pltpu.sync_copy(
                table_hbm.at[
                    pl.ds(s * rows_per_sub, rows_per_sub),
                    pl.ds((c * N_SLICES + i) * COLS, COLS),
                ],
                shared.at[pl.ds(s * rows_per_sub, rows_per_sub)],
            )
            plsc.subcore_barrier()

            for G in range(g_lo, g_lo + GDEPTH):
                start_gather(G, G % NBUF)
            head = SDEPTH if i == 0 else 0
            for G in range(g_lo, g_lo + head):
                phase(G, G % NBUF, False, True)
            full_lo = g_lo + head
            n_full = (g_hi - GDEPTH) - full_lo
            n_loop = (n_full // NBUF) * NBUF

            def body(j, carry):
                for p in range(NBUF):
                    G = full_lo + j * NBUF + p
                    phase(G, (full_lo + p) % NBUF, True, True)
                return carry

            lax.fori_loop(0, n_loop // NBUF, body, 0)
            for G in range(full_lo + n_loop, g_hi - GDEPTH):
                phase(G, G % NBUF, True, True)
            for G in range(g_hi - GDEPTH, g_hi):
                phase(G, G % NBUF, True, False)

        n_total = N_SLICES * n_per
        for G in range(n_total - SDEPTH, n_total):
            wait_store(G, G % NBUF)

    return emb(flat_ids, table)


def kernel(position_ids, embedding_weight):
    B0, S = position_ids.shape
    flat = position_ids.reshape(B0 * S).astype(jnp.int32)
    out = _gather_flat(flat, embedding_weight)
    return out.reshape(B0, S, HIDDEN)

# --- scband reference (transcript-rebuilt; emitter-appended) ---
"""Pipeline reference for scband-learned-position-embedding-17927193493771 (READ-ONLY COPY).

The authoritative reference and input builder live on the scoring server;
editing this copy changes nothing except your own understanding.
"""

import jax, jax.numpy as jnp
import numpy as np

MAX_SEQ_LEN = 8192
HIDDEN_SIZE = 1024


def setup_inputs(seed: int = 0) -> dict:
    key = jax.random.key(seed)
    k_idx, k_w = jax.random.split(key)
    position_ids = jax.random.randint(k_idx, (4, 8192), 0, MAX_SEQ_LEN, dtype=jnp.int64 if jax.config.jax_enable_x64 else jnp.int32)
    # learned embedding table, init_std=0.02
    embedding_weight = jax.random.normal(k_w, (MAX_SEQ_LEN, HIDDEN_SIZE), dtype=jnp.float32) * 0.02
    return {"position_ids": position_ids, "embedding_weight": embedding_weight}


def reference(position_ids, embedding_weight):
    # Faithful translation of LearnedPositionEmbedding.forward:
    # a plain embedding lookup (gather rows of the table).
    # (Runtime max-index validation is a host-side check; values are in-range by construction.)
    return jnp.take(embedding_weight, position_ids, axis=0)

if __name__ == "__main__":
    import jax
    _d = setup_inputs()
    print(jax.jit(kernel)(*tuple(_d.values())))

</pallas_src>

<mosaic_0001>
#map = affine_map<(d0, d1) -> (0)>
#map1 = affine_map<(d0, d1) -> (0, 0)>
module attributes {stable_mosaic.version = 14 : i64} {
  func.func @emb(%arg0: i32, %arg1: i32, %arg2: memref<32768xi32, #tpu.memory_space<hbm>>, %arg3: memref<8192x1024xf32, #tpu.memory_space<hbm>>, %arg4: memref<32768x1024xf32, #tpu.memory_space<hbm>>, %arg5: memref<8192x128xf32, #tpu.memory_space<vmem_shared>>, %arg6: memref<2048xi32, #tpu.memory_space<vmem>>, %arg7: memref<64x128xf32, #tpu.memory_space<vmem>>, %arg8: memref<64x128xf32, #tpu.memory_space<vmem>>, %arg9: memref<64x128xf32, #tpu.memory_space<vmem>>, %arg10: memref<64x128xf32, #tpu.memory_space<vmem>>, %arg11: memref<64x128xf32, #tpu.memory_space<vmem>>, %arg12: memref<64x128xf32, #tpu.memory_space<vmem>>, %arg13: memref<64x128xf32, #tpu.memory_space<vmem>>, %arg14: memref<!tpu.dma_semaphore, #tpu.memory_space<semaphore_mem>>, %arg15: memref<!tpu.dma_semaphore, #tpu.memory_space<semaphore_mem>>, %arg16: memref<!tpu.dma_semaphore, #tpu.memory_space<semaphore_mem>>, %arg17: memref<!tpu.dma_semaphore, #tpu.memory_space<semaphore_mem>>, %arg18: memref<!tpu.dma_semaphore, #tpu.memory_space<semaphore_mem>>, %arg19: memref<!tpu.dma_semaphore, #tpu.memory_space<semaphore_mem>>, %arg20: memref<!tpu.dma_semaphore, #tpu.memory_space<semaphore_mem>>) attributes {dimension_semantics = [#tpu.dimension_semantics<core_parallel>, #tpu.dimension_semantics<subcore_parallel>], iteration_bounds = array<i64: 2, 16>, scalar_prefetch = 0 : i64, scratch_operands = 16 : i64, tpu.core_type = #tpu.core_type<sc_vector_subcore>, window_params = [{transform_indices = #map}, {transform_indices = #map1}, {transform_indices = #map1}]} {
    %mul3A = arith.constant 2048 : i32
    %mul3A_0 = arith.muli %arg1, %mul3A : i32
    "tpu.region"() ({
      %run_scoped3A = tpu.sem_alloc : memref<!tpu.dma_semaphore, #tpu.memory_space<semaphore_mem>>
      %dma_start3A_757 = tpu.memref_slice %arg2[%mul3A_0] : memref<32768xi32, #tpu.memory_space<hbm>> -> memref<2048xi32, #tpu.memory_space<hbm>>
      %dma_start3A_758 = tpu.memref_slice %arg2[%mul3A_0] : memref<32768xi32, #tpu.memory_space<hbm>> -> memref<2048xi32, #tpu.memory_space<hbm>>
      tpu.enqueue_dma source(%dma_start3A_758 : memref<2048xi32, #tpu.memory_space<hbm>>) target(%arg6 : memref<2048xi32, #tpu.memory_space<vmem>>) target_semaphore(%run_scoped3A : memref<!tpu.dma_semaphore, #tpu.memory_space<semaphore_mem>>)
      %dma_wait3A_759 = tpu.memref_slice %arg2[%mul3A_0] : memref<32768xi32, #tpu.memory_space<hbm>> -> memref<2048xi32, #tpu.memory_space<hbm>>
      %dma_wait3A_760 = tpu.memref_slice %arg2[%mul3A_0] : memref<32768xi32, #tpu.memory_space<hbm>> -> memref<2048xi32, #tpu.memory_space<hbm>>
      tpu.wait_dma2 semaphore(%run_scoped3A : memref<!tpu.dma_semaphore, #tpu.memory_space<semaphore_mem>>) src(%dma_wait3A_760 : memref<2048xi32, #tpu.memory_space<hbm>>) dst(%arg6 : memref<2048xi32, #tpu.memory_space<vmem>>)
      tpu.yield
    }) : () -> ()
    %mul3A_1 = arith.constant 512 : i32
    %mul3A_2 = arith.muli %arg1, %mul3A_1 : i32
    %mul3A_3 = arith.constant 4 : i32
    %mul3A_4 = arith.muli %arg0, %mul3A_3 : i32
    %add3A = arith.constant 0 : i32
    %add3A_5 = arith.addi %mul3A_4, %add3A : i32
    %mul3A_6 = arith.constant 128 : i32
    %mul3A_7 = arith.muli %add3A_5, %mul3A_6 : i32
    %mul3A_8 = arith.constant 512 : i32
    %mul3A_9 = arith.muli %arg1, %mul3A_8 : i32
    "tpu.region"() ({
      %run_scoped3A = tpu.sem_alloc : memref<!tpu.dma_semaphore, #tpu.memory_space<semaphore_mem>>
      %dma_start3A_757 = arith.constant 0 : i32
      %dma_start3A_758 = tpu.memref_slice %arg5[%mul3A_9, %dma_start3A_757] : memref<8192x128xf32, #tpu.memory_space<vmem_shared>> -> memref<512x128xf32, #tpu.memory_space<vmem_shared>>
      %dma_start3A_759 = tpu.memref_slice %arg3[%mul3A_2, %mul3A_7] : memref<8192x1024xf32, #tpu.memory_space<hbm>> -> memref<512x128xf32, #tpu.memory_space<hbm>>
      tpu.enqueue_dma source(%dma_start3A_759 : memref<512x128xf32, #tpu.memory_space<hbm>>) target(%dma_start3A_758 : memref<512x128xf32, #tpu.memory_space<vmem_shared>>) target_semaphore(%run_scoped3A : memref<!tpu.dma_semaphore, #tpu.memory_space<semaphore_mem>>)
      %dma_wait3A_760 = arith.constant 0 : i32
      %dma_wait3A_761 = tpu.memref_slice %arg5[%mul3A_9, %dma_wait3A_760] : memref<8192x128xf32, #tpu.memory_space<vmem_shared>> -> memref<512x128xf32, #tpu.memory_space<vmem_shared>>
      %dma_wait3A_762 = tpu.memref_slice %arg3[%mul3A_2, %mul3A_7] : memref<8192x1024xf32, #tpu.memory_space<hbm>> -> memref<512x128xf32, #tpu.memory_space<hbm>>
      tpu.wait_dma2 semaphore(%run_scoped3A : memref<!tpu.dma_semaphore, #tpu.memory_space<semaphore_mem>>) src(%dma_wait3A_762 : memref<512x128xf32, #tpu.memory_space<hbm>>) dst(%dma_wait3A_761 : memref<512x128xf32, #tpu.memory_space<vmem_shared>>)
      tpu.yield
    }) : () -> ()
    %barrier3A = arith.constant 0 : index
    tpu.barrier barrier_id(%barrier3A)
    %dma_start3A = arith.constant 0 : i32
    %dma_start3A_10 = tpu.memref_slice %arg6[%dma_start3A] : memref<2048xi32, #tpu.memory_space<vmem>> -> memref<64xi32, #tpu.memory_space<vmem>>
    %dma_start3A_11 = arith.constant 0 : i32
    %dma_start3A_12 = arith.constant 0 : i32
    %dma_start3A_13 = tpu.memref_slice %arg5[%dma_start3A_11, %dma_start3A_12] : memref<8192x128xf32, #tpu.memory_space<vmem_shared>> -> memref<8192x128xf32, #tpu.memory_space<vmem_shared>>
    tpu.enqueue_indirect_dma source(%dma_start3A_13 : memref<8192x128xf32, #tpu.memory_space<vmem_shared>>) target(%arg7 : memref<64x128xf32, #tpu.memory_space<vmem>>) offsets(%dma_start3A_10 : memref<64xi32, #tpu.memory_space<vmem>>) semaphore(%arg14 : memref<!tpu.dma_semaphore, #tpu.memory_space<semaphore_mem>>)
    %dma_start3A_14 = arith.constant 64 : i32
    %dma_start3A_15 = tpu.memref_slice %arg6[%dma_start3A_14] : memref<2048xi32, #tpu.memory_space<vmem>> -> memref<64xi32, #tpu.memory_space<vmem>>
    %dma_start3A_16 = arith.constant 0 : i32
    %dma_start3A_17 = arith.constant 0 : i32
    %dma_start3A_18 = tpu.memref_slice %arg5[%dma_start3A_16, %dma_start3A_17] : memref<8192x128xf32, #tpu.memory_space<vmem_shared>> -> memref<8192x128xf32, #tpu.memory_space<vmem_shared>>
    tpu.enqueue_indirect_dma source(%dma_start3A_18 : memref<8192x128xf32, #tpu.memory_space<vmem_shared>>) target(%arg8 : memref<64x128xf32, #tpu.memory_space<vmem>>) offsets(%dma_start3A_15 : memref<64xi32, #tpu.memory_space<vmem>>) semaphore(%arg15 : memref<!tpu.dma_semaphore, #tpu.memory_space<semaphore_mem>>)
    %dma_start3A_19 = arith.constant 128 : i32
    %dma_start3A_20 = tpu.memref_slice %arg6[%dma_start3A_19] : memref<2048xi32, #tpu.memory_space<vmem>> -> memref<64xi32, #tpu.memory_space<vmem>>
    %dma_start3A_21 = arith.constant 0 : i32
    %dma_start3A_22 = arith.constant 0 : i32
    %dma_start3A_23 = tpu.memref_slice %arg5[%dma_start3A_21, %dma_start3A_22] : memref<8192x128xf32, #tpu.memory_space<vmem_shared>> -> memref<8192x128xf32, #tpu.memory_space<vmem_shared>>
    tpu.enqueue_indirect_dma source(%dma_start3A_23 : memref<8192x128xf32, #tpu.memory_space<vmem_shared>>) target(%arg9 : memref<64x128xf32, #tpu.memory_space<vmem>>) offsets(%dma_start3A_20 : memref<64xi32, #tpu.memory_space<vmem>>) semaphore(%arg16 : memref<!tpu.dma_semaphore, #tpu.memory_space<semaphore_mem>>)
    %dma_wait3A = arith.constant 0 : i32
    %dma_wait3A_24 = tpu.memref_slice %arg6[%dma_wait3A] : memref<2048xi32, #tpu.memory_space<vmem>> -> memref<64xi32, #tpu.memory_space<vmem>>
    %dma_wait3A_25 = arith.constant 0 : i32
    %dma_wait3A_26 = arith.constant 0 : i32
    %dma_wait3A_27 = tpu.memref_slice %arg5[%dma_wait3A_25, %dma_wait3A_26] : memref<8192x128xf32, #tpu.memory_space<vmem_shared>> -> memref<8192x128xf32, #tpu.memory_space<vmem_shared>>
    tpu.wait_indirect_dma semaphore(%arg14 : memref<!tpu.dma_semaphore, #tpu.memory_space<semaphore_mem>>) src(%dma_wait3A_27 : memref<8192x128xf32, #tpu.memory_space<vmem_shared>>) dst(%arg7 : memref<64x128xf32, #tpu.memory_space<vmem>>)
    %dma_start3A_28 = arith.constant 192 : i32
    %dma_start3A_29 = tpu.memref_slice %arg6[%dma_start3A_28] : memref<2048xi32, #tpu.memory_space<vmem>> -> memref<64xi32, #tpu.memory_space<vmem>>
    %dma_start3A_30 = arith.constant 0 : i32
    %dma_start3A_31 = arith.constant 0 : i32
    %dma_start3A_32 = tpu.memref_slice %arg5[%dma_start3A_30, %dma_start3A_31] : memref<8192x128xf32, #tpu.memory_space<vmem_shared>> -> memref<8192x128xf32, #tpu.memory_space<vmem_shared>>
    tpu.enqueue_indirect_dma source(%dma_start3A_32 : memref<8192x128xf32, #tpu.memory_space<vmem_shared>>) target(%arg10 : memref<64x128xf32, #tpu.memory_space<vmem>>) offsets(%dma_start3A_29 : memref<64xi32, #tpu.memory_space<vmem>>) semaphore(%arg17 : memref<!tpu.dma_semaphore, #tpu.memory_space<semaphore_mem>>)
    %add3A_33 = arith.constant 0 : i32
    %add3A_34 = arith.addi %mul3A_0, %add3A_33 : i32
    %mul3A_35 = arith.constant 4 : i32
    %mul3A_36 = arith.muli %arg0, %mul3A_35 : i32
    %add3A_37 = arith.constant 0 : i32
    %add3A_38 = arith.addi %mul3A_36, %add3A_37 : i32
    %mul3A_39 = arith.constant 128 : i32
    %mul3A_40 = arith.muli %add3A_38, %mul3A_39 : i32
    %dma_start3A_41 = tpu.memref_slice %arg4[%add3A_34, %mul3A_40] : memref<32768x1024xf32, #tpu.memory_space<hbm>> -> memref<64x128xf32, #tpu.memory_space<hbm>>
    %dma_start3A_42 = tpu.memref_slice %arg4[%add3A_34, %mul3A_40] : memref<32768x1024xf32, #tpu.memory_space<hbm>> -> memref<64x128xf32, #tpu.memory_space<hbm>>
    tpu.enqueue_dma source(%arg7 : memref<64x128xf32, #tpu.memory_space<vmem>>) target(%dma_start3A_42 : memref<64x128xf32, #tpu.memory_space<hbm>>) target_semaphore(%arg14 : memref<!tpu.dma_semaphore, #tpu.memory_space<semaphore_mem>>)
    %dma_wait3A_43 = arith.constant 64 : i32
    %dma_wait3A_44 = tpu.memref_slice %arg6[%dma_wait3A_43] : memref<2048xi32, #tpu.memory_space<vmem>> -> memref<64xi32, #tpu.memory_space<vmem>>
    %dma_wait3A_45 = arith.constant 0 : i32
    %dma_wait3A_46 = arith.constant 0 : i32
    %dma_wait3A_47 = tpu.memref_slice %arg5[%dma_wait3A_45, %dma_wait3A_46] : memref<8192x128xf32, #tpu.memory_space<vmem_shared>> -> memref<8192x128xf32, #tpu.memory_space<vmem_shared>>
    tpu.wait_indirect_dma semaphore(%arg15 : memref<!tpu.dma_semaphore, #tpu.memory_space<semaphore_mem>>) src(%dma_wait3A_47 : memref<8192x128xf32, #tpu.memory_space<vmem_shared>>) dst(%arg8 : memref<64x128xf32, #tpu.memory_space<vmem>>)
    %dma_start3A_48 = arith.constant 256 : i32
    %dma_start3A_49 = tpu.memref_slice %arg6[%dma_start3A_48] : memref<2048xi32, #tpu.memory_space<vmem>> -> memref<64xi32, #tpu.memory_space<vmem>>
    %dma_start3A_50 = arith.constant 0 : i32
    %dma_start3A_51 = arith.constant 0 : i32
    %dma_start3A_52 = tpu.memref_slice %arg5[%dma_start3A_50, %dma_start3A_51] : memref<8192x128xf32, #tpu.memory_space<vmem_shared>> -> memref<8192x128xf32, #tpu.memory_space<vmem_shared>>
    tpu.enqueue_indirect_dma source(%dma_start3A_52 : memref<8192x128xf32, #tpu.memory_space<vmem_shared>>) target(%arg11 : memref<64x128xf32, #tpu.memory_space<vmem>>) offsets(%dma_start3A_49 : memref<64xi32, #tpu.memory_space<vmem>>) semaphore(%arg18 : memref<!tpu.dma_semaphore, #tpu.memory_space<semaphore_mem>>)
    %add3A_53 = arith.constant 64 : i32
    %add3A_54 = arith.addi %mul3A_0, %add3A_53 : i32
    %mul3A_55 = arith.constant 4 : i32
    %mul3A_56 = arith.muli %arg0, %mul3A_55 : i32
    %add3A_57 = arith.constant 0 : i32
    %add3A_58 = arith.addi %mul3A_56, %add3A_57 : i32
    %mul3A_59 = arith.constant 128 : i32
    %mul3A_60 = arith.muli %add3A_58, %mul3A_59 : i32
    %dma_start3A_61 = tpu.memref_slice %arg4[%add3A_54, %mul3A_60] : memref<32768x1024xf32, #tpu.memory_space<hbm>> -> memref<64x128xf32, #tpu.memory_space<hbm>>
    %dma_start3A_62 = tpu.memref_slice %arg4[%add3A_54, %mul3A_60] : memref<32768x1024xf32, #tpu.memory_space<hbm>> -> memref<64x128xf32, #tpu.memory_space<hbm>>
    tpu.enqueue_dma source(%arg8 : memref<64x128xf32, #tpu.memory_space<vmem>>) target(%dma_start3A_62 : memref<64x128xf32, #tpu.memory_space<hbm>>) target_semaphore(%arg15 : memref<!tpu.dma_semaphore, #tpu.memory_space<semaphore_mem>>)
    %dma_wait3A_63 = arith.constant 128 : i32
    %dma_wait3A_64 = tpu.memref_slice %arg6[%dma_wait3A_63] : memref<2048xi32, #tpu.memory_space<vmem>> -> memref<64xi32, #tpu.memory_space<vmem>>
    %dma_wait3A_65 = arith.constant 0 : i32
    %dma_wait3A_66 = arith.constant 0 : i32
    %dma_wait3A_67 = tpu.memref_slice %arg5[%dma_wait3A_65, %dma_wait3A_66] : memref<8192x128xf32, #tpu.memory_space<vmem_shared>> -> memref<8192x128xf32, #tpu.memory_space<vmem_shared>>
    tpu.wait_indirect_dma semaphore(%arg16 : memref<!tpu.dma_semaphore, #tpu.memory_space<semaphore_mem>>) src(%dma_wait3A_67 : memref<8192x128xf32, #tpu.memory_space<vmem_shared>>) dst(%arg9 : memref<64x128xf32, #tpu.memory_space<vmem>>)
    %dma_start3A_68 = arith.constant 320 : i32
    %dma_start3A_69 = tpu.memref_slice %arg6[%dma_start3A_68] : memref<2048xi32, #tpu.memory_space<vmem>> -> memref<64xi32, #tpu.memory_space<vmem>>
    %dma_start3A_70 = arith.constant 0 : i32
    %dma_start3A_71 = arith.constant 0 : i32
    %dma_start3A_72 = tpu.memref_slice %arg5[%dma_start3A_70, %dma_start3A_71] : memref<8192x128xf32, #tpu.memory_space<vmem_shared>> -> memref<8192x128xf32, #tpu.memory_space<vmem_shared>>
    tpu.enqueue_indirect_dma source(%dma_start3A_72 : memref<8192x128xf32, #tpu.memory_space<vmem_shared>>) target(%arg12 : memref<64x128xf32, #tpu.memory_space<vmem>>) offsets(%dma_start3A_69 : memref<64xi32, #tpu.memory_space<vmem>>) semaphore(%arg19 : memref<!tpu.dma_semaphore, #tpu.memory_space<semaphore_mem>>)
    %add3A_73 = arith.constant 128 : i32
    %add3A_74 = arith.addi %mul3A_0, %add3A_73 : i32
    %mul3A_75 = arith.constant 4 : i32
    %mul3A_76 = arith.muli %arg0, %mul3A_75 : i32
    %add3A_77 = arith.constant 0 : i32
    %add3A_78 = arith.addi %mul3A_76, %add3A_77 : i32
    %mul3A_79 = arith.constant 128 : i32
    %mul3A_80 = arith.muli %add3A_78, %mul3A_79 : i32
    %dma_start3A_81 = tpu.memref_slice %arg4[%add3A_74, %mul3A_80] : memref<32768x1024xf32, #tpu.memory_space<hbm>> -> memref<64x128xf32, #tpu.memory_space<hbm>>
    %dma_start3A_82 = tpu.memref_slice %arg4[%add3A_74, %mul3A_80] : memref<32768x1024xf32, #tpu.memory_space<hbm>> -> memref<64x128xf32, #tpu.memory_space<hbm>>
    tpu.enqueue_dma source(%arg9 : memref<64x128xf32, #tpu.memory_space<vmem>>) target(%dma_start3A_82 : memref<64x128xf32, #tpu.memory_space<hbm>>) target_semaphore(%arg16 : memref<!tpu.dma_semaphore, #tpu.memory_space<semaphore_mem>>)
    %dma_wait3A_83 = arith.constant 192 : i32
    %dma_wait3A_84 = tpu.memref_slice %arg6[%dma_wait3A_83] : memref<2048xi32, #tpu.memory_space<vmem>> -> memref<64xi32, #tpu.memory_space<vmem>>
    %dma_wait3A_85 = arith.constant 0 : i32
    %dma_wait3A_86 = arith.constant 0 : i32
    %dma_wait3A_87 = tpu.memref_slice %arg5[%dma_wait3A_85, %dma_wait3A_86] : memref<8192x128xf32, #tpu.memory_space<vmem_shared>> -> memref<8192x128xf32, #tpu.memory_space<vmem_shared>>
    tpu.wait_indirect_dma semaphore(%arg17 : memref<!tpu.dma_semaphore, #tpu.memory_space<semaphore_mem>>) src(%dma_wait3A_87 : memref<8192x128xf32, #tpu.memory_space<vmem_shared>>) dst(%arg10 : memref<64x128xf32, #tpu.memory_space<vmem>>)
    %dma_start3A_88 = arith.constant 384 : i32
    %dma_start3A_89 = tpu.memref_slice %arg6[%dma_start3A_88] : memref<2048xi32, #tpu.memory_space<vmem>> -> memref<64xi32, #tpu.memory_space<vmem>>
    %dma_start3A_90 = arith.constant 0 : i32
    %dma_start3A_91 = arith.constant 0 : i32
    %dma_start3A_92 = tpu.memref_slice %arg5[%dma_start3A_90, %dma_start3A_91] : memref<8192x128xf32, #tpu.memory_space<vmem_shared>> -> memref<8192x128xf32, #tpu.memory_space<vmem_shared>>
    tpu.enqueue_indirect_dma source(%dma_start3A_92 : memref<8192x128xf32, #tpu.memory_space<vmem_shared>>) target(%arg13 : memref<64x128xf32, #tpu.memory_space<vmem>>) offsets(%dma_start3A_89 : memref<64xi32, #tpu.memory_space<vmem>>) semaphore(%arg20 : memref<!tpu.dma_semaphore, #tpu.memory_space<semaphore_mem>>)
    %add3A_93 = arith.constant 192 : i32
    %add3A_94 = arith.addi %mul3A_0, %add3A_93 : i32
    %mul3A_95 = arith.constant 4 : i32
    %mul3A_96 = arith.muli %arg0, %mul3A_95 : i32
    %add3A_97 = arith.constant 0 : i32
    %add3A_98 = arith.addi %mul3A_96, %add3A_97 : i32
    %mul3A_99 = arith.constant 128 : i32
    %mul3A_100 = arith.muli %add3A_98, %mul3A_99 : i32
    %dma_start3A_101 = tpu.memref_slice %arg4[%add3A_94, %mul3A_100] : memref<32768x1024xf32, #tpu.memory_space<hbm>> -> memref<64x128xf32, #tpu.memory_space<hbm>>
    %dma_start3A_102 = tpu.memref_slice %arg4[%add3A_94, %mul3A_100] : memref<32768x1024xf32, #tpu.memory_space<hbm>> -> memref<64x128xf32, #tpu.memory_space<hbm>>
    tpu.enqueue_dma source(%arg10 : memref<64x128xf32, #tpu.memory_space<vmem>>) target(%dma_start3A_102 : memref<64x128xf32, #tpu.memory_space<hbm>>) target_semaphore(%arg17 : memref<!tpu.dma_semaphore, #tpu.memory_space<semaphore_mem>>)
    %scan3A = arith.constant 0 : i32
    %scan3A_103 = arith.constant 0 : i32
    %scan3A_104 = arith.constant 3 : i32
    %scan3A_105 = arith.addi %scan3A_103, %scan3A_104 : i32
    %scan3A_106 = arith.constant 1 : i32
    scf.for %scan3A_757 = %scan3A_103 to %scan3A_105 step %scan3A_106  : i32 {
      %mul3A_758 = arith.constant 7 : i32
      %mul3A_759 = arith.muli %scan3A_757, %mul3A_758 : i32
      %add3A_760 = arith.constant 4 : i32
      %add3A_761 = arith.addi %add3A_760, %mul3A_759 : i32
      %add3A_762 = arith.constant 0 : i32
      %add3A_763 = arith.addi %add3A_761, %add3A_762 : i32
      %jit3A = arith.constant 32 : i32
      %eq3A = arith.constant 0 : i32
      %eq3A_764 = arith.cmpi eq, %jit3A, %eq3A : i32
      %jit3A_765 = arith.constant 1 : i32
      %select_n3A = arith.select %eq3A_764, %jit3A_765, %jit3A : i32
      %rem3A = arith.remsi %add3A_763, %select_n3A : i32
      %ne3A = arith.constant 0 : i32
      %ne3A_766 = arith.cmpi ne, %rem3A, %ne3A : i32
      %lt3A = arith.constant 0 : i32
      %lt3A_767 = arith.cmpi slt, %rem3A, %lt3A : i32
      %lt3A_768 = arith.constant 0 : i32
      %lt3A_769 = arith.cmpi slt, %select_n3A, %lt3A_768 : i32
      %ne3A_770 = arith.xori %lt3A_767, %lt3A_769 : i1
      %and3A = arith.andi %ne3A_770, %ne3A_766 : i1
      %add3A_771 = arith.addi %rem3A, %select_n3A : i32
      %select_n3A_772 = arith.select %and3A, %add3A_771, %rem3A : i32
      %mul3A_773 = arith.constant 64 : i32
      %mul3A_774 = arith.muli %select_n3A_772, %mul3A_773 : i32
      %dma_wait3A_775 = tpu.memref_slice %arg6[%mul3A_774] : memref<2048xi32, #tpu.memory_space<vmem>> -> memref<64xi32, #tpu.memory_space<vmem>>
      %dma_wait3A_776 = arith.constant 0 : i32
      %dma_wait3A_777 = arith.constant 0 : i32
      %dma_wait3A_778 = tpu.memref_slice %arg5[%dma_wait3A_776, %dma_wait3A_777] : memref<8192x128xf32, #tpu.memory_space<vmem_shared>> -> memref<8192x128xf32, #tpu.memory_space<vmem_shared>>
      tpu.wait_indirect_dma semaphore(%arg18 : memref<!tpu.dma_semaphore, #tpu.memory_space<semaphore_mem>>) src(%dma_wait3A_778 : memref<8192x128xf32, #tpu.memory_space<vmem_shared>>) dst(%arg11 : memref<64x128xf32, #tpu.memory_space<vmem>>)
      %sub3A = arith.constant 4 : i32
      %sub3A_779 = arith.subi %add3A_763, %sub3A : i32
      %jit3A_780 = arith.constant 32 : i32
      %eq3A_781 = arith.constant 0 : i32
      %eq3A_782 = arith.cmpi eq, %jit3A_780, %eq3A_781 : i32
      %jit3A_783 = arith.constant 1 : i32
      %select_n3A_784 = arith.select %eq3A_782, %jit3A_783, %jit3A_780 : i32
      %rem3A_785 = arith.remsi %sub3A_779, %select_n3A_784 : i32
      %ne3A_786 = arith.constant 0 : i32
      %ne3A_787 = arith.cmpi ne, %rem3A_785, %ne3A_786 : i32
      %lt3A_788 = arith.constant 0 : i32
      %lt3A_789 = arith.cmpi slt, %rem3A_785, %lt3A_788 : i32
      %lt3A_790 = arith.constant 0 : i32
      %lt3A_791 = arith.cmpi slt, %select_n3A_784, %lt3A_790 : i32
      %ne3A_792 = arith.xori %lt3A_789, %lt3A_791 : i1
      %and3A_793 = arith.andi %ne3A_792, %ne3A_787 : i1
      %add3A_794 = arith.addi %rem3A_785, %select_n3A_784 : i32
      %select_n3A_795 = arith.select %and3A_793, %add3A_794, %rem3A_785 : i32
      %mul3A_796 = arith.constant 64 : i32
      %mul3A_797 = arith.muli %select_n3A_795, %mul3A_796 : i32
      %add3A_798 = arith.addi %mul3A_0, %mul3A_797 : i32
      %mul3A_799 = arith.constant 4 : i32
      %mul3A_800 = arith.muli %arg0, %mul3A_799 : i32
      %jit3A_801 = arith.constant 32 : i32
      %div3A = arith.divsi %sub3A_779, %jit3A_801 : i32
      %sign3A = arith.constant 0 : i32
      %sign3A_802 = arith.cmpi sgt, %sub3A_779, %sign3A : i32
      %sign3A_803 = arith.extui %sign3A_802 : i1 to i32
      %sign3A_804 = arith.constant 0 : i32
      %sign3A_805 = arith.cmpi slt, %sub3A_779, %sign3A_804 : i32
      %sign3A_806 = arith.extui %sign3A_805 : i1 to i32
      %sign3A_807 = arith.subi %sign3A_803, %sign3A_806 : i32
      %sign3A_808 = arith.constant 0 : i32
      %sign3A_809 = arith.cmpi sgt, %jit3A_801, %sign3A_808 : i32
      %sign3A_810 = arith.extui %sign3A_809 : i1 to i32
      %sign3A_811 = arith.constant 0 : i32
      %sign3A_812 = arith.cmpi slt, %jit3A_801, %sign3A_811 : i32
      %sign3A_813 = arith.extui %sign3A_812 : i1 to i32
      %sign3A_814 = arith.subi %sign3A_810, %sign3A_813 : i32
      %ne3A_815 = arith.cmpi ne, %sign3A_807, %sign3A_814 : i32
      %rem3A_816 = arith.remsi %sub3A_779, %jit3A_801 : i32
      %ne3A_817 = arith.constant 0 : i32
      %ne3A_818 = arith.cmpi ne, %rem3A_816, %ne3A_817 : i32
      %and3A_819 = arith.andi %ne3A_815, %ne3A_818 : i1
      %sub3A_820 = arith.constant 1 : i32
      %sub3A_821 = arith.subi %div3A, %sub3A_820 : i32
      %select_n3A_822 = arith.select %and3A_819, %sub3A_821, %div3A : i32
      %add3A_823 = arith.addi %mul3A_800, %select_n3A_822 : i32
      %mul3A_824 = arith.constant 128 : i32
      %mul3A_825 = arith.muli %add3A_823, %mul3A_824 : i32
      %dma_wait3A_826 = tpu.memref_slice %arg4[%add3A_798, %mul3A_825] : memref<32768x1024xf32, #tpu.memory_space<hbm>> -> memref<64x128xf32, #tpu.memory_space<hbm>>
      %dma_wait3A_827 = tpu.memref_slice %arg4[%add3A_798, %mul3A_825] : memref<32768x1024xf32, #tpu.memory_space<hbm>> -> memref<64x128xf32, #tpu.memory_space<hbm>>
      tpu.wait_dma2 semaphore(%arg14 : memref<!tpu.dma_semaphore, #tpu.memory_space<semaphore_mem>>) src(%arg7 : memref<64x128xf32, #tpu.memory_space<vmem>>) dst(%dma_wait3A_827 : memref<64x128xf32, #tpu.memory_space<hbm>>)
      %add3A_828 = arith.constant 3 : i32
      %add3A_829 = arith.addi %add3A_763, %add3A_828 : i32
      %jit3A_830 = arith.constant 32 : i32
      %eq3A_831 = arith.constant 0 : i32
      %eq3A_832 = arith.cmpi eq, %jit3A_830, %eq3A_831 : i32
      %jit3A_833 = arith.constant 1 : i32
      %select_n3A_834 = arith.select %eq3A_832, %jit3A_833, %jit3A_830 : i32
      %rem3A_835 = arith.remsi %add3A_829, %select_n3A_834 : i32
      %ne3A_836 = arith.constant 0 : i32
      %ne3A_837 = arith.cmpi ne, %rem3A_835, %ne3A_836 : i32
      %lt3A_838 = arith.constant 0 : i32
      %lt3A_839 = arith.cmpi slt, %rem3A_835, %lt3A_838 : i32
      %lt3A_840 = arith.constant 0 : i32
      %lt3A_841 = arith.cmpi slt, %select_n3A_834, %lt3A_840 : i32
      %ne3A_842 = arith.xori %lt3A_839, %lt3A_841 : i1
      %and3A_843 = arith.andi %ne3A_842, %ne3A_837 : i1
      %add3A_844 = arith.addi %rem3A_835, %select_n3A_834 : i32
      %select_n3A_845 = arith.select %and3A_843, %add3A_844, %rem3A_835 : i32
      %mul3A_846 = arith.constant 64 : i32
      %mul3A_847 = arith.muli %select_n3A_845, %mul3A_846 : i32
      %dma_start3A_848 = tpu.memref_slice %arg6[%mul3A_847] : memref<2048xi32, #tpu.memory_space<vmem>> -> memref<64xi32, #tpu.memory_space<vmem>>
      %dma_start3A_849 = arith.constant 0 : i32
      %dma_start3A_850 = arith.constant 0 : i32
      %dma_start3A_851 = tpu.memref_slice %arg5[%dma_start3A_849, %dma_start3A_850] : memref<8192x128xf32, #tpu.memory_space<vmem_shared>> -> memref<8192x128xf32, #tpu.memory_space<vmem_shared>>
      tpu.enqueue_indirect_dma source(%dma_start3A_851 : memref<8192x128xf32, #tpu.memory_space<vmem_shared>>) target(%arg7 : memref<64x128xf32, #tpu.memory_space<vmem>>) offsets(%dma_start3A_848 : memref<64xi32, #tpu.memory_space<vmem>>) semaphore(%arg14 : memref<!tpu.dma_semaphore, #tpu.memory_space<semaphore_mem>>)
      %jit3A_852 = arith.constant 32 : i32
      %eq3A_853 = arith.constant 0 : i32
      %eq3A_854 = arith.cmpi eq, %jit3A_852, %eq3A_853 : i32
      %jit3A_855 = arith.constant 1 : i32
      %select_n3A_856 = arith.select %eq3A_854, %jit3A_855, %jit3A_852 : i32
      %rem3A_857 = arith.remsi %add3A_763, %select_n3A_856 : i32
      %ne3A_858 = arith.constant 0 : i32
      %ne3A_859 = arith.cmpi ne, %rem3A_857, %ne3A_858 : i32
      %lt3A_860 = arith.constant 0 : i32
      %lt3A_861 = arith.cmpi slt, %rem3A_857, %lt3A_860 : i32
      %lt3A_862 = arith.constant 0 : i32
      %lt3A_863 = arith.cmpi slt, %select_n3A_856, %lt3A_862 : i32
      %ne3A_864 = arith.xori %lt3A_861, %lt3A_863 : i1
      %and3A_865 = arith.andi %ne3A_864, %ne3A_859 : i1
      %add3A_866 = arith.addi %rem3A_857, %select_n3A_856 : i32
      %select_n3A_867 = arith.select %and3A_865, %add3A_866, %rem3A_857 : i32
      %mul3A_868 = arith.constant 64 : i32
      %mul3A_869 = arith.muli %select_n3A_867, %mul3A_868 : i32
      %add3A_870 = arith.addi %mul3A_0, %mul3A_869 : i32
      %mul3A_871 = arith.constant 4 : i32
      %mul3A_872 = arith.muli %arg0, %mul3A_871 : i32
      %jit3A_873 = arith.constant 32 : i32
      %div3A_874 = arith.divsi %add3A_763, %jit3A_873 : i32
      %sign3A_875 = arith.constant 0 : i32
      %sign3A_876 = arith.cmpi sgt, %add3A_763, %sign3A_875 : i32
      %sign3A_877 = arith.extui %sign3A_876 : i1 to i32
      %sign3A_878 = arith.constant 0 : i32
      %sign3A_879 = arith.cmpi slt, %add3A_763, %sign3A_878 : i32
      %sign3A_880 = arith.extui %sign3A_879 : i1 to i32
      %sign3A_881 = arith.subi %sign3A_877, %sign3A_880 : i32
      %sign3A_882 = arith.constant 0 : i32
      %sign3A_883 = arith.cmpi sgt, %jit3A_873, %sign3A_882 : i32
      %sign3A_884 = arith.extui %sign3A_883 : i1 to i32
      %sign3A_885 = arith.constant 0 : i32
      %sign3A_886 = arith.cmpi slt, %jit3A_873, %sign3A_885 : i32
      %sign3A_887 = arith.extui %sign3A_886 : i1 to i32
      %sign3A_888 = arith.subi %sign3A_884, %sign3A_887 : i32
      %ne3A_889 = arith.cmpi ne, %sign3A_881, %sign3A_888 : i32
      %rem3A_890 = arith.remsi %add3A_763, %jit3A_873 : i32
      %ne3A_891 = arith.constant 0 : i32
      %ne3A_892 = arith.cmpi ne, %rem3A_890, %ne3A_891 : i32
      %and3A_893 = arith.andi %ne3A_889, %ne3A_892 : i1
      %sub3A_894 = arith.constant 1 : i32
      %sub3A_895 = arith.subi %div3A_874, %sub3A_894 : i32
      %select_n3A_896 = arith.select %and3A_893, %sub3A_895, %div3A_874 : i32
      %add3A_897 = arith.addi %mul3A_872, %select_n3A_896 : i32
      %mul3A_898 = arith.constant 128 : i32
      %mul3A_899 = arith.muli %add3A_897, %mul3A_898 : i32
      %dma_start3A_900 = tpu.memref_slice %arg4[%add3A_870, %mul3A_899] : memref<32768x1024xf32, #tpu.memory_space<hbm>> -> memref<64x128xf32, #tpu.memory_space<hbm>>
      %dma_start3A_901 = tpu.memref_slice %arg4[%add3A_870, %mul3A_899] : memref<32768x1024xf32, #tpu.memory_space<hbm>> -> memref<64x128xf32, #tpu.memory_space<hbm>>
      tpu.enqueue_dma source(%arg11 : memref<64x128xf32, #tpu.memory_space<vmem>>) target(%dma_start3A_901 : memref<64x128xf32, #tpu.memory_space<hbm>>) target_semaphore(%arg18 : memref<!tpu.dma_semaphore, #tpu.memory_space<semaphore_mem>>)
      %mul3A_902 = arith.constant 7 : i32
      %mul3A_903 = arith.muli %scan3A_757, %mul3A_902 : i32
      %add3A_904 = arith.constant 4 : i32
      %add3A_905 = arith.addi %add3A_904, %mul3A_903 : i32
      %add3A_906 = arith.constant 1 : i32
      %add3A_907 = arith.addi %add3A_905, %add3A_906 : i32
      %jit3A_908 = arith.constant 32 : i32
      %eq3A_909 = arith.constant 0 : i32
      %eq3A_910 = arith.cmpi eq, %jit3A_908, %eq3A_909 : i32
      %jit3A_911 = arith.constant 1 : i32
      %select_n3A_912 = arith.select %eq3A_910, %jit3A_911, %jit3A_908 : i32
      %rem3A_913 = arith.remsi %add3A_907, %select_n3A_912 : i32
      %ne3A_914 = arith.constant 0 : i32
      %ne3A_915 = arith.cmpi ne, %rem3A_913, %ne3A_914 : i32
      %lt3A_916 = arith.constant 0 : i32
      %lt3A_917 = arith.cmpi slt, %rem3A_913, %lt3A_916 : i32
      %lt3A_918 = arith.constant 0 : i32
      %lt3A_919 = arith.cmpi slt, %select_n3A_912, %lt3A_918 : i32
      %ne3A_920 = arith.xori %lt3A_917, %lt3A_919 : i1
      %and3A_921 = arith.andi %ne3A_920, %ne3A_915 : i1
      %add3A_922 = arith.addi %rem3A_913, %select_n3A_912 : i32
      %select_n3A_923 = arith.select %and3A_921, %add3A_922, %rem3A_913 : i32
      %mul3A_924 = arith.constant 64 : i32
      %mul3A_925 = arith.muli %select_n3A_923, %mul3A_924 : i32
      %dma_wait3A_926 = tpu.memref_slice %arg6[%mul3A_925] : memref<2048xi32, #tpu.memory_space<vmem>> -> memref<64xi32, #tpu.memory_space<vmem>>
      %dma_wait3A_927 = arith.constant 0 : i32
      %dma_wait3A_928 = arith.constant 0 : i32
      %dma_wait3A_929 = tpu.memref_slice %arg5[%dma_wait3A_927, %dma_wait3A_928] : memref<8192x128xf32, #tpu.memory_space<vmem_shared>> -> memref<8192x128xf32, #tpu.memory_space<vmem_shared>>
      tpu.wait_indirect_dma semaphore(%arg19 : memref<!tpu.dma_semaphore, #tpu.memory_space<semaphore_mem>>) src(%dma_wait3A_929 : memref<8192x128xf32, #tpu.memory_space<vmem_shared>>) dst(%arg12 : memref<64x128xf32, #tpu.memory_space<vmem>>)
      %sub3A_930 = arith.constant 4 : i32
      %sub3A_931 = arith.subi %add3A_907, %sub3A_930 : i32
      %jit3A_932 = arith.constant 32 : i32
      %eq3A_933 = arith.constant 0 : i32
      %eq3A_934 = arith.cmpi eq, %jit3A_932, %eq3A_933 : i32
      %jit3A_935 = arith.constant 1 : i32
      %select_n3A_936 = arith.select %eq3A_934, %jit3A_935, %jit3A_932 : i32
      %rem3A_937 = arith.remsi %sub3A_931, %select_n3A_936 : i32
      %ne3A_938 = arith.constant 0 : i32
      %ne3A_939 = arith.cmpi ne, %rem3A_937, %ne3A_938 : i32
      %lt3A_940 = arith.constant 0 : i32
      %lt3A_941 = arith.cmpi slt, %rem3A_937, %lt3A_940 : i32
      %lt3A_942 = arith.constant 0 : i32
      %lt3A_943 = arith.cmpi slt, %select_n3A_936, %lt3A_942 : i32
      %ne3A_944 = arith.xori %lt3A_941, %lt3A_943 : i1
      %and3A_945 = arith.andi %ne3A_944, %ne3A_939 : i1
      %add3A_946 = arith.addi %rem3A_937, %select_n3A_936 : i32
      %select_n3A_947 = arith.select %and3A_945, %add3A_946, %rem3A_937 : i32
      %mul3A_948 = arith.constant 64 : i32
      %mul3A_949 = arith.muli %select_n3A_947, %mul3A_948 : i32
      %add3A_950 = arith.addi %mul3A_0, %mul3A_949 : i32
      %mul3A_951 = arith.constant 4 : i32
      %mul3A_952 = arith.muli %arg0, %mul3A_951 : i32
      %jit3A_953 = arith.constant 32 : i32
      %div3A_954 = arith.divsi %sub3A_931, %jit3A_953 : i32
      %sign3A_955 = arith.constant 0 : i32
      %sign3A_956 = arith.cmpi sgt, %sub3A_931, %sign3A_955 : i32
      %sign3A_957 = arith.extui %sign3A_956 : i1 to i32
      %sign3A_958 = arith.constant 0 : i32
      %sign3A_959 = arith.cmpi slt, %sub3A_931, %sign3A_958 : i32
      %sign3A_960 = arith.extui %sign3A_959 : i1 to i32
      %sign3A_961 = arith.subi %sign3A_957, %sign3A_960 : i32
      %sign3A_962 = arith.constant 0 : i32
      %sign3A_963 = arith.cmpi sgt, %jit3A_953, %sign3A_962 : i32
      %sign3A_964 = arith.extui %sign3A_963 : i1 to i32
      %sign3A_965 = arith.constant 0 : i32
      %sign3A_966 = arith.cmpi slt, %jit3A_953, %sign3A_965 : i32
      %sign3A_967 = arith.extui %sign3A_966 : i1 to i32
      %sign3A_968 = arith.subi %sign3A_964, %sign3A_967 : i32
      %ne3A_969 = arith.cmpi ne, %sign3A_961, %sign3A_968 : i32
      %rem3A_970 = arith.remsi %sub3A_931, %jit3A_953 : i32
      %ne3A_971 = arith.constant 0 : i32
      %ne3A_972 = arith.cmpi ne, %rem3A_970, %ne3A_971 : i32
      %and3A_973 = arith.andi %ne3A_969, %ne3A_972 : i1
      %sub3A_974 = arith.constant 1 : i32
      %sub3A_975 = arith.subi %div3A_954, %sub3A_974 : i32
      %select_n3A_976 = arith.select %and3A_973, %sub3A_975, %div3A_954 : i32
      %add3A_977 = arith.addi %mul3A_952, %select_n3A_976 : i32
      %mul3A_978 = arith.constant 128 : i32
      %mul3A_979 = arith.muli %add3A_977, %mul3A_978 : i32
      %dma_wait3A_980 = tpu.memref_slice %arg4[%add3A_950, %mul3A_979] : memref<32768x1024xf32, #tpu.memory_space<hbm>> -> memref<64x128xf32, #tpu.memory_space<hbm>>
      %dma_wait3A_981 = tpu.memref_slice %arg4[%add3A_950, %mul3A_979] : memref<32768x1024xf32, #tpu.memory_space<hbm>> -> memref<64x128xf32, #tpu.memory_space<hbm>>
      tpu.wait_dma2 semaphore(%arg15 : memref<!tpu.dma_semaphore, #tpu.memory_space<semaphore_mem>>) src(%arg8 : memref<64x128xf32, #tpu.memory_space<vmem>>) dst(%dma_wait3A_981 : memref<64x128xf32, #tpu.memory_space<hbm>>)
      %add3A_982 = arith.constant 3 : i32
      %add3A_983 = arith.addi %add3A_907, %add3A_982 : i32
      %jit3A_984 = arith.constant 32 : i32
      %eq3A_985 = arith.constant 0 : i32
      %eq3A_986 = arith.cmpi eq, %jit3A_984, %eq3A_985 : i32
      %jit3A_987 = arith.constant 1 : i32
      %select_n3A_988 = arith.select %eq3A_986, %jit3A_987, %jit3A_984 : i32
      %rem3A_989 = arith.remsi %add3A_983, %select_n3A_988 : i32
      %ne3A_990 = arith.constant 0 : i32
      %ne3A_991 = arith.cmpi ne, %rem3A_989, %ne3A_990 : i32
      %lt3A_992 = arith.constant 0 : i32
      %lt3A_993 = arith.cmpi slt, %rem3A_989, %lt3A_992 : i32
      %lt3A_994 = arith.constant 0 : i32
      %lt3A_995 = arith.cmpi slt, %select_n3A_988, %lt3A_994 : i32
      %ne3A_996 = arith.xori %lt3A_993, %lt3A_995 : i1
      %and3A_997 = arith.andi %ne3A_996, %ne3A_991 : i1
      %add3A_998 = arith.addi %rem3A_989, %select_n3A_988 : i32
      %select_n3A_999 = arith.select %and3A_997, %add3A_998, %rem3A_989 : i32
      %mul3A_1000 = arith.constant 64 : i32
      %mul3A_1001 = arith.muli %select_n3A_999, %mul3A_1000 : i32
      %dma_start3A_1002 = tpu.memref_slice %arg6[%mul3A_1001] : memref<2048xi32, #tpu.memory_space<vmem>> -> memref<64xi32, #tpu.memory_space<vmem>>
      %dma_start3A_1003 = arith.constant 0 : i32
      %dma_start3A_1004 = arith.constant 0 : i32
      %dma_start3A_1005 = tpu.memref_slice %arg5[%dma_start3A_1003, %dma_start3A_1004] : memref<8192x128xf32, #tpu.memory_space<vmem_shared>> -> memref<8192x128xf32, #tpu.memory_space<vmem_shared>>
      tpu.enqueue_indirect_dma source(%dma_start3A_1005 : memref<8192x128xf32, #tpu.memory_space<vmem_shared>>) target(%arg8 : memref<64x128xf32, #tpu.memory_space<vmem>>) offsets(%dma_start3A_1002 : memref<64xi32, #tpu.memory_space<vmem>>) semaphore(%arg15 : memref<!tpu.dma_semaphore, #tpu.memory_space<semaphore_mem>>)
      %jit3A_1006 = arith.constant 32 : i32
      %eq3A_1007 = arith.constant 0 : i32
      %eq3A_1008 = arith.cmpi eq, %jit3A_1006, %eq3A_1007 : i32
      %jit3A_1009 = arith.constant 1 : i32
      %select_n3A_1010 = arith.select %eq3A_1008, %jit3A_1009, %jit3A_1006 : i32
      %rem3A_1011 = arith.remsi %add3A_907, %select_n3A_1010 : i32
      %ne3A_1012 = arith.constant 0 : i32
      %ne3A_1013 = arith.cmpi ne, %rem3A_1011, %ne3A_1012 : i32
      %lt3A_1014 = arith.constant 0 : i32
      %lt3A_1015 = arith.cmpi slt, %rem3A_1011, %lt3A_1014 : i32
      %lt3A_1016 = arith.constant 0 : i32
      %lt3A_1017 = arith.cmpi slt, %select_n3A_1010, %lt3A_1016 : i32
      %ne3A_1018 = arith.xori %lt3A_1015, %lt3A_1017 : i1
      %and3A_1019 = arith.andi %ne3A_1018, %ne3A_1013 : i1
      %add3A_1020 = arith.addi %rem3A_1011, %select_n3A_1010 : i32
      %select_n3A_1021 = arith.select %and3A_1019, %add3A_1020, %rem3A_1011 : i32
      %mul3A_1022 = arith.constant 64 : i32
      %mul3A_1023 = arith.muli %select_n3A_1021, %mul3A_1022 : i32
      %add3A_1024 = arith.addi %mul3A_0, %mul3A_1023 : i32
      %mul3A_1025 = arith.constant 4 : i32
      %mul3A_1026 = arith.muli %arg0, %mul3A_1025 : i32
      %jit3A_1027 = arith.constant 32 : i32
      %div3A_1028 = arith.divsi %add3A_907, %jit3A_1027 : i32
      %sign3A_1029 = arith.constant 0 : i32
      %sign3A_1030 = arith.cmpi sgt, %add3A_907, %sign3A_1029 : i32
      %sign3A_1031 = arith.extui %sign3A_1030 : i1 to i32
      %sign3A_1032 = arith.constant 0 : i32
      %sign3A_1033 = arith.cmpi slt, %add3A_907, %sign3A_1032 : i32
      %sign3A_1034 = arith.extui %sign3A_1033 : i1 to i32
      %sign3A_1035 = arith.subi %sign3A_1031, %sign3A_1034 : i32
      %sign3A_1036 = arith.constant 0 : i32
      %sign3A_1037 = arith.cmpi sgt, %jit3A_1027, %sign3A_1036 : i32
      %sign3A_1038 = arith.extui %sign3A_1037 : i1 to i32
      %sign3A_1039 = arith.constant 0 : i32
      %sign3A_1040 = arith.cmpi slt, %jit3A_1027, %sign3A_1039 : i32
      %sign3A_1041 = arith.extui %sign3A_1040 : i1 to i32
      %sign3A_1042 = arith.subi %sign3A_1038, %sign3A_1041 : i32
      %ne3A_1043 = arith.cmpi ne, %sign3A_1035, %sign3A_1042 : i32
      %rem3A_1044 = arith.remsi %add3A_907, %jit3A_1027 : i32
      %ne3A_1045 = arith.constant 0 : i32
      %ne3A_1046 = arith.cmpi ne, %rem3A_1044, %ne3A_1045 : i32
      %and3A_1047 = arith.andi %ne3A_1043, %ne3A_1046 : i1
      %sub3A_1048 = arith.constant 1 : i32
      %sub3A_1049 = arith.subi %div3A_1028, %sub3A_1048 : i32
      %select_n3A_1050 = arith.select %and3A_1047, %sub3A_1049, %div3A_1028 : i32
      %add3A_1051 = arith.addi %mul3A_1026, %select_n3A_1050 : i32
      %mul3A_1052 = arith.constant 128 : i32
      %mul3A_1053 = arith.muli %add3A_1051, %mul3A_1052 : i32
      %dma_start3A_1054 = tpu.memref_slice %arg4[%add3A_1024, %mul3A_1053] : memref<32768x1024xf32, #tpu.memory_space<hbm>> -> memref<64x128xf32, #tpu.memory_space<hbm>>
      %dma_start3A_1055 = tpu.memref_slice %arg4[%add3A_1024, %mul3A_1053] : memref<32768x1024xf32, #tpu.memory_space<hbm>> -> memref<64x128xf32, #tpu.memory_space<hbm>>
      tpu.enqueue_dma source(%arg12 : memref<64x128xf32, #tpu.memory_space<vmem>>) target(%dma_start3A_1055 : memref<64x128xf32, #tpu.memory_space<hbm>>) target_semaphore(%arg19 : memref<!tpu.dma_semaphore, #tpu.memory_space<semaphore_mem>>)
      %mul3A_1056 = arith.constant 7 : i32
      %mul3A_1057 = arith.muli %scan3A_757, %mul3A_1056 : i32
      %add3A_1058 = arith.constant 4 : i32
      %add3A_1059 = arith.addi %add3A_1058, %mul3A_1057 : i32
      %add3A_1060 = arith.constant 2 : i32
      %add3A_1061 = arith.addi %add3A_1059, %add3A_1060 : i32
      %jit3A_1062 = arith.constant 32 : i32
      %eq3A_1063 = arith.constant 0 : i32
      %eq3A_1064 = arith.cmpi eq, %jit3A_1062, %eq3A_1063 : i32
      %jit3A_1065 = arith.constant 1 : i32
      %select_n3A_1066 = arith.select %eq3A_1064, %jit3A_1065, %jit3A_1062 : i32
      %rem3A_1067 = arith.remsi %add3A_1061, %select_n3A_1066 : i32
      %ne3A_1068 = arith.constant 0 : i32
      %ne3A_1069 = arith.cmpi ne, %rem3A_1067, %ne3A_1068 : i32
      %lt3A_1070 = arith.constant 0 : i32
      %lt3A_1071 = arith.cmpi slt, %rem3A_1067, %lt3A_1070 : i32
      %lt3A_1072 = arith.constant 0 : i32
      %lt3A_1073 = arith.cmpi slt, %select_n3A_1066, %lt3A_1072 : i32
      %ne3A_1074 = arith.xori %lt3A_1071, %lt3A_1073 : i1
      %and3A_1075 = arith.andi %ne3A_1074, %ne3A_1069 : i1
      %add3A_1076 = arith.addi %rem3A_1067, %select_n3A_1066 : i32
      %select_n3A_1077 = arith.select %and3A_1075, %add3A_1076, %rem3A_1067 : i32
      %mul3A_1078 = arith.constant 64 : i32
      %mul3A_1079 = arith.muli %select_n3A_1077, %mul3A_1078 : i32
      %dma_wait3A_1080 = tpu.memref_slice %arg6[%mul3A_1079] : memref<2048xi32, #tpu.memory_space<vmem>> -> memref<64xi32, #tpu.memory_space<vmem>>
      %dma_wait3A_1081 = arith.constant 0 : i32
      %dma_wait3A_1082 = arith.constant 0 : i32
      %dma_wait3A_1083 = tpu.memref_slice %arg5[%dma_wait3A_1081, %dma_wait3A_1082] : memref<8192x128xf32, #tpu.memory_space<vmem_shared>> -> memref<8192x128xf32, #tpu.memory_space<vmem_shared>>
      tpu.wait_indirect_dma semaphore(%arg20 : memref<!tpu.dma_semaphore, #tpu.memory_space<semaphore_mem>>) src(%dma_wait3A_1083 : memref<8192x128xf32, #tpu.memory_space<vmem_shared>>) dst(%arg13 : memref<64x128xf32, #tpu.memory_space<vmem>>)
      %sub3A_1084 = arith.constant 4 : i32
      %sub3A_1085 = arith.subi %add3A_1061, %sub3A_1084 : i32
      %jit3A_1086 = arith.constant 32 : i32
      %eq3A_1087 = arith.constant 0 : i32
      %eq3A_1088 = arith.cmpi eq, %jit3A_1086, %eq3A_1087 : i32
      %jit3A_1089 = arith.constant 1 : i32
      %select_n3A_1090 = arith.select %eq3A_1088, %jit3A_1089, %jit3A_1086 : i32
      %rem3A_1091 = arith.remsi %sub3A_1085, %select_n3A_1090 : i32
      %ne3A_1092 = arith.constant 0 : i32
      %ne3A_1093 = arith.cmpi ne, %rem3A_1091, %ne3A_1092 : i32
      %lt3A_1094 = arith.constant 0 : i32
      %lt3A_1095 = arith.cmpi slt, %rem3A_1091, %lt3A_1094 : i32
      %lt3A_1096 = arith.constant 0 : i32
      %lt3A_1097 = arith.cmpi slt, %select_n3A_1090, %lt3A_1096 : i32
      %ne3A_1098 = arith.xori %lt3A_1095, %lt3A_1097 : i1
      %and3A_1099 = arith.andi %ne3A_1098, %ne3A_1093 : i1
      %add3A_1100 = arith.addi %rem3A_1091, %select_n3A_1090 : i32
      %select_n3A_1101 = arith.select %and3A_1099, %add3A_1100, %rem3A_1091 : i32
      %mul3A_1102 = arith.constant 64 : i32
      %mul3A_1103 = arith.muli %select_n3A_1101, %mul3A_1102 : i32
      %add3A_1104 = arith.addi %mul3A_0, %mul3A_1103 : i32
      %mul3A_1105 = arith.constant 4 : i32
      %mul3A_1106 = arith.muli %arg0, %mul3A_1105 : i32
      %jit3A_1107 = arith.constant 32 : i32
      %div3A_1108 = arith.divsi %sub3A_1085, %jit3A_1107 : i32
      %sign3A_1109 = arith.constant 0 : i32
      %sign3A_1110 = arith.cmpi sgt, %sub3A_1085, %sign3A_1109 : i32
      %sign3A_1111 = arith.extui %sign3A_1110 : i1 to i32
      %sign3A_1112 = arith.constant 0 : i32
      %sign3A_1113 = arith.cmpi slt, %sub3A_1085, %sign3A_1112 : i32
      %sign3A_1114 = arith.extui %sign3A_1113 : i1 to i32
      %sign3A_1115 = arith.subi %sign3A_1111, %sign3A_1114 : i32
      %sign3A_1116 = arith.constant 0 : i32
      %sign3A_1117 = arith.cmpi sgt, %jit3A_1107, %sign3A_1116 : i32
      %sign3A_1118 = arith.extui %sign3A_1117 : i1 to i32
      %sign3A_1119 = arith.constant 0 : i32
      %sign3A_1120 = arith.cmpi slt, %jit3A_1107, %sign3A_1119 : i32
      %sign3A_1121 = arith.extui %sign3A_1120 : i1 to i32
      %sign3A_1122 = arith.subi %sign3A_1118, %sign3A_1121 : i32
      %ne3A_1123 = arith.cmpi ne, %sign3A_1115, %sign3A_1122 : i32
      %rem3A_1124 = arith.remsi %sub3A_1085, %jit3A_1107 : i32
      %ne3A_1125 = arith.constant 0 : i32
      %ne3A_1126 = arith.cmpi ne, %rem3A_1124, %ne3A_1125 : i32
      %and3A_1127 = arith.andi %ne3A_1123, %ne3A_1126 : i1
      %sub3A_1128 = arith.constant 1 : i32
      %sub3A_1129 = arith.subi %div3A_1108, %sub3A_1128 : i32
      %select_n3A_1130 = arith.select %and3A_1127, %sub3A_1129, %div3A_1108 : i32
      %add3A_1131 = arith.addi %mul3A_1106, %select_n3A_1130 : i32
      %mul3A_1132 = arith.constant 128 : i32
      %mul3A_1133 = arith.muli %add3A_1131, %mul3A_1132 : i32
      %dma_wait3A_1134 = tpu.memref_slice %arg4[%add3A_1104, %mul3A_1133] : memref<32768x1024xf32, #tpu.memory_space<hbm>> -> memref<64x128xf32, #tpu.memory_space<hbm>>
      %dma_wait3A_1135 = tpu.memref_slice %arg4[%add3A_1104, %mul3A_1133] : memref<32768x1024xf32, #tpu.memory_space<hbm>> -> memref<64x128xf32, #tpu.memory_space<hbm>>
      tpu.wait_dma2 semaphore(%arg16 : memref<!tpu.dma_semaphore, #tpu.memory_space<semaphore_mem>>) src(%arg9 : memref<64x128xf32, #tpu.memory_space<vmem>>) dst(%dma_wait3A_1135 : memref<64x128xf32, #tpu.memory_space<hbm>>)
      %add3A_1136 = arith.constant 3 : i32
      %add3A_1137 = arith.addi %add3A_1061, %add3A_1136 : i32
      %jit3A_1138 = arith.constant 32 : i32
      %eq3A_1139 = arith.constant 0 : i32
      %eq3A_1140 = arith.cmpi eq, %jit3A_1138, %eq3A_1139 : i32
      %jit3A_1141 = arith.constant 1 : i32
      %select_n3A_1142 = arith.select %eq3A_1140, %jit3A_1141, %jit3A_1138 : i32
      %rem3A_1143 = arith.remsi %add3A_1137, %select_n3A_1142 : i32
      %ne3A_1144 = arith.constant 0 : i32
      %ne3A_1145 = arith.cmpi ne, %rem3A_1143, %ne3A_1144 : i32
      %lt3A_1146 = arith.constant 0 : i32
      %lt3A_1147 = arith.cmpi slt, %rem3A_1143, %lt3A_1146 : i32
      %lt3A_1148 = arith.constant 0 : i32
      %lt3A_1149 = arith.cmpi slt, %select_n3A_1142, %lt3A_1148 : i32
      %ne3A_1150 = arith.xori %lt3A_1147, %lt3A_1149 : i1
      %and3A_1151 = arith.andi %ne3A_1150, %ne3A_1145 : i1
      %add3A_1152 = arith.addi %rem3A_1143, %select_n3A_1142 : i32
      %select_n3A_1153 = arith.select %and3A_1151, %add3A_1152, %rem3A_1143 : i32
      %mul3A_1154 = arith.constant 64 : i32
      %mul3A_1155 = arith.muli %select_n3A_1153, %mul3A_1154 : i32
      %dma_start3A_1156 = tpu.memref_slice %arg6[%mul3A_1155] : memref<2048xi32, #tpu.memory_space<vmem>> -> memref<64xi32, #tpu.memory_space<vmem>>
      %dma_start3A_1157 = arith.constant 0 : i32
      %dma_start3A_1158 = arith.constant 0 : i32
      %dma_start3A_1159 = tpu.memref_slice %arg5[%dma_start3A_1157, %dma_start3A_1158] : memref<8192x128xf32, #tpu.memory_space<vmem_shared>> -> memref<8192x128xf32, #tpu.memory_space<vmem_shared>>
      tpu.enqueue_indirect_dma source(%dma_start3A_1159 : memref<8192x128xf32, #tpu.memory_space<vmem_shared>>) target(%arg9 : memref<64x128xf32, #tpu.memory_space<vmem>>) offsets(%dma_start3A_1156 : memref<64xi32, #tpu.memory_space<vmem>>) semaphore(%arg16 : memref<!tpu.dma_semaphore, #tpu.memory_space<semaphore_mem>>)
      %jit3A_1160 = arith.constant 32 : i32
      %eq3A_1161 = arith.constant 0 : i32
      %eq3A_1162 = arith.cmpi eq, %jit3A_1160, %eq3A_1161 : i32
      %jit3A_1163 = arith.constant 1 : i32
      %select_n3A_1164 = arith.select %eq3A_1162, %jit3A_1163, %jit3A_1160 : i32
      %rem3A_1165 = arith.remsi %add3A_1061, %select_n3A_1164 : i32
      %ne3A_1166 = arith.constant 0 : i32
      %ne3A_1167 = arith.cmpi ne, %rem3A_1165, %ne3A_1166 : i32
      %lt3A_1168 = arith.constant 0 : i32
      %lt3A_1169 = arith.cmpi slt, %rem3A_1165, %lt3A_1168 : i32
      %lt3A_1170 = arith.constant 0 : i32
      %lt3A_1171 = arith.cmpi slt, %select_n3A_1164, %lt3A_1170 : i32
      %ne3A_1172 = arith.xori %lt3A_1169, %lt3A_1171 : i1
      %and3A_1173 = arith.andi %ne3A_1172, %ne3A_1167 : i1
      %add3A_1174 = arith.addi %rem3A_1165, %select_n3A_1164 : i32
      %select_n3A_1175 = arith.select %and3A_1173, %add3A_1174, %rem3A_1165 : i32
      %mul3A_1176 = arith.constant 64 : i32
      %mul3A_1177 = arith.muli %select_n3A_1175, %mul3A_1176 : i32
      %add3A_1178 = arith.addi %mul3A_0, %mul3A_1177 : i32
      %mul3A_1179 = arith.constant 4 : i32
      %mul3A_1180 = arith.muli %arg0, %mul3A_1179 : i32
      %jit3A_1181 = arith.constant 32 : i32
      %div3A_1182 = arith.divsi %add3A_1061, %jit3A_1181 : i32
      %sign3A_1183 = arith.constant 0 : i32
      %sign3A_1184 = arith.cmpi sgt, %add3A_1061, %sign3A_1183 : i32
      %sign3A_1185 = arith.extui %sign3A_1184 : i1 to i32
      %sign3A_1186 = arith.constant 0 : i32
      %sign3A_1187 = arith.cmpi slt, %add3A_1061, %sign3A_1186 : i32
      %sign3A_1188 = arith.extui %sign3A_1187 : i1 to i32
      %sign3A_1189 = arith.subi %sign3A_1185, %sign3A_1188 : i32
      %sign3A_1190 = arith.constant 0 : i32
      %sign3A_1191 = arith.cmpi sgt, %jit3A_1181, %sign3A_1190 : i32
      %sign3A_1192 = arith.extui %sign3A_1191 : i1 to i32
      %sign3A_1193 = arith.constant 0 : i32
      %sign3A_1194 = arith.cmpi slt, %jit3A_1181, %sign3A_1193 : i32
      %sign3A_1195 = arith.extui %sign3A_1194 : i1 to i32
      %sign3A_1196 = arith.subi %sign3A_1192, %sign3A_1195 : i32
      %ne3A_1197 = arith.cmpi ne, %sign3A_1189, %sign3A_1196 : i32
      %rem3A_1198 = arith.remsi %add3A_1061, %jit3A_1181 : i32
      %ne3A_1199 = arith.constant 0 : i32
      %ne3A_1200 = arith.cmpi ne, %rem3A_1198, %ne3A_1199 : i32
      %and3A_1201 = arith.andi %ne3A_1197, %ne3A_1200 : i1
      %sub3A_1202 = arith.constant 1 : i32
      %sub3A_1203 = arith.subi %div3A_1182, %sub3A_1202 : i32
      %select_n3A_1204 = arith.select %and3A_1201, %sub3A_1203, %div3A_1182 : i32
      %add3A_1205 = arith.addi %mul3A_1180, %select_n3A_1204 : i32
      %mul3A_1206 = arith.constant 128 : i32
      %mul3A_1207 = arith.muli %add3A_1205, %mul3A_1206 : i32
      %dma_start3A_1208 = tpu.memref_slice %arg4[%add3A_1178, %mul3A_1207] : memref<32768x1024xf32, #tpu.memory_space<hbm>> -> memref<64x128xf32, #tpu.memory_space<hbm>>
      %dma_start3A_1209 = tpu.memref_slice %arg4[%add3A_1178, %mul3A_1207] : memref<32768x1024xf32, #tpu.memory_space<hbm>> -> memref<64x128xf32, #tpu.memory_space<hbm>>
      tpu.enqueue_dma source(%arg13 : memref<64x128xf32, #tpu.memory_space<vmem>>) target(%dma_start3A_1209 : memref<64x128xf32, #tpu.memory_space<hbm>>) target_semaphore(%arg20 : memref<!tpu.dma_semaphore, #tpu.memory_space<semaphore_mem>>)
      %mul3A_1210 = arith.constant 7 : i32
      %mul3A_1211 = arith.muli %scan3A_757, %mul3A_1210 : i32
      %add3A_1212 = arith.constant 4 : i32
      %add3A_1213 = arith.addi %add3A_1212, %mul3A_1211 : i32
      %add3A_1214 = arith.constant 3 : i32
      %add3A_1215 = arith.addi %add3A_1213, %add3A_1214 : i32
      %jit3A_1216 = arith.constant 32 : i32
      %eq3A_1217 = arith.constant 0 : i32
      %eq3A_1218 = arith.cmpi eq, %jit3A_1216, %eq3A_1217 : i32
      %jit3A_1219 = arith.constant 1 : i32
      %select_n3A_1220 = arith.select %eq3A_1218, %jit3A_1219, %jit3A_1216 : i32
      %rem3A_1221 = arith.remsi %add3A_1215, %select_n3A_1220 : i32
      %ne3A_1222 = arith.constant 0 : i32
      %ne3A_1223 = arith.cmpi ne, %rem3A_1221, %ne3A_1222 : i32
      %lt3A_1224 = arith.constant 0 : i32
      %lt3A_1225 = arith.cmpi slt, %rem3A_1221, %lt3A_1224 : i32
      %lt3A_1226 = arith.constant 0 : i32
      %lt3A_1227 = arith.cmpi slt, %select_n3A_1220, %lt3A_1226 : i32
      %ne3A_1228 = arith.xori %lt3A_1225, %lt3A_1227 : i1
      %and3A_1229 = arith.andi %ne3A_1228, %ne3A_1223 : i1
      %add3A_1230 = arith.addi %rem3A_1221, %select_n3A_1220 : i32
      %select_n3A_1231 = arith.select %and3A_1229, %add3A_1230, %rem3A_1221 : i32
      %mul3A_1232 = arith.constant 64 : i32
      %mul3A_1233 = arith.muli %select_n3A_1231, %mul3A_1232 : i32
      %dma_wait3A_1234 = tpu.memref_slice %arg6[%mul3A_1233] : memref<2048xi32, #tpu.memory_space<vmem>> -> memref<64xi32, #tpu.memory_space<vmem>>
      %dma_wait3A_1235 = arith.constant 0 : i32
      %dma_wait3A_1236 = arith.constant 0 : i32
      %dma_wait3A_1237 = tpu.memref_slice %arg5[%dma_wait3A_1235, %dma_wait3A_1236] : memref<8192x128xf32, #tpu.memory_space<vmem_shared>> -> memref<8192x128xf32, #tpu.memory_space<vmem_shared>>
      tpu.wait_indirect_dma semaphore(%arg14 : memref<!tpu.dma_semaphore, #tpu.memory_space<semaphore_mem>>) src(%dma_wait3A_1237 : memref<8192x128xf32, #tpu.memory_space<vmem_shared>>) dst(%arg7 : memref<64x128xf32, #tpu.memory_space<vmem>>)
      %sub3A_1238 = arith.constant 4 : i32
      %sub3A_1239 = arith.subi %add3A_1215, %sub3A_1238 : i32
      %jit3A_1240 = arith.constant 32 : i32
      %eq3A_1241 = arith.constant 0 : i32
      %eq3A_1242 = arith.cmpi eq, %jit3A_1240, %eq3A_1241 : i32
      %jit3A_1243 = arith.constant 1 : i32
      %select_n3A_1244 = arith.select %eq3A_1242, %jit3A_1243, %jit3A_1240 : i32
      %rem3A_1245 = arith.remsi %sub3A_1239, %select_n3A_1244 : i32
      %ne3A_1246 = arith.constant 0 : i32
      %ne3A_1247 = arith.cmpi ne, %rem3A_1245, %ne3A_1246 : i32
      %lt3A_1248 = arith.constant 0 : i32
      %lt3A_1249 = arith.cmpi slt, %rem3A_1245, %lt3A_1248 : i32
      %lt3A_1250 = arith.constant 0 : i32
      %lt3A_1251 = arith.cmpi slt, %select_n3A_1244, %lt3A_1250 : i32
      %ne3A_1252 = arith.xori %lt3A_1249, %lt3A_1251 : i1
      %and3A_1253 = arith.andi %ne3A_1252, %ne3A_1247 : i1
      %add3A_1254 = arith.addi %rem3A_1245, %select_n3A_1244 : i32
      %select_n3A_1255 = arith.select %and3A_1253, %add3A_1254, %rem3A_1245 : i32
      %mul3A_1256 = arith.constant 64 : i32
      %mul3A_1257 = arith.muli %select_n3A_1255, %mul3A_1256 : i32
      %add3A_1258 = arith.addi %mul3A_0, %mul3A_1257 : i32
      %mul3A_1259 = arith.constant 4 : i32
      %mul3A_1260 = arith.muli %arg0, %mul3A_1259 : i32
      %jit3A_1261 = arith.constant 32 : i32
      %div3A_1262 = arith.divsi %sub3A_1239, %jit3A_1261 : i32
      %sign3A_1263 = arith.constant 0 : i32
      %sign3A_1264 = arith.cmpi sgt, %sub3A_1239, %sign3A_1263 : i32
      %sign3A_1265 = arith.extui %sign3A_1264 : i1 to i32
      %sign3A_1266 = arith.constant 0 : i32
      %sign3A_1267 = arith.cmpi slt, %sub3A_1239, %sign3A_1266 : i32
      %sign3A_1268 = arith.extui %sign3A_1267 : i1 to i32
      %sign3A_1269 = arith.subi %sign3A_1265, %sign3A_1268 : i32
      %sign3A_1270 = arith.constant 0 : i32
      %sign3A_1271 = arith.cmpi sgt, %jit3A_1261, %sign3A_1270 : i32
      %sign3A_1272 = arith.extui %sign3A_1271 : i1 to i32
      %sign3A_1273 = arith.constant 0 : i32
      %sign3A_1274 = arith.cmpi slt, %jit3A_1261, %sign3A_1273 : i32
      %sign3A_1275 = arith.extui %sign3A_1274 : i1 to i32
      %sign3A_1276 = arith.subi %sign3A_1272, %sign3A_1275 : i32
      %ne3A_1277 = arith.cmpi ne, %sign3A_1269, %sign3A_1276 : i32
      %rem3A_1278 = arith.remsi %sub3A_1239, %jit3A_1261 : i32
      %ne3A_1279 = arith.constant 0 : i32
      %ne3A_1280 = arith.cmpi ne, %rem3A_1278, %ne3A_1279 : i32
      %and3A_1281 = arith.andi %ne3A_1277, %ne3A_1280 : i1
      %sub3A_1282 = arith.constant 1 : i32
      %sub3A_1283 = arith.subi %div3A_1262, %sub3A_1282 : i32
      %select_n3A_1284 = arith.select %and3A_1281, %sub3A_1283, %div3A_1262 : i32
      %add3A_1285 = arith.addi %mul3A_1260, %select_n3A_1284 : i32
      %mul3A_1286 = arith.constant 128 : i32
      %mul3A_1287 = arith.muli %add3A_1285, %mul3A_1286 : i32
      %dma_wait3A_1288 = tpu.memref_slice %arg4[%add3A_1258, %mul3A_1287] : memref<32768x1024xf32, #tpu.memory_space<hbm>> -> memref<64x128xf32, #tpu.memory_space<hbm>>
      %dma_wait3A_1289 = tpu.memref_slice %arg4[%add3A_1258, %mul3A_1287] : memref<32768x1024xf32, #tpu.memory_space<hbm>> -> memref<64x128xf32, #tpu.memory_space<hbm>>
      tpu.wait_dma2 semaphore(%arg17 : memref<!tpu.dma_semaphore, #tpu.memory_space<semaphore_mem>>) src(%arg10 : memref<64x128xf32, #tpu.memory_space<vmem>>) dst(%dma_wait3A_1289 : memref<64x128xf32, #tpu.memory_space<hbm>>)
      %add3A_1290 = arith.constant 3 : i32
      %add3A_1291 = arith.addi %add3A_1215, %add3A_1290 : i32
      %jit3A_1292 = arith.constant 32 : i32
      %eq3A_1293 = arith.constant 0 : i32
      %eq3A_1294 = arith.cmpi eq, %jit3A_1292, %eq3A_1293 : i32
      %jit3A_1295 = arith.constant 1 : i32
      %select_n3A_1296 = arith.select %eq3A_1294, %jit3A_1295, %jit3A_1292 : i32
      %rem3A_1297 = arith.remsi %add3A_1291, %select_n3A_1296 : i32
      %ne3A_1298 = arith.constant 0 : i32
      %ne3A_1299 = arith.cmpi ne, %rem3A_1297, %ne3A_1298 : i32
      %lt3A_1300 = arith.constant 0 : i32
      %lt3A_1301 = arith.cmpi slt, %rem3A_1297, %lt3A_1300 : i32
      %lt3A_1302 = arith.constant 0 : i32
      %lt3A_1303 = arith.cmpi slt, %select_n3A_1296, %lt3A_1302 : i32
      %ne3A_1304 = arith.xori %lt3A_1301, %lt3A_1303 : i1
      %and3A_1305 = arith.andi %ne3A_1304, %ne3A_1299 : i1
      %add3A_1306 = arith.addi %rem3A_1297, %select_n3A_1296 : i32
      %select_n3A_1307 = arith.select %and3A_1305, %add3A_1306, %rem3A_1297 : i32
      %mul3A_1308 = arith.constant 64 : i32
      %mul3A_1309 = arith.muli %select_n3A_1307, %mul3A_1308 : i32
      %dma_start3A_1310 = tpu.memref_slice %arg6[%mul3A_1309] : memref<2048xi32, #tpu.memory_space<vmem>> -> memref<64xi32, #tpu.memory_space<vmem>>
      %dma_start3A_1311 = arith.constant 0 : i32
      %dma_start3A_1312 = arith.constant 0 : i32
      %dma_start3A_1313 = tpu.memref_slice %arg5[%dma_start3A_1311, %dma_start3A_1312] : memref<8192x128xf32, #tpu.memory_space<vmem_shared>> -> memref<8192x128xf32, #tpu.memory_space<vmem_shared>>
      tpu.enqueue_indirect_dma source(%dma_start3A_1313 : memref<8192x128xf32, #tpu.memory_space<vmem_shared>>) target(%arg10 : memref<64x128xf32, #tpu.memory_space<vmem>>) offsets(%dma_start3A_1310 : memref<64xi32, #tpu.memory_space<vmem>>) semaphore(%arg17 : memref<!tpu.dma_semaphore, #tpu.memory_space<semaphore_mem>>)
      %jit3A_1314 = arith.constant 32 : i32
      %eq3A_1315 = arith.constant 0 : i32
      %eq3A_1316 = arith.cmpi eq, %jit3A_1314, %eq3A_1315 : i32
      %jit3A_1317 = arith.constant 1 : i32
      %select_n3A_1318 = arith.select %eq3A_1316, %jit3A_1317, %jit3A_1314 : i32
      %rem3A_1319 = arith.remsi %add3A_1215, %select_n3A_1318 : i32
      %ne3A_1320 = arith.constant 0 : i32
      %ne3A_1321 = arith.cmpi ne, %rem3A_1319, %ne3A_1320 : i32
      %lt3A_1322 = arith.constant 0 : i32
      %lt3A_1323 = arith.cmpi slt, %rem3A_1319, %lt3A_1322 : i32
      %lt3A_1324 = arith.constant 0 : i32
      %lt3A_1325 = arith.cmpi slt, %select_n3A_1318, %lt3A_1324 : i32
      %ne3A_1326 = arith.xori %lt3A_1323, %lt3A_1325 : i1
      %and3A_1327 = arith.andi %ne3A_1326, %ne3A_1321 : i1
      %add3A_1328 = arith.addi %rem3A_1319, %select_n3A_1318 : i32
      %select_n3A_1329 = arith.select %and3A_1327, %add3A_1328, %rem3A_1319 : i32
      %mul3A_1330 = arith.constant 64 : i32
      %mul3A_1331 = arith.muli %select_n3A_1329, %mul3A_1330 : i32
      %add3A_1332 = arith.addi %mul3A_0, %mul3A_1331 : i32
      %mul3A_1333 = arith.constant 4 : i32
      %mul3A_1334 = arith.muli %arg0, %mul3A_1333 : i32
      %jit3A_1335 = arith.constant 32 : i32
      %div3A_1336 = arith.divsi %add3A_1215, %jit3A_1335 : i32
      %sign3A_1337 = arith.constant 0 : i32
      %sign3A_1338 = arith.cmpi sgt, %add3A_1215, %sign3A_1337 : i32
      %sign3A_1339 = arith.extui %sign3A_1338 : i1 to i32
      %sign3A_1340 = arith.constant 0 : i32
      %sign3A_1341 = arith.cmpi slt, %add3A_1215, %sign3A_1340 : i32
      %sign3A_1342 = arith.extui %sign3A_1341 : i1 to i32
      %sign3A_1343 = arith.subi %sign3A_1339, %sign3A_1342 : i32
      %sign3A_1344 = arith.constant 0 : i32
      %sign3A_1345 = arith.cmpi sgt, %jit3A_1335, %sign3A_1344 : i32
      %sign3A_1346 = arith.extui %sign3A_1345 : i1 to i32
      %sign3A_1347 = arith.constant 0 : i32
      %sign3A_1348 = arith.cmpi slt, %jit3A_1335, %sign3A_1347 : i32
      %sign3A_1349 = arith.extui %sign3A_1348 : i1 to i32
      %sign3A_1350 = arith.subi %sign3A_1346, %sign3A_1349 : i32
      %ne3A_1351 = arith.cmpi ne, %sign3A_1343, %sign3A_1350 : i32
      %rem3A_1352 = arith.remsi %add3A_1215, %jit3A_1335 : i32
      %ne3A_1353 = arith.constant 0 : i32
      %ne3A_1354 = arith.cmpi ne, %rem3A_1352, %ne3A_1353 : i32
      %and3A_1355 = arith.andi %ne3A_1351, %ne3A_1354 : i1
      %sub3A_1356 = arith.constant 1 : i32
      %sub3A_1357 = arith.subi %div3A_1336, %sub3A_1356 : i32
      %select_n3A_1358 = arith.select %and3A_1355, %sub3A_1357, %div3A_1336 : i32
      %add3A_1359 = arith.addi %mul3A_1334, %select_n3A_1358 : i32
      %mul3A_1360 = arith.constant 128 : i32
      %mul3A_1361 = arith.muli %add3A_1359, %mul3A_1360 : i32
      %dma_start3A_1362 = tpu.memref_slice %arg4[%add3A_1332, %mul3A_1361] : memref<32768x1024xf32, #tpu.memory_space<hbm>> -> memref<64x128xf32, #tpu.memory_space<hbm>>
      %dma_start3A_1363 = tpu.memref_slice %arg4[%add3A_1332, %mul3A_1361] : memref<32768x1024xf32, #tpu.memory_space<hbm>> -> memref<64x128xf32, #tpu.memory_space<hbm>>
      tpu.enqueue_dma source(%arg7 : memref<64x128xf32, #tpu.memory_space<vmem>>) target(%dma_start3A_1363 : memref<64x128xf32, #tpu.memory_space<hbm>>) target_semaphore(%arg14 : memref<!tpu.dma_semaphore, #tpu.memory_space<semaphore_mem>>)
      %mul3A_1364 = arith.constant 7 : i32
      %mul3A_1365 = arith.muli %scan3A_757, %mul3A_1364 : i32
      %add3A_1366 = arith.constant 4 : i32
      %add3A_1367 = arith.addi %add3A_1366, %mul3A_1365 : i32
      %add3A_1368 = arith.constant 4 : i32
      %add3A_1369 = arith.addi %add3A_1367, %add3A_1368 : i32
      %jit3A_1370 = arith.constant 32 : i32
      %eq3A_1371 = arith.constant 0 : i32
      %eq3A_1372 = arith.cmpi eq, %jit3A_1370, %eq3A_1371 : i32
      %jit3A_1373 = arith.constant 1 : i32
      %select_n3A_1374 = arith.select %eq3A_1372, %jit3A_1373, %jit3A_1370 : i32
      %rem3A_1375 = arith.remsi %add3A_1369, %select_n3A_1374 : i32
      %ne3A_1376 = arith.constant 0 : i32
      %ne3A_1377 = arith.cmpi ne, %rem3A_1375, %ne3A_1376 : i32
      %lt3A_1378 = arith.constant 0 : i32
      %lt3A_1379 = arith.cmpi slt, %rem3A_1375, %lt3A_1378 : i32
      %lt3A_1380 = arith.constant 0 : i32
      %lt3A_1381 = arith.cmpi slt, %select_n3A_1374, %lt3A_1380 : i32
      %ne3A_1382 = arith.xori %lt3A_1379, %lt3A_1381 : i1
      %and3A_1383 = arith.andi %ne3A_1382, %ne3A_1377 : i1
      %add3A_1384 = arith.addi %rem3A_1375, %select_n3A_1374 : i32
      %select_n3A_1385 = arith.select %and3A_1383, %add3A_1384, %rem3A_1375 : i32
      %mul3A_1386 = arith.constant 64 : i32
      %mul3A_1387 = arith.muli %select_n3A_1385, %mul3A_1386 : i32
      %dma_wait3A_1388 = tpu.memref_slice %arg6[%mul3A_1387] : memref<2048xi32, #tpu.memory_space<vmem>> -> memref<64xi32, #tpu.memory_space<vmem>>
      %dma_wait3A_1389 = arith.constant 0 : i32
      %dma_wait3A_1390 = arith.constant 0 : i32
      %dma_wait3A_1391 = tpu.memref_slice %arg5[%dma_wait3A_1389, %dma_wait3A_1390] : memref<8192x128xf32, #tpu.memory_space<vmem_shared>> -> memref<8192x128xf32, #tpu.memory_space<vmem_shared>>
      tpu.wait_indirect_dma semaphore(%arg15 : memref<!tpu.dma_semaphore, #tpu.memory_space<semaphore_mem>>) src(%dma_wait3A_1391 : memref<8192x128xf32, #tpu.memory_space<vmem_shared>>) dst(%arg8 : memref<64x128xf32, #tpu.memory_space<vmem>>)
      %sub3A_1392 = arith.constant 4 : i32
      %sub3A_1393 = arith.subi %add3A_1369, %sub3A_1392 : i32
      %jit3A_1394 = arith.constant 32 : i32
      %eq3A_1395 = arith.constant 0 : i32
      %eq3A_1396 = arith.cmpi eq, %jit3A_1394, %eq3A_1395 : i32
      %jit3A_1397 = arith.constant 1 : i32
      %select_n3A_1398 = arith.select %eq3A_1396, %jit3A_1397, %jit3A_1394 : i32
      %rem3A_1399 = arith.remsi %sub3A_1393, %select_n3A_1398 : i32
      %ne3A_1400 = arith.constant 0 : i32
      %ne3A_1401 = arith.cmpi ne, %rem3A_1399, %ne3A_1400 : i32
      %lt3A_1402 = arith.constant 0 : i32
      %lt3A_1403 = arith.cmpi slt, %rem3A_1399, %lt3A_1402 : i32
      %lt3A_1404 = arith.constant 0 : i32
      %lt3A_1405 = arith.cmpi slt, %select_n3A_1398, %lt3A_1404 : i32
      %ne3A_1406 = arith.xori %lt3A_1403, %lt3A_1405 : i1
      %and3A_1407 = arith.andi %ne3A_1406, %ne3A_1401 : i1
      %add3A_1408 = arith.addi %rem3A_1399, %select_n3A_1398 : i32
      %select_n3A_1409 = arith.select %and3A_1407, %add3A_1408, %rem3A_1399 : i32
      %mul3A_1410 = arith.constant 64 : i32
      %mul3A_1411 = arith.muli %select_n3A_1409, %mul3A_1410 : i32
      %add3A_1412 = arith.addi %mul3A_0, %mul3A_1411 : i32
      %mul3A_1413 = arith.constant 4 : i32
      %mul3A_1414 = arith.muli %arg0, %mul3A_1413 : i32
      %jit3A_1415 = arith.constant 32 : i32
      %div3A_1416 = arith.divsi %sub3A_1393, %jit3A_1415 : i32
      %sign3A_1417 = arith.constant 0 : i32
      %sign3A_1418 = arith.cmpi sgt, %sub3A_1393, %sign3A_1417 : i32
      %sign3A_1419 = arith.extui %sign3A_1418 : i1 to i32
      %sign3A_1420 = arith.constant 0 : i32
      %sign3A_1421 = arith.cmpi slt, %sub3A_1393, %sign3A_1420 : i32
      %sign3A_1422 = arith.extui %sign3A_1421 : i1 to i32
      %sign3A_1423 = arith.subi %sign3A_1419, %sign3A_1422 : i32
      %sign3A_1424 = arith.constant 0 : i32
      %sign3A_1425 = arith.cmpi sgt, %jit3A_1415, %sign3A_1424 : i32
      %sign3A_1426 = arith.extui %sign3A_1425 : i1 to i32
      %sign3A_1427 = arith.constant 0 : i32
      %sign3A_1428 = arith.cmpi slt, %jit3A_1415, %sign3A_1427 : i32
      %sign3A_1429 = arith.extui %sign3A_1428 : i1 to i32
      %sign3A_1430 = arith.subi %sign3A_1426, %sign3A_1429 : i32
      %ne3A_1431 = arith.cmpi ne, %sign3A_1423, %sign3A_1430 : i32
      %rem3A_1432 = arith.remsi %sub3A_1393, %jit3A_1415 : i32
      %ne3A_1433 = arith.constant 0 : i32
      %ne3A_1434 = arith.cmpi ne, %rem3A_1432, %ne3A_1433 : i32
      %and3A_1435 = arith.andi %ne3A_1431, %ne3A_1434 : i1
      %sub3A_1436 = arith.constant 1 : i32
      %sub3A_1437 = arith.subi %div3A_1416, %sub3A_1436 : i32
      %select_n3A_1438 = arith.select %and3A_1435, %sub3A_1437, %div3A_1416 : i32
      %add3A_1439 = arith.addi %mul3A_1414, %select_n3A_1438 : i32
      %mul3A_1440 = arith.constant 128 : i32
      %mul3A_1441 = arith.muli %add3A_1439, %mul3A_1440 : i32
      %dma_wait3A_1442 = tpu.memref_slice %arg4[%add3A_1412, %mul3A_1441] : memref<32768x1024xf32, #tpu.memory_space<hbm>> -> memref<64x128xf32, #tpu.memory_space<hbm>>
      %dma_wait3A_1443 = tpu.memref_slice %arg4[%add3A_1412, %mul3A_1441] : memref<32768x1024xf32, #tpu.memory_space<hbm>> -> memref<64x128xf32, #tpu.memory_space<hbm>>
      tpu.wait_dma2 semaphore(%arg18 : memref<!tpu.dma_semaphore, #tpu.memory_space<semaphore_mem>>) src(%arg11 : memref<64x128xf32, #tpu.memory_space<vmem>>) dst(%dma_wait3A_1443 : memref<64x128xf32, #tpu.memory_space<hbm>>)
      %add3A_1444 = arith.constant 3 : i32
      %add3A_1445 = arith.addi %add3A_1369, %add3A_1444 : i32
      %jit3A_1446 = arith.constant 32 : i32
      %eq3A_1447 = arith.constant 0 : i32
      %eq3A_1448 = arith.cmpi eq, %jit3A_1446, %eq3A_1447 : i32
      %jit3A_1449 = arith.constant 1 : i32
      %select_n3A_1450 = arith.select %eq3A_1448, %jit3A_1449, %jit3A_1446 : i32
      %rem3A_1451 = arith.remsi %add3A_1445, %select_n3A_1450 : i32
      %ne3A_1452 = arith.constant 0 : i32
      %ne3A_1453 = arith.cmpi ne, %rem3A_1451, %ne3A_1452 : i32
      %lt3A_1454 = arith.constant 0 : i32
      %lt3A_1455 = arith.cmpi slt, %rem3A_1451, %lt3A_1454 : i32
      %lt3A_1456 = arith.constant 0 : i32
      %lt3A_1457 = arith.cmpi slt, %select_n3A_1450, %lt3A_1456 : i32
      %ne3A_1458 = arith.xori %lt3A_1455, %lt3A_1457 : i1
      %and3A_1459 = arith.andi %ne3A_1458, %ne3A_1453 : i1
      %add3A_1460 = arith.addi %rem3A_1451, %select_n3A_1450 : i32
      %select_n3A_1461 = arith.select %and3A_1459, %add3A_1460, %rem3A_1451 : i32
      %mul3A_1462 = arith.constant 64 : i32
      %mul3A_1463 = arith.muli %select_n3A_1461, %mul3A_1462 : i32
      %dma_start3A_1464 = tpu.memref_slice %arg6[%mul3A_1463] : memref<2048xi32, #tpu.memory_space<vmem>> -> memref<64xi32, #tpu.memory_space<vmem>>
      %dma_start3A_1465 = arith.constant 0 : i32
      %dma_start3A_1466 = arith.constant 0 : i32
      %dma_start3A_1467 = tpu.memref_slice %arg5[%dma_start3A_1465, %dma_start3A_1466] : memref<8192x128xf32, #tpu.memory_space<vmem_shared>> -> memref<8192x128xf32, #tpu.memory_space<vmem_shared>>
      tpu.enqueue_indirect_dma source(%dma_start3A_1467 : memref<8192x128xf32, #tpu.memory_space<vmem_shared>>) target(%arg11 : memref<64x128xf32, #tpu.memory_space<vmem>>) offsets(%dma_start3A_1464 : memref<64xi32, #tpu.memory_space<vmem>>) semaphore(%arg18 : memref<!tpu.dma_semaphore, #tpu.memory_space<semaphore_mem>>)
      %jit3A_1468 = arith.constant 32 : i32
      %eq3A_1469 = arith.constant 0 : i32
      %eq3A_1470 = arith.cmpi eq, %jit3A_1468, %eq3A_1469 : i32
      %jit3A_1471 = arith.constant 1 : i32
      %select_n3A_1472 = arith.select %eq3A_1470, %jit3A_1471, %jit3A_1468 : i32
      %rem3A_1473 = arith.remsi %add3A_1369, %select_n3A_1472 : i32
      %ne3A_1474 = arith.constant 0 : i32
      %ne3A_1475 = arith.cmpi ne, %rem3A_1473, %ne3A_1474 : i32
      %lt3A_1476 = arith.constant 0 : i32
      %lt3A_1477 = arith.cmpi slt, %rem3A_1473, %lt3A_1476 : i32
      %lt3A_1478 = arith.constant 0 : i32
      %lt3A_1479 = arith.cmpi slt, %select_n3A_1472, %lt3A_1478 : i32
      %ne3A_1480 = arith.xori %lt3A_1477, %lt3A_1479 : i1
      %and3A_1481 = arith.andi %ne3A_1480, %ne3A_1475 : i1
      %add3A_1482 = arith.addi %rem3A_1473, %select_n3A_1472 : i32
      %select_n3A_1483 = arith.select %and3A_1481, %add3A_1482, %rem3A_1473 : i32
      %mul3A_1484 = arith.constant 64 : i32
      %mul3A_1485 = arith.muli %select_n3A_1483, %mul3A_1484 : i32
      %add3A_1486 = arith.addi %mul3A_0, %mul3A_1485 : i32
      %mul3A_1487 = arith.constant 4 : i32
      %mul3A_1488 = arith.muli %arg0, %mul3A_1487 : i32
      %jit3A_1489 = arith.constant 32 : i32
      %div3A_1490 = arith.divsi %add3A_1369, %jit3A_1489 : i32
      %sign3A_1491 = arith.constant 0 : i32
      %sign3A_1492 = arith.cmpi sgt, %add3A_1369, %sign3A_1491 : i32
      %sign3A_1493 = arith.extui %sign3A_1492 : i1 to i32
      %sign3A_1494 = arith.constant 0 : i32
      %sign3A_1495 = arith.cmpi slt, %add3A_1369, %sign3A_1494 : i32
      %sign3A_1496 = arith.extui %sign3A_1495 : i1 to i32
      %sign3A_1497 = arith.subi %sign3A_1493, %sign3A_1496 : i32
      %sign3A_1498 = arith.constant 0 : i32
      %sign3A_1499 = arith.cmpi sgt, %jit3A_1489, %sign3A_1498 : i32
      %sign3A_1500 = arith.extui %sign3A_1499 : i1 to i32
      %sign3A_1501 = arith.constant 0 : i32
      %sign3A_1502 = arith.cmpi slt, %jit3A_1489, %sign3A_1501 : i32
      %sign3A_1503 = arith.extui %sign3A_1502 : i1 to i32
      %sign3A_1504 = arith.subi %sign3A_1500, %sign3A_1503 : i32
      %ne3A_1505 = arith.cmpi ne, %sign3A_1497, %sign3A_1504 : i32
      %rem3A_1506 = arith.remsi %add3A_1369, %jit3A_1489 : i32
      %ne3A_1507 = arith.constant 0 : i32
      %ne3A_1508 = arith.cmpi ne, %rem3A_1506, %ne3A_1507 : i32
      %and3A_1509 = arith.andi %ne3A_1505, %ne3A_1508 : i1
      %sub3A_1510 = arith.constant 1 : i32
      %sub3A_1511 = arith.subi %div3A_1490, %sub3A_1510 : i32
      %select_n3A_1512 = arith.select %and3A_1509, %sub3A_1511, %div3A_1490 : i32
      %add3A_1513 = arith.addi %mul3A_1488, %select_n3A_1512 : i32
      %mul3A_1514 = arith.constant 128 : i32
      %mul3A_1515 = arith.muli %add3A_1513, %mul3A_1514 : i32
      %dma_start3A_1516 = tpu.memref_slice %arg4[%add3A_1486, %mul3A_1515] : memref<32768x1024xf32, #tpu.memory_space<hbm>> -> memref<64x128xf32, #tpu.memory_space<hbm>>
      %dma_start3A_1517 = tpu.memref_slice %arg4[%add3A_1486, %mul3A_1515] : memref<32768x1024xf32, #tpu.memory_space<hbm>> -> memref<64x128xf32, #tpu.memory_space<hbm>>
      tpu.enqueue_dma source(%arg8 : memref<64x128xf32, #tpu.memory_space<vmem>>) target(%dma_start3A_1517 : memref<64x128xf32, #tpu.memory_space<hbm>>) target_semaphore(%arg15 : memref<!tpu.dma_semaphore, #tpu.memory_space<semaphore_mem>>)
      %mul3A_1518 = arith.constant 7 : i32
      %mul3A_1519 = arith.muli %scan3A_757, %mul3A_1518 : i32
      %add3A_1520 = arith.constant 4 : i32
      %add3A_1521 = arith.addi %add3A_1520, %mul3A_1519 : i32
      %add3A_1522 = arith.constant 5 : i32
      %add3A_1523 = arith.addi %add3A_1521, %add3A_1522 : i32
      %jit3A_1524 = arith.constant 32 : i32
      %eq3A_1525 = arith.constant 0 : i32
      %eq3A_1526 = arith.cmpi eq, %jit3A_1524, %eq3A_1525 : i32
      %jit3A_1527 = arith.constant 1 : i32
      %select_n3A_1528 = arith.select %eq3A_1526, %jit3A_1527, %jit3A_1524 : i32
      %rem3A_1529 = arith.remsi %add3A_1523, %select_n3A_1528 : i32
      %ne3A_1530 = arith.constant 0 : i32
      %ne3A_1531 = arith.cmpi ne, %rem3A_1529, %ne3A_1530 : i32
      %lt3A_1532 = arith.constant 0 : i32
      %lt3A_1533 = arith.cmpi slt, %rem3A_1529, %lt3A_1532 : i32
      %lt3A_1534 = arith.constant 0 : i32
      %lt3A_1535 = arith.cmpi slt, %select_n3A_1528, %lt3A_1534 : i32
      %ne3A_1536 = arith.xori %lt3A_1533, %lt3A_1535 : i1
      %and3A_1537 = arith.andi %ne3A_1536, %ne3A_1531 : i1
      %add3A_1538 = arith.addi %rem3A_1529, %select_n3A_1528 : i32
      %select_n3A_1539 = arith.select %and3A_1537, %add3A_1538, %rem3A_1529 : i32
      %mul3A_1540 = arith.constant 64 : i32
      %mul3A_1541 = arith.muli %select_n3A_1539, %mul3A_1540 : i32
      %dma_wait3A_1542 = tpu.memref_slice %arg6[%mul3A_1541] : memref<2048xi32, #tpu.memory_space<vmem>> -> memref<64xi32, #tpu.memory_space<vmem>>
      %dma_wait3A_1543 = arith.constant 0 : i32
      %dma_wait3A_1544 = arith.constant 0 : i32
      %dma_wait3A_1545 = tpu.memref_slice %arg5[%dma_wait3A_1543, %dma_wait3A_1544] : memref<8192x128xf32, #tpu.memory_space<vmem_shared>> -> memref<8192x128xf32, #tpu.memory_space<vmem_shared>>
      tpu.wait_indirect_dma semaphore(%arg16 : memref<!tpu.dma_semaphore, #tpu.memory_space<semaphore_mem>>) src(%dma_wait3A_1545 : memref<8192x128xf32, #tpu.memory_space<vmem_shared>>) dst(%arg9 : memref<64x128xf32, #tpu.memory_space<vmem>>)
      %sub3A_1546 = arith.constant 4 : i32
      %sub3A_1547 = arith.subi %add3A_1523, %sub3A_1546 : i32
      %jit3A_1548 = arith.constant 32 : i32
      %eq3A_1549 = arith.constant 0 : i32
      %eq3A_1550 = arith.cmpi eq, %jit3A_1548, %eq3A_1549 : i32
      %jit3A_1551 = arith.constant 1 : i32
      %select_n3A_1552 = arith.select %eq3A_1550, %jit3A_1551, %jit3A_1548 : i32
      %rem3A_1553 = arith.remsi %sub3A_1547, %select_n3A_1552 : i32
      %ne3A_1554 = arith.constant 0 : i32
      %ne3A_1555 = arith.cmpi ne, %rem3A_1553, %ne3A_1554 : i32
      %lt3A_1556 = arith.constant 0 : i32
      %lt3A_1557 = arith.cmpi slt, %rem3A_1553, %lt3A_1556 : i32
      %lt3A_1558 = arith.constant 0 : i32
      %lt3A_1559 = arith.cmpi slt, %select_n3A_1552, %lt3A_1558 : i32
      %ne3A_1560 = arith.xori %lt3A_1557, %lt3A_1559 : i1
      %and3A_1561 = arith.andi %ne3A_1560, %ne3A_1555 : i1
      %add3A_1562 = arith.addi %rem3A_1553, %select_n3A_1552 : i32
      %select_n3A_1563 = arith.select %and3A_1561, %add3A_1562, %rem3A_1553 : i32
      %mul3A_1564 = arith.constant 64 : i32
      %mul3A_1565 = arith.muli %select_n3A_1563, %mul3A_1564 : i32
      %add3A_1566 = arith.addi %mul3A_0, %mul3A_1565 : i32
      %mul3A_1567 = arith.constant 4 : i32
      %mul3A_1568 = arith.muli %arg0, %mul3A_1567 : i32
      %jit3A_1569 = arith.constant 32 : i32
      %div3A_1570 = arith.divsi %sub3A_1547, %jit3A_1569 : i32
      %sign3A_1571 = arith.constant 0 : i32
      %sign3A_1572 = arith.cmpi sgt, %sub3A_1547, %sign3A_1571 : i32
      %sign3A_1573 = arith.extui %sign3A_1572 : i1 to i32
      %sign3A_1574 = arith.constant 0 : i32
      %sign3A_1575 = arith.cmpi slt, %sub3A_1547, %sign3A_1574 : i32
      %sign3A_1576 = arith.extui %sign3A_1575 : i1 to i32
      %sign3A_1577 = arith.subi %sign3A_1573, %sign3A_1576 : i32
      %sign3A_1578 = arith.constant 0 : i32
      %sign3A_1579 = arith.cmpi sgt, %jit3A_1569, %sign3A_1578 : i32
      %sign3A_1580 = arith.extui %sign3A_1579 : i1 to i32
      %sign3A_1581 = arith.constant 0 : i32
      %sign3A_1582 = arith.cmpi slt, %jit3A_1569, %sign3A_1581 : i32
      %sign3A_1583 = arith.extui %sign3A_1582 : i1 to i32
      %sign3A_1584 = arith.subi %sign3A_1580, %sign3A_1583 : i32
      %ne3A_1585 = arith.cmpi ne, %sign3A_1577, %sign3A_1584 : i32
      %rem3A_1586 = arith.remsi %sub3A_1547, %jit3A_1569 : i32
      %ne3A_1587 = arith.constant 0 : i32
      %ne3A_1588 = arith.cmpi ne, %rem3A_1586, %ne3A_1587 : i32
      %and3A_1589 = arith.andi %ne3A_1585, %ne3A_1588 : i1
      %sub3A_1590 = arith.constant 1 : i32
      %sub3A_1591 = arith.subi %div3A_1570, %sub3A_1590 : i32
      %select_n3A_1592 = arith.select %and3A_1589, %sub3A_1591, %div3A_1570 : i32
      %add3A_1593 = arith.addi %mul3A_1568, %select_n3A_1592 : i32
      %mul3A_1594 = arith.constant 128 : i32
      %mul3A_1595 = arith.muli %add3A_1593, %mul3A_1594 : i32
      %dma_wait3A_1596 = tpu.memref_slice %arg4[%add3A_1566, %mul3A_1595] : memref<32768x1024xf32, #tpu.memory_space<hbm>> -> memref<64x128xf32, #tpu.memory_space<hbm>>
      %dma_wait3A_1597 = tpu.memref_slice %arg4[%add3A_1566, %mul3A_1595] : memref<32768x1024xf32, #tpu.memory_space<hbm>> -> memref<64x128xf32, #tpu.memory_space<hbm>>
      tpu.wait_dma2 semaphore(%arg19 : memref<!tpu.dma_semaphore, #tpu.memory_space<semaphore_mem>>) src(%arg12 : memref<64x128xf32, #tpu.memory_space<vmem>>) dst(%dma_wait3A_1597 : memref<64x128xf32, #tpu.memory_space<hbm>>)
      %add3A_1598 = arith.constant 3 : i32
      %add3A_1599 = arith.addi %add3A_1523, %add3A_1598 : i32
      %jit3A_1600 = arith.constant 32 : i32
      %eq3A_1601 = arith.constant 0 : i32
      %eq3A_1602 = arith.cmpi eq, %jit3A_1600, %eq3A_1601 : i32
      %jit3A_1603 = arith.constant 1 : i32
      %select_n3A_1604 = arith.select %eq3A_1602, %jit3A_1603, %jit3A_1600 : i32
      %rem3A_1605 = arith.remsi %add3A_1599, %select_n3A_1604 : i32
      %ne3A_1606 = arith.constant 0 : i32
      %ne3A_1607 = arith.cmpi ne, %rem3A_1605, %ne3A_1606 : i32
      %lt3A_1608 = arith.constant 0 : i32
      %lt3A_1609 = arith.cmpi slt, %rem3A_1605, %lt3A_1608 : i32
      %lt3A_1610 = arith.constant 0 : i32
      %lt3A_1611 = arith.cmpi slt, %select_n3A_1604, %lt3A_1610 : i32
      %ne3A_1612 = arith.xori %lt3A_1609, %lt3A_1611 : i1
      %and3A_1613 = arith.andi %ne3A_1612, %ne3A_1607 : i1
      %add3A_1614 = arith.addi %rem3A_1605, %select_n3A_1604 : i32
      %select_n3A_1615 = arith.select %and3A_1613, %add3A_1614, %rem3A_1605 : i32
      %mul3A_1616 = arith.constant 64 : i32
      %mul3A_1617 = arith.muli %select_n3A_1615, %mul3A_1616 : i32
      %dma_start3A_1618 = tpu.memref_slice %arg6[%mul3A_1617] : memref<2048xi32, #tpu.memory_space<vmem>> -> memref<64xi32, #tpu.memory_space<vmem>>
      %dma_start3A_1619 = arith.constant 0 : i32
      %dma_start3A_1620 = arith.constant 0 : i32
      %dma_start3A_1621 = tpu.memref_slice %arg5[%dma_start3A_1619, %dma_start3A_1620] : memref<8192x128xf32, #tpu.memory_space<vmem_shared>> -> memref<8192x128xf32, #tpu.memory_space<vmem_shared>>
      tpu.enqueue_indirect_dma source(%dma_start3A_1621 : memref<8192x128xf32, #tpu.memory_space<vmem_shared>>) target(%arg12 : memref<64x128xf32, #tpu.memory_space<vmem>>) offsets(%dma_start3A_1618 : memref<64xi32, #tpu.memory_space<vmem>>) semaphore(%arg19 : memref<!tpu.dma_semaphore, #tpu.memory_space<semaphore_mem>>)
      %jit3A_1622 = arith.constant 32 : i32
      %eq3A_1623 = arith.constant 0 : i32
      %eq3A_1624 = arith.cmpi eq, %jit3A_1622, %eq3A_1623 : i32
      %jit3A_1625 = arith.constant 1 : i32
      %select_n3A_1626 = arith.select %eq3A_1624, %jit3A_1625, %jit3A_1622 : i32
      %rem3A_1627 = arith.remsi %add3A_1523, %select_n3A_1626 : i32
      %ne3A_1628 = arith.constant 0 : i32
      %ne3A_1629 = arith.cmpi ne, %rem3A_1627, %ne3A_1628 : i32
      %lt3A_1630 = arith.constant 0 : i32
      %lt3A_1631 = arith.cmpi slt, %rem3A_1627, %lt3A_1630 : i32
      %lt3A_1632 = arith.constant 0 : i32
      %lt3A_1633 = arith.cmpi slt, %select_n3A_1626, %lt3A_1632 : i32
      %ne3A_1634 = arith.xori %lt3A_1631, %lt3A_1633 : i1
      %and3A_1635 = arith.andi %ne3A_1634, %ne3A_1629 : i1
      %add3A_1636 = arith.addi %rem3A_1627, %select_n3A_1626 : i32
      %select_n3A_1637 = arith.select %and3A_1635, %add3A_1636, %rem3A_1627 : i32
      %mul3A_1638 = arith.constant 64 : i32
      %mul3A_1639 = arith.muli %select_n3A_1637, %mul3A_1638 : i32
      %add3A_1640 = arith.addi %mul3A_0, %mul3A_1639 : i32
      %mul3A_1641 = arith.constant 4 : i32
      %mul3A_1642 = arith.muli %arg0, %mul3A_1641 : i32
      %jit3A_1643 = arith.constant 32 : i32
      %div3A_1644 = arith.divsi %add3A_1523, %jit3A_1643 : i32
      %sign3A_1645 = arith.constant 0 : i32
      %sign3A_1646 = arith.cmpi sgt, %add3A_1523, %sign3A_1645 : i32
      %sign3A_1647 = arith.extui %sign3A_1646 : i1 to i32
      %sign3A_1648 = arith.constant 0 : i32
      %sign3A_1649 = arith.cmpi slt, %add3A_1523, %sign3A_1648 : i32
      %sign3A_1650 = arith.extui %sign3A_1649 : i1 to i32
      %sign3A_1651 = arith.subi %sign3A_1647, %sign3A_1650 : i32
      %sign3A_1652 = arith.constant 0 : i32
      %sign3A_1653 = arith.cmpi sgt, %jit3A_1643, %sign3A_1652 : i32
      %sign3A_1654 = arith.extui %sign3A_1653 : i1 to i32
      %sign3A_1655 = arith.constant 0 : i32
      %sign3A_1656 = arith.cmpi slt, %jit3A_1643, %sign3A_1655 : i32
      %sign3A_1657 = arith.extui %sign3A_1656 : i1 to i32
      %sign3A_1658 = arith.subi %sign3A_1654, %sign3A_1657 : i32
      %ne3A_1659 = arith.cmpi ne, %sign3A_1651, %sign3A_1658 : i32
      %rem3A_1660 = arith.remsi %add3A_1523, %jit3A_1643 : i32
      %ne3A_1661 = arith.constant 0 : i32
      %ne3A_1662 = arith.cmpi ne, %rem3A_1660, %ne3A_1661 : i32
      %and3A_1663 = arith.andi %ne3A_1659, %ne3A_1662 : i1
      %sub3A_1664 = arith.constant 1 : i32
      %sub3A_1665 = arith.subi %div3A_1644, %sub3A_1664 : i32
      %select_n3A_1666 = arith.select %and3A_1663, %sub3A_1665, %div3A_1644 : i32
      %add3A_1667 = arith.addi %mul3A_1642, %select_n3A_1666 : i32
      %mul3A_1668 = arith.constant 128 : i32
      %mul3A_1669 = arith.muli %add3A_1667, %mul3A_1668 : i32
      %dma_start3A_1670 = tpu.memref_slice %arg4[%add3A_1640, %mul3A_1669] : memref<32768x1024xf32, #tpu.memory_space<hbm>> -> memref<64x128xf32, #tpu.memory_space<hbm>>
      %dma_start3A_1671 = tpu.memref_slice %arg4[%add3A_1640, %mul3A_1669] : memref<32768x1024xf32, #tpu.memory_space<hbm>> -> memref<64x128xf32, #tpu.memory_space<hbm>>
      tpu.enqueue_dma source(%arg9 : memref<64x128xf32, #tpu.memory_space<vmem>>) target(%dma_start3A_1671 : memref<64x128xf32, #tpu.memory_space<hbm>>) target_semaphore(%arg16 : memref<!tpu.dma_semaphore, #tpu.memory_space<semaphore_mem>>)
      %mul3A_1672 = arith.constant 7 : i32
      %mul3A_1673 = arith.muli %scan3A_757, %mul3A_1672 : i32
      %add3A_1674 = arith.constant 4 : i32
      %add3A_1675 = arith.addi %add3A_1674, %mul3A_1673 : i32
      %add3A_1676 = arith.constant 6 : i32
      %add3A_1677 = arith.addi %add3A_1675, %add3A_1676 : i32
      %jit3A_1678 = arith.constant 32 : i32
      %eq3A_1679 = arith.constant 0 : i32
      %eq3A_1680 = arith.cmpi eq, %jit3A_1678, %eq3A_1679 : i32
      %jit3A_1681 = arith.constant 1 : i32
      %select_n3A_1682 = arith.select %eq3A_1680, %jit3A_1681, %jit3A_1678 : i32
      %rem3A_1683 = arith.remsi %add3A_1677, %select_n3A_1682 : i32
      %ne3A_1684 = arith.constant 0 : i32
      %ne3A_1685 = arith.cmpi ne, %rem3A_1683, %ne3A_1684 : i32
      %lt3A_1686 = arith.constant 0 : i32
      %lt3A_1687 = arith.cmpi slt, %rem3A_1683, %lt3A_1686 : i32
      %lt3A_1688 = arith.constant 0 : i32
      %lt3A_1689 = arith.cmpi slt, %select_n3A_1682, %lt3A_1688 : i32
      %ne3A_1690 = arith.xori %lt3A_1687, %lt3A_1689 : i1
      %and3A_1691 = arith.andi %ne3A_1690, %ne3A_1685 : i1
      %add3A_1692 = arith.addi %rem3A_1683, %select_n3A_1682 : i32
      %select_n3A_1693 = arith.select %and3A_1691, %add3A_1692, %rem3A_1683 : i32
      %mul3A_1694 = arith.constant 64 : i32
      %mul3A_1695 = arith.muli %select_n3A_1693, %mul3A_1694 : i32
      %dma_wait3A_1696 = tpu.memref_slice %arg6[%mul3A_1695] : memref<2048xi32, #tpu.memory_space<vmem>> -> memref<64xi32, #tpu.memory_space<vmem>>
      %dma_wait3A_1697 = arith.constant 0 : i32
      %dma_wait3A_1698 = arith.constant 0 : i32
      %dma_wait3A_1699 = tpu.memref_slice %arg5[%dma_wait3A_1697, %dma_wait3A_1698] : memref<8192x128xf32, #tpu.memory_space<vmem_shared>> -> memref<8192x128xf32, #tpu.memory_space<vmem_shared>>
      tpu.wait_indirect_dma semaphore(%arg17 : memref<!tpu.dma_semaphore, #tpu.memory_space<semaphore_mem>>) src(%dma_wait3A_1699 : memref<8192x128xf32, #tpu.memory_space<vmem_shared>>) dst(%arg10 : memref<64x128xf32, #tpu.memory_space<vmem>>)
      %sub3A_1700 = arith.constant 4 : i32
      %sub3A_1701 = arith.subi %add3A_1677, %sub3A_1700 : i32
      %jit3A_1702 = arith.constant 32 : i32
      %eq3A_1703 = arith.constant 0 : i32
      %eq3A_1704 = arith.cmpi eq, %jit3A_1702, %eq3A_1703 : i32
      %jit3A_1705 = arith.constant 1 : i32
      %select_n3A_1706 = arith.select %eq3A_1704, %jit3A_1705, %jit3A_1702 : i32
      %rem3A_1707 = arith.remsi %sub3A_1701, %select_n3A_1706 : i32
      %ne3A_1708 = arith.constant 0 : i32
      %ne3A_1709 = arith.cmpi ne, %rem3A_1707, %ne3A_1708 : i32
      %lt3A_1710 = arith.constant 0 : i32
      %lt3A_1711 = arith.cmpi slt, %rem3A_1707, %lt3A_1710 : i32
      %lt3A_1712 = arith.constant 0 : i32
      %lt3A_1713 = arith.cmpi slt, %select_n3A_1706, %lt3A_1712 : i32
      %ne3A_1714 = arith.xori %lt3A_1711, %lt3A_1713 : i1
      %and3A_1715 = arith.andi %ne3A_1714, %ne3A_1709 : i1
      %add3A_1716 = arith.addi %rem3A_1707, %select_n3A_1706 : i32
      %select_n3A_1717 = arith.select %and3A_1715, %add3A_1716, %rem3A_1707 : i32
      %mul3A_1718 = arith.constant 64 : i32
      %mul3A_1719 = arith.muli %select_n3A_1717, %mul3A_1718 : i32
      %add3A_1720 = arith.addi %mul3A_0, %mul3A_1719 : i32
      %mul3A_1721 = arith.constant 4 : i32
      %mul3A_1722 = arith.muli %arg0, %mul3A_1721 : i32
      %jit3A_1723 = arith.constant 32 : i32
      %div3A_1724 = arith.divsi %sub3A_1701, %jit3A_1723 : i32
      %sign3A_1725 = arith.constant 0 : i32
      %sign3A_1726 = arith.cmpi sgt, %sub3A_1701, %sign3A_1725 : i32
      %sign3A_1727 = arith.extui %sign3A_1726 : i1 to i32
      %sign3A_1728 = arith.constant 0 : i32
      %sign3A_1729 = arith.cmpi slt, %sub3A_1701, %sign3A_1728 : i32
      %sign3A_1730 = arith.extui %sign3A_1729 : i1 to i32
      %sign3A_1731 = arith.subi %sign3A_1727, %sign3A_1730 : i32
      %sign3A_1732 = arith.constant 0 : i32
      %sign3A_1733 = arith.cmpi sgt, %jit3A_1723, %sign3A_1732 : i32
      %sign3A_1734 = arith.extui %sign3A_1733 : i1 to i32
      %sign3A_1735 = arith.constant 0 : i32
      %sign3A_1736 = arith.cmpi slt, %jit3A_1723, %sign3A_1735 : i32
      %sign3A_1737 = arith.extui %sign3A_1736 : i1 to i32
      %sign3A_1738 = arith.subi %sign3A_1734, %sign3A_1737 : i32
      %ne3A_1739 = arith.cmpi ne, %sign3A_1731, %sign3A_1738 : i32
      %rem3A_1740 = arith.remsi %sub3A_1701, %jit3A_1723 : i32
      %ne3A_1741 = arith.constant 0 : i32
      %ne3A_1742 = arith.cmpi ne, %rem3A_1740, %ne3A_1741 : i32
      %and3A_1743 = arith.andi %ne3A_1739, %ne3A_1742 : i1
      %sub3A_1744 = arith.constant 1 : i32
      %sub3A_1745 = arith.subi %div3A_1724, %sub3A_1744 : i32
      %select_n3A_1746 = arith.select %and3A_1743, %sub3A_1745, %div3A_1724 : i32
      %add3A_1747 = arith.addi %mul3A_1722, %select_n3A_1746 : i32
      %mul3A_1748 = arith.constant 128 : i32
      %mul3A_1749 = arith.muli %add3A_1747, %mul3A_1748 : i32
      %dma_wait3A_1750 = tpu.memref_slice %arg4[%add3A_1720, %mul3A_1749] : memref<32768x1024xf32, #tpu.memory_space<hbm>> -> memref<64x128xf32, #tpu.memory_space<hbm>>
      %dma_wait3A_1751 = tpu.memref_slice %arg4[%add3A_1720, %mul3A_1749] : memref<32768x1024xf32, #tpu.memory_space<hbm>> -> memref<64x128xf32, #tpu.memory_space<hbm>>
      tpu.wait_dma2 semaphore(%arg20 : memref<!tpu.dma_semaphore, #tpu.memory_space<semaphore_mem>>) src(%arg13 : memref<64x128xf32, #tpu.memory_space<vmem>>) dst(%dma_wait3A_1751 : memref<64x128xf32, #tpu.memory_space<hbm>>)
      %add3A_1752 = arith.constant 3 : i32
      %add3A_1753 = arith.addi %add3A_1677, %add3A_1752 : i32
      %jit3A_1754 = arith.constant 32 : i32
      %eq3A_1755 = arith.constant 0 : i32
      %eq3A_1756 = arith.cmpi eq, %jit3A_1754, %eq3A_1755 : i32
      %jit3A_1757 = arith.constant 1 : i32
      %select_n3A_1758 = arith.select %eq3A_1756, %jit3A_1757, %jit3A_1754 : i32
      %rem3A_1759 = arith.remsi %add3A_1753, %select_n3A_1758 : i32
      %ne3A_1760 = arith.constant 0 : i32
      %ne3A_1761 = arith.cmpi ne, %rem3A_1759, %ne3A_1760 : i32
      %lt3A_1762 = arith.constant 0 : i32
      %lt3A_1763 = arith.cmpi slt, %rem3A_1759, %lt3A_1762 : i32
      %lt3A_1764 = arith.constant 0 : i32
      %lt3A_1765 = arith.cmpi slt, %select_n3A_1758, %lt3A_1764 : i32
      %ne3A_1766 = arith.xori %lt3A_1763, %lt3A_1765 : i1
      %and3A_1767 = arith.andi %ne3A_1766, %ne3A_1761 : i1
      %add3A_1768 = arith.addi %rem3A_1759, %select_n3A_1758 : i32
      %select_n3A_1769 = arith.select %and3A_1767, %add3A_1768, %rem3A_1759 : i32
      %mul3A_1770 = arith.constant 64 : i32
      %mul3A_1771 = arith.muli %select_n3A_1769, %mul3A_1770 : i32
      %dma_start3A_1772 = tpu.memref_slice %arg6[%mul3A_1771] : memref<2048xi32, #tpu.memory_space<vmem>> -> memref<64xi32, #tpu.memory_space<vmem>>
      %dma_start3A_1773 = arith.constant 0 : i32
      %dma_start3A_1774 = arith.constant 0 : i32
      %dma_start3A_1775 = tpu.memref_slice %arg5[%dma_start3A_1773, %dma_start3A_1774] : memref<8192x128xf32, #tpu.memory_space<vmem_shared>> -> memref<8192x128xf32, #tpu.memory_space<vmem_shared>>
      tpu.enqueue_indirect_dma source(%dma_start3A_1775 : memref<8192x128xf32, #tpu.memory_space<vmem_shared>>) target(%arg13 : memref<64x128xf32, #tpu.memory_space<vmem>>) offsets(%dma_start3A_1772 : memref<64xi32, #tpu.memory_space<vmem>>) semaphore(%arg20 : memref<!tpu.dma_semaphore, #tpu.memory_space<semaphore_mem>>)
      %jit3A_1776 = arith.constant 32 : i32
      %eq3A_1777 = arith.constant 0 : i32
      %eq3A_1778 = arith.cmpi eq, %jit3A_1776, %eq3A_1777 : i32
      %jit3A_1779 = arith.constant 1 : i32
      %select_n3A_1780 = arith.select %eq3A_1778, %jit3A_1779, %jit3A_1776 : i32
      %rem3A_1781 = arith.remsi %add3A_1677, %select_n3A_1780 : i32
      %ne3A_1782 = arith.constant 0 : i32
      %ne3A_1783 = arith.cmpi ne, %rem3A_1781, %ne3A_1782 : i32
      %lt3A_1784 = arith.constant 0 : i32
      %lt3A_1785 = arith.cmpi slt, %rem3A_1781, %lt3A_1784 : i32
      %lt3A_1786 = arith.constant 0 : i32
      %lt3A_1787 = arith.cmpi slt, %select_n3A_1780, %lt3A_1786 : i32
      %ne3A_1788 = arith.xori %lt3A_1785, %lt3A_1787 : i1
      %and3A_1789 = arith.andi %ne3A_1788, %ne3A_1783 : i1
      %add3A_1790 = arith.addi %rem3A_1781, %select_n3A_1780 : i32
      %select_n3A_1791 = arith.select %and3A_1789, %add3A_1790, %rem3A_1781 : i32
      %mul3A_1792 = arith.constant 64 : i32
      %mul3A_1793 = arith.muli %select_n3A_1791, %mul3A_1792 : i32
      %add3A_1794 = arith.addi %mul3A_0, %mul3A_1793 : i32
      %mul3A_1795 = arith.constant 4 : i32
      %mul3A_1796 = arith.muli %arg0, %mul3A_1795 : i32
      %jit3A_1797 = arith.constant 32 : i32
      %div3A_1798 = arith.divsi %add3A_1677, %jit3A_1797 : i32
      %sign3A_1799 = arith.constant 0 : i32
      %sign3A_1800 = arith.cmpi sgt, %add3A_1677, %sign3A_1799 : i32
      %sign3A_1801 = arith.extui %sign3A_1800 : i1 to i32
      %sign3A_1802 = arith.constant 0 : i32
      %sign3A_1803 = arith.cmpi slt, %add3A_1677, %sign3A_1802 : i32
      %sign3A_1804 = arith.extui %sign3A_1803 : i1 to i32
      %sign3A_1805 = arith.subi %sign3A_1801, %sign3A_1804 : i32
      %sign3A_1806 = arith.constant 0 : i32
      %sign3A_1807 = arith.cmpi sgt, %jit3A_1797, %sign3A_1806 : i32
      %sign3A_1808 = arith.extui %sign3A_1807 : i1 to i32
      %sign3A_1809 = arith.constant 0 : i32
      %sign3A_1810 = arith.cmpi slt, %jit3A_1797, %sign3A_1809 : i32
      %sign3A_1811 = arith.extui %sign3A_1810 : i1 to i32
      %sign3A_1812 = arith.subi %sign3A_1808, %sign3A_1811 : i32
      %ne3A_1813 = arith.cmpi ne, %sign3A_1805, %sign3A_1812 : i32
      %rem3A_1814 = arith.remsi %add3A_1677, %jit3A_1797 : i32
      %ne3A_1815 = arith.constant 0 : i32
      %ne3A_1816 = arith.cmpi ne, %rem3A_1814, %ne3A_1815 : i32
      %and3A_1817 = arith.andi %ne3A_1813, %ne3A_1816 : i1
      %sub3A_1818 = arith.constant 1 : i32
      %sub3A_1819 = arith.subi %div3A_1798, %sub3A_1818 : i32
      %select_n3A_1820 = arith.select %and3A_1817, %sub3A_1819, %div3A_1798 : i32
      %add3A_1821 = arith.addi %mul3A_1796, %select_n3A_1820 : i32
      %mul3A_1822 = arith.constant 128 : i32
      %mul3A_1823 = arith.muli %add3A_1821, %mul3A_1822 : i32
      %dma_start3A_1824 = tpu.memref_slice %arg4[%add3A_1794, %mul3A_1823] : memref<32768x1024xf32, #tpu.memory_space<hbm>> -> memref<64x128xf32, #tpu.memory_space<hbm>>
      %dma_start3A_1825 = tpu.memref_slice %arg4[%add3A_1794, %mul3A_1823] : memref<32768x1024xf32, #tpu.memory_space<hbm>> -> memref<64x128xf32, #tpu.memory_space<hbm>>
      tpu.enqueue_dma source(%arg10 : memref<64x128xf32, #tpu.memory_space<vmem>>) target(%dma_start3A_1825 : memref<64x128xf32, #tpu.memory_space<hbm>>) target_semaphore(%arg17 : memref<!tpu.dma_semaphore, #tpu.memory_space<semaphore_mem>>)
    }
    %scan3A_107 = arith.constant 3 : i32
    %dma_wait3A_108 = arith.constant 1600 : i32
    %dma_wait3A_109 = tpu.memref_slice %arg6[%dma_wait3A_108] : memref<2048xi32, #tpu.memory_space<vmem>> -> memref<64xi32, #tpu.memory_space<vmem>>
    %dma_wait3A_110 = arith.constant 0 : i32
    %dma_wait3A_111 = arith.constant 0 : i32
    %dma_wait3A_112 = tpu.memref_slice %arg5[%dma_wait3A_110, %dma_wait3A_111] : memref<8192x128xf32, #tpu.memory_space<vmem_shared>> -> memref<8192x128xf32, #tpu.memory_space<vmem_shared>>
    tpu.wait_indirect_dma semaphore(%arg18 : memref<!tpu.dma_semaphore, #tpu.memory_space<semaphore_mem>>) src(%dma_wait3A_112 : memref<8192x128xf32, #tpu.memory_space<vmem_shared>>) dst(%arg11 : memref<64x128xf32, #tpu.memory_space<vmem>>)
    %add3A_113 = arith.constant 1344 : i32
    %add3A_114 = arith.addi %mul3A_0, %add3A_113 : i32
    %mul3A_115 = arith.constant 4 : i32
    %mul3A_116 = arith.muli %arg0, %mul3A_115 : i32
    %add3A_117 = arith.constant 0 : i32
    %add3A_118 = arith.addi %mul3A_116, %add3A_117 : i32
    %mul3A_119 = arith.constant 128 : i32
    %mul3A_120 = arith.muli %add3A_118, %mul3A_119 : i32
    %dma_wait3A_121 = tpu.memref_slice %arg4[%add3A_114, %mul3A_120] : memref<32768x1024xf32, #tpu.memory_space<hbm>> -> memref<64x128xf32, #tpu.memory_space<hbm>>
    %dma_wait3A_122 = tpu.memref_slice %arg4[%add3A_114, %mul3A_120] : memref<32768x1024xf32, #tpu.memory_space<hbm>> -> memref<64x128xf32, #tpu.memory_space<hbm>>
    tpu.wait_dma2 semaphore(%arg14 : memref<!tpu.dma_semaphore, #tpu.memory_space<semaphore_mem>>) src(%arg7 : memref<64x128xf32, #tpu.memory_space<vmem>>) dst(%dma_wait3A_122 : memref<64x128xf32, #tpu.memory_space<hbm>>)
    %dma_start3A_123 = arith.constant 1792 : i32
    %dma_start3A_124 = tpu.memref_slice %arg6[%dma_start3A_123] : memref<2048xi32, #tpu.memory_space<vmem>> -> memref<64xi32, #tpu.memory_space<vmem>>
    %dma_start3A_125 = arith.constant 0 : i32
    %dma_start3A_126 = arith.constant 0 : i32
    %dma_start3A_127 = tpu.memref_slice %arg5[%dma_start3A_125, %dma_start3A_126] : memref<8192x128xf32, #tpu.memory_space<vmem_shared>> -> memref<8192x128xf32, #tpu.memory_space<vmem_shared>>
    tpu.enqueue_indirect_dma source(%dma_start3A_127 : memref<8192x128xf32, #tpu.memory_space<vmem_shared>>) target(%arg7 : memref<64x128xf32, #tpu.memory_space<vmem>>) offsets(%dma_start3A_124 : memref<64xi32, #tpu.memory_space<vmem>>) semaphore(%arg14 : memref<!tpu.dma_semaphore, #tpu.memory_space<semaphore_mem>>)
    %add3A_128 = arith.constant 1600 : i32
    %add3A_129 = arith.addi %mul3A_0, %add3A_128 : i32
    %mul3A_130 = arith.constant 4 : i32
    %mul3A_131 = arith.muli %arg0, %mul3A_130 : i32
    %add3A_132 = arith.constant 0 : i32
    %add3A_133 = arith.addi %mul3A_131, %add3A_132 : i32
    %mul3A_134 = arith.constant 128 : i32
    %mul3A_135 = arith.muli %add3A_133, %mul3A_134 : i32
    %dma_start3A_136 = tpu.memref_slice %arg4[%add3A_129, %mul3A_135] : memref<32768x1024xf32, #tpu.memory_space<hbm>> -> memref<64x128xf32, #tpu.memory_space<hbm>>
    %dma_start3A_137 = tpu.memref_slice %arg4[%add3A_129, %mul3A_135] : memref<32768x1024xf32, #tpu.memory_space<hbm>> -> memref<64x128xf32, #tpu.memory_space<hbm>>
    tpu.enqueue_dma source(%arg11 : memref<64x128xf32, #tpu.memory_space<vmem>>) target(%dma_start3A_137 : memref<64x128xf32, #tpu.memory_space<hbm>>) target_semaphore(%arg18 : memref<!tpu.dma_semaphore, #tpu.memory_space<semaphore_mem>>)
    %dma_wait3A_138 = arith.constant 1664 : i32
    %dma_wait3A_139 = tpu.memref_slice %arg6[%dma_wait3A_138] : memref<2048xi32, #tpu.memory_space<vmem>> -> memref<64xi32, #tpu.memory_space<vmem>>
    %dma_wait3A_140 = arith.constant 0 : i32
    %dma_wait3A_141 = arith.constant 0 : i32
    %dma_wait3A_142 = tpu.memref_slice %arg5[%dma_wait3A_140, %dma_wait3A_141] : memref<8192x128xf32, #tpu.memory_space<vmem_shared>> -> memref<8192x128xf32, #tpu.memory_space<vmem_shared>>
    tpu.wait_indirect_dma semaphore(%arg19 : memref<!tpu.dma_semaphore, #tpu.memory_space<semaphore_mem>>) src(%dma_wait3A_142 : memref<8192x128xf32, #tpu.memory_space<vmem_shared>>) dst(%arg12 : memref<64x128xf32, #tpu.memory_space<vmem>>)
    %add3A_143 = arith.constant 1408 : i32
    %add3A_144 = arith.addi %mul3A_0, %add3A_143 : i32
    %mul3A_145 = arith.constant 4 : i32
    %mul3A_146 = arith.muli %arg0, %mul3A_145 : i32
    %add3A_147 = arith.constant 0 : i32
    %add3A_148 = arith.addi %mul3A_146, %add3A_147 : i32
    %mul3A_149 = arith.constant 128 : i32
    %mul3A_150 = arith.muli %add3A_148, %mul3A_149 : i32
    %dma_wait3A_151 = tpu.memref_slice %arg4[%add3A_144, %mul3A_150] : memref<32768x1024xf32, #tpu.memory_space<hbm>> -> memref<64x128xf32, #tpu.memory_space<hbm>>
    %dma_wait3A_152 = tpu.memref_slice %arg4[%add3A_144, %mul3A_150] : memref<32768x1024xf32, #tpu.memory_space<hbm>> -> memref<64x128xf32, #tpu.memory_space<hbm>>
    tpu.wait_dma2 semaphore(%arg15 : memref<!tpu.dma_semaphore, #tpu.memory_space<semaphore_mem>>) src(%arg8 : memref<64x128xf32, #tpu.memory_space<vmem>>) dst(%dma_wait3A_152 : memref<64x128xf32, #tpu.memory_space<hbm>>)
    %dma_start3A_153 = arith.constant 1856 : i32
    %dma_start3A_154 = tpu.memref_slice %arg6[%dma_start3A_153] : memref<2048xi32, #tpu.memory_space<vmem>> -> memref<64xi32, #tpu.memory_space<vmem>>
    %dma_start3A_155 = arith.constant 0 : i32
    %dma_start3A_156 = arith.constant 0 : i32
    %dma_start3A_157 = tpu.memref_slice %arg5[%dma_start3A_155, %dma_start3A_156] : memref<8192x128xf32, #tpu.memory_space<vmem_shared>> -> memref<8192x128xf32, #tpu.memory_space<vmem_shared>>
    tpu.enqueue_indirect_dma source(%dma_start3A_157 : memref<8192x128xf32, #tpu.memory_space<vmem_shared>>) target(%arg8 : memref<64x128xf32, #tpu.memory_space<vmem>>) offsets(%dma_start3A_154 : memref<64xi32, #tpu.memory_space<vmem>>) semaphore(%arg15 : memref<!tpu.dma_semaphore, #tpu.memory_space<semaphore_mem>>)
    %add3A_158 = arith.constant 1664 : i32
    %add3A_159 = arith.addi %mul3A_0, %add3A_158 : i32
    %mul3A_160 = arith.constant 4 : i32
    %mul3A_161 = arith.muli %arg0, %mul3A_160 : i32
    %add3A_162 = arith.constant 0 : i32
    %add3A_163 = arith.addi %mul3A_161, %add3A_162 : i32
    %mul3A_164 = arith.constant 128 : i32
    %mul3A_165 = arith.muli %add3A_163, %mul3A_164 : i32
    %dma_start3A_166 = tpu.memref_slice %arg4[%add3A_159, %mul3A_165] : memref<32768x1024xf32, #tpu.memory_space<hbm>> -> memref<64x128xf32, #tpu.memory_space<hbm>>
    %dma_start3A_167 = tpu.memref_slice %arg4[%add3A_159, %mul3A_165] : memref<32768x1024xf32, #tpu.memory_space<hbm>> -> memref<64x128xf32, #tpu.memory_space<hbm>>
    tpu.enqueue_dma source(%arg12 : memref<64x128xf32, #tpu.memory_space<vmem>>) target(%dma_start3A_167 : memref<64x128xf32, #tpu.memory_space<hbm>>) target_semaphore(%arg19 : memref<!tpu.dma_semaphore, #tpu.memory_space<semaphore_mem>>)
    %dma_wait3A_168 = arith.constant 1728 : i32
    %dma_wait3A_169 = tpu.memref_slice %arg6[%dma_wait3A_168] : memref<2048xi32, #tpu.memory_space<vmem>> -> memref<64xi32, #tpu.memory_space<vmem>>
    %dma_wait3A_170 = arith.constant 0 : i32
    %dma_wait3A_171 = arith.constant 0 : i32
    %dma_wait3A_172 = tpu.memref_slice %arg5[%dma_wait3A_170, %dma_wait3A_171] : memref<8192x128xf32, #tpu.memory_space<vmem_shared>> -> memref<8192x128xf32, #tpu.memory_space<vmem_shared>>
    tpu.wait_indirect_dma semaphore(%arg20 : memref<!tpu.dma_semaphore, #tpu.memory_space<semaphore_mem>>) src(%dma_wait3A_172 : memref<8192x128xf32, #tpu.memory_space<vmem_shared>>) dst(%arg13 : memref<64x128xf32, #tpu.memory_space<vmem>>)
    %add3A_173 = arith.constant 1472 : i32
    %add3A_174 = arith.addi %mul3A_0, %add3A_173 : i32
    %mul3A_175 = arith.constant 4 : i32
    %mul3A_176 = arith.muli %arg0, %mul3A_175 : i32
    %add3A_177 = arith.constant 0 : i32
    %add3A_178 = arith.addi %mul3A_176, %add3A_177 : i32
    %mul3A_179 = arith.constant 128 : i32
    %mul3A_180 = arith.muli %add3A_178, %mul3A_179 : i32
    %dma_wait3A_181 = tpu.memref_slice %arg4[%add3A_174, %mul3A_180] : memref<32768x1024xf32, #tpu.memory_space<hbm>> -> memref<64x128xf32, #tpu.memory_space<hbm>>
    %dma_wait3A_182 = tpu.memref_slice %arg4[%add3A_174, %mul3A_180] : memref<32768x1024xf32, #tpu.memory_space<hbm>> -> memref<64x128xf32, #tpu.memory_space<hbm>>
    tpu.wait_dma2 semaphore(%arg16 : memref<!tpu.dma_semaphore, #tpu.memory_space<semaphore_mem>>) src(%arg9 : memref<64x128xf32, #tpu.memory_space<vmem>>) dst(%dma_wait3A_182 : memref<64x128xf32, #tpu.memory_space<hbm>>)
    %dma_start3A_183 = arith.constant 1920 : i32
    %dma_start3A_184 = tpu.memref_slice %arg6[%dma_start3A_183] : memref<2048xi32, #tpu.memory_space<vmem>> -> memref<64xi32, #tpu.memory_space<vmem>>
    %dma_start3A_185 = arith.constant 0 : i32
    %dma_start3A_186 = arith.constant 0 : i32
    %dma_start3A_187 = tpu.memref_slice %arg5[%dma_start3A_185, %dma_start3A_186] : memref<8192x128xf32, #tpu.memory_space<vmem_shared>> -> memref<8192x128xf32, #tpu.memory_space<vmem_shared>>
    tpu.enqueue_indirect_dma source(%dma_start3A_187 : memref<8192x128xf32, #tpu.memory_space<vmem_shared>>) target(%arg9 : memref<64x128xf32, #tpu.memory_space<vmem>>) offsets(%dma_start3A_184 : memref<64xi32, #tpu.memory_space<vmem>>) semaphore(%arg16 : memref<!tpu.dma_semaphore, #tpu.memory_space<semaphore_mem>>)
    %add3A_188 = arith.constant 1728 : i32
    %add3A_189 = arith.addi %mul3A_0, %add3A_188 : i32
    %mul3A_190 = arith.constant 4 : i32
    %mul3A_191 = arith.muli %arg0, %mul3A_190 : i32
    %add3A_192 = arith.constant 0 : i32
    %add3A_193 = arith.addi %mul3A_191, %add3A_192 : i32
    %mul3A_194 = arith.constant 128 : i32
    %mul3A_195 = arith.muli %add3A_193, %mul3A_194 : i32
    %dma_start3A_196 = tpu.memref_slice %arg4[%add3A_189, %mul3A_195] : memref<32768x1024xf32, #tpu.memory_space<hbm>> -> memref<64x128xf32, #tpu.memory_space<hbm>>
    %dma_start3A_197 = tpu.memref_slice %arg4[%add3A_189, %mul3A_195] : memref<32768x1024xf32, #tpu.memory_space<hbm>> -> memref<64x128xf32, #tpu.memory_space<hbm>>
    tpu.enqueue_dma source(%arg13 : memref<64x128xf32, #tpu.memory_space<vmem>>) target(%dma_start3A_197 : memref<64x128xf32, #tpu.memory_space<hbm>>) target_semaphore(%arg20 : memref<!tpu.dma_semaphore, #tpu.memory_space<semaphore_mem>>)
    %dma_wait3A_198 = arith.constant 1792 : i32
    %dma_wait3A_199 = tpu.memref_slice %arg6[%dma_wait3A_198] : memref<2048xi32, #tpu.memory_space<vmem>> -> memref<64xi32, #tpu.memory_space<vmem>>
    %dma_wait3A_200 = arith.constant 0 : i32
    %dma_wait3A_201 = arith.constant 0 : i32
    %dma_wait3A_202 = tpu.memref_slice %arg5[%dma_wait3A_200, %dma_wait3A_201] : memref<8192x128xf32, #tpu.memory_space<vmem_shared>> -> memref<8192x128xf32, #tpu.memory_space<vmem_shared>>
    tpu.wait_indirect_dma semaphore(%arg14 : memref<!tpu.dma_semaphore, #tpu.memory_space<semaphore_mem>>) src(%dma_wait3A_202 : memref<8192x128xf32, #tpu.memory_space<vmem_shared>>) dst(%arg7 : memref<64x128xf32, #tpu.memory_space<vmem>>)
    %add3A_203 = arith.constant 1536 : i32
    %add3A_204 = arith.addi %mul3A_0, %add3A_203 : i32
    %mul3A_205 = arith.constant 4 : i32
    %mul3A_206 = arith.muli %arg0, %mul3A_205 : i32
    %add3A_207 = arith.constant 0 : i32
    %add3A_208 = arith.addi %mul3A_206, %add3A_207 : i32
    %mul3A_209 = arith.constant 128 : i32
    %mul3A_210 = arith.muli %add3A_208, %mul3A_209 : i32
    %dma_wait3A_211 = tpu.memref_slice %arg4[%add3A_204, %mul3A_210] : memref<32768x1024xf32, #tpu.memory_space<hbm>> -> memref<64x128xf32, #tpu.memory_space<hbm>>
    %dma_wait3A_212 = tpu.memref_slice %arg4[%add3A_204, %mul3A_210] : memref<32768x1024xf32, #tpu.memory_space<hbm>> -> memref<64x128xf32, #tpu.memory_space<hbm>>
    tpu.wait_dma2 semaphore(%arg17 : memref<!tpu.dma_semaphore, #tpu.memory_space<semaphore_mem>>) src(%arg10 : memref<64x128xf32, #tpu.memory_space<vmem>>) dst(%dma_wait3A_212 : memref<64x128xf32, #tpu.memory_space<hbm>>)
    %dma_start3A_213 = arith.constant 1984 : i32
    %dma_start3A_214 = tpu.memref_slice %arg6[%dma_start3A_213] : memref<2048xi32, #tpu.memory_space<vmem>> -> memref<64xi32, #tpu.memory_space<vmem>>
    %dma_start3A_215 = arith.constant 0 : i32
    %dma_start3A_216 = arith.constant 0 : i32
    %dma_start3A_217 = tpu.memref_slice %arg5[%dma_start3A_215, %dma_start3A_216] : memref<8192x128xf32, #tpu.memory_space<vmem_shared>> -> memref<8192x128xf32, #tpu.memory_space<vmem_shared>>
    tpu.enqueue_indirect_dma source(%dma_start3A_217 : memref<8192x128xf32, #tpu.memory_space<vmem_shared>>) target(%arg10 : memref<64x128xf32, #tpu.memory_space<vmem>>) offsets(%dma_start3A_214 : memref<64xi32, #tpu.memory_space<vmem>>) semaphore(%arg17 : memref<!tpu.dma_semaphore, #tpu.memory_space<semaphore_mem>>)
    %add3A_218 = arith.constant 1792 : i32
    %add3A_219 = arith.addi %mul3A_0, %add3A_218 : i32
    %mul3A_220 = arith.constant 4 : i32
    %mul3A_221 = arith.muli %arg0, %mul3A_220 : i32
    %add3A_222 = arith.constant 0 : i32
    %add3A_223 = arith.addi %mul3A_221, %add3A_222 : i32
    %mul3A_224 = arith.constant 128 : i32
    %mul3A_225 = arith.muli %add3A_223, %mul3A_224 : i32
    %dma_start3A_226 = tpu.memref_slice %arg4[%add3A_219, %mul3A_225] : memref<32768x1024xf32, #tpu.memory_space<hbm>> -> memref<64x128xf32, #tpu.memory_space<hbm>>
    %dma_start3A_227 = tpu.memref_slice %arg4[%add3A_219, %mul3A_225] : memref<32768x1024xf32, #tpu.memory_space<hbm>> -> memref<64x128xf32, #tpu.memory_space<hbm>>
    tpu.enqueue_dma source(%arg7 : memref<64x128xf32, #tpu.memory_space<vmem>>) target(%dma_start3A_227 : memref<64x128xf32, #tpu.memory_space<hbm>>) target_semaphore(%arg14 : memref<!tpu.dma_semaphore, #tpu.memory_space<semaphore_mem>>)
    %dma_wait3A_228 = arith.constant 1856 : i32
    %dma_wait3A_229 = tpu.memref_slice %arg6[%dma_wait3A_228] : memref<2048xi32, #tpu.memory_space<vmem>> -> memref<64xi32, #tpu.memory_space<vmem>>
    %dma_wait3A_230 = arith.constant 0 : i32
    %dma_wait3A_231 = arith.constant 0 : i32
    %dma_wait3A_232 = tpu.memref_slice %arg5[%dma_wait3A_230, %dma_wait3A_231] : memref<8192x128xf32, #tpu.memory_space<vmem_shared>> -> memref<8192x128xf32, #tpu.memory_space<vmem_shared>>
    tpu.wait_indirect_dma semaphore(%arg15 : memref<!tpu.dma_semaphore, #tpu.memory_space<semaphore_mem>>) src(%dma_wait3A_232 : memref<8192x128xf32, #tpu.memory_space<vmem_shared>>) dst(%arg8 : memref<64x128xf32, #tpu.memory_space<vmem>>)
    %add3A_233 = arith.constant 1600 : i32
    %add3A_234 = arith.addi %mul3A_0, %add3A_233 : i32
    %mul3A_235 = arith.constant 4 : i32
    %mul3A_236 = arith.muli %arg0, %mul3A_235 : i32
    %add3A_237 = arith.constant 0 : i32
    %add3A_238 = arith.addi %mul3A_236, %add3A_237 : i32
    %mul3A_239 = arith.constant 128 : i32
    %mul3A_240 = arith.muli %add3A_238, %mul3A_239 : i32
    %dma_wait3A_241 = tpu.memref_slice %arg4[%add3A_234, %mul3A_240] : memref<32768x1024xf32, #tpu.memory_space<hbm>> -> memref<64x128xf32, #tpu.memory_space<hbm>>
    %dma_wait3A_242 = tpu.memref_slice %arg4[%add3A_234, %mul3A_240] : memref<32768x1024xf32, #tpu.memory_space<hbm>> -> memref<64x128xf32, #tpu.memory_space<hbm>>
    tpu.wait_dma2 semaphore(%arg18 : memref<!tpu.dma_semaphore, #tpu.memory_space<semaphore_mem>>) src(%arg11 : memref<64x128xf32, #tpu.memory_space<vmem>>) dst(%dma_wait3A_242 : memref<64x128xf32, #tpu.memory_space<hbm>>)
    %add3A_243 = arith.constant 1856 : i32
    %add3A_244 = arith.addi %mul3A_0, %add3A_243 : i32
    %mul3A_245 = arith.constant 4 : i32
    %mul3A_246 = arith.muli %arg0, %mul3A_245 : i32
    %add3A_247 = arith.constant 0 : i32
    %add3A_248 = arith.addi %mul3A_246, %add3A_247 : i32
    %mul3A_249 = arith.constant 128 : i32
    %mul3A_250 = arith.muli %add3A_248, %mul3A_249 : i32
    %dma_start3A_251 = tpu.memref_slice %arg4[%add3A_244, %mul3A_250] : memref<32768x1024xf32, #tpu.memory_space<hbm>> -> memref<64x128xf32, #tpu.memory_space<hbm>>
    %dma_start3A_252 = tpu.memref_slice %arg4[%add3A_244, %mul3A_250] : memref<32768x1024xf32, #tpu.memory_space<hbm>> -> memref<64x128xf32, #tpu.memory_space<hbm>>
    tpu.enqueue_dma source(%arg8 : memref<64x128xf32, #tpu.memory_space<vmem>>) target(%dma_start3A_252 : memref<64x128xf32, #tpu.memory_space<hbm>>) target_semaphore(%arg15 : memref<!tpu.dma_semaphore, #tpu.memory_space<semaphore_mem>>)
    %dma_wait3A_253 = arith.constant 1920 : i32
    %dma_wait3A_254 = tpu.memref_slice %arg6[%dma_wait3A_253] : memref<2048xi32, #tpu.memory_space<vmem>> -> memref<64xi32, #tpu.memory_space<vmem>>
    %dma_wait3A_255 = arith.constant 0 : i32
    %dma_wait3A_256 = arith.constant 0 : i32
    %dma_wait3A_257 = tpu.memref_slice %arg5[%dma_wait3A_255, %dma_wait3A_256] : memref<8192x128xf32, #tpu.memory_space<vmem_shared>> -> memref<8192x128xf32, #tpu.memory_space<vmem_shared>>
    tpu.wait_indirect_dma semaphore(%arg16 : memref<!tpu.dma_semaphore, #tpu.memory_space<semaphore_mem>>) src(%dma_wait3A_257 : memref<8192x128xf32, #tpu.memory_space<vmem_shared>>) dst(%arg9 : memref<64x128xf32, #tpu.memory_space<vmem>>)
    %add3A_258 = arith.constant 1664 : i32
    %add3A_259 = arith.addi %mul3A_0, %add3A_258 : i32
    %mul3A_260 = arith.constant 4 : i32
    %mul3A_261 = arith.muli %arg0, %mul3A_260 : i32
    %add3A_262 = arith.constant 0 : i32
    %add3A_263 = arith.addi %mul3A_261, %add3A_262 : i32
    %mul3A_264 = arith.constant 128 : i32
    %mul3A_265 = arith.muli %add3A_263, %mul3A_264 : i32
    %dma_wait3A_266 = tpu.memref_slice %arg4[%add3A_259, %mul3A_265] : memref<32768x1024xf32, #tpu.memory_space<hbm>> -> memref<64x128xf32, #tpu.memory_space<hbm>>
    %dma_wait3A_267 = tpu.memref_slice %arg4[%add3A_259, %mul3A_265] : memref<32768x1024xf32, #tpu.memory_space<hbm>> -> memref<64x128xf32, #tpu.memory_space<hbm>>
    tpu.wait_dma2 semaphore(%arg19 : memref<!tpu.dma_semaphore, #tpu.memory_space<semaphore_mem>>) src(%arg12 : memref<64x128xf32, #tpu.memory_space<vmem>>) dst(%dma_wait3A_267 : memref<64x128xf32, #tpu.memory_space<hbm>>)
    %add3A_268 = arith.constant 1920 : i32
    %add3A_269 = arith.addi %mul3A_0, %add3A_268 : i32
    %mul3A_270 = arith.constant 4 : i32
    %mul3A_271 = arith.muli %arg0, %mul3A_270 : i32
    %add3A_272 = arith.constant 0 : i32
    %add3A_273 = arith.addi %mul3A_271, %add3A_272 : i32
    %mul3A_274 = arith.constant 128 : i32
    %mul3A_275 = arith.muli %add3A_273, %mul3A_274 : i32
    %dma_start3A_276 = tpu.memref_slice %arg4[%add3A_269, %mul3A_275] : memref<32768x1024xf32, #tpu.memory_space<hbm>> -> memref<64x128xf32, #tpu.memory_space<hbm>>
    %dma_start3A_277 = tpu.memref_slice %arg4[%add3A_269, %mul3A_275] : memref<32768x1024xf32, #tpu.memory_space<hbm>> -> memref<64x128xf32, #tpu.memory_space<hbm>>
    tpu.enqueue_dma source(%arg9 : memref<64x128xf32, #tpu.memory_space<vmem>>) target(%dma_start3A_277 : memref<64x128xf32, #tpu.memory_space<hbm>>) target_semaphore(%arg16 : memref<!tpu.dma_semaphore, #tpu.memory_space<semaphore_mem>>)
    %dma_wait3A_278 = arith.constant 1984 : i32
    %dma_wait3A_279 = tpu.memref_slice %arg6[%dma_wait3A_278] : memref<2048xi32, #tpu.memory_space<vmem>> -> memref<64xi32, #tpu.memory_space<vmem>>
    %dma_wait3A_280 = arith.constant 0 : i32
    %dma_wait3A_281 = arith.constant 0 : i32
    %dma_wait3A_282 = tpu.memref_slice %arg5[%dma_wait3A_280, %dma_wait3A_281] : memref<8192x128xf32, #tpu.memory_space<vmem_shared>> -> memref<8192x128xf32, #tpu.memory_space<vmem_shared>>
    tpu.wait_indirect_dma semaphore(%arg17 : memref<!tpu.dma_semaphore, #tpu.memory_space<semaphore_mem>>) src(%dma_wait3A_282 : memref<8192x128xf32, #tpu.memory_space<vmem_shared>>) dst(%arg10 : memref<64x128xf32, #tpu.memory_space<vmem>>)
    %add3A_283 = arith.constant 1728 : i32
    %add3A_284 = arith.addi %mul3A_0, %add3A_283 : i32
    %mul3A_285 = arith.constant 4 : i32
    %mul3A_286 = arith.muli %arg0, %mul3A_285 : i32
    %add3A_287 = arith.constant 0 : i32
    %add3A_288 = arith.addi %mul3A_286, %add3A_287 : i32
    %mul3A_289 = arith.constant 128 : i32
    %mul3A_290 = arith.muli %add3A_288, %mul3A_289 : i32
    %dma_wait3A_291 = tpu.memref_slice %arg4[%add3A_284, %mul3A_290] : memref<32768x1024xf32, #tpu.memory_space<hbm>> -> memref<64x128xf32, #tpu.memory_space<hbm>>
    %dma_wait3A_292 = tpu.memref_slice %arg4[%add3A_284, %mul3A_290] : memref<32768x1024xf32, #tpu.memory_space<hbm>> -> memref<64x128xf32, #tpu.memory_space<hbm>>
    tpu.wait_dma2 semaphore(%arg20 : memref<!tpu.dma_semaphore, #tpu.memory_space<semaphore_mem>>) src(%arg13 : memref<64x128xf32, #tpu.memory_space<vmem>>) dst(%dma_wait3A_292 : memref<64x128xf32, #tpu.memory_space<hbm>>)
    %add3A_293 = arith.constant 1984 : i32
    %add3A_294 = arith.addi %mul3A_0, %add3A_293 : i32
    %mul3A_295 = arith.constant 4 : i32
    %mul3A_296 = arith.muli %arg0, %mul3A_295 : i32
    %add3A_297 = arith.constant 0 : i32
    %add3A_298 = arith.addi %mul3A_296, %add3A_297 : i32
    %mul3A_299 = arith.constant 128 : i32
    %mul3A_300 = arith.muli %add3A_298, %mul3A_299 : i32
    %dma_start3A_301 = tpu.memref_slice %arg4[%add3A_294, %mul3A_300] : memref<32768x1024xf32, #tpu.memory_space<hbm>> -> memref<64x128xf32, #tpu.memory_space<hbm>>
    %dma_start3A_302 = tpu.memref_slice %arg4[%add3A_294, %mul3A_300] : memref<32768x1024xf32, #tpu.memory_space<hbm>> -> memref<64x128xf32, #tpu.memory_space<hbm>>
    tpu.enqueue_dma source(%arg10 : memref<64x128xf32, #tpu.memory_space<vmem>>) target(%dma_start3A_302 : memref<64x128xf32, #tpu.memory_space<hbm>>) target_semaphore(%arg17 : memref<!tpu.dma_semaphore, #tpu.memory_space<semaphore_mem>>)
    %barrier3A_303 = arith.constant 0 : index
    tpu.barrier barrier_id(%barrier3A_303)
    %mul3A_304 = arith.constant 512 : i32
    %mul3A_305 = arith.muli %arg1, %mul3A_304 : i32
    %mul3A_306 = arith.constant 4 : i32
    %mul3A_307 = arith.muli %arg0, %mul3A_306 : i32
    %add3A_308 = arith.constant 1 : i32
    %add3A_309 = arith.addi %mul3A_307, %add3A_308 : i32
    %mul3A_310 = arith.constant 128 : i32
    %mul3A_311 = arith.muli %add3A_309, %mul3A_310 : i32
    %mul3A_312 = arith.constant 512 : i32
    %mul3A_313 = arith.muli %arg1, %mul3A_312 : i32
    "tpu.region"() ({
      %run_scoped3A = tpu.sem_alloc : memref<!tpu.dma_semaphore, #tpu.memory_space<semaphore_mem>>
      %dma_start3A_757 = arith.constant 0 : i32
      %dma_start3A_758 = tpu.memref_slice %arg5[%mul3A_313, %dma_start3A_757] : memref<8192x128xf32, #tpu.memory_space<vmem_shared>> -> memref<512x128xf32, #tpu.memory_space<vmem_shared>>
      %dma_start3A_759 = tpu.memref_slice %arg3[%mul3A_305, %mul3A_311] : memref<8192x1024xf32, #tpu.memory_space<hbm>> -> memref<512x128xf32, #tpu.memory_space<hbm>>
      tpu.enqueue_dma source(%dma_start3A_759 : memref<512x128xf32, #tpu.memory_space<hbm>>) target(%dma_start3A_758 : memref<512x128xf32, #tpu.memory_space<vmem_shared>>) target_semaphore(%run_scoped3A : memref<!tpu.dma_semaphore, #tpu.memory_space<semaphore_mem>>)
      %dma_wait3A_760 = arith.constant 0 : i32
      %dma_wait3A_761 = tpu.memref_slice %arg5[%mul3A_313, %dma_wait3A_760] : memref<8192x128xf32, #tpu.memory_space<vmem_shared>> -> memref<512x128xf32, #tpu.memory_space<vmem_shared>>
      %dma_wait3A_762 = tpu.memref_slice %arg3[%mul3A_305, %mul3A_311] : memref<8192x1024xf32, #tpu.memory_space<hbm>> -> memref<512x128xf32, #tpu.memory_space<hbm>>
      tpu.wait_dma2 semaphore(%run_scoped3A : memref<!tpu.dma_semaphore, #tpu.memory_space<semaphore_mem>>) src(%dma_wait3A_762 : memref<512x128xf32, #tpu.memory_space<hbm>>) dst(%dma_wait3A_761 : memref<512x128xf32, #tpu.memory_space<vmem_shared>>)
      tpu.yield
    }) : () -> ()
    %barrier3A_314 = arith.constant 0 : index
    tpu.barrier barrier_id(%barrier3A_314)
    %dma_start3A_315 = arith.constant 0 : i32
    %dma_start3A_316 = tpu.memref_slice %arg6[%dma_start3A_315] : memref<2048xi32, #tpu.memory_space<vmem>> -> memref<64xi32, #tpu.memory_space<vmem>>
    %dma_start3A_317 = arith.constant 0 : i32
    %dma_start3A_318 = arith.constant 0 : i32
    %dma_start3A_319 = tpu.memref_slice %arg5[%dma_start3A_317, %dma_start3A_318] : memref<8192x128xf32, #tpu.memory_space<vmem_shared>> -> memref<8192x128xf32, #tpu.memory_space<vmem_shared>>
    tpu.enqueue_indirect_dma source(%dma_start3A_319 : memref<8192x128xf32, #tpu.memory_space<vmem_shared>>) target(%arg11 : memref<64x128xf32, #tpu.memory_space<vmem>>) offsets(%dma_start3A_316 : memref<64xi32, #tpu.memory_space<vmem>>) semaphore(%arg18 : memref<!tpu.dma_semaphore, #tpu.memory_space<semaphore_mem>>)
    %dma_start3A_320 = arith.constant 64 : i32
    %dma_start3A_321 = tpu.memref_slice %arg6[%dma_start3A_320] : memref<2048xi32, #tpu.memory_space<vmem>> -> memref<64xi32, #tpu.memory_space<vmem>>
    %dma_start3A_322 = arith.constant 0 : i32
    %dma_start3A_323 = arith.constant 0 : i32
    %dma_start3A_324 = tpu.memref_slice %arg5[%dma_start3A_322, %dma_start3A_323] : memref<8192x128xf32, #tpu.memory_space<vmem_shared>> -> memref<8192x128xf32, #tpu.memory_space<vmem_shared>>
    tpu.enqueue_indirect_dma source(%dma_start3A_324 : memref<8192x128xf32, #tpu.memory_space<vmem_shared>>) target(%arg12 : memref<64x128xf32, #tpu.memory_space<vmem>>) offsets(%dma_start3A_321 : memref<64xi32, #tpu.memory_space<vmem>>) semaphore(%arg19 : memref<!tpu.dma_semaphore, #tpu.memory_space<semaphore_mem>>)
    %dma_start3A_325 = arith.constant 128 : i32
    %dma_start3A_326 = tpu.memref_slice %arg6[%dma_start3A_325] : memref<2048xi32, #tpu.memory_space<vmem>> -> memref<64xi32, #tpu.memory_space<vmem>>
    %dma_start3A_327 = arith.constant 0 : i32
    %dma_start3A_328 = arith.constant 0 : i32
    %dma_start3A_329 = tpu.memref_slice %arg5[%dma_start3A_327, %dma_start3A_328] : memref<8192x128xf32, #tpu.memory_space<vmem_shared>> -> memref<8192x128xf32, #tpu.memory_space<vmem_shared>>
    tpu.enqueue_indirect_dma source(%dma_start3A_329 : memref<8192x128xf32, #tpu.memory_space<vmem_shared>>) target(%arg13 : memref<64x128xf32, #tpu.memory_space<vmem>>) offsets(%dma_start3A_326 : memref<64xi32, #tpu.memory_space<vmem>>) semaphore(%arg20 : memref<!tpu.dma_semaphore, #tpu.memory_space<semaphore_mem>>)
    %scan3A_330 = arith.constant 0 : i32
    %scan3A_331 = arith.constant 0 : i32
    %scan3A_332 = arith.constant 4 : i32
    %scan3A_333 = arith.addi %scan3A_331, %scan3A_332 : i32
    %scan3A_334 = arith.constant 1 : i32
    scf.for %scan3A_757 = %scan3A_331 to %scan3A_333 step %scan3A_334  : i32 {
      %mul3A_758 = arith.constant 7 : i32
      %mul3A_759 = arith.muli %scan3A_757, %mul3A_758 : i32
      %add3A_760 = arith.constant 32 : i32
      %add3A_761 = arith.addi %add3A_760, %mul3A_759 : i32
      %add3A_762 = arith.constant 0 : i32
      %add3A_763 = arith.addi %add3A_761, %add3A_762 : i32
      %jit3A = arith.constant 32 : i32
      %eq3A = arith.constant 0 : i32
      %eq3A_764 = arith.cmpi eq, %jit3A, %eq3A : i32
      %jit3A_765 = arith.constant 1 : i32
      %select_n3A = arith.select %eq3A_764, %jit3A_765, %jit3A : i32
      %rem3A = arith.remsi %add3A_763, %select_n3A : i32
      %ne3A = arith.constant 0 : i32
      %ne3A_766 = arith.cmpi ne, %rem3A, %ne3A : i32
      %lt3A = arith.constant 0 : i32
      %lt3A_767 = arith.cmpi slt, %rem3A, %lt3A : i32
      %lt3A_768 = arith.constant 0 : i32
      %lt3A_769 = arith.cmpi slt, %select_n3A, %lt3A_768 : i32
      %ne3A_770 = arith.xori %lt3A_767, %lt3A_769 : i1
      %and3A = arith.andi %ne3A_770, %ne3A_766 : i1
      %add3A_771 = arith.addi %rem3A, %select_n3A : i32
      %select_n3A_772 = arith.select %and3A, %add3A_771, %rem3A : i32
      %mul3A_773 = arith.constant 64 : i32
      %mul3A_774 = arith.muli %select_n3A_772, %mul3A_773 : i32
      %dma_wait3A_775 = tpu.memref_slice %arg6[%mul3A_774] : memref<2048xi32, #tpu.memory_space<vmem>> -> memref<64xi32, #tpu.memory_space<vmem>>
      %dma_wait3A_776 = arith.constant 0 : i32
      %dma_wait3A_777 = arith.constant 0 : i32
      %dma_wait3A_778 = tpu.memref_slice %arg5[%dma_wait3A_776, %dma_wait3A_777] : memref<8192x128xf32, #tpu.memory_space<vmem_shared>> -> memref<8192x128xf32, #tpu.memory_space<vmem_shared>>
      tpu.wait_indirect_dma semaphore(%arg18 : memref<!tpu.dma_semaphore, #tpu.memory_space<semaphore_mem>>) src(%dma_wait3A_778 : memref<8192x128xf32, #tpu.memory_space<vmem_shared>>) dst(%arg11 : memref<64x128xf32, #tpu.memory_space<vmem>>)
      %sub3A = arith.constant 4 : i32
      %sub3A_779 = arith.subi %add3A_763, %sub3A : i32
      %jit3A_780 = arith.constant 32 : i32
      %eq3A_781 = arith.constant 0 : i32
      %eq3A_782 = arith.cmpi eq, %jit3A_780, %eq3A_781 : i32
      %jit3A_783 = arith.constant 1 : i32
      %select_n3A_784 = arith.select %eq3A_782, %jit3A_783, %jit3A_780 : i32
      %rem3A_785 = arith.remsi %sub3A_779, %select_n3A_784 : i32
      %ne3A_786 = arith.constant 0 : i32
      %ne3A_787 = arith.cmpi ne, %rem3A_785, %ne3A_786 : i32
      %lt3A_788 = arith.constant 0 : i32
      %lt3A_789 = arith.cmpi slt, %rem3A_785, %lt3A_788 : i32
      %lt3A_790 = arith.constant 0 : i32
      %lt3A_791 = arith.cmpi slt, %select_n3A_784, %lt3A_790 : i32
      %ne3A_792 = arith.xori %lt3A_789, %lt3A_791 : i1
      %and3A_793 = arith.andi %ne3A_792, %ne3A_787 : i1
      %add3A_794 = arith.addi %rem3A_785, %select_n3A_784 : i32
      %select_n3A_795 = arith.select %and3A_793, %add3A_794, %rem3A_785 : i32
      %mul3A_796 = arith.constant 64 : i32
      %mul3A_797 = arith.muli %select_n3A_795, %mul3A_796 : i32
      %add3A_798 = arith.addi %mul3A_0, %mul3A_797 : i32
      %mul3A_799 = arith.constant 4 : i32
      %mul3A_800 = arith.muli %arg0, %mul3A_799 : i32
      %jit3A_801 = arith.constant 32 : i32
      %div3A = arith.divsi %sub3A_779, %jit3A_801 : i32
      %sign3A = arith.constant 0 : i32
      %sign3A_802 = arith.cmpi sgt, %sub3A_779, %sign3A : i32
      %sign3A_803 = arith.extui %sign3A_802 : i1 to i32
      %sign3A_804 = arith.constant 0 : i32
      %sign3A_805 = arith.cmpi slt, %sub3A_779, %sign3A_804 : i32
      %sign3A_806 = arith.extui %sign3A_805 : i1 to i32
      %sign3A_807 = arith.subi %sign3A_803, %sign3A_806 : i32
      %sign3A_808 = arith.constant 0 : i32
      %sign3A_809 = arith.cmpi sgt, %jit3A_801, %sign3A_808 : i32
      %sign3A_810 = arith.extui %sign3A_809 : i1 to i32
      %sign3A_811 = arith.constant 0 : i32
      %sign3A_812 = arith.cmpi slt, %jit3A_801, %sign3A_811 : i32
      %sign3A_813 = arith.extui %sign3A_812 : i1 to i32
      %sign3A_814 = arith.subi %sign3A_810, %sign3A_813 : i32
      %ne3A_815 = arith.cmpi ne, %sign3A_807, %sign3A_814 : i32
      %rem3A_816 = arith.remsi %sub3A_779, %jit3A_801 : i32
      %ne3A_817 = arith.constant 0 : i32
      %ne3A_818 = arith.cmpi ne, %rem3A_816, %ne3A_817 : i32
      %and3A_819 = arith.andi %ne3A_815, %ne3A_818 : i1
      %sub3A_820 = arith.constant 1 : i32
      %sub3A_821 = arith.subi %div3A, %sub3A_820 : i32
      %select_n3A_822 = arith.select %and3A_819, %sub3A_821, %div3A : i32
      %add3A_823 = arith.addi %mul3A_800, %select_n3A_822 : i32
      %mul3A_824 = arith.constant 128 : i32
      %mul3A_825 = arith.muli %add3A_823, %mul3A_824 : i32
      %dma_wait3A_826 = tpu.memref_slice %arg4[%add3A_798, %mul3A_825] : memref<32768x1024xf32, #tpu.memory_space<hbm>> -> memref<64x128xf32, #tpu.memory_space<hbm>>
      %dma_wait3A_827 = tpu.memref_slice %arg4[%add3A_798, %mul3A_825] : memref<32768x1024xf32, #tpu.memory_space<hbm>> -> memref<64x128xf32, #tpu.memory_space<hbm>>
      tpu.wait_dma2 semaphore(%arg14 : memref<!tpu.dma_semaphore, #tpu.memory_space<semaphore_mem>>) src(%arg7 : memref<64x128xf32, #tpu.memory_space<vmem>>) dst(%dma_wait3A_827 : memref<64x128xf32, #tpu.memory_space<hbm>>)
      %add3A_828 = arith.constant 3 : i32
      %add3A_829 = arith.addi %add3A_763, %add3A_828 : i32
      %jit3A_830 = arith.constant 32 : i32
      %eq3A_831 = arith.constant 0 : i32
      %eq3A_832 = arith.cmpi eq, %jit3A_830, %eq3A_831 : i32
      %jit3A_833 = arith.constant 1 : i32
      %select_n3A_834 = arith.select %eq3A_832, %jit3A_833, %jit3A_830 : i32
      %rem3A_835 = arith.remsi %add3A_829, %select_n3A_834 : i32
      %ne3A_836 = arith.constant 0 : i32
      %ne3A_837 = arith.cmpi ne, %rem3A_835, %ne3A_836 : i32
      %lt3A_838 = arith.constant 0 : i32
      %lt3A_839 = arith.cmpi slt, %rem3A_835, %lt3A_838 : i32
      %lt3A_840 = arith.constant 0 : i32
      %lt3A_841 = arith.cmpi slt, %select_n3A_834, %lt3A_840 : i32
      %ne3A_842 = arith.xori %lt3A_839, %lt3A_841 : i1
      %and3A_843 = arith.andi %ne3A_842, %ne3A_837 : i1
      %add3A_844 = arith.addi %rem3A_835, %select_n3A_834 : i32
      %select_n3A_845 = arith.select %and3A_843, %add3A_844, %rem3A_835 : i32
      %mul3A_846 = arith.constant 64 : i32
      %mul3A_847 = arith.muli %select_n3A_845, %mul3A_846 : i32
      %dma_start3A_848 = tpu.memref_slice %arg6[%mul3A_847] : memref<2048xi32, #tpu.memory_space<vmem>> -> memref<64xi32, #tpu.memory_space<vmem>>
      %dma_start3A_849 = arith.constant 0 : i32
      %dma_start3A_850 = arith.constant 0 : i32
      %dma_start3A_851 = tpu.memref_slice %arg5[%dma_start3A_849, %dma_start3A_850] : memref<8192x128xf32, #tpu.memory_space<vmem_shared>> -> memref<8192x128xf32, #tpu.memory_space<vmem_shared>>
      tpu.enqueue_indirect_dma source(%dma_start3A_851 : memref<8192x128xf32, #tpu.memory_space<vmem_shared>>) target(%arg7 : memref<64x128xf32, #tpu.memory_space<vmem>>) offsets(%dma_start3A_848 : memref<64xi32, #tpu.memory_space<vmem>>) semaphore(%arg14 : memref<!tpu.dma_semaphore, #tpu.memory_space<semaphore_mem>>)
      %jit3A_852 = arith.constant 32 : i32
      %eq3A_853 = arith.constant 0 : i32
      %eq3A_854 = arith.cmpi eq, %jit3A_852, %eq3A_853 : i32
      %jit3A_855 = arith.constant 1 : i32
      %select_n3A_856 = arith.select %eq3A_854, %jit3A_855, %jit3A_852 : i32
      %rem3A_857 = arith.remsi %add3A_763, %select_n3A_856 : i32
      %ne3A_858 = arith.constant 0 : i32
      %ne3A_859 = arith.cmpi ne, %rem3A_857, %ne3A_858 : i32
      %lt3A_860 = arith.constant 0 : i32
      %lt3A_861 = arith.cmpi slt, %rem3A_857, %lt3A_860 : i32
      %lt3A_862 = arith.constant 0 : i32
      %lt3A_863 = arith.cmpi slt, %select_n3A_856, %lt3A_862 : i32
      %ne3A_864 = arith.xori %lt3A_861, %lt3A_863 : i1
      %and3A_865 = arith.andi %ne3A_864, %ne3A_859 : i1
      %add3A_866 = arith.addi %rem3A_857, %select_n3A_856 : i32
      %select_n3A_867 = arith.select %and3A_865, %add3A_866, %rem3A_857 : i32
      %mul3A_868 = arith.constant 64 : i32
      %mul3A_869 = arith.muli %select_n3A_867, %mul3A_868 : i32
      %add3A_870 = arith.addi %mul3A_0, %mul3A_869 : i32
      %mul3A_871 = arith.constant 4 : i32
      %mul3A_872 = arith.muli %arg0, %mul3A_871 : i32
      %jit3A_873 = arith.constant 32 : i32
      %div3A_874 = arith.divsi %add3A_763, %jit3A_873 : i32
      %sign3A_875 = arith.constant 0 : i32
      %sign3A_876 = arith.cmpi sgt, %add3A_763, %sign3A_875 : i32
      %sign3A_877 = arith.extui %sign3A_876 : i1 to i32
      %sign3A_878 = arith.constant 0 : i32
      %sign3A_879 = arith.cmpi slt, %add3A_763, %sign3A_878 : i32
      %sign3A_880 = arith.extui %sign3A_879 : i1 to i32
      %sign3A_881 = arith.subi %sign3A_877, %sign3A_880 : i32
      %sign3A_882 = arith.constant 0 : i32
      %sign3A_883 = arith.cmpi sgt, %jit3A_873, %sign3A_882 : i32
      %sign3A_884 = arith.extui %sign3A_883 : i1 to i32
      %sign3A_885 = arith.constant 0 : i32
      %sign3A_886 = arith.cmpi slt, %jit3A_873, %sign3A_885 : i32
      %sign3A_887 = arith.extui %sign3A_886 : i1 to i32
      %sign3A_888 = arith.subi %sign3A_884, %sign3A_887 : i32
      %ne3A_889 = arith.cmpi ne, %sign3A_881, %sign3A_888 : i32
      %rem3A_890 = arith.remsi %add3A_763, %jit3A_873 : i32
      %ne3A_891 = arith.constant 0 : i32
      %ne3A_892 = arith.cmpi ne, %rem3A_890, %ne3A_891 : i32
      %and3A_893 = arith.andi %ne3A_889, %ne3A_892 : i1
      %sub3A_894 = arith.constant 1 : i32
      %sub3A_895 = arith.subi %div3A_874, %sub3A_894 : i32
      %select_n3A_896 = arith.select %and3A_893, %sub3A_895, %div3A_874 : i32
      %add3A_897 = arith.addi %mul3A_872, %select_n3A_896 : i32
      %mul3A_898 = arith.constant 128 : i32
      %mul3A_899 = arith.muli %add3A_897, %mul3A_898 : i32
      %dma_start3A_900 = tpu.memref_slice %arg4[%add3A_870, %mul3A_899] : memref<32768x1024xf32, #tpu.memory_space<hbm>> -> memref<64x128xf32, #tpu.memory_space<hbm>>
      %dma_start3A_901 = tpu.memref_slice %arg4[%add3A_870, %mul3A_899] : memref<32768x1024xf32, #tpu.memory_space<hbm>> -> memref<64x128xf32, #tpu.memory_space<hbm>>
      tpu.enqueue_dma source(%arg11 : memref<64x128xf32, #tpu.memory_space<vmem>>) target(%dma_start3A_901 : memref<64x128xf32, #tpu.memory_space<hbm>>) target_semaphore(%arg18 : memref<!tpu.dma_semaphore, #tpu.memory_space<semaphore_mem>>)
      %mul3A_902 = arith.constant 7 : i32
      %mul3A_903 = arith.muli %scan3A_757, %mul3A_902 : i32
      %add3A_904 = arith.constant 32 : i32
      %add3A_905 = arith.addi %add3A_904, %mul3A_903 : i32
      %add3A_906 = arith.constant 1 : i32
      %add3A_907 = arith.addi %add3A_905, %add3A_906 : i32
      %jit3A_908 = arith.constant 32 : i32
      %eq3A_909 = arith.constant 0 : i32
      %eq3A_910 = arith.cmpi eq, %jit3A_908, %eq3A_909 : i32
      %jit3A_911 = arith.constant 1 : i32
      %select_n3A_912 = arith.select %eq3A_910, %jit3A_911, %jit3A_908 : i32
      %rem3A_913 = arith.remsi %add3A_907, %select_n3A_912 : i32
      %ne3A_914 = arith.constant 0 : i32
      %ne3A_915 = arith.cmpi ne, %rem3A_913, %ne3A_914 : i32
      %lt3A_916 = arith.constant 0 : i32
      %lt3A_917 = arith.cmpi slt, %rem3A_913, %lt3A_916 : i32
      %lt3A_918 = arith.constant 0 : i32
      %lt3A_919 = arith.cmpi slt, %select_n3A_912, %lt3A_918 : i32
      %ne3A_920 = arith.xori %lt3A_917, %lt3A_919 : i1
      %and3A_921 = arith.andi %ne3A_920, %ne3A_915 : i1
      %add3A_922 = arith.addi %rem3A_913, %select_n3A_912 : i32
      %select_n3A_923 = arith.select %and3A_921, %add3A_922, %rem3A_913 : i32
      %mul3A_924 = arith.constant 64 : i32
      %mul3A_925 = arith.muli %select_n3A_923, %mul3A_924 : i32
      %dma_wait3A_926 = tpu.memref_slice %arg6[%mul3A_925] : memref<2048xi32, #tpu.memory_space<vmem>> -> memref<64xi32, #tpu.memory_space<vmem>>
      %dma_wait3A_927 = arith.constant 0 : i32
      %dma_wait3A_928 = arith.constant 0 : i32
      %dma_wait3A_929 = tpu.memref_slice %arg5[%dma_wait3A_927, %dma_wait3A_928] : memref<8192x128xf32, #tpu.memory_space<vmem_shared>> -> memref<8192x128xf32, #tpu.memory_space<vmem_shared>>
      tpu.wait_indirect_dma semaphore(%arg19 : memref<!tpu.dma_semaphore, #tpu.memory_space<semaphore_mem>>) src(%dma_wait3A_929 : memref<8192x128xf32, #tpu.memory_space<vmem_shared>>) dst(%arg12 : memref<64x128xf32, #tpu.memory_space<vmem>>)
      %sub3A_930 = arith.constant 4 : i32
      %sub3A_931 = arith.subi %add3A_907, %sub3A_930 : i32
      %jit3A_932 = arith.constant 32 : i32
      %eq3A_933 = arith.constant 0 : i32
      %eq3A_934 = arith.cmpi eq, %jit3A_932, %eq3A_933 : i32
      %jit3A_935 = arith.constant 1 : i32
      %select_n3A_936 = arith.select %eq3A_934, %jit3A_935, %jit3A_932 : i32
      %rem3A_937 = arith.remsi %sub3A_931, %select_n3A_936 : i32
      %ne3A_938 = arith.constant 0 : i32
      %ne3A_939 = arith.cmpi ne, %rem3A_937, %ne3A_938 : i32
      %lt3A_940 = arith.constant 0 : i32
      %lt3A_941 = arith.cmpi slt, %rem3A_937, %lt3A_940 : i32
      %lt3A_942 = arith.constant 0 : i32
      %lt3A_943 = arith.cmpi slt, %select_n3A_936, %lt3A_942 : i32
      %ne3A_944 = arith.xori %lt3A_941, %lt3A_943 : i1
      %and3A_945 = arith.andi %ne3A_944, %ne3A_939 : i1
      %add3A_946 = arith.addi %rem3A_937, %select_n3A_936 : i32
      %select_n3A_947 = arith.select %and3A_945, %add3A_946, %rem3A_937 : i32
      %mul3A_948 = arith.constant 64 : i32
      %mul3A_949 = arith.muli %select_n3A_947, %mul3A_948 : i32
      %add3A_950 = arith.addi %mul3A_0, %mul3A_949 : i32
      %mul3A_951 = arith.constant 4 : i32
      %mul3A_952 = arith.muli %arg0, %mul3A_951 : i32
      %jit3A_953 = arith.constant 32 : i32
      %div3A_954 = arith.divsi %sub3A_931, %jit3A_953 : i32
      %sign3A_955 = arith.constant 0 : i32
      %sign3A_956 = arith.cmpi sgt, %sub3A_931, %sign3A_955 : i32
      %sign3A_957 = arith.extui %sign3A_956 : i1 to i32
      %sign3A_958 = arith.constant 0 : i32
      %sign3A_959 = arith.cmpi slt, %sub3A_931, %sign3A_958 : i32
      %sign3A_960 = arith.extui %sign3A_959 : i1 to i32
      %sign3A_961 = arith.subi %sign3A_957, %sign3A_960 : i32
      %sign3A_962 = arith.constant 0 : i32
      %sign3A_963 = arith.cmpi sgt, %jit3A_953, %sign3A_962 : i32
      %sign3A_964 = arith.extui %sign3A_963 : i1 to i32
      %sign3A_965 = arith.constant 0 : i32
      %sign3A_966 = arith.cmpi slt, %jit3A_953, %sign3A_965 : i32
      %sign3A_967 = arith.extui %sign3A_966 : i1 to i32
      %sign3A_968 = arith.subi %sign3A_964, %sign3A_967 : i32
      %ne3A_969 = arith.cmpi ne, %sign3A_961, %sign3A_968 : i32
      %rem3A_970 = arith.remsi %sub3A_931, %jit3A_953 : i32
      %ne3A_971 = arith.constant 0 : i32
      %ne3A_972 = arith.cmpi ne, %rem3A_970, %ne3A_971 : i32
      %and3A_973 = arith.andi %ne3A_969, %ne3A_972 : i1
      %sub3A_974 = arith.constant 1 : i32
      %sub3A_975 = arith.subi %div3A_954, %sub3A_974 : i32
      %select_n3A_976 = arith.select %and3A_973, %sub3A_975, %div3A_954 : i32
      %add3A_977 = arith.addi %mul3A_952, %select_n3A_976 : i32
      %mul3A_978 = arith.constant 128 : i32
      %mul3A_979 = arith.muli %add3A_977, %mul3A_978 : i32
      %dma_wait3A_980 = tpu.memref_slice %arg4[%add3A_950, %mul3A_979] : memref<32768x1024xf32, #tpu.memory_space<hbm>> -> memref<64x128xf32, #tpu.memory_space<hbm>>
      %dma_wait3A_981 = tpu.memref_slice %arg4[%add3A_950, %mul3A_979] : memref<32768x1024xf32, #tpu.memory_space<hbm>> -> memref<64x128xf32, #tpu.memory_space<hbm>>
      tpu.wait_dma2 semaphore(%arg15 : memref<!tpu.dma_semaphore, #tpu.memory_space<semaphore_mem>>) src(%arg8 : memref<64x128xf32, #tpu.memory_space<vmem>>) dst(%dma_wait3A_981 : memref<64x128xf32, #tpu.memory_space<hbm>>)
      %add3A_982 = arith.constant 3 : i32
      %add3A_983 = arith.addi %add3A_907, %add3A_982 : i32
      %jit3A_984 = arith.constant 32 : i32
      %eq3A_985 = arith.constant 0 : i32
      %eq3A_986 = arith.cmpi eq, %jit3A_984, %eq3A_985 : i32
      %jit3A_987 = arith.constant 1 : i32
      %select_n3A_988 = arith.select %eq3A_986, %jit3A_987, %jit3A_984 : i32
      %rem3A_989 = arith.remsi %add3A_983, %select_n3A_988 : i32
      %ne3A_990 = arith.constant 0 : i32
      %ne3A_991 = arith.cmpi ne, %rem3A_989, %ne3A_990 : i32
      %lt3A_992 = arith.constant 0 : i32
      %lt3A_993 = arith.cmpi slt, %rem3A_989, %lt3A_992 : i32
      %lt3A_994 = arith.constant 0 : i32
      %lt3A_995 = arith.cmpi slt, %select_n3A_988, %lt3A_994 : i32
      %ne3A_996 = arith.xori %lt3A_993, %lt3A_995 : i1
      %and3A_997 = arith.andi %ne3A_996, %ne3A_991 : i1
      %add3A_998 = arith.addi %rem3A_989, %select_n3A_988 : i32
      %select_n3A_999 = arith.select %and3A_997, %add3A_998, %rem3A_989 : i32
      %mul3A_1000 = arith.constant 64 : i32
      %mul3A_1001 = arith.muli %select_n3A_999, %mul3A_1000 : i32
      %dma_start3A_1002 = tpu.memref_slice %arg6[%mul3A_1001] : memref<2048xi32, #tpu.memory_space<vmem>> -> memref<64xi32, #tpu.memory_space<vmem>>
      %dma_start3A_1003 = arith.constant 0 : i32
      %dma_start3A_1004 = arith.constant 0 : i32
      %dma_start3A_1005 = tpu.memref_slice %arg5[%dma_start3A_1003, %dma_start3A_1004] : memref<8192x128xf32, #tpu.memory_space<vmem_shared>> -> memref<8192x128xf32, #tpu.memory_space<vmem_shared>>
      tpu.enqueue_indirect_dma source(%dma_start3A_1005 : memref<8192x128xf32, #tpu.memory_space<vmem_shared>>) target(%arg8 : memref<64x128xf32, #tpu.memory_space<vmem>>) offsets(%dma_start3A_1002 : memref<64xi32, #tpu.memory_space<vmem>>) semaphore(%arg15 : memref<!tpu.dma_semaphore, #tpu.memory_space<semaphore_mem>>)
      %jit3A_1006 = arith.constant 32 : i32
      %eq3A_1007 = arith.constant 0 : i32
      %eq3A_1008 = arith.cmpi eq, %jit3A_1006, %eq3A_1007 : i32
      %jit3A_1009 = arith.constant 1 : i32
      %select_n3A_1010 = arith.select %eq3A_1008, %jit3A_1009, %jit3A_1006 : i32
      %rem3A_1011 = arith.remsi %add3A_907, %select_n3A_1010 : i32
      %ne3A_1012 = arith.constant 0 : i32
      %ne3A_1013 = arith.cmpi ne, %rem3A_1011, %ne3A_1012 : i32
      %lt3A_1014 = arith.constant 0 : i32
      %lt3A_1015 = arith.cmpi slt, %rem3A_1011, %lt3A_1014 : i32
      %lt3A_1016 = arith.constant 0 : i32
      %lt3A_1017 = arith.cmpi slt, %select_n3A_1010, %lt3A_1016 : i32
      %ne3A_1018 = arith.xori %lt3A_1015, %lt3A_1017 : i1
      %and3A_1019 = arith.andi %ne3A_1018, %ne3A_1013 : i1
      %add3A_1020 = arith.addi %rem3A_1011, %select_n3A_1010 : i32
      %select_n3A_1021 = arith.select %and3A_1019, %add3A_1020, %rem3A_1011 : i32
      %mul3A_1022 = arith.constant 64 : i32
      %mul3A_1023 = arith.muli %select_n3A_1021, %mul3A_1022 : i32
      %add3A_1024 = arith.addi %mul3A_0, %mul3A_1023 : i32
      %mul3A_1025 = arith.constant 4 : i32
      %mul3A_1026 = arith.muli %arg0, %mul3A_1025 : i32
      %jit3A_1027 = arith.constant 32 : i32
      %div3A_1028 = arith.divsi %add3A_907, %jit3A_1027 : i32
      %sign3A_1029 = arith.constant 0 : i32
      %sign3A_1030 = arith.cmpi sgt, %add3A_907, %sign3A_1029 : i32
      %sign3A_1031 = arith.extui %sign3A_1030 : i1 to i32
      %sign3A_1032 = arith.constant 0 : i32
      %sign3A_1033 = arith.cmpi slt, %add3A_907, %sign3A_1032 : i32
      %sign3A_1034 = arith.extui %sign3A_1033 : i1 to i32
      %sign3A_1035 = arith.subi %sign3A_1031, %sign3A_1034 : i32
      %sign3A_1036 = arith.constant 0 : i32
      %sign3A_1037 = arith.cmpi sgt, %jit3A_1027, %sign3A_1036 : i32
      %sign3A_1038 = arith.extui %sign3A_1037 : i1 to i32
      %sign3A_1039 = arith.constant 0 : i32
      %sign3A_1040 = arith.cmpi slt, %jit3A_1027, %sign3A_1039 : i32
      %sign3A_1041 = arith.extui %sign3A_1040 : i1 to i32
      %sign3A_1042 = arith.subi %sign3A_1038, %sign3A_1041 : i32
      %ne3A_1043 = arith.cmpi ne, %sign3A_1035, %sign3A_1042 : i32
      %rem3A_1044 = arith.remsi %add3A_907, %jit3A_1027 : i32
      %ne3A_1045 = arith.constant 0 : i32
      %ne3A_1046 = arith.cmpi ne, %rem3A_1044, %ne3A_1045 : i32
      %and3A_1047 = arith.andi %ne3A_1043, %ne3A_1046 : i1
      %sub3A_1048 = arith.constant 1 : i32
      %sub3A_1049 = arith.subi %div3A_1028, %sub3A_1048 : i32
      %select_n3A_1050 = arith.select %and3A_1047, %sub3A_1049, %div3A_1028 : i32
      %add3A_1051 = arith.addi %mul3A_1026, %select_n3A_1050 : i32
      %mul3A_1052 = arith.constant 128 : i32
      %mul3A_1053 = arith.muli %add3A_1051, %mul3A_1052 : i32
      %dma_start3A_1054 = tpu.memref_slice %arg4[%add3A_1024, %mul3A_1053] : memref<32768x1024xf32, #tpu.memory_space<hbm>> -> memref<64x128xf32, #tpu.memory_space<hbm>>
      %dma_start3A_1055 = tpu.memref_slice %arg4[%add3A_1024, %mul3A_1053] : memref<32768x1024xf32, #tpu.memory_space<hbm>> -> memref<64x128xf32, #tpu.memory_space<hbm>>
      tpu.enqueue_dma source(%arg12 : memref<64x128xf32, #tpu.memory_space<vmem>>) target(%dma_start3A_1055 : memref<64x128xf32, #tpu.memory_space<hbm>>) target_semaphore(%arg19 : memref<!tpu.dma_semaphore, #tpu.memory_space<semaphore_mem>>)
      %mul3A_1056 = arith.constant 7 : i32
      %mul3A_1057 = arith.muli %scan3A_757, %mul3A_1056 : i32
      %add3A_1058 = arith.constant 32 : i32
      %add3A_1059 = arith.addi %add3A_1058, %mul3A_1057 : i32
      %add3A_1060 = arith.constant 2 : i32
      %add3A_1061 = arith.addi %add3A_1059, %add3A_1060 : i32
      %jit3A_1062 = arith.constant 32 : i32
      %eq3A_1063 = arith.constant 0 : i32
      %eq3A_1064 = arith.cmpi eq, %jit3A_1062, %eq3A_1063 : i32
      %jit3A_1065 = arith.constant 1 : i32
      %select_n3A_1066 = arith.select %eq3A_1064, %jit3A_1065, %jit3A_1062 : i32
      %rem3A_1067 = arith.remsi %add3A_1061, %select_n3A_1066 : i32
      %ne3A_1068 = arith.constant 0 : i32
      %ne3A_1069 = arith.cmpi ne, %rem3A_1067, %ne3A_1068 : i32
      %lt3A_1070 = arith.constant 0 : i32
      %lt3A_1071 = arith.cmpi slt, %rem3A_1067, %lt3A_1070 : i32
      %lt3A_1072 = arith.constant 0 : i32
      %lt3A_1073 = arith.cmpi slt, %select_n3A_1066, %lt3A_1072 : i32
      %ne3A_1074 = arith.xori %lt3A_1071, %lt3A_1073 : i1
      %and3A_1075 = arith.andi %ne3A_1074, %ne3A_1069 : i1
      %add3A_1076 = arith.addi %rem3A_1067, %select_n3A_1066 : i32
      %select_n3A_1077 = arith.select %and3A_1075, %add3A_1076, %rem3A_1067 : i32
      %mul3A_1078 = arith.constant 64 : i32
      %mul3A_1079 = arith.muli %select_n3A_1077, %mul3A_1078 : i32
      %dma_wait3A_1080 = tpu.memref_slice %arg6[%mul3A_1079] : memref<2048xi32, #tpu.memory_space<vmem>> -> memref<64xi32, #tpu.memory_space<vmem>>
      %dma_wait3A_1081 = arith.constant 0 : i32
      %dma_wait3A_1082 = arith.constant 0 : i32
      %dma_wait3A_1083 = tpu.memref_slice %arg5[%dma_wait3A_1081, %dma_wait3A_1082] : memref<8192x128xf32, #tpu.memory_space<vmem_shared>> -> memref<8192x128xf32, #tpu.memory_space<vmem_shared>>
      tpu.wait_indirect_dma semaphore(%arg20 : memref<!tpu.dma_semaphore, #tpu.memory_space<semaphore_mem>>) src(%dma_wait3A_1083 : memref<8192x128xf32, #tpu.memory_space<vmem_shared>>) dst(%arg13 : memref<64x128xf32, #tpu.memory_space<vmem>>)
      %sub3A_1084 = arith.constant 4 : i32
      %sub3A_1085 = arith.subi %add3A_1061, %sub3A_1084 : i32
      %jit3A_1086 = arith.constant 32 : i32
      %eq3A_1087 = arith.constant 0 : i32
      %eq3A_1088 = arith.cmpi eq, %jit3A_1086, %eq3A_1087 : i32
      %jit3A_1089 = arith.constant 1 : i32
      %select_n3A_1090 = arith.select %eq3A_1088, %jit3A_1089, %jit3A_1086 : i32
      %rem3A_1091 = arith.remsi %sub3A_1085, %select_n3A_1090 : i32
      %ne3A_1092 = arith.constant 0 : i32
      %ne3A_1093 = arith.cmpi ne, %rem3A_1091, %ne3A_1092 : i32
      %lt3A_1094 = arith.constant 0 : i32
      %lt3A_1095 = arith.cmpi slt, %rem3A_1091, %lt3A_1094 : i32
      %lt3A_1096 = arith.constant 0 : i32
      %lt3A_1097 = arith.cmpi slt, %select_n3A_1090, %lt3A_1096 : i32
      %ne3A_1098 = arith.xori %lt3A_1095, %lt3A_1097 : i1
      %and3A_1099 = arith.andi %ne3A_1098, %ne3A_1093 : i1
      %add3A_1100 = arith.addi %rem3A_1091, %select_n3A_1090 : i32
      %select_n3A_1101 = arith.select %and3A_1099, %add3A_1100, %rem3A_1091 : i32
      %mul3A_1102 = arith.constant 64 : i32
      %mul3A_1103 = arith.muli %select_n3A_1101, %mul3A_1102 : i32
      %add3A_1104 = arith.addi %mul3A_0, %mul3A_1103 : i32
      %mul3A_1105 = arith.constant 4 : i32
      %mul3A_1106 = arith.muli %arg0, %mul3A_1105 : i32
      %jit3A_1107 = arith.constant 32 : i32
      %div3A_1108 = arith.divsi %sub3A_1085, %jit3A_1107 : i32
      %sign3A_1109 = arith.constant 0 : i32
      %sign3A_1110 = arith.cmpi sgt, %sub3A_1085, %sign3A_1109 : i32
      %sign3A_1111 = arith.extui %sign3A_1110 : i1 to i32
      %sign3A_1112 = arith.constant 0 : i32
      %sign3A_1113 = arith.cmpi slt, %sub3A_1085, %sign3A_1112 : i32
      %sign3A_1114 = arith.extui %sign3A_1113 : i1 to i32
      %sign3A_1115 = arith.subi %sign3A_1111, %sign3A_1114 : i32
      %sign3A_1116 = arith.constant 0 : i32
      %sign3A_1117 = arith.cmpi sgt, %jit3A_1107, %sign3A_1116 : i32
      %sign3A_1118 = arith.extui %sign3A_1117 : i1 to i32
      %sign3A_1119 = arith.constant 0 : i32
      %sign3A_1120 = arith.cmpi slt, %jit3A_1107, %sign3A_1119 : i32
      %sign3A_1121 = arith.extui %sign3A_1120 : i1 to i32
      %sign3A_1122 = arith.subi %sign3A_1118, %sign3A_1121 : i32
      %ne3A_1123 = arith.cmpi ne, %sign3A_1115, %sign3A_1122 : i32
      %rem3A_1124 = arith.remsi %sub3A_1085, %jit3A_1107 : i32
      %ne3A_1125 = arith.constant 0 : i32
      %ne3A_1126 = arith.cmpi ne, %rem3A_1124, %ne3A_1125 : i32
      %and3A_1127 = arith.andi %ne3A_1123, %ne3A_1126 : i1
      %sub3A_1128 = arith.constant 1 : i32
      %sub3A_1129 = arith.subi %div3A_1108, %sub3A_1128 : i32
      %select_n3A_1130 = arith.select %and3A_1127, %sub3A_1129, %div3A_1108 : i32
      %add3A_1131 = arith.addi %mul3A_1106, %select_n3A_1130 : i32
      %mul3A_1132 = arith.constant 128 : i32
      %mul3A_1133 = arith.muli %add3A_1131, %mul3A_1132 : i32
      %dma_wait3A_1134 = tpu.memref_slice %arg4[%add3A_1104, %mul3A_1133] : memref<32768x1024xf32, #tpu.memory_space<hbm>> -> memref<64x128xf32, #tpu.memory_space<hbm>>
      %dma_wait3A_1135 = tpu.memref_slice %arg4[%add3A_1104, %mul3A_1133] : memref<32768x1024xf32, #tpu.memory_space<hbm>> -> memref<64x128xf32, #tpu.memory_space<hbm>>
      tpu.wait_dma2 semaphore(%arg16 : memref<!tpu.dma_semaphore, #tpu.memory_space<semaphore_mem>>) src(%arg9 : memref<64x128xf32, #tpu.memory_space<vmem>>) dst(%dma_wait3A_1135 : memref<64x128xf32, #tpu.memory_space<hbm>>)
      %add3A_1136 = arith.constant 3 : i32
      %add3A_1137 = arith.addi %add3A_1061, %add3A_1136 : i32
      %jit3A_1138 = arith.constant 32 : i32
      %eq3A_1139 = arith.constant 0 : i32
      %eq3A_1140 = arith.cmpi eq, %jit3A_1138, %eq3A_1139 : i32
      %jit3A_1141 = arith.constant 1 : i32
      %select_n3A_1142 = arith.select %eq3A_1140, %jit3A_1141, %jit3A_1138 : i32
      %rem3A_1143 = arith.remsi %add3A_1137, %select_n3A_1142 : i32
      %ne3A_1144 = arith.constant 0 : i32
      %ne3A_1145 = arith.cmpi ne, %rem3A_1143, %ne3A_1144 : i32
      %lt3A_1146 = arith.constant 0 : i32
      %lt3A_1147 = arith.cmpi slt, %rem3A_1143, %lt3A_1146 : i32
      %lt3A_1148 = arith.constant 0 : i32
      %lt3A_1149 = arith.cmpi slt, %select_n3A_1142, %lt3A_1148 : i32
      %ne3A_1150 = arith.xori %lt3A_1147, %lt3A_1149 : i1
      %and3A_1151 = arith.andi %ne3A_1150, %ne3A_1145 : i1
      %add3A_1152 = arith.addi %rem3A_1143, %select_n3A_1142 : i32
      %select_n3A_1153 = arith.select %and3A_1151, %add3A_1152, %rem3A_1143 : i32
      %mul3A_1154 = arith.constant 64 : i32
      %mul3A_1155 = arith.muli %select_n3A_1153, %mul3A_1154 : i32
      %dma_start3A_1156 = tpu.memref_slice %arg6[%mul3A_1155] : memref<2048xi32, #tpu.memory_space<vmem>> -> memref<64xi32, #tpu.memory_space<vmem>>
      %dma_start3A_1157 = arith.constant 0 : i32
      %dma_start3A_1158 = arith.constant 0 : i32
      %dma_start3A_1159 = tpu.memref_slice %arg5[%dma_start3A_1157, %dma_start3A_1158] : memref<8192x128xf32, #tpu.memory_space<vmem_shared>> -> memref<8192x128xf32, #tpu.memory_space<vmem_shared>>
      tpu.enqueue_indirect_dma source(%dma_start3A_1159 : memref<8192x128xf32, #tpu.memory_space<vmem_shared>>) target(%arg9 : memref<64x128xf32, #tpu.memory_space<vmem>>) offsets(%dma_start3A_1156 : memref<64xi32, #tpu.memory_space<vmem>>) semaphore(%arg16 : memref<!tpu.dma_semaphore, #tpu.memory_space<semaphore_mem>>)
      %jit3A_1160 = arith.constant 32 : i32
      %eq3A_1161 = arith.constant 0 : i32
      %eq3A_1162 = arith.cmpi eq, %jit3A_1160, %eq3A_1161 : i32
      %jit3A_1163 = arith.constant 1 : i32
      %select_n3A_1164 = arith.select %eq3A_1162, %jit3A_1163, %jit3A_1160 : i32
      %rem3A_1165 = arith.remsi %add3A_1061, %select_n3A_1164 : i32
      %ne3A_1166 = arith.constant 0 : i32
      %ne3A_1167 = arith.cmpi ne, %rem3A_1165, %ne3A_1166 : i32
      %lt3A_1168 = arith.constant 0 : i32
      %lt3A_1169 = arith.cmpi slt, %rem3A_1165, %lt3A_1168 : i32
      %lt3A_1170 = arith.constant 0 : i32
      %lt3A_1171 = arith.cmpi slt, %select_n3A_1164, %lt3A_1170 : i32
      %ne3A_1172 = arith.xori %lt3A_1169, %lt3A_1171 : i1
      %and3A_1173 = arith.andi %ne3A_1172, %ne3A_1167 : i1
      %add3A_1174 = arith.addi %rem3A_1165, %select_n3A_1164 : i32
      %select_n3A_1175 = arith.select %and3A_1173, %add3A_1174, %rem3A_1165 : i32
      %mul3A_1176 = arith.constant 64 : i32
      %mul3A_1177 = arith.muli %select_n3A_1175, %mul3A_1176 : i32
      %add3A_1178 = arith.addi %mul3A_0, %mul3A_1177 : i32
      %mul3A_1179 = arith.constant 4 : i32
      %mul3A_1180 = arith.muli %arg0, %mul3A_1179 : i32
      %jit3A_1181 = arith.constant 32 : i32
      %div3A_1182 = arith.divsi %add3A_1061, %jit3A_1181 : i32
      %sign3A_1183 = arith.constant 0 : i32
      %sign3A_1184 = arith.cmpi sgt, %add3A_1061, %sign3A_1183 : i32
      %sign3A_1185 = arith.extui %sign3A_1184 : i1 to i32
      %sign3A_1186 = arith.constant 0 : i32
      %sign3A_1187 = arith.cmpi slt, %add3A_1061, %sign3A_1186 : i32
      %sign3A_1188 = arith.extui %sign3A_1187 : i1 to i32
      %sign3A_1189 = arith.subi %sign3A_1185, %sign3A_1188 : i32
      %sign3A_1190 = arith.constant 0 : i32
      %sign3A_1191 = arith.cmpi sgt, %jit3A_1181, %sign3A_1190 : i32
      %sign3A_1192 = arith.extui %sign3A_1191 : i1 to i32
      %sign3A_1193 = arith.constant 0 : i32
      %sign3A_1194 = arith.cmpi slt, %jit3A_1181, %sign3A_1193 : i32
      %sign3A_1195 = arith.extui %sign3A_1194 : i1 to i32
      %sign3A_1196 = arith.subi %sign3A_1192, %sign3A_1195 : i32
      %ne3A_1197 = arith.cmpi ne, %sign3A_1189, %sign3A_1196 : i32
      %rem3A_1198 = arith.remsi %add3A_1061, %jit3A_1181 : i32
      %ne3A_1199 = arith.constant 0 : i32
      %ne3A_1200 = arith.cmpi ne, %rem3A_1198, %ne3A_1199 : i32
      %and3A_1201 = arith.andi %ne3A_1197, %ne3A_1200 : i1
      %sub3A_1202 = arith.constant 1 : i32
      %sub3A_1203 = arith.subi %div3A_1182, %sub3A_1202 : i32
      %select_n3A_1204 = arith.select %and3A_1201, %sub3A_1203, %div3A_1182 : i32
      %add3A_1205 = arith.addi %mul3A_1180, %select_n3A_1204 : i32
      %mul3A_1206 = arith.constant 128 : i32
      %mul3A_1207 = arith.muli %add3A_1205, %mul3A_1206 : i32
      %dma_start3A_1208 = tpu.memref_slice %arg4[%add3A_1178, %mul3A_1207] : memref<32768x1024xf32, #tpu.memory_space<hbm>> -> memref<64x128xf32, #tpu.memory_space<hbm>>
      %dma_start3A_1209 = tpu.memref_slice %arg4[%add3A_1178, %mul3A_1207] : memref<32768x1024xf32, #tpu.memory_space<hbm>> -> memref<64x128xf32, #tpu.memory_space<hbm>>
      tpu.enqueue_dma source(%arg13 : memref<64x128xf32, #tpu.memory_space<vmem>>) target(%dma_start3A_1209 : memref<64x128xf32, #tpu.memory_space<hbm>>) target_semaphore(%arg20 : memref<!tpu.dma_semaphore, #tpu.memory_space<semaphore_mem>>)
      %mul3A_1210 = arith.constant 7 : i32
      %mul3A_1211 = arith.muli %scan3A_757, %mul3A_1210 : i32
      %add3A_1212 = arith.constant 32 : i32
      %add3A_1213 = arith.addi %add3A_1212, %mul3A_1211 : i32
      %add3A_1214 = arith.constant 3 : i32
      %add3A_1215 = arith.addi %add3A_1213, %add3A_1214 : i32
      %jit3A_1216 = arith.constant 32 : i32
      %eq3A_1217 = arith.constant 0 : i32
      %eq3A_1218 = arith.cmpi eq, %jit3A_1216, %eq3A_1217 : i32
      %jit3A_1219 = arith.constant 1 : i32
      %select_n3A_1220 = arith.select %eq3A_1218, %jit3A_1219, %jit3A_1216 : i32
      %rem3A_1221 = arith.remsi %add3A_1215, %select_n3A_1220 : i32
      %ne3A_1222 = arith.constant 0 : i32
      %ne3A_1223 = arith.cmpi ne, %rem3A_1221, %ne3A_1222 : i32
      %lt3A_1224 = arith.constant 0 : i32
      %lt3A_1225 = arith.cmpi slt, %rem3A_1221, %lt3A_1224 : i32
      %lt3A_1226 = arith.constant 0 : i32
      %lt3A_1227 = arith.cmpi slt, %select_n3A_1220, %lt3A_1226 : i32
      %ne3A_1228 = arith.xori %lt3A_1225, %lt3A_1227 : i1
      %and3A_1229 = arith.andi %ne3A_1228, %ne3A_1223 : i1
      %add3A_1230 = arith.addi %rem3A_1221, %select_n3A_1220 : i32
      %select_n3A_1231 = arith.select %and3A_1229, %add3A_1230, %rem3A_1221 : i32
      %mul3A_1232 = arith.constant 64 : i32
      %mul3A_1233 = arith.muli %select_n3A_1231, %mul3A_1232 : i32
      %dma_wait3A_1234 = tpu.memref_slice %arg6[%mul3A_1233] : memref<2048xi32, #tpu.memory_space<vmem>> -> memref<64xi32, #tpu.memory_space<vmem>>
      %dma_wait3A_1235 = arith.constant 0 : i32
      %dma_wait3A_1236 = arith.constant 0 : i32
      %dma_wait3A_1237 = tpu.memref_slice %arg5[%dma_wait3A_1235, %dma_wait3A_1236] : memref<8192x128xf32, #tpu.memory_space<vmem_shared>> -> memref<8192x128xf32, #tpu.memory_space<vmem_shared>>
      tpu.wait_indirect_dma semaphore(%arg14 : memref<!tpu.dma_semaphore, #tpu.memory_space<semaphore_mem>>) src(%dma_wait3A_1237 : memref<8192x128xf32, #tpu.memory_space<vmem_shared>>) dst(%arg7 : memref<64x128xf32, #tpu.memory_space<vmem>>)
      %sub3A_1238 = arith.constant 4 : i32
      %sub3A_1239 = arith.subi %add3A_1215, %sub3A_1238 : i32
      %jit3A_1240 = arith.constant 32 : i32
      %eq3A_1241 = arith.constant 0 : i32
      %eq3A_1242 = arith.cmpi eq, %jit3A_1240, %eq3A_1241 : i32
      %jit3A_1243 = arith.constant 1 : i32
      %select_n3A_1244 = arith.select %eq3A_1242, %jit3A_1243, %jit3A_1240 : i32
      %rem3A_1245 = arith.remsi %sub3A_1239, %select_n3A_1244 : i32
      %ne3A_1246 = arith.constant 0 : i32
      %ne3A_1247 = arith.cmpi ne, %rem3A_1245, %ne3A_1246 : i32
      %lt3A_1248 = arith.constant 0 : i32
      %lt3A_1249 = arith.cmpi slt, %rem3A_1245, %lt3A_1248 : i32
      %lt3A_1250 = arith.constant 0 : i32
      %lt3A_1251 = arith.cmpi slt, %select_n3A_1244, %lt3A_1250 : i32
      %ne3A_1252 = arith.xori %lt3A_1249, %lt3A_1251 : i1
      %and3A_1253 = arith.andi %ne3A_1252, %ne3A_1247 : i1
      %add3A_1254 = arith.addi %rem3A_1245, %select_n3A_1244 : i32
      %select_n3A_1255 = arith.select %and3A_1253, %add3A_1254, %rem3A_1245 : i32
      %mul3A_1256 = arith.constant 64 : i32
      %mul3A_1257 = arith.muli %select_n3A_1255, %mul3A_1256 : i32
      %add3A_1258 = arith.addi %mul3A_0, %mul3A_1257 : i32
      %mul3A_1259 = arith.constant 4 : i32
      %mul3A_1260 = arith.muli %arg0, %mul3A_1259 : i32
      %jit3A_1261 = arith.constant 32 : i32
      %div3A_1262 = arith.divsi %sub3A_1239, %jit3A_1261 : i32
      %sign3A_1263 = arith.constant 0 : i32
      %sign3A_1264 = arith.cmpi sgt, %sub3A_1239, %sign3A_1263 : i32
      %sign3A_1265 = arith.extui %sign3A_1264 : i1 to i32
      %sign3A_1266 = arith.constant 0 : i32
      %sign3A_1267 = arith.cmpi slt, %sub3A_1239, %sign3A_1266 : i32
      %sign3A_1268 = arith.extui %sign3A_1267 : i1 to i32
      %sign3A_1269 = arith.subi %sign3A_1265, %sign3A_1268 : i32
      %sign3A_1270 = arith.constant 0 : i32
      %sign3A_1271 = arith.cmpi sgt, %jit3A_1261, %sign3A_1270 : i32
      %sign3A_1272 = arith.extui %sign3A_1271 : i1 to i32
      %sign3A_1273 = arith.constant 0 : i32
      %sign3A_1274 = arith.cmpi slt, %jit3A_1261, %sign3A_1273 : i32
      %sign3A_1275 = arith.extui %sign3A_1274 : i1 to i32
      %sign3A_1276 = arith.subi %sign3A_1272, %sign3A_1275 : i32
      %ne3A_1277 = arith.cmpi ne, %sign3A_1269, %sign3A_1276 : i32
      %rem3A_1278 = arith.remsi %sub3A_1239, %jit3A_1261 : i32
      %ne3A_1279 = arith.constant 0 : i32
      %ne3A_1280 = arith.cmpi ne, %rem3A_1278, %ne3A_1279 : i32
      %and3A_1281 = arith.andi %ne3A_1277, %ne3A_1280 : i1
      %sub3A_1282 = arith.constant 1 : i32
      %sub3A_1283 = arith.subi %div3A_1262, %sub3A_1282 : i32
      %select_n3A_1284 = arith.select %and3A_1281, %sub3A_1283, %div3A_1262 : i32
      %add3A_1285 = arith.addi %mul3A_1260, %select_n3A_1284 : i32
      %mul3A_1286 = arith.constant 128 : i32
      %mul3A_1287 = arith.muli %add3A_1285, %mul3A_1286 : i32
      %dma_wait3A_1288 = tpu.memref_slice %arg4[%add3A_1258, %mul3A_1287] : memref<32768x1024xf32, #tpu.memory_space<hbm>> -> memref<64x128xf32, #tpu.memory_space<hbm>>
      %dma_wait3A_1289 = tpu.memref_slice %arg4[%add3A_1258, %mul3A_1287] : memref<32768x1024xf32, #tpu.memory_space<hbm>> -> memref<64x128xf32, #tpu.memory_space<hbm>>
      tpu.wait_dma2 semaphore(%arg17 : memref<!tpu.dma_semaphore, #tpu.memory_space<semaphore_mem>>) src(%arg10 : memref<64x128xf32, #tpu.memory_space<vmem>>) dst(%dma_wait3A_1289 : memref<64x128xf32, #tpu.memory_space<hbm>>)
      %add3A_1290 = arith.constant 3 : i32
      %add3A_1291 = arith.addi %add3A_1215, %add3A_1290 : i32
      %jit3A_1292 = arith.constant 32 : i32
      %eq3A_1293 = arith.constant 0 : i32
      %eq3A_1294 = arith.cmpi eq, %jit3A_1292, %eq3A_1293 : i32
      %jit3A_1295 = arith.constant 1 : i32
      %select_n3A_1296 = arith.select %eq3A_1294, %jit3A_1295, %jit3A_1292 : i32
      %rem3A_1297 = arith.remsi %add3A_1291, %select_n3A_1296 : i32
      %ne3A_1298 = arith.constant 0 : i32
      %ne3A_1299 = arith.cmpi ne, %rem3A_1297, %ne3A_1298 : i32
      %lt3A_1300 = arith.constant 0 : i32
      %lt3A_1301 = arith.cmpi slt, %rem3A_1297, %lt3A_1300 : i32
      %lt3A_1302 = arith.constant 0 : i32
      %lt3A_1303 = arith.cmpi slt, %select_n3A_1296, %lt3A_1302 : i32
      %ne3A_1304 = arith.xori %lt3A_1301, %lt3A_1303 : i1
      %and3A_1305 = arith.andi %ne3A_1304, %ne3A_1299 : i1
      %add3A_1306 = arith.addi %rem3A_1297, %select_n3A_1296 : i32
      %select_n3A_1307 = arith.select %and3A_1305, %add3A_1306, %rem3A_1297 : i32
      %mul3A_1308 = arith.constant 64 : i32
      %mul3A_1309 = arith.muli %select_n3A_1307, %mul3A_1308 : i32
      %dma_start3A_1310 = tpu.memref_slice %arg6[%mul3A_1309] : memref<2048xi32, #tpu.memory_space<vmem>> -> memref<64xi32, #tpu.memory_space<vmem>>
      %dma_start3A_1311 = arith.constant 0 : i32
      %dma_start3A_1312 = arith.constant 0 : i32
      %dma_start3A_1313 = tpu.memref_slice %arg5[%dma_start3A_1311, %dma_start3A_1312] : memref<8192x128xf32, #tpu.memory_space<vmem_shared>> -> memref<8192x128xf32, #tpu.memory_space<vmem_shared>>
      tpu.enqueue_indirect_dma source(%dma_start3A_1313 : memref<8192x128xf32, #tpu.memory_space<vmem_shared>>) target(%arg10 : memref<64x128xf32, #tpu.memory_space<vmem>>) offsets(%dma_start3A_1310 : memref<64xi32, #tpu.memory_space<vmem>>) semaphore(%arg17 : memref<!tpu.dma_semaphore, #tpu.memory_space<semaphore_mem>>)
      %jit3A_1314 = arith.constant 32 : i32
      %eq3A_1315 = arith.constant 0 : i32
      %eq3A_1316 = arith.cmpi eq, %jit3A_1314, %eq3A_1315 : i32
      %jit3A_1317 = arith.constant 1 : i32
      %select_n3A_1318 = arith.select %eq3A_1316, %jit3A_1317, %jit3A_1314 : i32
      %rem3A_1319 = arith.remsi %add3A_1215, %select_n3A_1318 : i32
      %ne3A_1320 = arith.constant 0 : i32
      %ne3A_1321 = arith.cmpi ne, %rem3A_1319, %ne3A_1320 : i32
      %lt3A_1322 = arith.constant 0 : i32
      %lt3A_1323 = arith.cmpi slt, %rem3A_1319, %lt3A_1322 : i32
      %lt3A_1324 = arith.constant 0 : i32
      %lt3A_1325 = arith.cmpi slt, %select_n3A_1318, %lt3A_1324 : i32
      %ne3A_1326 = arith.xori %lt3A_1323, %lt3A_1325 : i1
      %and3A_1327 = arith.andi %ne3A_1326, %ne3A_1321 : i1
      %add3A_1328 = arith.addi %rem3A_1319, %select_n3A_1318 : i32
      %select_n3A_1329 = arith.select %and3A_1327, %add3A_1328, %rem3A_1319 : i32
      %mul3A_1330 = arith.constant 64 : i32
      %mul3A_1331 = arith.muli %select_n3A_1329, %mul3A_1330 : i32
      %add3A_1332 = arith.addi %mul3A_0, %mul3A_1331 : i32
      %mul3A_1333 = arith.constant 4 : i32
      %mul3A_1334 = arith.muli %arg0, %mul3A_1333 : i32
      %jit3A_1335 = arith.constant 32 : i32
      %div3A_1336 = arith.divsi %add3A_1215, %jit3A_1335 : i32
      %sign3A_1337 = arith.constant 0 : i32
      %sign3A_1338 = arith.cmpi sgt, %add3A_1215, %sign3A_1337 : i32
      %sign3A_1339 = arith.extui %sign3A_1338 : i1 to i32
      %sign3A_1340 = arith.constant 0 : i32
      %sign3A_1341 = arith.cmpi slt, %add3A_1215, %sign3A_1340 : i32
      %sign3A_1342 = arith.extui %sign3A_1341 : i1 to i32
      %sign3A_1343 = arith.subi %sign3A_1339, %sign3A_1342 : i32
      %sign3A_1344 = arith.constant 0 : i32
      %sign3A_1345 = arith.cmpi sgt, %jit3A_1335, %sign3A_1344 : i32
      %sign3A_1346 = arith.extui %sign3A_1345 : i1 to i32
      %sign3A_1347 = arith.constant 0 : i32
      %sign3A_1348 = arith.cmpi slt, %jit3A_1335, %sign3A_1347 : i32
      %sign3A_1349 = arith.extui %sign3A_1348 : i1 to i32
      %sign3A_1350 = arith.subi %sign3A_1346, %sign3A_1349 : i32
      %ne3A_1351 = arith.cmpi ne, %sign3A_1343, %sign3A_1350 : i32
      %rem3A_1352 = arith.remsi %add3A_1215, %jit3A_1335 : i32
      %ne3A_1353 = arith.constant 0 : i32
      %ne3A_1354 = arith.cmpi ne, %rem3A_1352, %ne3A_1353 : i32
      %and3A_1355 = arith.andi %ne3A_1351, %ne3A_1354 : i1
      %sub3A_1356 = arith.constant 1 : i32
      %sub3A_1357 = arith.subi %div3A_1336, %sub3A_1356 : i32
      %select_n3A_1358 = arith.select %and3A_1355, %sub3A_1357, %div3A_1336 : i32
      %add3A_1359 = arith.addi %mul3A_1334, %select_n3A_1358 : i32
      %mul3A_1360 = arith.constant 128 : i32
      %mul3A_1361 = arith.muli %add3A_1359, %mul3A_1360 : i32
      %dma_start3A_1362 = tpu.memref_slice %arg4[%add3A_1332, %mul3A_1361] : memref<32768x1024xf32, #tpu.memory_space<hbm>> -> memref<64x128xf32, #tpu.memory_space<hbm>>
      %dma_start3A_1363 = tpu.memref_slice %arg4[%add3A_1332, %mul3A_1361] : memref<32768x1024xf32, #tpu.memory_space<hbm>> -> memref<64x128xf32, #tpu.memory_space<hbm>>
      tpu.enqueue_dma source(%arg7 : memref<64x128xf32, #tpu.memory_space<vmem>>) target(%dma_start3A_1363 : memref<64x128xf32, #tpu.memory_space<hbm>>) target_semaphore(%arg14 : memref<!tpu.dma_semaphore, #tpu.memory_space<semaphore_mem>>)
      %mul3A_1364 = arith.constant 7 : i32
      %mul3A_1365 = arith.muli %scan3A_757, %mul3A_1364 : i32
      %add3A_1366 = arith.constant 32 : i32
      %add3A_1367 = arith.addi %add3A_1366, %mul3A_1365 : i32
      %add3A_1368 = arith.constant 4 : i32
      %add3A_1369 = arith.addi %add3A_1367, %add3A_1368 : i32
      %jit3A_1370 = arith.constant 32 : i32
      %eq3A_1371 = arith.constant 0 : i32
      %eq3A_1372 = arith.cmpi eq, %jit3A_1370, %eq3A_1371 : i32
      %jit3A_1373 = arith.constant 1 : i32
      %select_n3A_1374 = arith.select %eq3A_1372, %jit3A_1373, %jit3A_1370 : i32
      %rem3A_1375 = arith.remsi %add3A_1369, %select_n3A_1374 : i32
      %ne3A_1376 = arith.constant 0 : i32
      %ne3A_1377 = arith.cmpi ne, %rem3A_1375, %ne3A_1376 : i32
      %lt3A_1378 = arith.constant 0 : i32
      %lt3A_1379 = arith.cmpi slt, %rem3A_1375, %lt3A_1378 : i32
      %lt3A_1380 = arith.constant 0 : i32
      %lt3A_1381 = arith.cmpi slt, %select_n3A_1374, %lt3A_1380 : i32
      %ne3A_1382 = arith.xori %lt3A_1379, %lt3A_1381 : i1
      %and3A_1383 = arith.andi %ne3A_1382, %ne3A_1377 : i1
      %add3A_1384 = arith.addi %rem3A_1375, %select_n3A_1374 : i32
      %select_n3A_1385 = arith.select %and3A_1383, %add3A_1384, %rem3A_1375 : i32
      %mul3A_1386 = arith.constant 64 : i32
      %mul3A_1387 = arith.muli %select_n3A_1385, %mul3A_1386 : i32
      %dma_wait3A_1388 = tpu.memref_slice %arg6[%mul3A_1387] : memref<2048xi32, #tpu.memory_space<vmem>> -> memref<64xi32, #tpu.memory_space<vmem>>
      %dma_wait3A_1389 = arith.constant 0 : i32
      %dma_wait3A_1390 = arith.constant 0 : i32
      %dma_wait3A_1391 = tpu.memref_slice %arg5[%dma_wait3A_1389, %dma_wait3A_1390] : memref<8192x128xf32, #tpu.memory_space<vmem_shared>> -> memref<8192x128xf32, #tpu.memory_space<vmem_shared>>
      tpu.wait_indirect_dma semaphore(%arg15 : memref<!tpu.dma_semaphore, #tpu.memory_space<semaphore_mem>>) src(%dma_wait3A_1391 : memref<8192x128xf32, #tpu.memory_space<vmem_shared>>) dst(%arg8 : memref<64x128xf32, #tpu.memory_space<vmem>>)
      %sub3A_1392 = arith.constant 4 : i32
      %sub3A_1393 = arith.subi %add3A_1369, %sub3A_1392 : i32
      %jit3A_1394 = arith.constant 32 : i32
      %eq3A_1395 = arith.constant 0 : i32
      %eq3A_1396 = arith.cmpi eq, %jit3A_1394, %eq3A_1395 : i32
      %jit3A_1397 = arith.constant 1 : i32
      %select_n3A_1398 = arith.select %eq3A_1396, %jit3A_1397, %jit3A_1394 : i32
      %rem3A_1399 = arith.remsi %sub3A_1393, %select_n3A_1398 : i32
      %ne3A_1400 = arith.constant 0 : i32
      %ne3A_1401 = arith.cmpi ne, %rem3A_1399, %ne3A_1400 : i32
      %lt3A_1402 = arith.constant 0 : i32
      %lt3A_1403 = arith.cmpi slt, %rem3A_1399, %lt3A_1402 : i32
      %lt3A_1404 = arith.constant 0 : i32
      %lt3A_1405 = arith.cmpi slt, %select_n3A_1398, %lt3A_1404 : i32
      %ne3A_1406 = arith.xori %lt3A_1403, %lt3A_1405 : i1
      %and3A_1407 = arith.andi %ne3A_1406, %ne3A_1401 : i1
      %add3A_1408 = arith.addi %rem3A_1399, %select_n3A_1398 : i32
      %select_n3A_1409 = arith.select %and3A_1407, %add3A_1408, %rem3A_1399 : i32
      %mul3A_1410 = arith.constant 64 : i32
      %mul3A_1411 = arith.muli %select_n3A_1409, %mul3A_1410 : i32
      %add3A_1412 = arith.addi %mul3A_0, %mul3A_1411 : i32
      %mul3A_1413 = arith.constant 4 : i32
      %mul3A_1414 = arith.muli %arg0, %mul3A_1413 : i32
      %jit3A_1415 = arith.constant 32 : i32
      %div3A_1416 = arith.divsi %sub3A_1393, %jit3A_1415 : i32
      %sign3A_1417 = arith.constant 0 : i32
      %sign3A_1418 = arith.cmpi sgt, %sub3A_1393, %sign3A_1417 : i32
      %sign3A_1419 = arith.extui %sign3A_1418 : i1 to i32
      %sign3A_1420 = arith.constant 0 : i32
      %sign3A_1421 = arith.cmpi slt, %sub3A_1393, %sign3A_1420 : i32
      %sign3A_1422 = arith.extui %sign3A_1421 : i1 to i32
      %sign3A_1423 = arith.subi %sign3A_1419, %sign3A_1422 : i32
      %sign3A_1424 = arith.constant 0 : i32
      %sign3A_1425 = arith.cmpi sgt, %jit3A_1415, %sign3A_1424 : i32
      %sign3A_1426 = arith.extui %sign3A_1425 : i1 to i32
      %sign3A_1427 = arith.constant 0 : i32
      %sign3A_1428 = arith.cmpi slt, %jit3A_1415, %sign3A_1427 : i32
      %sign3A_1429 = arith.extui %sign3A_1428 : i1 to i32
      %sign3A_1430 = arith.subi %sign3A_1426, %sign3A_1429 : i32
      %ne3A_1431 = arith.cmpi ne, %sign3A_1423, %sign3A_1430 : i32
      %rem3A_1432 = arith.remsi %sub3A_1393, %jit3A_1415 : i32
      %ne3A_1433 = arith.constant 0 : i32
      %ne3A_1434 = arith.cmpi ne, %rem3A_1432, %ne3A_1433 : i32
      %and3A_1435 = arith.andi %ne3A_1431, %ne3A_1434 : i1
      %sub3A_1436 = arith.constant 1 : i32
      %sub3A_1437 = arith.subi %div3A_1416, %sub3A_1436 : i32
      %select_n3A_1438 = arith.select %and3A_1435, %sub3A_1437, %div3A_1416 : i32
      %add3A_1439 = arith.addi %mul3A_1414, %select_n3A_1438 : i32
      %mul3A_1440 = arith.constant 128 : i32
      %mul3A_1441 = arith.muli %add3A_1439, %mul3A_1440 : i32
      %dma_wait3A_1442 = tpu.memref_slice %arg4[%add3A_1412, %mul3A_1441] : memref<32768x1024xf32, #tpu.memory_space<hbm>> -> memref<64x128xf32, #tpu.memory_space<hbm>>
      %dma_wait3A_1443 = tpu.memref_slice %arg4[%add3A_1412, %mul3A_1441] : memref<32768x1024xf32, #tpu.memory_space<hbm>> -> memref<64x128xf32, #tpu.memory_space<hbm>>
      tpu.wait_dma2 semaphore(%arg18 : memref<!tpu.dma_semaphore, #tpu.memory_space<semaphore_mem>>) src(%arg11 : memref<64x128xf32, #tpu.memory_space<vmem>>) dst(%dma_wait3A_1443 : memref<64x128xf32, #tpu.memory_space<hbm>>)
      %add3A_1444 = arith.constant 3 : i32
      %add3A_1445 = arith.addi %add3A_1369, %add3A_1444 : i32
      %jit3A_1446 = arith.constant 32 : i32
      %eq3A_1447 = arith.constant 0 : i32
      %eq3A_1448 = arith.cmpi eq, %jit3A_1446, %eq3A_1447 : i32
      %jit3A_1449 = arith.constant 1 : i32
      %select_n3A_1450 = arith.select %eq3A_1448, %jit3A_1449, %jit3A_1446 : i32
      %rem3A_1451 = arith.remsi %add3A_1445, %select_n3A_1450 : i32
      %ne3A_1452 = arith.constant 0 : i32
      %ne3A_1453 = arith.cmpi ne, %rem3A_1451, %ne3A_1452 : i32
      %lt3A_1454 = arith.constant 0 : i32
      %lt3A_1455 = arith.cmpi slt, %rem3A_1451, %lt3A_1454 : i32
      %lt3A_1456 = arith.constant 0 : i32
      %lt3A_1457 = arith.cmpi slt, %select_n3A_1450, %lt3A_1456 : i32
      %ne3A_1458 = arith.xori %lt3A_1455, %lt3A_1457 : i1
      %and3A_1459 = arith.andi %ne3A_1458, %ne3A_1453 : i1
      %add3A_1460 = arith.addi %rem3A_1451, %select_n3A_1450 : i32
      %select_n3A_1461 = arith.select %and3A_1459, %add3A_1460, %rem3A_1451 : i32
      %mul3A_1462 = arith.constant 64 : i32
      %mul3A_1463 = arith.muli %select_n3A_1461, %mul3A_1462 : i32
      %dma_start3A_1464 = tpu.memref_slice %arg6[%mul3A_1463] : memref<2048xi32, #tpu.memory_space<vmem>> -> memref<64xi32, #tpu.memory_space<vmem>>
      %dma_start3A_1465 = arith.constant 0 : i32
      %dma_start3A_1466 = arith.constant 0 : i32
      %dma_start3A_1467 = tpu.memref_slice %arg5[%dma_start3A_1465, %dma_start3A_1466] : memref<8192x128xf32, #tpu.memory_space<vmem_shared>> -> memref<8192x128xf32, #tpu.memory_space<vmem_shared>>
      tpu.enqueue_indirect_dma source(%dma_start3A_1467 : memref<8192x128xf32, #tpu.memory_space<vmem_shared>>) target(%arg11 : memref<64x128xf32, #tpu.memory_space<vmem>>) offsets(%dma_start3A_1464 : memref<64xi32, #tpu.memory_space<vmem>>) semaphore(%arg18 : memref<!tpu.dma_semaphore, #tpu.memory_space<semaphore_mem>>)
      %jit3A_1468 = arith.constant 32 : i32
      %eq3A_1469 = arith.constant 0 : i32
      %eq3A_1470 = arith.cmpi eq, %jit3A_1468, %eq3A_1469 : i32
      %jit3A_1471 = arith.constant 1 : i32
      %select_n3A_1472 = arith.select %eq3A_1470, %jit3A_1471, %jit3A_1468 : i32
      %rem3A_1473 = arith.remsi %add3A_1369, %select_n3A_1472 : i32
      %ne3A_1474 = arith.constant 0 : i32
      %ne3A_1475 = arith.cmpi ne, %rem3A_1473, %ne3A_1474 : i32
      %lt3A_1476 = arith.constant 0 : i32
      %lt3A_1477 = arith.cmpi slt, %rem3A_1473, %lt3A_1476 : i32
      %lt3A_1478 = arith.constant 0 : i32
      %lt3A_1479 = arith.cmpi slt, %select_n3A_1472, %lt3A_1478 : i32
      %ne3A_1480 = arith.xori %lt3A_1477, %lt3A_1479 : i1
      %and3A_1481 = arith.andi %ne3A_1480, %ne3A_1475 : i1
      %add3A_1482 = arith.addi %rem3A_1473, %select_n3A_1472 : i32
      %select_n3A_1483 = arith.select %and3A_1481, %add3A_1482, %rem3A_1473 : i32
      %mul3A_1484 = arith.constant 64 : i32
      %mul3A_1485 = arith.muli %select_n3A_1483, %mul3A_1484 : i32
      %add3A_1486 = arith.addi %mul3A_0, %mul3A_1485 : i32
      %mul3A_1487 = arith.constant 4 : i32
      %mul3A_1488 = arith.muli %arg0, %mul3A_1487 : i32
      %jit3A_1489 = arith.constant 32 : i32
      %div3A_1490 = arith.divsi %add3A_1369, %jit3A_1489 : i32
      %sign3A_1491 = arith.constant 0 : i32
      %sign3A_1492 = arith.cmpi sgt, %add3A_1369, %sign3A_1491 : i32
      %sign3A_1493 = arith.extui %sign3A_1492 : i1 to i32
      %sign3A_1494 = arith.constant 0 : i32
      %sign3A_1495 = arith.cmpi slt, %add3A_1369, %sign3A_1494 : i32
      %sign3A_1496 = arith.extui %sign3A_1495 : i1 to i32
      %sign3A_1497 = arith.subi %sign3A_1493, %sign3A_1496 : i32
      %sign3A_1498 = arith.constant 0 : i32
      %sign3A_1499 = arith.cmpi sgt, %jit3A_1489, %sign3A_1498 : i32
      %sign3A_1500 = arith.extui %sign3A_1499 : i1 to i32
      %sign3A_1501 = arith.constant 0 : i32
      %sign3A_1502 = arith.cmpi slt, %jit3A_1489, %sign3A_1501 : i32
      %sign3A_1503 = arith.extui %sign3A_1502 : i1 to i32
      %sign3A_1504 = arith.subi %sign3A_1500, %sign3A_1503 : i32
      %ne3A_1505 = arith.cmpi ne, %sign3A_1497, %sign3A_1504 : i32
      %rem3A_1506 = arith.remsi %add3A_1369, %jit3A_1489 : i32
      %ne3A_1507 = arith.constant 0 : i32
      %ne3A_1508 = arith.cmpi ne, %rem3A_1506, %ne3A_1507 : i32
      %and3A_1509 = arith.andi %ne3A_1505, %ne3A_1508 : i1
      %sub3A_1510 = arith.constant 1 : i32
      %sub3A_1511 = arith.subi %div3A_1490, %sub3A_1510 : i32
      %select_n3A_1512 = arith.select %and3A_1509, %sub3A_1511, %div3A_1490 : i32
      %add3A_1513 = arith.addi %mul3A_1488, %select_n3A_1512 : i32
      %mul3A_1514 = arith.constant 128 : i32
      %mul3A_1515 = arith.muli %add3A_1513, %mul3A_1514 : i32
      %dma_start3A_1516 = tpu.memref_slice %arg4[%add3A_1486, %mul3A_1515] : memref<32768x1024xf32, #tpu.memory_space<hbm>> -> memref<64x128xf32, #tpu.memory_space<hbm>>
      %dma_start3A_1517 = tpu.memref_slice %arg4[%add3A_1486, %mul3A_1515] : memref<32768x1024xf32, #tpu.memory_space<hbm>> -> memref<64x128xf32, #tpu.memory_space<hbm>>
      tpu.enqueue_dma source(%arg8 : memref<64x128xf32, #tpu.memory_space<vmem>>) target(%dma_start3A_1517 : memref<64x128xf32, #tpu.memory_space<hbm>>) target_semaphore(%arg15 : memref<!tpu.dma_semaphore, #tpu.memory_space<semaphore_mem>>)
      %mul3A_1518 = arith.constant 7 : i32
      %mul3A_1519 = arith.muli %scan3A_757, %mul3A_1518 : i32
      %add3A_1520 = arith.constant 32 : i32
      %add3A_1521 = arith.addi %add3A_1520, %mul3A_1519 : i32
      %add3A_1522 = arith.constant 5 : i32
      %add3A_1523 = arith.addi %add3A_1521, %add3A_1522 : i32
      %jit3A_1524 = arith.constant 32 : i32
      %eq3A_1525 = arith.constant 0 : i32
      %eq3A_1526 = arith.cmpi eq, %jit3A_1524, %eq3A_1525 : i32
      %jit3A_1527 = arith.constant 1 : i32
      %select_n3A_1528 = arith.select %eq3A_1526, %jit3A_1527, %jit3A_1524 : i32
      %rem3A_1529 = arith.remsi %add3A_1523, %select_n3A_1528 : i32
      %ne3A_1530 = arith.constant 0 : i32
      %ne3A_1531 = arith.cmpi ne, %rem3A_1529, %ne3A_1530 : i32
      %lt3A_1532 = arith.constant 0 : i32
      %lt3A_1533 = arith.cmpi slt, %rem3A_1529, %lt3A_1532 : i32
      %lt3A_1534 = arith.constant 0 : i32
      %lt3A_1535 = arith.cmpi slt, %select_n3A_1528, %lt3A_1534 : i32
      %ne3A_1536 = arith.xori %lt3A_1533, %lt3A_1535 : i1
      %and3A_1537 = arith.andi %ne3A_1536, %ne3A_1531 : i1
      %add3A_1538 = arith.addi %rem3A_1529, %select_n3A_1528 : i32
      %select_n3A_1539 = arith.select %and3A_1537, %add3A_1538, %rem3A_1529 : i32
      %mul3A_1540 = arith.constant 64 : i32
      %mul3A_1541 = arith.muli %select_n3A_1539, %mul3A_1540 : i32
      %dma_wait3A_1542 = tpu.memref_slice %arg6[%mul3A_1541] : memref<2048xi32, #tpu.memory_space<vmem>> -> memref<64xi32, #tpu.memory_space<vmem>>
      %dma_wait3A_1543 = arith.constant 0 : i32
      %dma_wait3A_1544 = arith.constant 0 : i32
      %dma_wait3A_1545 = tpu.memref_slice %arg5[%dma_wait3A_1543, %dma_wait3A_1544] : memref<8192x128xf32, #tpu.memory_space<vmem_shared>> -> memref<8192x128xf32, #tpu.memory_space<vmem_shared>>
      tpu.wait_indirect_dma semaphore(%arg16 : memref<!tpu.dma_semaphore, #tpu.memory_space<semaphore_mem>>) src(%dma_wait3A_1545 : memref<8192x128xf32, #tpu.memory_space<vmem_shared>>) dst(%arg9 : memref<64x128xf32, #tpu.memory_space<vmem>>)
      %sub3A_1546 = arith.constant 4 : i32
      %sub3A_1547 = arith.subi %add3A_1523, %sub3A_1546 : i32
      %jit3A_1548 = arith.constant 32 : i32
      %eq3A_1549 = arith.constant 0 : i32
      %eq3A_1550 = arith.cmpi eq, %jit3A_1548, %eq3A_1549 : i32
      %jit3A_1551 = arith.constant 1 : i32
      %select_n3A_1552 = arith.select %eq3A_1550, %jit3A_1551, %jit3A_1548 : i32
      %rem3A_1553 = arith.remsi %sub3A_1547, %select_n3A_1552 : i32
      %ne3A_1554 = arith.constant 0 : i32
      %ne3A_1555 = arith.cmpi ne, %rem3A_1553, %ne3A_1554 : i32
      %lt3A_1556 = arith.constant 0 : i32
      %lt3A_1557 = arith.cmpi slt, %rem3A_1553, %lt3A_1556 : i32
      %lt3A_1558 = arith.constant 0 : i32
      %lt3A_1559 = arith.cmpi slt, %select_n3A_1552, %lt3A_1558 : i32
      %ne3A_1560 = arith.xori %lt3A_1557, %lt3A_1559 : i1
      %and3A_1561 = arith.andi %ne3A_1560, %ne3A_1555 : i1
      %add3A_1562 = arith.addi %rem3A_1553, %select_n3A_1552 : i32
      %select_n3A_1563 = arith.select %and3A_1561, %add3A_1562, %rem3A_1553 : i32
      %mul3A_1564 = arith.constant 64 : i32
      %mul3A_1565 = arith.muli %select_n3A_1563, %mul3A_1564 : i32
      %add3A_1566 = arith.addi %mul3A_0, %mul3A_1565 : i32
      %mul3A_1567 = arith.constant 4 : i32
      %mul3A_1568 = arith.muli %arg0, %mul3A_1567 : i32
      %jit3A_1569 = arith.constant 32 : i32
      %div3A_1570 = arith.divsi %sub3A_1547, %jit3A_1569 : i32
      %sign3A_1571 = arith.constant 0 : i32
      %sign3A_1572 = arith.cmpi sgt, %sub3A_1547, %sign3A_1571 : i32
      %sign3A_1573 = arith.extui %sign3A_1572 : i1 to i32
      %sign3A_1574 = arith.constant 0 : i32
      %sign3A_1575 = arith.cmpi slt, %sub3A_1547, %sign3A_1574 : i32
      %sign3A_1576 = arith.extui %sign3A_1575 : i1 to i32
      %sign3A_1577 = arith.subi %sign3A_1573, %sign3A_1576 : i32
      %sign3A_1578 = arith.constant 0 : i32
      %sign3A_1579 = arith.cmpi sgt, %jit3A_1569, %sign3A_1578 : i32
      %sign3A_1580 = arith.extui %sign3A_1579 : i1 to i32
      %sign3A_1581 = arith.constant 0 : i32
      %sign3A_1582 = arith.cmpi slt, %jit3A_1569, %sign3A_1581 : i32
      %sign3A_1583 = arith.extui %sign3A_1582 : i1 to i32
      %sign3A_1584 = arith.subi %sign3A_1580, %sign3A_1583 : i32
      %ne3A_1585 = arith.cmpi ne, %sign3A_1577, %sign3A_1584 : i32
      %rem3A_1586 = arith.remsi %sub3A_1547, %jit3A_1569 : i32
      %ne3A_1587 = arith.constant 0 : i32
      %ne3A_1588 = arith.cmpi ne, %rem3A_1586, %ne3A_1587 : i32
      %and3A_1589 = arith.andi %ne3A_1585, %ne3A_1588 : i1
      %sub3A_1590 = arith.constant 1 : i32
      %sub3A_1591 = arith.subi %div3A_1570, %sub3A_1590 : i32
      %select_n3A_1592 = arith.select %and3A_1589, %sub3A_1591, %div3A_1570 : i32
      %add3A_1593 = arith.addi %mul3A_1568, %select_n3A_1592 : i32
      %mul3A_1594 = arith.constant 128 : i32
      %mul3A_1595 = arith.muli %add3A_1593, %mul3A_1594 : i32
      %dma_wait3A_1596 = tpu.memref_slice %arg4[%add3A_1566, %mul3A_1595] : memref<32768x1024xf32, #tpu.memory_space<hbm>> -> memref<64x128xf32, #tpu.memory_space<hbm>>
      %dma_wait3A_1597 = tpu.memref_slice %arg4[%add3A_1566, %mul3A_1595] : memref<32768x1024xf32, #tpu.memory_space<hbm>> -> memref<64x128xf32, #tpu.memory_space<hbm>>
      tpu.wait_dma2 semaphore(%arg19 : memref<!tpu.dma_semaphore, #tpu.memory_space<semaphore_mem>>) src(%arg12 : memref<64x128xf32, #tpu.memory_space<vmem>>) dst(%dma_wait3A_1597 : memref<64x128xf32, #tpu.memory_space<hbm>>)
      %add3A_1598 = arith.constant 3 : i32
      %add3A_1599 = arith.addi %add3A_1523, %add3A_1598 : i32
      %jit3A_1600 = arith.constant 32 : i32
      %eq3A_1601 = arith.constant 0 : i32
      %eq3A_1602 = arith.cmpi eq, %jit3A_1600, %eq3A_1601 : i32
      %jit3A_1603 = arith.constant 1 : i32
      %select_n3A_1604 = arith.select %eq3A_1602, %jit3A_1603, %jit3A_1600 : i32
      %rem3A_1605 = arith.remsi %add3A_1599, %select_n3A_1604 : i32
      %ne3A_1606 = arith.constant 0 : i32
      %ne3A_1607 = arith.cmpi ne, %rem3A_1605, %ne3A_1606 : i32
      %lt3A_1608 = arith.constant 0 : i32
      %lt3A_1609 = arith.cmpi slt, %rem3A_1605, %lt3A_1608 : i32
      %lt3A_1610 = arith.constant 0 : i32
      %lt3A_1611 = arith.cmpi slt, %select_n3A_1604, %lt3A_1610 : i32
      %ne3A_1612 = arith.xori %lt3A_1609, %lt3A_1611 : i1
      %and3A_1613 = arith.andi %ne3A_1612, %ne3A_1607 : i1
      %add3A_1614 = arith.addi %rem3A_1605, %select_n3A_1604 : i32
      %select_n3A_1615 = arith.select %and3A_1613, %add3A_1614, %rem3A_1605 : i32
      %mul3A_1616 = arith.constant 64 : i32
      %mul3A_1617 = arith.muli %select_n3A_1615, %mul3A_1616 : i32
      %dma_start3A_1618 = tpu.memref_slice %arg6[%mul3A_1617] : memref<2048xi32, #tpu.memory_space<vmem>> -> memref<64xi32, #tpu.memory_space<vmem>>
      %dma_start3A_1619 = arith.constant 0 : i32
      %dma_start3A_1620 = arith.constant 0 : i32
      %dma_start3A_1621 = tpu.memref_slice %arg5[%dma_start3A_1619, %dma_start3A_1620] : memref<8192x128xf32, #tpu.memory_space<vmem_shared>> -> memref<8192x128xf32, #tpu.memory_space<vmem_shared>>
      tpu.enqueue_indirect_dma source(%dma_start3A_1621 : memref<8192x128xf32, #tpu.memory_space<vmem_shared>>) target(%arg12 : memref<64x128xf32, #tpu.memory_space<vmem>>) offsets(%dma_start3A_1618 : memref<64xi32, #tpu.memory_space<vmem>>) semaphore(%arg19 : memref<!tpu.dma_semaphore, #tpu.memory_space<semaphore_mem>>)
      %jit3A_1622 = arith.constant 32 : i32
      %eq3A_1623 = arith.constant 0 : i32
      %eq3A_1624 = arith.cmpi eq, %jit3A_1622, %eq3A_1623 : i32
      %jit3A_1625 = arith.constant 1 : i32
      %select_n3A_1626 = arith.select %eq3A_1624, %jit3A_1625, %jit3A_1622 : i32
      %rem3A_1627 = arith.remsi %add3A_1523, %select_n3A_1626 : i32
      %ne3A_1628 = arith.constant 0 : i32
      %ne3A_1629 = arith.cmpi ne, %rem3A_1627, %ne3A_1628 : i32
      %lt3A_1630 = arith.constant 0 : i32
      %lt3A_1631 = arith.cmpi slt, %rem3A_1627, %lt3A_1630 : i32
      %lt3A_1632 = arith.constant 0 : i32
      %lt3A_1633 = arith.cmpi slt, %select_n3A_1626, %lt3A_1632 : i32
      %ne3A_1634 = arith.xori %lt3A_1631, %lt3A_1633 : i1
      %and3A_1635 = arith.andi %ne3A_1634, %ne3A_1629 : i1
      %add3A_1636 = arith.addi %rem3A_1627, %select_n3A_1626 : i32
      %select_n3A_1637 = arith.select %and3A_1635, %add3A_1636, %rem3A_1627 : i32
      %mul3A_1638 = arith.constant 64 : i32
      %mul3A_1639 = arith.muli %select_n3A_1637, %mul3A_1638 : i32
      %add3A_1640 = arith.addi %mul3A_0, %mul3A_1639 : i32
      %mul3A_1641 = arith.constant 4 : i32
      %mul3A_1642 = arith.muli %arg0, %mul3A_1641 : i32
      %jit3A_1643 = arith.constant 32 : i32
      %div3A_1644 = arith.divsi %add3A_1523, %jit3A_1643 : i32
      %sign3A_1645 = arith.constant 0 : i32
      %sign3A_1646 = arith.cmpi sgt, %add3A_1523, %sign3A_1645 : i32
      %sign3A_1647 = arith.extui %sign3A_1646 : i1 to i32
      %sign3A_1648 = arith.constant 0 : i32
      %sign3A_1649 = arith.cmpi slt, %add3A_1523, %sign3A_1648 : i32
      %sign3A_1650 = arith.extui %sign3A_1649 : i1 to i32
      %sign3A_1651 = arith.subi %sign3A_1647, %sign3A_1650 : i32
      %sign3A_1652 = arith.constant 0 : i32
      %sign3A_1653 = arith.cmpi sgt, %jit3A_1643, %sign3A_1652 : i32
      %sign3A_1654 = arith.extui %sign3A_1653 : i1 to i32
      %sign3A_1655 = arith.constant 0 : i32
      %sign3A_1656 = arith.cmpi slt, %jit3A_1643, %sign3A_1655 : i32
      %sign3A_1657 = arith.extui %sign3A_1656 : i1 to i32
      %sign3A_1658 = arith.subi %sign3A_1654, %sign3A_1657 : i32
      %ne3A_1659 = arith.cmpi ne, %sign3A_1651, %sign3A_1658 : i32
      %rem3A_1660 = arith.remsi %add3A_1523, %jit3A_1643 : i32
      %ne3A_1661 = arith.constant 0 : i32
      %ne3A_1662 = arith.cmpi ne, %rem3A_1660, %ne3A_1661 : i32
      %and3A_1663 = arith.andi %ne3A_1659, %ne3A_1662 : i1
      %sub3A_1664 = arith.constant 1 : i32
      %sub3A_1665 = arith.subi %div3A_1644, %sub3A_1664 : i32
      %select_n3A_1666 = arith.select %and3A_1663, %sub3A_1665, %div3A_1644 : i32
      %add3A_1667 = arith.addi %mul3A_1642, %select_n3A_1666 : i32
      %mul3A_1668 = arith.constant 128 : i32
      %mul3A_1669 = arith.muli %add3A_1667, %mul3A_1668 : i32
      %dma_start3A_1670 = tpu.memref_slice %arg4[%add3A_1640, %mul3A_1669] : memref<32768x1024xf32, #tpu.memory_space<hbm>> -> memref<64x128xf32, #tpu.memory_space<hbm>>
      %dma_start3A_1671 = tpu.memref_slice %arg4[%add3A_1640, %mul3A_1669] : memref<32768x1024xf32, #tpu.memory_space<hbm>> -> memref<64x128xf32, #tpu.memory_space<hbm>>
      tpu.enqueue_dma source(%arg9 : memref<64x128xf32, #tpu.memory_space<vmem>>) target(%dma_start3A_1671 : memref<64x128xf32, #tpu.memory_space<hbm>>) target_semaphore(%arg16 : memref<!tpu.dma_semaphore, #tpu.memory_space<semaphore_mem>>)
      %mul3A_1672 = arith.constant 7 : i32
      %mul3A_1673 = arith.muli %scan3A_757, %mul3A_1672 : i32
      %add3A_1674 = arith.constant 32 : i32
      %add3A_1675 = arith.addi %add3A_1674, %mul3A_1673 : i32
      %add3A_1676 = arith.constant 6 : i32
      %add3A_1677 = arith.addi %add3A_1675, %add3A_1676 : i32
      %jit3A_1678 = arith.constant 32 : i32
      %eq3A_1679 = arith.constant 0 : i32
      %eq3A_1680 = arith.cmpi eq, %jit3A_1678, %eq3A_1679 : i32
      %jit3A_1681 = arith.constant 1 : i32
      %select_n3A_1682 = arith.select %eq3A_1680, %jit3A_1681, %jit3A_1678 : i32
      %rem3A_1683 = arith.remsi %add3A_1677, %select_n3A_1682 : i32
      %ne3A_1684 = arith.constant 0 : i32
      %ne3A_1685 = arith.cmpi ne, %rem3A_1683, %ne3A_1684 : i32
      %lt3A_1686 = arith.constant 0 : i32
      %lt3A_1687 = arith.cmpi slt, %rem3A_1683, %lt3A_1686 : i32
      %lt3A_1688 = arith.constant 0 : i32
      %lt3A_1689 = arith.cmpi slt, %select_n3A_1682, %lt3A_1688 : i32
      %ne3A_1690 = arith.xori %lt3A_1687, %lt3A_1689 : i1
      %and3A_1691 = arith.andi %ne3A_1690, %ne3A_1685 : i1
      %add3A_1692 = arith.addi %rem3A_1683, %select_n3A_1682 : i32
      %select_n3A_1693 = arith.select %and3A_1691, %add3A_1692, %rem3A_1683 : i32
      %mul3A_1694 = arith.constant 64 : i32
      %mul3A_1695 = arith.muli %select_n3A_1693, %mul3A_1694 : i32
      %dma_wait3A_1696 = tpu.memref_slice %arg6[%mul3A_1695] : memref<2048xi32, #tpu.memory_space<vmem>> -> memref<64xi32, #tpu.memory_space<vmem>>
      %dma_wait3A_1697 = arith.constant 0 : i32
      %dma_wait3A_1698 = arith.constant 0 : i32
      %dma_wait3A_1699 = tpu.memref_slice %arg5[%dma_wait3A_1697, %dma_wait3A_1698] : memref<8192x128xf32, #tpu.memory_space<vmem_shared>> -> memref<8192x128xf32, #tpu.memory_space<vmem_shared>>
      tpu.wait_indirect_dma semaphore(%arg17 : memref<!tpu.dma_semaphore, #tpu.memory_space<semaphore_mem>>) src(%dma_wait3A_1699 : memref<8192x128xf32, #tpu.memory_space<vmem_shared>>) dst(%arg10 : memref<64x128xf32, #tpu.memory_space<vmem>>)
      %sub3A_1700 = arith.constant 4 : i32
      %sub3A_1701 = arith.subi %add3A_1677, %sub3A_1700 : i32
      %jit3A_1702 = arith.constant 32 : i32
      %eq3A_1703 = arith.constant 0 : i32
      %eq3A_1704 = arith.cmpi eq, %jit3A_1702, %eq3A_1703 : i32
      %jit3A_1705 = arith.constant 1 : i32
      %select_n3A_1706 = arith.select %eq3A_1704, %jit3A_1705, %jit3A_1702 : i32
      %rem3A_1707 = arith.remsi %sub3A_1701, %select_n3A_1706 : i32
      %ne3A_1708 = arith.constant 0 : i32
      %ne3A_1709 = arith.cmpi ne, %rem3A_1707, %ne3A_1708 : i32
      %lt3A_1710 = arith.constant 0 : i32
      %lt3A_1711 = arith.cmpi slt, %rem3A_1707, %lt3A_1710 : i32
      %lt3A_1712 = arith.constant 0 : i32
      %lt3A_1713 = arith.cmpi slt, %select_n3A_1706, %lt3A_1712 : i32
      %ne3A_1714 = arith.xori %lt3A_1711, %lt3A_1713 : i1
      %and3A_1715 = arith.andi %ne3A_1714, %ne3A_1709 : i1
      %add3A_1716 = arith.addi %rem3A_1707, %select_n3A_1706 : i32
      %select_n3A_1717 = arith.select %and3A_1715, %add3A_1716, %rem3A_1707 : i32
      %mul3A_1718 = arith.constant 64 : i32
      %mul3A_1719 = arith.muli %select_n3A_1717, %mul3A_1718 : i32
      %add3A_1720 = arith.addi %mul3A_0, %mul3A_1719 : i32
      %mul3A_1721 = arith.constant 4 : i32
      %mul3A_1722 = arith.muli %arg0, %mul3A_1721 : i32
      %jit3A_1723 = arith.constant 32 : i32
      %div3A_1724 = arith.divsi %sub3A_1701, %jit3A_1723 : i32
      %sign3A_1725 = arith.constant 0 : i32
      %sign3A_1726 = arith.cmpi sgt, %sub3A_1701, %sign3A_1725 : i32
      %sign3A_1727 = arith.extui %sign3A_1726 : i1 to i32
      %sign3A_1728 = arith.constant 0 : i32
      %sign3A_1729 = arith.cmpi slt, %sub3A_1701, %sign3A_1728 : i32
      %sign3A_1730 = arith.extui %sign3A_1729 : i1 to i32
      %sign3A_1731 = arith.subi %sign3A_1727, %sign3A_1730 : i32
      %sign3A_1732 = arith.constant 0 : i32
      %sign3A_1733 = arith.cmpi sgt, %jit3A_1723, %sign3A_1732 : i32
      %sign3A_1734 = arith.extui %sign3A_1733 : i1 to i32
      %sign3A_1735 = arith.constant 0 : i32
      %sign3A_1736 = arith.cmpi slt, %jit3A_1723, %sign3A_1735 : i32
      %sign3A_1737 = arith.extui %sign3A_1736 : i1 to i32
      %sign3A_1738 = arith.subi %sign3A_1734, %sign3A_1737 : i32
      %ne3A_1739 = arith.cmpi ne, %sign3A_1731, %sign3A_1738 : i32
      %rem3A_1740 = arith.remsi %sub3A_1701, %jit3A_1723 : i32
      %ne3A_1741 = arith.constant 0 : i32
      %ne3A_1742 = arith.cmpi ne, %rem3A_1740, %ne3A_1741 : i32
      %and3A_1743 = arith.andi %ne3A_1739, %ne3A_1742 : i1
      %sub3A_1744 = arith.constant 1 : i32
      %sub3A_1745 = arith.subi %div3A_1724, %sub3A_1744 : i32
      %select_n3A_1746 = arith.select %and3A_1743, %sub3A_1745, %div3A_1724 : i32
      %add3A_1747 = arith.addi %mul3A_1722, %select_n3A_1746 : i32
      %mul3A_1748 = arith.constant 128 : i32
      %mul3A_1749 = arith.muli %add3A_1747, %mul3A_1748 : i32
      %dma_wait3A_1750 = tpu.memref_slice %arg4[%add3A_1720, %mul3A_1749] : memref<32768x1024xf32, #tpu.memory_space<hbm>> -> memref<64x128xf32, #tpu.memory_space<hbm>>
      %dma_wait3A_1751 = tpu.memref_slice %arg4[%add3A_1720, %mul3A_1749] : memref<32768x1024xf32, #tpu.memory_space<hbm>> -> memref<64x128xf32, #tpu.memory_space<hbm>>
      tpu.wait_dma2 semaphore(%arg20 : memref<!tpu.dma_semaphore, #tpu.memory_space<semaphore_mem>>) src(%arg13 : memref<64x128xf32, #tpu.memory_space<vmem>>) dst(%dma_wait3A_1751 : memref<64x128xf32, #tpu.memory_space<hbm>>)
      %add3A_1752 = arith.constant 3 : i32
      %add3A_1753 = arith.addi %add3A_1677, %add3A_1752 : i32
      %jit3A_1754 = arith.constant 32 : i32
      %eq3A_1755 = arith.constant 0 : i32
      %eq3A_1756 = arith.cmpi eq, %jit3A_1754, %eq3A_1755 : i32
      %jit3A_1757 = arith.constant 1 : i32
      %select_n3A_1758 = arith.select %eq3A_1756, %jit3A_1757, %jit3A_1754 : i32
      %rem3A_1759 = arith.remsi %add3A_1753, %select_n3A_1758 : i32
      %ne3A_1760 = arith.constant 0 : i32
      %ne3A_1761 = arith.cmpi ne, %rem3A_1759, %ne3A_1760 : i32
      %lt3A_1762 = arith.constant 0 : i32
      %lt3A_1763 = arith.cmpi slt, %rem3A_1759, %lt3A_1762 : i32
      %lt3A_1764 = arith.constant 0 : i32
      %lt3A_1765 = arith.cmpi slt, %select_n3A_1758, %lt3A_1764 : i32
      %ne3A_1766 = arith.xori %lt3A_1763, %lt3A_1765 : i1
      %and3A_1767 = arith.andi %ne3A_1766, %ne3A_1761 : i1
      %add3A_1768 = arith.addi %rem3A_1759, %select_n3A_1758 : i32
      %select_n3A_1769 = arith.select %and3A_1767, %add3A_1768, %rem3A_1759 : i32
      %mul3A_1770 = arith.constant 64 : i32
      %mul3A_1771 = arith.muli %select_n3A_1769, %mul3A_1770 : i32
      %dma_start3A_1772 = tpu.memref_slice %arg6[%mul3A_1771] : memref<2048xi32, #tpu.memory_space<vmem>> -> memref<64xi32, #tpu.memory_space<vmem>>
      %dma_start3A_1773 = arith.constant 0 : i32
      %dma_start3A_1774 = arith.constant 0 : i32
      %dma_start3A_1775 = tpu.memref_slice %arg5[%dma_start3A_1773, %dma_start3A_1774] : memref<8192x128xf32, #tpu.memory_space<vmem_shared>> -> memref<8192x128xf32, #tpu.memory_space<vmem_shared>>
      tpu.enqueue_indirect_dma source(%dma_start3A_1775 : memref<8192x128xf32, #tpu.memory_space<vmem_shared>>) target(%arg13 : memref<64x128xf32, #tpu.memory_space<vmem>>) offsets(%dma_start3A_1772 : memref<64xi32, #tpu.memory_space<vmem>>) semaphore(%arg20 : memref<!tpu.dma_semaphore, #tpu.memory_space<semaphore_mem>>)
      %jit3A_1776 = arith.constant 32 : i32
      %eq3A_1777 = arith.constant 0 : i32
      %eq3A_1778 = arith.cmpi eq, %jit3A_1776, %eq3A_1777 : i32
      %jit3A_1779 = arith.constant 1 : i32
      %select_n3A_1780 = arith.select %eq3A_1778, %jit3A_1779, %jit3A_1776 : i32
      %rem3A_1781 = arith.remsi %add3A_1677, %select_n3A_1780 : i32
      %ne3A_1782 = arith.constant 0 : i32
      %ne3A_1783 = arith.cmpi ne, %rem3A_1781, %ne3A_1782 : i32
      %lt3A_1784 = arith.constant 0 : i32
      %lt3A_1785 = arith.cmpi slt, %rem3A_1781, %lt3A_1784 : i32
      %lt3A_1786 = arith.constant 0 : i32
      %lt3A_1787 = arith.cmpi slt, %select_n3A_1780, %lt3A_1786 : i32
      %ne3A_1788 = arith.xori %lt3A_1785, %lt3A_1787 : i1
      %and3A_1789 = arith.andi %ne3A_1788, %ne3A_1783 : i1
      %add3A_1790 = arith.addi %rem3A_1781, %select_n3A_1780 : i32
      %select_n3A_1791 = arith.select %and3A_1789, %add3A_1790, %rem3A_1781 : i32
      %mul3A_1792 = arith.constant 64 : i32
      %mul3A_1793 = arith.muli %select_n3A_1791, %mul3A_1792 : i32
      %add3A_1794 = arith.addi %mul3A_0, %mul3A_1793 : i32
      %mul3A_1795 = arith.constant 4 : i32
      %mul3A_1796 = arith.muli %arg0, %mul3A_1795 : i32
      %jit3A_1797 = arith.constant 32 : i32
      %div3A_1798 = arith.divsi %add3A_1677, %jit3A_1797 : i32
      %sign3A_1799 = arith.constant 0 : i32
      %sign3A_1800 = arith.cmpi sgt, %add3A_1677, %sign3A_1799 : i32
      %sign3A_1801 = arith.extui %sign3A_1800 : i1 to i32
      %sign3A_1802 = arith.constant 0 : i32
      %sign3A_1803 = arith.cmpi slt, %add3A_1677, %sign3A_1802 : i32
      %sign3A_1804 = arith.extui %sign3A_1803 : i1 to i32
      %sign3A_1805 = arith.subi %sign3A_1801, %sign3A_1804 : i32
      %sign3A_1806 = arith.constant 0 : i32
      %sign3A_1807 = arith.cmpi sgt, %jit3A_1797, %sign3A_1806 : i32
      %sign3A_1808 = arith.extui %sign3A_1807 : i1 to i32
      %sign3A_1809 = arith.constant 0 : i32
      %sign3A_1810 = arith.cmpi slt, %jit3A_1797, %sign3A_1809 : i32
      %sign3A_1811 = arith.extui %sign3A_1810 : i1 to i32
      %sign3A_1812 = arith.subi %sign3A_1808, %sign3A_1811 : i32
      %ne3A_1813 = arith.cmpi ne, %sign3A_1805, %sign3A_1812 : i32
      %rem3A_1814 = arith.remsi %add3A_1677, %jit3A_1797 : i32
      %ne3A_1815 = arith.constant 0 : i32
      %ne3A_1816 = arith.cmpi ne, %rem3A_1814, %ne3A_1815 : i32
      %and3A_1817 = arith.andi %ne3A_1813, %ne3A_1816 : i1
      %sub3A_1818 = arith.constant 1 : i32
      %sub3A_1819 = arith.subi %div3A_1798, %sub3A_1818 : i32
      %select_n3A_1820 = arith.select %and3A_1817, %sub3A_1819, %div3A_1798 : i32
      %add3A_1821 = arith.addi %mul3A_1796, %select_n3A_1820 : i32
      %mul3A_1822 = arith.constant 128 : i32
      %mul3A_1823 = arith.muli %add3A_1821, %mul3A_1822 : i32
      %dma_start3A_1824 = tpu.memref_slice %arg4[%add3A_1794, %mul3A_1823] : memref<32768x1024xf32, #tpu.memory_space<hbm>> -> memref<64x128xf32, #tpu.memory_space<hbm>>
      %dma_start3A_1825 = tpu.memref_slice %arg4[%add3A_1794, %mul3A_1823] : memref<32768x1024xf32, #tpu.memory_space<hbm>> -> memref<64x128xf32, #tpu.memory_space<hbm>>
      tpu.enqueue_dma source(%arg10 : memref<64x128xf32, #tpu.memory_space<vmem>>) target(%dma_start3A_1825 : memref<64x128xf32, #tpu.memory_space<hbm>>) target_semaphore(%arg17 : memref<!tpu.dma_semaphore, #tpu.memory_space<semaphore_mem>>)
    }
    %scan3A_335 = arith.constant 4 : i32
    %dma_wait3A_336 = arith.constant 1792 : i32
    %dma_wait3A_337 = tpu.memref_slice %arg6[%dma_wait3A_336] : memref<2048xi32, #tpu.memory_space<vmem>> -> memref<64xi32, #tpu.memory_space<vmem>>
    %dma_wait3A_338 = arith.constant 0 : i32
    %dma_wait3A_339 = arith.constant 0 : i32
    %dma_wait3A_340 = tpu.memref_slice %arg5[%dma_wait3A_338, %dma_wait3A_339] : memref<8192x128xf32, #tpu.memory_space<vmem_shared>> -> memref<8192x128xf32, #tpu.memory_space<vmem_shared>>
    tpu.wait_indirect_dma semaphore(%arg18 : memref<!tpu.dma_semaphore, #tpu.memory_space<semaphore_mem>>) src(%dma_wait3A_340 : memref<8192x128xf32, #tpu.memory_space<vmem_shared>>) dst(%arg11 : memref<64x128xf32, #tpu.memory_space<vmem>>)
    %add3A_341 = arith.constant 1536 : i32
    %add3A_342 = arith.addi %mul3A_0, %add3A_341 : i32
    %mul3A_343 = arith.constant 4 : i32
    %mul3A_344 = arith.muli %arg0, %mul3A_343 : i32
    %add3A_345 = arith.constant 1 : i32
    %add3A_346 = arith.addi %mul3A_344, %add3A_345 : i32
    %mul3A_347 = arith.constant 128 : i32
    %mul3A_348 = arith.muli %add3A_346, %mul3A_347 : i32
    %dma_wait3A_349 = tpu.memref_slice %arg4[%add3A_342, %mul3A_348] : memref<32768x1024xf32, #tpu.memory_space<hbm>> -> memref<64x128xf32, #tpu.memory_space<hbm>>
    %dma_wait3A_350 = tpu.memref_slice %arg4[%add3A_342, %mul3A_348] : memref<32768x1024xf32, #tpu.memory_space<hbm>> -> memref<64x128xf32, #tpu.memory_space<hbm>>
    tpu.wait_dma2 semaphore(%arg14 : memref<!tpu.dma_semaphore, #tpu.memory_space<semaphore_mem>>) src(%arg7 : memref<64x128xf32, #tpu.memory_space<vmem>>) dst(%dma_wait3A_350 : memref<64x128xf32, #tpu.memory_space<hbm>>)
    %dma_start3A_351 = arith.constant 1984 : i32
    %dma_start3A_352 = tpu.memref_slice %arg6[%dma_start3A_351] : memref<2048xi32, #tpu.memory_space<vmem>> -> memref<64xi32, #tpu.memory_space<vmem>>
    %dma_start3A_353 = arith.constant 0 : i32
    %dma_start3A_354 = arith.constant 0 : i32
    %dma_start3A_355 = tpu.memref_slice %arg5[%dma_start3A_353, %dma_start3A_354] : memref<8192x128xf32, #tpu.memory_space<vmem_shared>> -> memref<8192x128xf32, #tpu.memory_space<vmem_shared>>
    tpu.enqueue_indirect_dma source(%dma_start3A_355 : memref<8192x128xf32, #tpu.memory_space<vmem_shared>>) target(%arg7 : memref<64x128xf32, #tpu.memory_space<vmem>>) offsets(%dma_start3A_352 : memref<64xi32, #tpu.memory_space<vmem>>) semaphore(%arg14 : memref<!tpu.dma_semaphore, #tpu.memory_space<semaphore_mem>>)
    %add3A_356 = arith.constant 1792 : i32
    %add3A_357 = arith.addi %mul3A_0, %add3A_356 : i32
    %mul3A_358 = arith.constant 4 : i32
    %mul3A_359 = arith.muli %arg0, %mul3A_358 : i32
    %add3A_360 = arith.constant 1 : i32
    %add3A_361 = arith.addi %mul3A_359, %add3A_360 : i32
    %mul3A_362 = arith.constant 128 : i32
    %mul3A_363 = arith.muli %add3A_361, %mul3A_362 : i32
    %dma_start3A_364 = tpu.memref_slice %arg4[%add3A_357, %mul3A_363] : memref<32768x1024xf32, #tpu.memory_space<hbm>> -> memref<64x128xf32, #tpu.memory_space<hbm>>
    %dma_start3A_365 = tpu.memref_slice %arg4[%add3A_357, %mul3A_363] : memref<32768x1024xf32, #tpu.memory_space<hbm>> -> memref<64x128xf32, #tpu.memory_space<hbm>>
    tpu.enqueue_dma source(%arg11 : memref<64x128xf32, #tpu.memory_space<vmem>>) target(%dma_start3A_365 : memref<64x128xf32, #tpu.memory_space<hbm>>) target_semaphore(%arg18 : memref<!tpu.dma_semaphore, #tpu.memory_space<semaphore_mem>>)
    %dma_wait3A_366 = arith.constant 1856 : i32
    %dma_wait3A_367 = tpu.memref_slice %arg6[%dma_wait3A_366] : memref<2048xi32, #tpu.memory_space<vmem>> -> memref<64xi32, #tpu.memory_space<vmem>>
    %dma_wait3A_368 = arith.constant 0 : i32
    %dma_wait3A_369 = arith.constant 0 : i32
    %dma_wait3A_370 = tpu.memref_slice %arg5[%dma_wait3A_368, %dma_wait3A_369] : memref<8192x128xf32, #tpu.memory_space<vmem_shared>> -> memref<8192x128xf32, #tpu.memory_space<vmem_shared>>
    tpu.wait_indirect_dma semaphore(%arg19 : memref<!tpu.dma_semaphore, #tpu.memory_space<semaphore_mem>>) src(%dma_wait3A_370 : memref<8192x128xf32, #tpu.memory_space<vmem_shared>>) dst(%arg12 : memref<64x128xf32, #tpu.memory_space<vmem>>)
    %add3A_371 = arith.constant 1600 : i32
    %add3A_372 = arith.addi %mul3A_0, %add3A_371 : i32
    %mul3A_373 = arith.constant 4 : i32
    %mul3A_374 = arith.muli %arg0, %mul3A_373 : i32
    %add3A_375 = arith.constant 1 : i32
    %add3A_376 = arith.addi %mul3A_374, %add3A_375 : i32
    %mul3A_377 = arith.constant 128 : i32
    %mul3A_378 = arith.muli %add3A_376, %mul3A_377 : i32
    %dma_wait3A_379 = tpu.memref_slice %arg4[%add3A_372, %mul3A_378] : memref<32768x1024xf32, #tpu.memory_space<hbm>> -> memref<64x128xf32, #tpu.memory_space<hbm>>
    %dma_wait3A_380 = tpu.memref_slice %arg4[%add3A_372, %mul3A_378] : memref<32768x1024xf32, #tpu.memory_space<hbm>> -> memref<64x128xf32, #tpu.memory_space<hbm>>
    tpu.wait_dma2 semaphore(%arg15 : memref<!tpu.dma_semaphore, #tpu.memory_space<semaphore_mem>>) src(%arg8 : memref<64x128xf32, #tpu.memory_space<vmem>>) dst(%dma_wait3A_380 : memref<64x128xf32, #tpu.memory_space<hbm>>)
    %add3A_381 = arith.constant 1856 : i32
    %add3A_382 = arith.addi %mul3A_0, %add3A_381 : i32
    %mul3A_383 = arith.constant 4 : i32
    %mul3A_384 = arith.muli %arg0, %mul3A_383 : i32
    %add3A_385 = arith.constant 1 : i32
    %add3A_386 = arith.addi %mul3A_384, %add3A_385 : i32
    %mul3A_387 = arith.constant 128 : i32
    %mul3A_388 = arith.muli %add3A_386, %mul3A_387 : i32
    %dma_start3A_389 = tpu.memref_slice %arg4[%add3A_382, %mul3A_388] : memref<32768x1024xf32, #tpu.memory_space<hbm>> -> memref<64x128xf32, #tpu.memory_space<hbm>>
    %dma_start3A_390 = tpu.memref_slice %arg4[%add3A_382, %mul3A_388] : memref<32768x1024xf32, #tpu.memory_space<hbm>> -> memref<64x128xf32, #tpu.memory_space<hbm>>
    tpu.enqueue_dma source(%arg12 : memref<64x128xf32, #tpu.memory_space<vmem>>) target(%dma_start3A_390 : memref<64x128xf32, #tpu.memory_space<hbm>>) target_semaphore(%arg19 : memref<!tpu.dma_semaphore, #tpu.memory_space<semaphore_mem>>)
    %dma_wait3A_391 = arith.constant 1920 : i32
    %dma_wait3A_392 = tpu.memref_slice %arg6[%dma_wait3A_391] : memref<2048xi32, #tpu.memory_space<vmem>> -> memref<64xi32, #tpu.memory_space<vmem>>
    %dma_wait3A_393 = arith.constant 0 : i32
    %dma_wait3A_394 = arith.constant 0 : i32
    %dma_wait3A_395 = tpu.memref_slice %arg5[%dma_wait3A_393, %dma_wait3A_394] : memref<8192x128xf32, #tpu.memory_space<vmem_shared>> -> memref<8192x128xf32, #tpu.memory_space<vmem_shared>>
    tpu.wait_indirect_dma semaphore(%arg20 : memref<!tpu.dma_semaphore, #tpu.memory_space<semaphore_mem>>) src(%dma_wait3A_395 : memref<8192x128xf32, #tpu.memory_space<vmem_shared>>) dst(%arg13 : memref<64x128xf32, #tpu.memory_space<vmem>>)
    %add3A_396 = arith.constant 1664 : i32
    %add3A_397 = arith.addi %mul3A_0, %add3A_396 : i32
    %mul3A_398 = arith.constant 4 : i32
    %mul3A_399 = arith.muli %arg0, %mul3A_398 : i32
    %add3A_400 = arith.constant 1 : i32
    %add3A_401 = arith.addi %mul3A_399, %add3A_400 : i32
    %mul3A_402 = arith.constant 128 : i32
    %mul3A_403 = arith.muli %add3A_401, %mul3A_402 : i32
    %dma_wait3A_404 = tpu.memref_slice %arg4[%add3A_397, %mul3A_403] : memref<32768x1024xf32, #tpu.memory_space<hbm>> -> memref<64x128xf32, #tpu.memory_space<hbm>>
    %dma_wait3A_405 = tpu.memref_slice %arg4[%add3A_397, %mul3A_403] : memref<32768x1024xf32, #tpu.memory_space<hbm>> -> memref<64x128xf32, #tpu.memory_space<hbm>>
    tpu.wait_dma2 semaphore(%arg16 : memref<!tpu.dma_semaphore, #tpu.memory_space<semaphore_mem>>) src(%arg9 : memref<64x128xf32, #tpu.memory_space<vmem>>) dst(%dma_wait3A_405 : memref<64x128xf32, #tpu.memory_space<hbm>>)
    %add3A_406 = arith.constant 1920 : i32
    %add3A_407 = arith.addi %mul3A_0, %add3A_406 : i32
    %mul3A_408 = arith.constant 4 : i32
    %mul3A_409 = arith.muli %arg0, %mul3A_408 : i32
    %add3A_410 = arith.constant 1 : i32
    %add3A_411 = arith.addi %mul3A_409, %add3A_410 : i32
    %mul3A_412 = arith.constant 128 : i32
    %mul3A_413 = arith.muli %add3A_411, %mul3A_412 : i32
    %dma_start3A_414 = tpu.memref_slice %arg4[%add3A_407, %mul3A_413] : memref<32768x1024xf32, #tpu.memory_space<hbm>> -> memref<64x128xf32, #tpu.memory_space<hbm>>
    %dma_start3A_415 = tpu.memref_slice %arg4[%add3A_407, %mul3A_413] : memref<32768x1024xf32, #tpu.memory_space<hbm>> -> memref<64x128xf32, #tpu.memory_space<hbm>>
    tpu.enqueue_dma source(%arg13 : memref<64x128xf32, #tpu.memory_space<vmem>>) target(%dma_start3A_415 : memref<64x128xf32, #tpu.memory_space<hbm>>) target_semaphore(%arg20 : memref<!tpu.dma_semaphore, #tpu.memory_space<semaphore_mem>>)
    %dma_wait3A_416 = arith.constant 1984 : i32
    %dma_wait3A_417 = tpu.memref_slice %arg6[%dma_wait3A_416] : memref<2048xi32, #tpu.memory_space<vmem>> -> memref<64xi32, #tpu.memory_space<vmem>>
    %dma_wait3A_418 = arith.constant 0 : i32
    %dma_wait3A_419 = arith.constant 0 : i32
    %dma_wait3A_420 = tpu.memref_slice %arg5[%dma_wait3A_418, %dma_wait3A_419] : memref<8192x128xf32, #tpu.memory_space<vmem_shared>> -> memref<8192x128xf32, #tpu.memory_space<vmem_shared>>
    tpu.wait_indirect_dma semaphore(%arg14 : memref<!tpu.dma_semaphore, #tpu.memory_space<semaphore_mem>>) src(%dma_wait3A_420 : memref<8192x128xf32, #tpu.memory_space<vmem_shared>>) dst(%arg7 : memref<64x128xf32, #tpu.memory_space<vmem>>)
    %add3A_421 = arith.constant 1728 : i32
    %add3A_422 = arith.addi %mul3A_0, %add3A_421 : i32
    %mul3A_423 = arith.constant 4 : i32
    %mul3A_424 = arith.muli %arg0, %mul3A_423 : i32
    %add3A_425 = arith.constant 1 : i32
    %add3A_426 = arith.addi %mul3A_424, %add3A_425 : i32
    %mul3A_427 = arith.constant 128 : i32
    %mul3A_428 = arith.muli %add3A_426, %mul3A_427 : i32
    %dma_wait3A_429 = tpu.memref_slice %arg4[%add3A_422, %mul3A_428] : memref<32768x1024xf32, #tpu.memory_space<hbm>> -> memref<64x128xf32, #tpu.memory_space<hbm>>
    %dma_wait3A_430 = tpu.memref_slice %arg4[%add3A_422, %mul3A_428] : memref<32768x1024xf32, #tpu.memory_space<hbm>> -> memref<64x128xf32, #tpu.memory_space<hbm>>
    tpu.wait_dma2 semaphore(%arg17 : memref<!tpu.dma_semaphore, #tpu.memory_space<semaphore_mem>>) src(%arg10 : memref<64x128xf32, #tpu.memory_space<vmem>>) dst(%dma_wait3A_430 : memref<64x128xf32, #tpu.memory_space<hbm>>)
    %add3A_431 = arith.constant 1984 : i32
    %add3A_432 = arith.addi %mul3A_0, %add3A_431 : i32
    %mul3A_433 = arith.constant 4 : i32
    %mul3A_434 = arith.muli %arg0, %mul3A_433 : i32
    %add3A_435 = arith.constant 1 : i32
    %add3A_436 = arith.addi %mul3A_434, %add3A_435 : i32
    %mul3A_437 = arith.constant 128 : i32
    %mul3A_438 = arith.muli %add3A_436, %mul3A_437 : i32
    %dma_start3A_439 = tpu.memref_slice %arg4[%add3A_432, %mul3A_438] : memref<32768x1024xf32, #tpu.memory_space<hbm>> -> memref<64x128xf32, #tpu.memory_space<hbm>>
    %dma_start3A_440 = tpu.memref_slice %arg4[%add3A_432, %mul3A_438] : memref<32768x1024xf32, #tpu.memory_space<hbm>> -> memref<64x128xf32, #tpu.memory_space<hbm>>
    tpu.enqueue_dma source(%arg7 : memref<64x128xf32, #tpu.memory_space<vmem>>) target(%dma_start3A_440 : memref<64x128xf32, #tpu.memory_space<hbm>>) target_semaphore(%arg14 : memref<!tpu.dma_semaphore, #tpu.memory_space<semaphore_mem>>)
    %barrier3A_441 = arith.constant 0 : index
    tpu.barrier barrier_id(%barrier3A_441)
    %mul3A_442 = arith.constant 512 : i32
    %mul3A_443 = arith.muli %arg1, %mul3A_442 : i32
    %mul3A_444 = arith.constant 4 : i32
    %mul3A_445 = arith.muli %arg0, %mul3A_444 : i32
    %add3A_446 = arith.constant 2 : i32
    %add3A_447 = arith.addi %mul3A_445, %add3A_446 : i32
    %mul3A_448 = arith.constant 128 : i32
    %mul3A_449 = arith.muli %add3A_447, %mul3A_448 : i32
    %mul3A_450 = arith.constant 512 : i32
    %mul3A_451 = arith.muli %arg1, %mul3A_450 : i32
    "tpu.region"() ({
      %run_scoped3A = tpu.sem_alloc : memref<!tpu.dma_semaphore, #tpu.memory_space<semaphore_mem>>
      %dma_start3A_757 = arith.constant 0 : i32
      %dma_start3A_758 = tpu.memref_slice %arg5[%mul3A_451, %dma_start3A_757] : memref<8192x128xf32, #tpu.memory_space<vmem_shared>> -> memref<512x128xf32, #tpu.memory_space<vmem_shared>>
      %dma_start3A_759 = tpu.memref_slice %arg3[%mul3A_443, %mul3A_449] : memref<8192x1024xf32, #tpu.memory_space<hbm>> -> memref<512x128xf32, #tpu.memory_space<hbm>>
      tpu.enqueue_dma source(%dma_start3A_759 : memref<512x128xf32, #tpu.memory_space<hbm>>) target(%dma_start3A_758 : memref<512x128xf32, #tpu.memory_space<vmem_shared>>) target_semaphore(%run_scoped3A : memref<!tpu.dma_semaphore, #tpu.memory_space<semaphore_mem>>)
      %dma_wait3A_760 = arith.constant 0 : i32
      %dma_wait3A_761 = tpu.memref_slice %arg5[%mul3A_451, %dma_wait3A_760] : memref<8192x128xf32, #tpu.memory_space<vmem_shared>> -> memref<512x128xf32, #tpu.memory_space<vmem_shared>>
      %dma_wait3A_762 = tpu.memref_slice %arg3[%mul3A_443, %mul3A_449] : memref<8192x1024xf32, #tpu.memory_space<hbm>> -> memref<512x128xf32, #tpu.memory_space<hbm>>
      tpu.wait_dma2 semaphore(%run_scoped3A : memref<!tpu.dma_semaphore, #tpu.memory_space<semaphore_mem>>) src(%dma_wait3A_762 : memref<512x128xf32, #tpu.memory_space<hbm>>) dst(%dma_wait3A_761 : memref<512x128xf32, #tpu.memory_space<vmem_shared>>)
      tpu.yield
    }) : () -> ()
    %barrier3A_452 = arith.constant 0 : index
    tpu.barrier barrier_id(%barrier3A_452)
    %dma_start3A_453 = arith.constant 0 : i32
    %dma_start3A_454 = tpu.memref_slice %arg6[%dma_start3A_453] : memref<2048xi32, #tpu.memory_space<vmem>> -> memref<64xi32, #tpu.memory_space<vmem>>
    %dma_start3A_455 = arith.constant 0 : i32
    %dma_start3A_456 = arith.constant 0 : i32
    %dma_start3A_457 = tpu.memref_slice %arg5[%dma_start3A_455, %dma_start3A_456] : memref<8192x128xf32, #tpu.memory_space<vmem_shared>> -> memref<8192x128xf32, #tpu.memory_space<vmem_shared>>
    tpu.enqueue_indirect_dma source(%dma_start3A_457 : memref<8192x128xf32, #tpu.memory_space<vmem_shared>>) target(%arg8 : memref<64x128xf32, #tpu.memory_space<vmem>>) offsets(%dma_start3A_454 : memref<64xi32, #tpu.memory_space<vmem>>) semaphore(%arg15 : memref<!tpu.dma_semaphore, #tpu.memory_space<semaphore_mem>>)
    %dma_start3A_458 = arith.constant 64 : i32
    %dma_start3A_459 = tpu.memref_slice %arg6[%dma_start3A_458] : memref<2048xi32, #tpu.memory_space<vmem>> -> memref<64xi32, #tpu.memory_space<vmem>>
    %dma_start3A_460 = arith.constant 0 : i32
    %dma_start3A_461 = arith.constant 0 : i32
    %dma_start3A_462 = tpu.memref_slice %arg5[%dma_start3A_460, %dma_start3A_461] : memref<8192x128xf32, #tpu.memory_space<vmem_shared>> -> memref<8192x128xf32, #tpu.memory_space<vmem_shared>>
    tpu.enqueue_indirect_dma source(%dma_start3A_462 : memref<8192x128xf32, #tpu.memory_space<vmem_shared>>) target(%arg9 : memref<64x128xf32, #tpu.memory_space<vmem>>) offsets(%dma_start3A_459 : memref<64xi32, #tpu.memory_space<vmem>>) semaphore(%arg16 : memref<!tpu.dma_semaphore, #tpu.memory_space<semaphore_mem>>)
    %dma_start3A_463 = arith.constant 128 : i32
    %dma_start3A_464 = tpu.memref_slice %arg6[%dma_start3A_463] : memref<2048xi32, #tpu.memory_space<vmem>> -> memref<64xi32, #tpu.memory_space<vmem>>
    %dma_start3A_465 = arith.constant 0 : i32
    %dma_start3A_466 = arith.constant 0 : i32
    %dma_start3A_467 = tpu.memref_slice %arg5[%dma_start3A_465, %dma_start3A_466] : memref<8192x128xf32, #tpu.memory_space<vmem_shared>> -> memref<8192x128xf32, #tpu.memory_space<vmem_shared>>
    tpu.enqueue_indirect_dma source(%dma_start3A_467 : memref<8192x128xf32, #tpu.memory_space<vmem_shared>>) target(%arg10 : memref<64x128xf32, #tpu.memory_space<vmem>>) offsets(%dma_start3A_464 : memref<64xi32, #tpu.memory_space<vmem>>) semaphore(%arg17 : memref<!tpu.dma_semaphore, #tpu.memory_space<semaphore_mem>>)
    %scan3A_468 = arith.constant 0 : i32
    %scan3A_469 = arith.constant 0 : i32
    %scan3A_470 = arith.constant 4 : i32
    %scan3A_471 = arith.addi %scan3A_469, %scan3A_470 : i32
    %scan3A_472 = arith.constant 1 : i32
    scf.for %scan3A_757 = %scan3A_469 to %scan3A_471 step %scan3A_472  : i32 {
      %mul3A_758 = arith.constant 7 : i32
      %mul3A_759 = arith.muli %scan3A_757, %mul3A_758 : i32
      %add3A_760 = arith.constant 64 : i32
      %add3A_761 = arith.addi %add3A_760, %mul3A_759 : i32
      %add3A_762 = arith.constant 0 : i32
      %add3A_763 = arith.addi %add3A_761, %add3A_762 : i32
      %jit3A = arith.constant 32 : i32
      %eq3A = arith.constant 0 : i32
      %eq3A_764 = arith.cmpi eq, %jit3A, %eq3A : i32
      %jit3A_765 = arith.constant 1 : i32
      %select_n3A = arith.select %eq3A_764, %jit3A_765, %jit3A : i32
      %rem3A = arith.remsi %add3A_763, %select_n3A : i32
      %ne3A = arith.constant 0 : i32
      %ne3A_766 = arith.cmpi ne, %rem3A, %ne3A : i32
      %lt3A = arith.constant 0 : i32
      %lt3A_767 = arith.cmpi slt, %rem3A, %lt3A : i32
      %lt3A_768 = arith.constant 0 : i32
      %lt3A_769 = arith.cmpi slt, %select_n3A, %lt3A_768 : i32
      %ne3A_770 = arith.xori %lt3A_767, %lt3A_769 : i1
      %and3A = arith.andi %ne3A_770, %ne3A_766 : i1
      %add3A_771 = arith.addi %rem3A, %select_n3A : i32
      %select_n3A_772 = arith.select %and3A, %add3A_771, %rem3A : i32
      %mul3A_773 = arith.constant 64 : i32
      %mul3A_774 = arith.muli %select_n3A_772, %mul3A_773 : i32
      %dma_wait3A_775 = tpu.memref_slice %arg6[%mul3A_774] : memref<2048xi32, #tpu.memory_space<vmem>> -> memref<64xi32, #tpu.memory_space<vmem>>
      %dma_wait3A_776 = arith.constant 0 : i32
      %dma_wait3A_777 = arith.constant 0 : i32
      %dma_wait3A_778 = tpu.memref_slice %arg5[%dma_wait3A_776, %dma_wait3A_777] : memref<8192x128xf32, #tpu.memory_space<vmem_shared>> -> memref<8192x128xf32, #tpu.memory_space<vmem_shared>>
      tpu.wait_indirect_dma semaphore(%arg15 : memref<!tpu.dma_semaphore, #tpu.memory_space<semaphore_mem>>) src(%dma_wait3A_778 : memref<8192x128xf32, #tpu.memory_space<vmem_shared>>) dst(%arg8 : memref<64x128xf32, #tpu.memory_space<vmem>>)
      %sub3A = arith.constant 4 : i32
      %sub3A_779 = arith.subi %add3A_763, %sub3A : i32
      %jit3A_780 = arith.constant 32 : i32
      %eq3A_781 = arith.constant 0 : i32
      %eq3A_782 = arith.cmpi eq, %jit3A_780, %eq3A_781 : i32
      %jit3A_783 = arith.constant 1 : i32
      %select_n3A_784 = arith.select %eq3A_782, %jit3A_783, %jit3A_780 : i32
      %rem3A_785 = arith.remsi %sub3A_779, %select_n3A_784 : i32
      %ne3A_786 = arith.constant 0 : i32
      %ne3A_787 = arith.cmpi ne, %rem3A_785, %ne3A_786 : i32
      %lt3A_788 = arith.constant 0 : i32
      %lt3A_789 = arith.cmpi slt, %rem3A_785, %lt3A_788 : i32
      %lt3A_790 = arith.constant 0 : i32
      %lt3A_791 = arith.cmpi slt, %select_n3A_784, %lt3A_790 : i32
      %ne3A_792 = arith.xori %lt3A_789, %lt3A_791 : i1
      %and3A_793 = arith.andi %ne3A_792, %ne3A_787 : i1
      %add3A_794 = arith.addi %rem3A_785, %select_n3A_784 : i32
      %select_n3A_795 = arith.select %and3A_793, %add3A_794, %rem3A_785 : i32
      %mul3A_796 = arith.constant 64 : i32
      %mul3A_797 = arith.muli %select_n3A_795, %mul3A_796 : i32
      %add3A_798 = arith.addi %mul3A_0, %mul3A_797 : i32
      %mul3A_799 = arith.constant 4 : i32
      %mul3A_800 = arith.muli %arg0, %mul3A_799 : i32
      %jit3A_801 = arith.constant 32 : i32
      %div3A = arith.divsi %sub3A_779, %jit3A_801 : i32
      %sign3A = arith.constant 0 : i32
      %sign3A_802 = arith.cmpi sgt, %sub3A_779, %sign3A : i32
      %sign3A_803 = arith.extui %sign3A_802 : i1 to i32
      %sign3A_804 = arith.constant 0 : i32
      %sign3A_805 = arith.cmpi slt, %sub3A_779, %sign3A_804 : i32
      %sign3A_806 = arith.extui %sign3A_805 : i1 to i32
      %sign3A_807 = arith.subi %sign3A_803, %sign3A_806 : i32
      %sign3A_808 = arith.constant 0 : i32
      %sign3A_809 = arith.cmpi sgt, %jit3A_801, %sign3A_808 : i32
      %sign3A_810 = arith.extui %sign3A_809 : i1 to i32
      %sign3A_811 = arith.constant 0 : i32
      %sign3A_812 = arith.cmpi slt, %jit3A_801, %sign3A_811 : i32
      %sign3A_813 = arith.extui %sign3A_812 : i1 to i32
      %sign3A_814 = arith.subi %sign3A_810, %sign3A_813 : i32
      %ne3A_815 = arith.cmpi ne, %sign3A_807, %sign3A_814 : i32
      %rem3A_816 = arith.remsi %sub3A_779, %jit3A_801 : i32
      %ne3A_817 = arith.constant 0 : i32
      %ne3A_818 = arith.cmpi ne, %rem3A_816, %ne3A_817 : i32
      %and3A_819 = arith.andi %ne3A_815, %ne3A_818 : i1
      %sub3A_820 = arith.constant 1 : i32
      %sub3A_821 = arith.subi %div3A, %sub3A_820 : i32
      %select_n3A_822 = arith.select %and3A_819, %sub3A_821, %div3A : i32
      %add3A_823 = arith.addi %mul3A_800, %select_n3A_822 : i32
      %mul3A_824 = arith.constant 128 : i32
      %mul3A_825 = arith.muli %add3A_823, %mul3A_824 : i32
      %dma_wait3A_826 = tpu.memref_slice %arg4[%add3A_798, %mul3A_825] : memref<32768x1024xf32, #tpu.memory_space<hbm>> -> memref<64x128xf32, #tpu.memory_space<hbm>>
      %dma_wait3A_827 = tpu.memref_slice %arg4[%add3A_798, %mul3A_825] : memref<32768x1024xf32, #tpu.memory_space<hbm>> -> memref<64x128xf32, #tpu.memory_space<hbm>>
      tpu.wait_dma2 semaphore(%arg18 : memref<!tpu.dma_semaphore, #tpu.memory_space<semaphore_mem>>) src(%arg11 : memref<64x128xf32, #tpu.memory_space<vmem>>) dst(%dma_wait3A_827 : memref<64x128xf32, #tpu.memory_space<hbm>>)
      %add3A_828 = arith.constant 3 : i32
      %add3A_829 = arith.addi %add3A_763, %add3A_828 : i32
      %jit3A_830 = arith.constant 32 : i32
      %eq3A_831 = arith.constant 0 : i32
      %eq3A_832 = arith.cmpi eq, %jit3A_830, %eq3A_831 : i32
      %jit3A_833 = arith.constant 1 : i32
      %select_n3A_834 = arith.select %eq3A_832, %jit3A_833, %jit3A_830 : i32
      %rem3A_835 = arith.remsi %add3A_829, %select_n3A_834 : i32
      %ne3A_836 = arith.constant 0 : i32
      %ne3A_837 = arith.cmpi ne, %rem3A_835, %ne3A_836 : i32
      %lt3A_838 = arith.constant 0 : i32
      %lt3A_839 = arith.cmpi slt, %rem3A_835, %lt3A_838 : i32
      %lt3A_840 = arith.constant 0 : i32
      %lt3A_841 = arith.cmpi slt, %select_n3A_834, %lt3A_840 : i32
      %ne3A_842 = arith.xori %lt3A_839, %lt3A_841 : i1
      %and3A_843 = arith.andi %ne3A_842, %ne3A_837 : i1
      %add3A_844 = arith.addi %rem3A_835, %select_n3A_834 : i32
      %select_n3A_845 = arith.select %and3A_843, %add3A_844, %rem3A_835 : i32
      %mul3A_846 = arith.constant 64 : i32
      %mul3A_847 = arith.muli %select_n3A_845, %mul3A_846 : i32
      %dma_start3A_848 = tpu.memref_slice %arg6[%mul3A_847] : memref<2048xi32, #tpu.memory_space<vmem>> -> memref<64xi32, #tpu.memory_space<vmem>>
      %dma_start3A_849 = arith.constant 0 : i32
      %dma_start3A_850 = arith.constant 0 : i32
      %dma_start3A_851 = tpu.memref_slice %arg5[%dma_start3A_849, %dma_start3A_850] : memref<8192x128xf32, #tpu.memory_space<vmem_shared>> -> memref<8192x128xf32, #tpu.memory_space<vmem_shared>>
      tpu.enqueue_indirect_dma source(%dma_start3A_851 : memref<8192x128xf32, #tpu.memory_space<vmem_shared>>) target(%arg11 : memref<64x128xf32, #tpu.memory_space<vmem>>) offsets(%dma_start3A_848 : memref<64xi32, #tpu.memory_space<vmem>>) semaphore(%arg18 : memref<!tpu.dma_semaphore, #tpu.memory_space<semaphore_mem>>)
      %jit3A_852 = arith.constant 32 : i32
      %eq3A_853 = arith.constant 0 : i32
      %eq3A_854 = arith.cmpi eq, %jit3A_852, %eq3A_853 : i32
      %jit3A_855 = arith.constant 1 : i32
      %select_n3A_856 = arith.select %eq3A_854, %jit3A_855, %jit3A_852 : i32
      %rem3A_857 = arith.remsi %add3A_763, %select_n3A_856 : i32
      %ne3A_858 = arith.constant 0 : i32
      %ne3A_859 = arith.cmpi ne, %rem3A_857, %ne3A_858 : i32
      %lt3A_860 = arith.constant 0 : i32
      %lt3A_861 = arith.cmpi slt, %rem3A_857, %lt3A_860 : i32
      %lt3A_862 = arith.constant 0 : i32
      %lt3A_863 = arith.cmpi slt, %select_n3A_856, %lt3A_862 : i32
      %ne3A_864 = arith.xori %lt3A_861, %lt3A_863 : i1
      %and3A_865 = arith.andi %ne3A_864, %ne3A_859 : i1
      %add3A_866 = arith.addi %rem3A_857, %select_n3A_856 : i32
      %select_n3A_867 = arith.select %and3A_865, %add3A_866, %rem3A_857 : i32
      %mul3A_868 = arith.constant 64 : i32
      %mul3A_869 = arith.muli %select_n3A_867, %mul3A_868 : i32
      %add3A_870 = arith.addi %mul3A_0, %mul3A_869 : i32
      %mul3A_871 = arith.constant 4 : i32
      %mul3A_872 = arith.muli %arg0, %mul3A_871 : i32
      %jit3A_873 = arith.constant 32 : i32
      %div3A_874 = arith.divsi %add3A_763, %jit3A_873 : i32
      %sign3A_875 = arith.constant 0 : i32
      %sign3A_876 = arith.cmpi sgt, %add3A_763, %sign3A_875 : i32
      %sign3A_877 = arith.extui %sign3A_876 : i1 to i32
      %sign3A_878 = arith.constant 0 : i32
      %sign3A_879 = arith.cmpi slt, %add3A_763, %sign3A_878 : i32
      %sign3A_880 = arith.extui %sign3A_879 : i1 to i32
      %sign3A_881 = arith.subi %sign3A_877, %sign3A_880 : i32
      %sign3A_882 = arith.constant 0 : i32
      %sign3A_883 = arith.cmpi sgt, %jit3A_873, %sign3A_882 : i32
      %sign3A_884 = arith.extui %sign3A_883 : i1 to i32
      %sign3A_885 = arith.constant 0 : i32
      %sign3A_886 = arith.cmpi slt, %jit3A_873, %sign3A_885 : i32
      %sign3A_887 = arith.extui %sign3A_886 : i1 to i32
      %sign3A_888 = arith.subi %sign3A_884, %sign3A_887 : i32
      %ne3A_889 = arith.cmpi ne, %sign3A_881, %sign3A_888 : i32
      %rem3A_890 = arith.remsi %add3A_763, %jit3A_873 : i32
      %ne3A_891 = arith.constant 0 : i32
      %ne3A_892 = arith.cmpi ne, %rem3A_890, %ne3A_891 : i32
      %and3A_893 = arith.andi %ne3A_889, %ne3A_892 : i1
      %sub3A_894 = arith.constant 1 : i32
      %sub3A_895 = arith.subi %div3A_874, %sub3A_894 : i32
      %select_n3A_896 = arith.select %and3A_893, %sub3A_895, %div3A_874 : i32
      %add3A_897 = arith.addi %mul3A_872, %select_n3A_896 : i32
      %mul3A_898 = arith.constant 128 : i32
      %mul3A_899 = arith.muli %add3A_897, %mul3A_898 : i32
      %dma_start3A_900 = tpu.memref_slice %arg4[%add3A_870, %mul3A_899] : memref<32768x1024xf32, #tpu.memory_space<hbm>> -> memref<64x128xf32, #tpu.memory_space<hbm>>
      %dma_start3A_901 = tpu.memref_slice %arg4[%add3A_870, %mul3A_899] : memref<32768x1024xf32, #tpu.memory_space<hbm>> -> memref<64x128xf32, #tpu.memory_space<hbm>>
      tpu.enqueue_dma source(%arg8 : memref<64x128xf32, #tpu.memory_space<vmem>>) target(%dma_start3A_901 : memref<64x128xf32, #tpu.memory_space<hbm>>) target_semaphore(%arg15 : memref<!tpu.dma_semaphore, #tpu.memory_space<semaphore_mem>>)
      %mul3A_902 = arith.constant 7 : i32
      %mul3A_903 = arith.muli %scan3A_757, %mul3A_902 : i32
      %add3A_904 = arith.constant 64 : i32
      %add3A_905 = arith.addi %add3A_904, %mul3A_903 : i32
      %add3A_906 = arith.constant 1 : i32
      %add3A_907 = arith.addi %add3A_905, %add3A_906 : i32
      %jit3A_908 = arith.constant 32 : i32
      %eq3A_909 = arith.constant 0 : i32
      %eq3A_910 = arith.cmpi eq, %jit3A_908, %eq3A_909 : i32
      %jit3A_911 = arith.constant 1 : i32
      %select_n3A_912 = arith.select %eq3A_910, %jit3A_911, %jit3A_908 : i32
      %rem3A_913 = arith.remsi %add3A_907, %select_n3A_912 : i32
      %ne3A_914 = arith.constant 0 : i32
      %ne3A_915 = arith.cmpi ne, %rem3A_913, %ne3A_914 : i32
      %lt3A_916 = arith.constant 0 : i32
      %lt3A_917 = arith.cmpi slt, %rem3A_913, %lt3A_916 : i32
      %lt3A_918 = arith.constant 0 : i32
      %lt3A_919 = arith.cmpi slt, %select_n3A_912, %lt3A_918 : i32
      %ne3A_920 = arith.xori %lt3A_917, %lt3A_919 : i1
      %and3A_921 = arith.andi %ne3A_920, %ne3A_915 : i1
      %add3A_922 = arith.addi %rem3A_913, %select_n3A_912 : i32
      %select_n3A_923 = arith.select %and3A_921, %add3A_922, %rem3A_913 : i32
      %mul3A_924 = arith.constant 64 : i32
      %mul3A_925 = arith.muli %select_n3A_923, %mul3A_924 : i32
      %dma_wait3A_926 = tpu.memref_slice %arg6[%mul3A_925] : memref<2048xi32, #tpu.memory_space<vmem>> -> memref<64xi32, #tpu.memory_space<vmem>>
      %dma_wait3A_927 = arith.constant 0 : i32
      %dma_wait3A_928 = arith.constant 0 : i32
      %dma_wait3A_929 = tpu.memref_slice %arg5[%dma_wait3A_927, %dma_wait3A_928] : memref<8192x128xf32, #tpu.memory_space<vmem_shared>> -> memref<8192x128xf32, #tpu.memory_space<vmem_shared>>
      tpu.wait_indirect_dma semaphore(%arg16 : memref<!tpu.dma_semaphore, #tpu.memory_space<semaphore_mem>>) src(%dma_wait3A_929 : memref<8192x128xf32, #tpu.memory_space<vmem_shared>>) dst(%arg9 : memref<64x128xf32, #tpu.memory_space<vmem>>)
      %sub3A_930 = arith.constant 4 : i32
      %sub3A_931 = arith.subi %add3A_907, %sub3A_930 : i32
      %jit3A_932 = arith.constant 32 : i32
      %eq3A_933 = arith.constant 0 : i32
      %eq3A_934 = arith.cmpi eq, %jit3A_932, %eq3A_933 : i32
      %jit3A_935 = arith.constant 1 : i32
      %select_n3A_936 = arith.select %eq3A_934, %jit3A_935, %jit3A_932 : i32
      %rem3A_937 = arith.remsi %sub3A_931, %select_n3A_936 : i32
      %ne3A_938 = arith.constant 0 : i32
      %ne3A_939 = arith.cmpi ne, %rem3A_937, %ne3A_938 : i32
      %lt3A_940 = arith.constant 0 : i32
      %lt3A_941 = arith.cmpi slt, %rem3A_937, %lt3A_940 : i32
      %lt3A_942 = arith.constant 0 : i32
      %lt3A_943 = arith.cmpi slt, %select_n3A_936, %lt3A_942 : i32
      %ne3A_944 = arith.xori %lt3A_941, %lt3A_943 : i1
      %and3A_945 = arith.andi %ne3A_944, %ne3A_939 : i1
      %add3A_946 = arith.addi %rem3A_937, %select_n3A_936 : i32
      %select_n3A_947 = arith.select %and3A_945, %add3A_946, %rem3A_937 : i32
      %mul3A_948 = arith.constant 64 : i32
      %mul3A_949 = arith.muli %select_n3A_947, %mul3A_948 : i32
      %add3A_950 = arith.addi %mul3A_0, %mul3A_949 : i32
      %mul3A_951 = arith.constant 4 : i32
      %mul3A_952 = arith.muli %arg0, %mul3A_951 : i32
      %jit3A_953 = arith.constant 32 : i32
      %div3A_954 = arith.divsi %sub3A_931, %jit3A_953 : i32
      %sign3A_955 = arith.constant 0 : i32
      %sign3A_956 = arith.cmpi sgt, %sub3A_931, %sign3A_955 : i32
      %sign3A_957 = arith.extui %sign3A_956 : i1 to i32
      %sign3A_958 = arith.constant 0 : i32
      %sign3A_959 = arith.cmpi slt, %sub3A_931, %sign3A_958 : i32
      %sign3A_960 = arith.extui %sign3A_959 : i1 to i32
      %sign3A_961 = arith.subi %sign3A_957, %sign3A_960 : i32
      %sign3A_962 = arith.constant 0 : i32
      %sign3A_963 = arith.cmpi sgt, %jit3A_953, %sign3A_962 : i32
      %sign3A_964 = arith.extui %sign3A_963 : i1 to i32
      %sign3A_965 = arith.constant 0 : i32
      %sign3A_966 = arith.cmpi slt, %jit3A_953, %sign3A_965 : i32
      %sign3A_967 = arith.extui %sign3A_966 : i1 to i32
      %sign3A_968 = arith.subi %sign3A_964, %sign3A_967 : i32
      %ne3A_969 = arith.cmpi ne, %sign3A_961, %sign3A_968 : i32
      %rem3A_970 = arith.remsi %sub3A_931, %jit3A_953 : i32
      %ne3A_971 = arith.constant 0 : i32
      %ne3A_972 = arith.cmpi ne, %rem3A_970, %ne3A_971 : i32
      %and3A_973 = arith.andi %ne3A_969, %ne3A_972 : i1
      %sub3A_974 = arith.constant 1 : i32
      %sub3A_975 = arith.subi %div3A_954, %sub3A_974 : i32
      %select_n3A_976 = arith.select %and3A_973, %sub3A_975, %div3A_954 : i32
      %add3A_977 = arith.addi %mul3A_952, %select_n3A_976 : i32
      %mul3A_978 = arith.constant 128 : i32
      %mul3A_979 = arith.muli %add3A_977, %mul3A_978 : i32
      %dma_wait3A_980 = tpu.memref_slice %arg4[%add3A_950, %mul3A_979] : memref<32768x1024xf32, #tpu.memory_space<hbm>> -> memref<64x128xf32, #tpu.memory_space<hbm>>
      %dma_wait3A_981 = tpu.memref_slice %arg4[%add3A_950, %mul3A_979] : memref<32768x1024xf32, #tpu.memory_space<hbm>> -> memref<64x128xf32, #tpu.memory_space<hbm>>
      tpu.wait_dma2 semaphore(%arg19 : memref<!tpu.dma_semaphore, #tpu.memory_space<semaphore_mem>>) src(%arg12 : memref<64x128xf32, #tpu.memory_space<vmem>>) dst(%dma_wait3A_981 : memref<64x128xf32, #tpu.memory_space<hbm>>)
      %add3A_982 = arith.constant 3 : i32
      %add3A_983 = arith.addi %add3A_907, %add3A_982 : i32
      %jit3A_984 = arith.constant 32 : i32
      %eq3A_985 = arith.constant 0 : i32
      %eq3A_986 = arith.cmpi eq, %jit3A_984, %eq3A_985 : i32
      %jit3A_987 = arith.constant 1 : i32
      %select_n3A_988 = arith.select %eq3A_986, %jit3A_987, %jit3A_984 : i32
      %rem3A_989 = arith.remsi %add3A_983, %select_n3A_988 : i32
      %ne3A_990 = arith.constant 0 : i32
      %ne3A_991 = arith.cmpi ne, %rem3A_989, %ne3A_990 : i32
      %lt3A_992 = arith.constant 0 : i32
      %lt3A_993 = arith.cmpi slt, %rem3A_989, %lt3A_992 : i32
      %lt3A_994 = arith.constant 0 : i32
      %lt3A_995 = arith.cmpi slt, %select_n3A_988, %lt3A_994 : i32
      %ne3A_996 = arith.xori %lt3A_993, %lt3A_995 : i1
      %and3A_997 = arith.andi %ne3A_996, %ne3A_991 : i1
      %add3A_998 = arith.addi %rem3A_989, %select_n3A_988 : i32
      %select_n3A_999 = arith.select %and3A_997, %add3A_998, %rem3A_989 : i32
      %mul3A_1000 = arith.constant 64 : i32
      %mul3A_1001 = arith.muli %select_n3A_999, %mul3A_1000 : i32
      %dma_start3A_1002 = tpu.memref_slice %arg6[%mul3A_1001] : memref<2048xi32, #tpu.memory_space<vmem>> -> memref<64xi32, #tpu.memory_space<vmem>>
      %dma_start3A_1003 = arith.constant 0 : i32
      %dma_start3A_1004 = arith.constant 0 : i32
      %dma_start3A_1005 = tpu.memref_slice %arg5[%dma_start3A_1003, %dma_start3A_1004] : memref<8192x128xf32, #tpu.memory_space<vmem_shared>> -> memref<8192x128xf32, #tpu.memory_space<vmem_shared>>
      tpu.enqueue_indirect_dma source(%dma_start3A_1005 : memref<8192x128xf32, #tpu.memory_space<vmem_shared>>) target(%arg12 : memref<64x128xf32, #tpu.memory_space<vmem>>) offsets(%dma_start3A_1002 : memref<64xi32, #tpu.memory_space<vmem>>) semaphore(%arg19 : memref<!tpu.dma_semaphore, #tpu.memory_space<semaphore_mem>>)
      %jit3A_1006 = arith.constant 32 : i32
      %eq3A_1007 = arith.constant 0 : i32
      %eq3A_1008 = arith.cmpi eq, %jit3A_1006, %eq3A_1007 : i32
      %jit3A_1009 = arith.constant 1 : i32
      %select_n3A_1010 = arith.select %eq3A_1008, %jit3A_1009, %jit3A_1006 : i32
      %rem3A_1011 = arith.remsi %add3A_907, %select_n3A_1010 : i32
      %ne3A_1012 = arith.constant 0 : i32
      %ne3A_1013 = arith.cmpi ne, %rem3A_1011, %ne3A_1012 : i32
      %lt3A_1014 = arith.constant 0 : i32
      %lt3A_1015 = arith.cmpi slt, %rem3A_1011, %lt3A_1014 : i32
      %lt3A_1016 = arith.constant 0 : i32
      %lt3A_1017 = arith.cmpi slt, %select_n3A_1010, %lt3A_1016 : i32
      %ne3A_1018 = arith.xori %lt3A_1015, %lt3A_1017 : i1
      %and3A_1019 = arith.andi %ne3A_1018, %ne3A_1013 : i1
      %add3A_1020 = arith.addi %rem3A_1011, %select_n3A_1010 : i32
      %select_n3A_1021 = arith.select %and3A_1019, %add3A_1020, %rem3A_1011 : i32
      %mul3A_1022 = arith.constant 64 : i32
      %mul3A_1023 = arith.muli %select_n3A_1021, %mul3A_1022 : i32
      %add3A_1024 = arith.addi %mul3A_0, %mul3A_1023 : i32
      %mul3A_1025 = arith.constant 4 : i32
      %mul3A_1026 = arith.muli %arg0, %mul3A_1025 : i32
      %jit3A_1027 = arith.constant 32 : i32
      %div3A_1028 = arith.divsi %add3A_907, %jit3A_1027 : i32
      %sign3A_1029 = arith.constant 0 : i32
      %sign3A_1030 = arith.cmpi sgt, %add3A_907, %sign3A_1029 : i32
      %sign3A_1031 = arith.extui %sign3A_1030 : i1 to i32
      %sign3A_1032 = arith.constant 0 : i32
      %sign3A_1033 = arith.cmpi slt, %add3A_907, %sign3A_1032 : i32
      %sign3A_1034 = arith.extui %sign3A_1033 : i1 to i32
      %sign3A_1035 = arith.subi %sign3A_1031, %sign3A_1034 : i32
      %sign3A_1036 = arith.constant 0 : i32
      %sign3A_1037 = arith.cmpi sgt, %jit3A_1027, %sign3A_1036 : i32
      %sign3A_1038 = arith.extui %sign3A_1037 : i1 to i32
      %sign3A_1039 = arith.constant 0 : i32
      %sign3A_1040 = arith.cmpi slt, %jit3A_1027, %sign3A_1039 : i32
      %sign3A_1041 = arith.extui %sign3A_1040 : i1 to i32
      %sign3A_1042 = arith.subi %sign3A_1038, %sign3A_1041 : i32
      %ne3A_1043 = arith.cmpi ne, %sign3A_1035, %sign3A_1042 : i32
      %rem3A_1044 = arith.remsi %add3A_907, %jit3A_1027 : i32
      %ne3A_1045 = arith.constant 0 : i32
      %ne3A_1046 = arith.cmpi ne, %rem3A_1044, %ne3A_1045 : i32
      %and3A_1047 = arith.andi %ne3A_1043, %ne3A_1046 : i1
      %sub3A_1048 = arith.constant 1 : i32
      %sub3A_1049 = arith.subi %div3A_1028, %sub3A_1048 : i32
      %select_n3A_1050 = arith.select %and3A_1047, %sub3A_1049, %div3A_1028 : i32
      %add3A_1051 = arith.addi %mul3A_1026, %select_n3A_1050 : i32
      %mul3A_1052 = arith.constant 128 : i32
      %mul3A_1053 = arith.muli %add3A_1051, %mul3A_1052 : i32
      %dma_start3A_1054 = tpu.memref_slice %arg4[%add3A_1024, %mul3A_1053] : memref<32768x1024xf32, #tpu.memory_space<hbm>> -> memref<64x128xf32, #tpu.memory_space<hbm>>
      %dma_start3A_1055 = tpu.memref_slice %arg4[%add3A_1024, %mul3A_1053] : memref<32768x1024xf32, #tpu.memory_space<hbm>> -> memref<64x128xf32, #tpu.memory_space<hbm>>
      tpu.enqueue_dma source(%arg9 : memref<64x128xf32, #tpu.memory_space<vmem>>) target(%dma_start3A_1055 : memref<64x128xf32, #tpu.memory_space<hbm>>) target_semaphore(%arg16 : memref<!tpu.dma_semaphore, #tpu.memory_space<semaphore_mem>>)
      %mul3A_1056 = arith.constant 7 : i32
      %mul3A_1057 = arith.muli %scan3A_757, %mul3A_1056 : i32
      %add3A_1058 = arith.constant 64 : i32
      %add3A_1059 = arith.addi %add3A_1058, %mul3A_1057 : i32
      %add3A_1060 = arith.constant 2 : i32
      %add3A_1061 = arith.addi %add3A_1059, %add3A_1060 : i32
      %jit3A_1062 = arith.constant 32 : i32
      %eq3A_1063 = arith.constant 0 : i32
      %eq3A_1064 = arith.cmpi eq, %jit3A_1062, %eq3A_1063 : i32
      %jit3A_1065 = arith.constant 1 : i32
      %select_n3A_1066 = arith.select %eq3A_1064, %jit3A_1065, %jit3A_1062 : i32
      %rem3A_1067 = arith.remsi %add3A_1061, %select_n3A_1066 : i32
      %ne3A_1068 = arith.constant 0 : i32
      %ne3A_1069 = arith.cmpi ne, %rem3A_1067, %ne3A_1068 : i32
      %lt3A_1070 = arith.constant 0 : i32
      %lt3A_1071 = arith.cmpi slt, %rem3A_1067, %lt3A_1070 : i32
      %lt3A_1072 = arith.constant 0 : i32
      %lt3A_1073 = arith.cmpi slt, %select_n3A_1066, %lt3A_1072 : i32
      %ne3A_1074 = arith.xori %lt3A_1071, %lt3A_1073 : i1
      %and3A_1075 = arith.andi %ne3A_1074, %ne3A_1069 : i1
      %add3A_1076 = arith.addi %rem3A_1067, %select_n3A_1066 : i32
      %select_n3A_1077 = arith.select %and3A_1075, %add3A_1076, %rem3A_1067 : i32
      %mul3A_1078 = arith.constant 64 : i32
      %mul3A_1079 = arith.muli %select_n3A_1077, %mul3A_1078 : i32
      %dma_wait3A_1080 = tpu.memref_slice %arg6[%mul3A_1079] : memref<2048xi32, #tpu.memory_space<vmem>> -> memref<64xi32, #tpu.memory_space<vmem>>
      %dma_wait3A_1081 = arith.constant 0 : i32
      %dma_wait3A_1082 = arith.constant 0 : i32
      %dma_wait3A_1083 = tpu.memref_slice %arg5[%dma_wait3A_1081, %dma_wait3A_1082] : memref<8192x128xf32, #tpu.memory_space<vmem_shared>> -> memref<8192x128xf32, #tpu.memory_space<vmem_shared>>
      tpu.wait_indirect_dma semaphore(%arg17 : memref<!tpu.dma_semaphore, #tpu.memory_space<semaphore_mem>>) src(%dma_wait3A_1083 : memref<8192x128xf32, #tpu.memory_space<vmem_shared>>) dst(%arg10 : memref<64x128xf32, #tpu.memory_space<vmem>>)
      %sub3A_1084 = arith.constant 4 : i32
      %sub3A_1085 = arith.subi %add3A_1061, %sub3A_1084 : i32
      %jit3A_1086 = arith.constant 32 : i32
      %eq3A_1087 = arith.constant 0 : i32
      %eq3A_1088 = arith.cmpi eq, %jit3A_1086, %eq3A_1087 : i32
      %jit3A_1089 = arith.constant 1 : i32
      %select_n3A_1090 = arith.select %eq3A_1088, %jit3A_1089, %jit3A_1086 : i32
      %rem3A_1091 = arith.remsi %sub3A_1085, %select_n3A_1090 : i32
      %ne3A_1092 = arith.constant 0 : i32
      %ne3A_1093 = arith.cmpi ne, %rem3A_1091, %ne3A_1092 : i32
      %lt3A_1094 = arith.constant 0 : i32
      %lt3A_1095 = arith.cmpi slt, %rem3A_1091, %lt3A_1094 : i32
      %lt3A_1096 = arith.constant 0 : i32
      %lt3A_1097 = arith.cmpi slt, %select_n3A_1090, %lt3A_1096 : i32
      %ne3A_1098 = arith.xori %lt3A_1095, %lt3A_1097 : i1
      %and3A_1099 = arith.andi %ne3A_1098, %ne3A_1093 : i1
      %add3A_1100 = arith.addi %rem3A_1091, %select_n3A_1090 : i32
      %select_n3A_1101 = arith.select %and3A_1099, %add3A_1100, %rem3A_1091 : i32
      %mul3A_1102 = arith.constant 64 : i32
      %mul3A_1103 = arith.muli %select_n3A_1101, %mul3A_1102 : i32
      %add3A_1104 = arith.addi %mul3A_0, %mul3A_1103 : i32
      %mul3A_1105 = arith.constant 4 : i32
      %mul3A_1106 = arith.muli %arg0, %mul3A_1105 : i32
      %jit3A_1107 = arith.constant 32 : i32
      %div3A_1108 = arith.divsi %sub3A_1085, %jit3A_1107 : i32
      %sign3A_1109 = arith.constant 0 : i32
      %sign3A_1110 = arith.cmpi sgt, %sub3A_1085, %sign3A_1109 : i32
      %sign3A_1111 = arith.extui %sign3A_1110 : i1 to i32
      %sign3A_1112 = arith.constant 0 : i32
      %sign3A_1113 = arith.cmpi slt, %sub3A_1085, %sign3A_1112 : i32
      %sign3A_1114 = arith.extui %sign3A_1113 : i1 to i32
      %sign3A_1115 = arith.subi %sign3A_1111, %sign3A_1114 : i32
      %sign3A_1116 = arith.constant 0 : i32
      %sign3A_1117 = arith.cmpi sgt, %jit3A_1107, %sign3A_1116 : i32
      %sign3A_1118 = arith.extui %sign3A_1117 : i1 to i32
      %sign3A_1119 = arith.constant 0 : i32
      %sign3A_1120 = arith.cmpi slt, %jit3A_1107, %sign3A_1119 : i32
      %sign3A_1121 = arith.extui %sign3A_1120 : i1 to i32
      %sign3A_1122 = arith.subi %sign3A_1118, %sign3A_1121 : i32
      %ne3A_1123 = arith.cmpi ne, %sign3A_1115, %sign3A_1122 : i32
      %rem3A_1124 = arith.remsi %sub3A_1085, %jit3A_1107 : i32
      %ne3A_1125 = arith.constant 0 : i32
      %ne3A_1126 = arith.cmpi ne, %rem3A_1124, %ne3A_1125 : i32
      %and3A_1127 = arith.andi %ne3A_1123, %ne3A_1126 : i1
      %sub3A_1128 = arith.constant 1 : i32
      %sub3A_1129 = arith.subi %div3A_1108, %sub3A_1128 : i32
      %select_n3A_1130 = arith.select %and3A_1127, %sub3A_1129, %div3A_1108 : i32
      %add3A_1131 = arith.addi %mul3A_1106, %select_n3A_1130 : i32
      %mul3A_1132 = arith.constant 128 : i32
      %mul3A_1133 = arith.muli %add3A_1131, %mul3A_1132 : i32
      %dma_wait3A_1134 = tpu.memref_slice %arg4[%add3A_1104, %mul3A_1133] : memref<32768x1024xf32, #tpu.memory_space<hbm>> -> memref<64x128xf32, #tpu.memory_space<hbm>>
      %dma_wait3A_1135 = tpu.memref_slice %arg4[%add3A_1104, %mul3A_1133] : memref<32768x1024xf32, #tpu.memory_space<hbm>> -> memref<64x128xf32, #tpu.memory_space<hbm>>
      tpu.wait_dma2 semaphore(%arg20 : memref<!tpu.dma_semaphore, #tpu.memory_space<semaphore_mem>>) src(%arg13 : memref<64x128xf32, #tpu.memory_space<vmem>>) dst(%dma_wait3A_1135 : memref<64x128xf32, #tpu.memory_space<hbm>>)
      %add3A_1136 = arith.constant 3 : i32
      %add3A_1137 = arith.addi %add3A_1061, %add3A_1136 : i32
      %jit3A_1138 = arith.constant 32 : i32
      %eq3A_1139 = arith.constant 0 : i32
      %eq3A_1140 = arith.cmpi eq, %jit3A_1138, %eq3A_1139 : i32
      %jit3A_1141 = arith.constant 1 : i32
      %select_n3A_1142 = arith.select %eq3A_1140, %jit3A_1141, %jit3A_1138 : i32
      %rem3A_1143 = arith.remsi %add3A_1137, %select_n3A_1142 : i32
      %ne3A_1144 = arith.constant 0 : i32
      %ne3A_1145 = arith.cmpi ne, %rem3A_1143, %ne3A_1144 : i32
      %lt3A_1146 = arith.constant 0 : i32
      %lt3A_1147 = arith.cmpi slt, %rem3A_1143, %lt3A_1146 : i32
      %lt3A_1148 = arith.constant 0 : i32
      %lt3A_1149 = arith.cmpi slt, %select_n3A_1142, %lt3A_1148 : i32
      %ne3A_1150 = arith.xori %lt3A_1147, %lt3A_1149 : i1
      %and3A_1151 = arith.andi %ne3A_1150, %ne3A_1145 : i1
      %add3A_1152 = arith.addi %rem3A_1143, %select_n3A_1142 : i32
      %select_n3A_1153 = arith.select %and3A_1151, %add3A_1152, %rem3A_1143 : i32
      %mul3A_1154 = arith.constant 64 : i32
      %mul3A_1155 = arith.muli %select_n3A_1153, %mul3A_1154 : i32
      %dma_start3A_1156 = tpu.memref_slice %arg6[%mul3A_1155] : memref<2048xi32, #tpu.memory_space<vmem>> -> memref<64xi32, #tpu.memory_space<vmem>>
      %dma_start3A_1157 = arith.constant 0 : i32
      %dma_start3A_1158 = arith.constant 0 : i32
      %dma_start3A_1159 = tpu.memref_slice %arg5[%dma_start3A_1157, %dma_start3A_1158] : memref<8192x128xf32, #tpu.memory_space<vmem_shared>> -> memref<8192x128xf32, #tpu.memory_space<vmem_shared>>
      tpu.enqueue_indirect_dma source(%dma_start3A_1159 : memref<8192x128xf32, #tpu.memory_space<vmem_shared>>) target(%arg13 : memref<64x128xf32, #tpu.memory_space<vmem>>) offsets(%dma_start3A_1156 : memref<64xi32, #tpu.memory_space<vmem>>) semaphore(%arg20 : memref<!tpu.dma_semaphore, #tpu.memory_space<semaphore_mem>>)
      %jit3A_1160 = arith.constant 32 : i32
      %eq3A_1161 = arith.constant 0 : i32
      %eq3A_1162 = arith.cmpi eq, %jit3A_1160, %eq3A_1161 : i32
      %jit3A_1163 = arith.constant 1 : i32
      %select_n3A_1164 = arith.select %eq3A_1162, %jit3A_1163, %jit3A_1160 : i32
      %rem3A_1165 = arith.remsi %add3A_1061, %select_n3A_1164 : i32
      %ne3A_1166 = arith.constant 0 : i32
      %ne3A_1167 = arith.cmpi ne, %rem3A_1165, %ne3A_1166 : i32
      %lt3A_1168 = arith.constant 0 : i32
      %lt3A_1169 = arith.cmpi slt, %rem3A_1165, %lt3A_1168 : i32
      %lt3A_1170 = arith.constant 0 : i32
      %lt3A_1171 = arith.cmpi slt, %select_n3A_1164, %lt3A_1170 : i32
      %ne3A_1172 = arith.xori %lt3A_1169, %lt3A_1171 : i1
      %and3A_1173 = arith.andi %ne3A_1172, %ne3A_1167 : i1
      %add3A_1174 = arith.addi %rem3A_1165, %select_n3A_1164 : i32
      %select_n3A_1175 = arith.select %and3A_1173, %add3A_1174, %rem3A_1165 : i32
      %mul3A_1176 = arith.constant 64 : i32
      %mul3A_1177 = arith.muli %select_n3A_1175, %mul3A_1176 : i32
      %add3A_1178 = arith.addi %mul3A_0, %mul3A_1177 : i32
      %mul3A_1179 = arith.constant 4 : i32
      %mul3A_1180 = arith.muli %arg0, %mul3A_1179 : i32
      %jit3A_1181 = arith.constant 32 : i32
      %div3A_1182 = arith.divsi %add3A_1061, %jit3A_1181 : i32
      %sign3A_1183 = arith.constant 0 : i32
      %sign3A_1184 = arith.cmpi sgt, %add3A_1061, %sign3A_1183 : i32
      %sign3A_1185 = arith.extui %sign3A_1184 : i1 to i32
      %sign3A_1186 = arith.constant 0 : i32
      %sign3A_1187 = arith.cmpi slt, %add3A_1061, %sign3A_1186 : i32
      %sign3A_1188 = arith.extui %sign3A_1187 : i1 to i32
      %sign3A_1189 = arith.subi %sign3A_1185, %sign3A_1188 : i32
      %sign3A_1190 = arith.constant 0 : i32
      %sign3A_1191 = arith.cmpi sgt, %jit3A_1181, %sign3A_1190 : i32
      %sign3A_1192 = arith.extui %sign3A_1191 : i1 to i32
      %sign3A_1193 = arith.constant 0 : i32
      %sign3A_1194 = arith.cmpi slt, %jit3A_1181, %sign3A_1193 : i32
      %sign3A_1195 = arith.extui %sign3A_1194 : i1 to i32
      %sign3A_1196 = arith.subi %sign3A_1192, %sign3A_1195 : i32
      %ne3A_1197 = arith.cmpi ne, %sign3A_1189, %sign3A_1196 : i32
      %rem3A_1198 = arith.remsi %add3A_1061, %jit3A_1181 : i32
      %ne3A_1199 = arith.constant 0 : i32
      %ne3A_1200 = arith.cmpi ne, %rem3A_1198, %ne3A_1199 : i32
      %and3A_1201 = arith.andi %ne3A_1197, %ne3A_1200 : i1
      %sub3A_1202 = arith.constant 1 : i32
      %sub3A_1203 = arith.subi %div3A_1182, %sub3A_1202 : i32
      %select_n3A_1204 = arith.select %and3A_1201, %sub3A_1203, %div3A_1182 : i32
      %add3A_1205 = arith.addi %mul3A_1180, %select_n3A_1204 : i32
      %mul3A_1206 = arith.constant 128 : i32
      %mul3A_1207 = arith.muli %add3A_1205, %mul3A_1206 : i32
      %dma_start3A_1208 = tpu.memref_slice %arg4[%add3A_1178, %mul3A_1207] : memref<32768x1024xf32, #tpu.memory_space<hbm>> -> memref<64x128xf32, #tpu.memory_space<hbm>>
      %dma_start3A_1209 = tpu.memref_slice %arg4[%add3A_1178, %mul3A_1207] : memref<32768x1024xf32, #tpu.memory_space<hbm>> -> memref<64x128xf32, #tpu.memory_space<hbm>>
      tpu.enqueue_dma source(%arg10 : memref<64x128xf32, #tpu.memory_space<vmem>>) target(%dma_start3A_1209 : memref<64x128xf32, #tpu.memory_space<hbm>>) target_semaphore(%arg17 : memref<!tpu.dma_semaphore, #tpu.memory_space<semaphore_mem>>)
      %mul3A_1210 = arith.constant 7 : i32
      %mul3A_1211 = arith.muli %scan3A_757, %mul3A_1210 : i32
      %add3A_1212 = arith.constant 64 : i32
      %add3A_1213 = arith.addi %add3A_1212, %mul3A_1211 : i32
      %add3A_1214 = arith.constant 3 : i32
      %add3A_1215 = arith.addi %add3A_1213, %add3A_1214 : i32
      %jit3A_1216 = arith.constant 32 : i32
      %eq3A_1217 = arith.constant 0 : i32
      %eq3A_1218 = arith.cmpi eq, %jit3A_1216, %eq3A_1217 : i32
      %jit3A_1219 = arith.constant 1 : i32
      %select_n3A_1220 = arith.select %eq3A_1218, %jit3A_1219, %jit3A_1216 : i32
      %rem3A_1221 = arith.remsi %add3A_1215, %select_n3A_1220 : i32
      %ne3A_1222 = arith.constant 0 : i32
      %ne3A_1223 = arith.cmpi ne, %rem3A_1221, %ne3A_1222 : i32
      %lt3A_1224 = arith.constant 0 : i32
      %lt3A_1225 = arith.cmpi slt, %rem3A_1221, %lt3A_1224 : i32
      %lt3A_1226 = arith.constant 0 : i32
      %lt3A_1227 = arith.cmpi slt, %select_n3A_1220, %lt3A_1226 : i32
      %ne3A_1228 = arith.xori %lt3A_1225, %lt3A_1227 : i1
      %and3A_1229 = arith.andi %ne3A_1228, %ne3A_1223 : i1
      %add3A_1230 = arith.addi %rem3A_1221, %select_n3A_1220 : i32
      %select_n3A_1231 = arith.select %and3A_1229, %add3A_1230, %rem3A_1221 : i32
      %mul3A_1232 = arith.constant 64 : i32
      %mul3A_1233 = arith.muli %select_n3A_1231, %mul3A_1232 : i32
      %dma_wait3A_1234 = tpu.memref_slice %arg6[%mul3A_1233] : memref<2048xi32, #tpu.memory_space<vmem>> -> memref<64xi32, #tpu.memory_space<vmem>>
      %dma_wait3A_1235 = arith.constant 0 : i32
      %dma_wait3A_1236 = arith.constant 0 : i32
      %dma_wait3A_1237 = tpu.memref_slice %arg5[%dma_wait3A_1235, %dma_wait3A_1236] : memref<8192x128xf32, #tpu.memory_space<vmem_shared>> -> memref<8192x128xf32, #tpu.memory_space<vmem_shared>>
      tpu.wait_indirect_dma semaphore(%arg18 : memref<!tpu.dma_semaphore, #tpu.memory_space<semaphore_mem>>) src(%dma_wait3A_1237 : memref<8192x128xf32, #tpu.memory_space<vmem_shared>>) dst(%arg11 : memref<64x128xf32, #tpu.memory_space<vmem>>)
      %sub3A_1238 = arith.constant 4 : i32
      %sub3A_1239 = arith.subi %add3A_1215, %sub3A_1238 : i32
      %jit3A_1240 = arith.constant 32 : i32
      %eq3A_1241 = arith.constant 0 : i32
      %eq3A_1242 = arith.cmpi eq, %jit3A_1240, %eq3A_1241 : i32
      %jit3A_1243 = arith.constant 1 : i32
      %select_n3A_1244 = arith.select %eq3A_1242, %jit3A_1243, %jit3A_1240 : i32
      %rem3A_1245 = arith.remsi %sub3A_1239, %select_n3A_1244 : i32
      %ne3A_1246 = arith.constant 0 : i32
      %ne3A_1247 = arith.cmpi ne, %rem3A_1245, %ne3A_1246 : i32
      %lt3A_1248 = arith.constant 0 : i32
      %lt3A_1249 = arith.cmpi slt, %rem3A_1245, %lt3A_1248 : i32
      %lt3A_1250 = arith.constant 0 : i32
      %lt3A_1251 = arith.cmpi slt, %select_n3A_1244, %lt3A_1250 : i32
      %ne3A_1252 = arith.xori %lt3A_1249, %lt3A_1251 : i1
      %and3A_1253 = arith.andi %ne3A_1252, %ne3A_1247 : i1
      %add3A_1254 = arith.addi %rem3A_1245, %select_n3A_1244 : i32
      %select_n3A_1255 = arith.select %and3A_1253, %add3A_1254, %rem3A_1245 : i32
      %mul3A_1256 = arith.constant 64 : i32
      %mul3A_1257 = arith.muli %select_n3A_1255, %mul3A_1256 : i32
      %add3A_1258 = arith.addi %mul3A_0, %mul3A_1257 : i32
      %mul3A_1259 = arith.constant 4 : i32
      %mul3A_1260 = arith.muli %arg0, %mul3A_1259 : i32
      %jit3A_1261 = arith.constant 32 : i32
      %div3A_1262 = arith.divsi %sub3A_1239, %jit3A_1261 : i32
      %sign3A_1263 = arith.constant 0 : i32
      %sign3A_1264 = arith.cmpi sgt, %sub3A_1239, %sign3A_1263 : i32
      %sign3A_1265 = arith.extui %sign3A_1264 : i1 to i32
      %sign3A_1266 = arith.constant 0 : i32
      %sign3A_1267 = arith.cmpi slt, %sub3A_1239, %sign3A_1266 : i32
      %sign3A_1268 = arith.extui %sign3A_1267 : i1 to i32
      %sign3A_1269 = arith.subi %sign3A_1265, %sign3A_1268 : i32
      %sign3A_1270 = arith.constant 0 : i32
      %sign3A_1271 = arith.cmpi sgt, %jit3A_1261, %sign3A_1270 : i32
      %sign3A_1272 = arith.extui %sign3A_1271 : i1 to i32
      %sign3A_1273 = arith.constant 0 : i32
      %sign3A_1274 = arith.cmpi slt, %jit3A_1261, %sign3A_1273 : i32
      %sign3A_1275 = arith.extui %sign3A_1274 : i1 to i32
      %sign3A_1276 = arith.subi %sign3A_1272, %sign3A_1275 : i32
      %ne3A_1277 = arith.cmpi ne, %sign3A_1269, %sign3A_1276 : i32
      %rem3A_1278 = arith.remsi %sub3A_1239, %jit3A_1261 : i32
      %ne3A_1279 = arith.constant 0 : i32
      %ne3A_1280 = arith.cmpi ne, %rem3A_1278, %ne3A_1279 : i32
      %and3A_1281 = arith.andi %ne3A_1277, %ne3A_1280 : i1
      %sub3A_1282 = arith.constant 1 : i32
      %sub3A_1283 = arith.subi %div3A_1262, %sub3A_1282 : i32
      %select_n3A_1284 = arith.select %and3A_1281, %sub3A_1283, %div3A_1262 : i32
      %add3A_1285 = arith.addi %mul3A_1260, %select_n3A_1284 : i32
      %mul3A_1286 = arith.constant 128 : i32
      %mul3A_1287 = arith.muli %add3A_1285, %mul3A_1286 : i32
      %dma_wait3A_1288 = tpu.memref_slice %arg4[%add3A_1258, %mul3A_1287] : memref<32768x1024xf32, #tpu.memory_space<hbm>> -> memref<64x128xf32, #tpu.memory_space<hbm>>
      %dma_wait3A_1289 = tpu.memref_slice %arg4[%add3A_1258, %mul3A_1287] : memref<32768x1024xf32, #tpu.memory_space<hbm>> -> memref<64x128xf32, #tpu.memory_space<hbm>>
      tpu.wait_dma2 semaphore(%arg14 : memref<!tpu.dma_semaphore, #tpu.memory_space<semaphore_mem>>) src(%arg7 : memref<64x128xf32, #tpu.memory_space<vmem>>) dst(%dma_wait3A_1289 : memref<64x128xf32, #tpu.memory_space<hbm>>)
      %add3A_1290 = arith.constant 3 : i32
      %add3A_1291 = arith.addi %add3A_1215, %add3A_1290 : i32
      %jit3A_1292 = arith.constant 32 : i32
      %eq3A_1293 = arith.constant 0 : i32
      %eq3A_1294 = arith.cmpi eq, %jit3A_1292, %eq3A_1293 : i32
      %jit3A_1295 = arith.constant 1 : i32
      %select_n3A_1296 = arith.select %eq3A_1294, %jit3A_1295, %jit3A_1292 : i32
      %rem3A_1297 = arith.remsi %add3A_1291, %select_n3A_1296 : i32
      %ne3A_1298 = arith.constant 0 : i32
      %ne3A_1299 = arith.cmpi ne, %rem3A_1297, %ne3A_1298 : i32
      %lt3A_1300 = arith.constant 0 : i32
      %lt3A_1301 = arith.cmpi slt, %rem3A_1297, %lt3A_1300 : i32
      %lt3A_1302 = arith.constant 0 : i32
      %lt3A_1303 = arith.cmpi slt, %select_n3A_1296, %lt3A_1302 : i32
      %ne3A_1304 = arith.xori %lt3A_1301, %lt3A_1303 : i1
      %and3A_1305 = arith.andi %ne3A_1304, %ne3A_1299 : i1
      %add3A_1306 = arith.addi %rem3A_1297, %select_n3A_1296 : i32
      %select_n3A_1307 = arith.select %and3A_1305, %add3A_1306, %rem3A_1297 : i32
      %mul3A_1308 = arith.constant 64 : i32
      %mul3A_1309 = arith.muli %select_n3A_1307, %mul3A_1308 : i32
      %dma_start3A_1310 = tpu.memref_slice %arg6[%mul3A_1309] : memref<2048xi32, #tpu.memory_space<vmem>> -> memref<64xi32, #tpu.memory_space<vmem>>
      %dma_start3A_1311 = arith.constant 0 : i32
      %dma_start3A_1312 = arith.constant 0 : i32
      %dma_start3A_1313 = tpu.memref_slice %arg5[%dma_start3A_1311, %dma_start3A_1312] : memref<8192x128xf32, #tpu.memory_space<vmem_shared>> -> memref<8192x128xf32, #tpu.memory_space<vmem_shared>>
      tpu.enqueue_indirect_dma source(%dma_start3A_1313 : memref<8192x128xf32, #tpu.memory_space<vmem_shared>>) target(%arg7 : memref<64x128xf32, #tpu.memory_space<vmem>>) offsets(%dma_start3A_1310 : memref<64xi32, #tpu.memory_space<vmem>>) semaphore(%arg14 : memref<!tpu.dma_semaphore, #tpu.memory_space<semaphore_mem>>)
      %jit3A_1314 = arith.constant 32 : i32
      %eq3A_1315 = arith.constant 0 : i32
      %eq3A_1316 = arith.cmpi eq, %jit3A_1314, %eq3A_1315 : i32
      %jit3A_1317 = arith.constant 1 : i32
      %select_n3A_1318 = arith.select %eq3A_1316, %jit3A_1317, %jit3A_1314 : i32
      %rem3A_1319 = arith.remsi %add3A_1215, %select_n3A_1318 : i32
      %ne3A_1320 = arith.constant 0 : i32
      %ne3A_1321 = arith.cmpi ne, %rem3A_1319, %ne3A_1320 : i32
      %lt3A_1322 = arith.constant 0 : i32
      %lt3A_1323 = arith.cmpi slt, %rem3A_1319, %lt3A_1322 : i32
      %lt3A_1324 = arith.constant 0 : i32
      %lt3A_1325 = arith.cmpi slt, %select_n3A_1318, %lt3A_1324 : i32
      %ne3A_1326 = arith.xori %lt3A_1323, %lt3A_1325 : i1
      %and3A_1327 = arith.andi %ne3A_1326, %ne3A_1321 : i1
      %add3A_1328 = arith.addi %rem3A_1319, %select_n3A_1318 : i32
      %select_n3A_1329 = arith.select %and3A_1327, %add3A_1328, %rem3A_1319 : i32
      %mul3A_1330 = arith.constant 64 : i32
      %mul3A_1331 = arith.muli %select_n3A_1329, %mul3A_1330 : i32
      %add3A_1332 = arith.addi %mul3A_0, %mul3A_1331 : i32
      %mul3A_1333 = arith.constant 4 : i32
      %mul3A_1334 = arith.muli %arg0, %mul3A_1333 : i32
      %jit3A_1335 = arith.constant 32 : i32
      %div3A_1336 = arith.divsi %add3A_1215, %jit3A_1335 : i32
      %sign3A_1337 = arith.constant 0 : i32
      %sign3A_1338 = arith.cmpi sgt, %add3A_1215, %sign3A_1337 : i32
      %sign3A_1339 = arith.extui %sign3A_1338 : i1 to i32
      %sign3A_1340 = arith.constant 0 : i32
      %sign3A_1341 = arith.cmpi slt, %add3A_1215, %sign3A_1340 : i32
      %sign3A_1342 = arith.extui %sign3A_1341 : i1 to i32
      %sign3A_1343 = arith.subi %sign3A_1339, %sign3A_1342 : i32
      %sign3A_1344 = arith.constant 0 : i32
      %sign3A_1345 = arith.cmpi sgt, %jit3A_1335, %sign3A_1344 : i32
      %sign3A_1346 = arith.extui %sign3A_1345 : i1 to i32
      %sign3A_1347 = arith.constant 0 : i32
      %sign3A_1348 = arith.cmpi slt, %jit3A_1335, %sign3A_1347 : i32
      %sign3A_1349 = arith.extui %sign3A_1348 : i1 to i32
      %sign3A_1350 = arith.subi %sign3A_1346, %sign3A_1349 : i32
      %ne3A_1351 = arith.cmpi ne, %sign3A_1343, %sign3A_1350 : i32
      %rem3A_1352 = arith.remsi %add3A_1215, %jit3A_1335 : i32
      %ne3A_1353 = arith.constant 0 : i32
      %ne3A_1354 = arith.cmpi ne, %rem3A_1352, %ne3A_1353 : i32
      %and3A_1355 = arith.andi %ne3A_1351, %ne3A_1354 : i1
      %sub3A_1356 = arith.constant 1 : i32
      %sub3A_1357 = arith.subi %div3A_1336, %sub3A_1356 : i32
      %select_n3A_1358 = arith.select %and3A_1355, %sub3A_1357, %div3A_1336 : i32
      %add3A_1359 = arith.addi %mul3A_1334, %select_n3A_1358 : i32
      %mul3A_1360 = arith.constant 128 : i32
      %mul3A_1361 = arith.muli %add3A_1359, %mul3A_1360 : i32
      %dma_start3A_1362 = tpu.memref_slice %arg4[%add3A_1332, %mul3A_1361] : memref<32768x1024xf32, #tpu.memory_space<hbm>> -> memref<64x128xf32, #tpu.memory_space<hbm>>
      %dma_start3A_1363 = tpu.memref_slice %arg4[%add3A_1332, %mul3A_1361] : memref<32768x1024xf32, #tpu.memory_space<hbm>> -> memref<64x128xf32, #tpu.memory_space<hbm>>
      tpu.enqueue_dma source(%arg11 : memref<64x128xf32, #tpu.memory_space<vmem>>) target(%dma_start3A_1363 : memref<64x128xf32, #tpu.memory_space<hbm>>) target_semaphore(%arg18 : memref<!tpu.dma_semaphore, #tpu.memory_space<semaphore_mem>>)
      %mul3A_1364 = arith.constant 7 : i32
      %mul3A_1365 = arith.muli %scan3A_757, %mul3A_1364 : i32
      %add3A_1366 = arith.constant 64 : i32
      %add3A_1367 = arith.addi %add3A_1366, %mul3A_1365 : i32
      %add3A_1368 = arith.constant 4 : i32
      %add3A_1369 = arith.addi %add3A_1367, %add3A_1368 : i32
      %jit3A_1370 = arith.constant 32 : i32
      %eq3A_1371 = arith.constant 0 : i32
      %eq3A_1372 = arith.cmpi eq, %jit3A_1370, %eq3A_1371 : i32
      %jit3A_1373 = arith.constant 1 : i32
      %select_n3A_1374 = arith.select %eq3A_1372, %jit3A_1373, %jit3A_1370 : i32
      %rem3A_1375 = arith.remsi %add3A_1369, %select_n3A_1374 : i32
      %ne3A_1376 = arith.constant 0 : i32
      %ne3A_1377 = arith.cmpi ne, %rem3A_1375, %ne3A_1376 : i32
      %lt3A_1378 = arith.constant 0 : i32
      %lt3A_1379 = arith.cmpi slt, %rem3A_1375, %lt3A_1378 : i32
      %lt3A_1380 = arith.constant 0 : i32
      %lt3A_1381 = arith.cmpi slt, %select_n3A_1374, %lt3A_1380 : i32
      %ne3A_1382 = arith.xori %lt3A_1379, %lt3A_1381 : i1
      %and3A_1383 = arith.andi %ne3A_1382, %ne3A_1377 : i1
      %add3A_1384 = arith.addi %rem3A_1375, %select_n3A_1374 : i32
      %select_n3A_1385 = arith.select %and3A_1383, %add3A_1384, %rem3A_1375 : i32
      %mul3A_1386 = arith.constant 64 : i32
      %mul3A_1387 = arith.muli %select_n3A_1385, %mul3A_1386 : i32
      %dma_wait3A_1388 = tpu.memref_slice %arg6[%mul3A_1387] : memref<2048xi32, #tpu.memory_space<vmem>> -> memref<64xi32, #tpu.memory_space<vmem>>
      %dma_wait3A_1389 = arith.constant 0 : i32
      %dma_wait3A_1390 = arith.constant 0 : i32
      %dma_wait3A_1391 = tpu.memref_slice %arg5[%dma_wait3A_1389, %dma_wait3A_1390] : memref<8192x128xf32, #tpu.memory_space<vmem_shared>> -> memref<8192x128xf32, #tpu.memory_space<vmem_shared>>
      tpu.wait_indirect_dma semaphore(%arg19 : memref<!tpu.dma_semaphore, #tpu.memory_space<semaphore_mem>>) src(%dma_wait3A_1391 : memref<8192x128xf32, #tpu.memory_space<vmem_shared>>) dst(%arg12 : memref<64x128xf32, #tpu.memory_space<vmem>>)
      %sub3A_1392 = arith.constant 4 : i32
      %sub3A_1393 = arith.subi %add3A_1369, %sub3A_1392 : i32
      %jit3A_1394 = arith.constant 32 : i32
      %eq3A_1395 = arith.constant 0 : i32
      %eq3A_1396 = arith.cmpi eq, %jit3A_1394, %eq3A_1395 : i32
      %jit3A_1397 = arith.constant 1 : i32
      %select_n3A_1398 = arith.select %eq3A_1396, %jit3A_1397, %jit3A_1394 : i32
      %rem3A_1399 = arith.remsi %sub3A_1393, %select_n3A_1398 : i32
      %ne3A_1400 = arith.constant 0 : i32
      %ne3A_1401 = arith.cmpi ne, %rem3A_1399, %ne3A_1400 : i32
      %lt3A_1402 = arith.constant 0 : i32
      %lt3A_1403 = arith.cmpi slt, %rem3A_1399, %lt3A_1402 : i32
      %lt3A_1404 = arith.constant 0 : i32
      %lt3A_1405 = arith.cmpi slt, %select_n3A_1398, %lt3A_1404 : i32
      %ne3A_1406 = arith.xori %lt3A_1403, %lt3A_1405 : i1
      %and3A_1407 = arith.andi %ne3A_1406, %ne3A_1401 : i1
      %add3A_1408 = arith.addi %rem3A_1399, %select_n3A_1398 : i32
      %select_n3A_1409 = arith.select %and3A_1407, %add3A_1408, %rem3A_1399 : i32
      %mul3A_1410 = arith.constant 64 : i32
      %mul3A_1411 = arith.muli %select_n3A_1409, %mul3A_1410 : i32
      %add3A_1412 = arith.addi %mul3A_0, %mul3A_1411 : i32
      %mul3A_1413 = arith.constant 4 : i32
      %mul3A_1414 = arith.muli %arg0, %mul3A_1413 : i32
      %jit3A_1415 = arith.constant 32 : i32
      %div3A_1416 = arith.divsi %sub3A_1393, %jit3A_1415 : i32
      %sign3A_1417 = arith.constant 0 : i32
      %sign3A_1418 = arith.cmpi sgt, %sub3A_1393, %sign3A_1417 : i32
      %sign3A_1419 = arith.extui %sign3A_1418 : i1 to i32
      %sign3A_1420 = arith.constant 0 : i32
      %sign3A_1421 = arith.cmpi slt, %sub3A_1393, %sign3A_1420 : i32
      %sign3A_1422 = arith.extui %sign3A_1421 : i1 to i32
      %sign3A_1423 = arith.subi %sign3A_1419, %sign3A_1422 : i32
      %sign3A_1424 = arith.constant 0 : i32
      %sign3A_1425 = arith.cmpi sgt, %jit3A_1415, %sign3A_1424 : i32
      %sign3A_1426 = arith.extui %sign3A_1425 : i1 to i32
      %sign3A_1427 = arith.constant 0 : i32
      %sign3A_1428 = arith.cmpi slt, %jit3A_1415, %sign3A_1427 : i32
      %sign3A_1429 = arith.extui %sign3A_1428 : i1 to i32
      %sign3A_1430 = arith.subi %sign3A_1426, %sign3A_1429 : i32
      %ne3A_1431 = arith.cmpi ne, %sign3A_1423, %sign3A_1430 : i32
      %rem3A_1432 = arith.remsi %sub3A_1393, %jit3A_1415 : i32
      %ne3A_1433 = arith.constant 0 : i32
      %ne3A_1434 = arith.cmpi ne, %rem3A_1432, %ne3A_1433 : i32
      %and3A_1435 = arith.andi %ne3A_1431, %ne3A_1434 : i1
      %sub3A_1436 = arith.constant 1 : i32
      %sub3A_1437 = arith.subi %div3A_1416, %sub3A_1436 : i32
      %select_n3A_1438 = arith.select %and3A_1435, %sub3A_1437, %div3A_1416 : i32
      %add3A_1439 = arith.addi %mul3A_1414, %select_n3A_1438 : i32
      %mul3A_1440 = arith.constant 128 : i32
      %mul3A_1441 = arith.muli %add3A_1439, %mul3A_1440 : i32
      %dma_wait3A_1442 = tpu.memref_slice %arg4[%add3A_1412, %mul3A_1441] : memref<32768x1024xf32, #tpu.memory_space<hbm>> -> memref<64x128xf32, #tpu.memory_space<hbm>>
      %dma_wait3A_1443 = tpu.memref_slice %arg4[%add3A_1412, %mul3A_1441] : memref<32768x1024xf32, #tpu.memory_space<hbm>> -> memref<64x128xf32, #tpu.memory_space<hbm>>
      tpu.wait_dma2 semaphore(%arg15 : memref<!tpu.dma_semaphore, #tpu.memory_space<semaphore_mem>>) src(%arg8 : memref<64x128xf32, #tpu.memory_space<vmem>>) dst(%dma_wait3A_1443 : memref<64x128xf32, #tpu.memory_space<hbm>>)
      %add3A_1444 = arith.constant 3 : i32
      %add3A_1445 = arith.addi %add3A_1369, %add3A_1444 : i32
      %jit3A_1446 = arith.constant 32 : i32
      %eq3A_1447 = arith.constant 0 : i32
      %eq3A_1448 = arith.cmpi eq, %jit3A_1446, %eq3A_1447 : i32
      %jit3A_1449 = arith.constant 1 : i32
      %select_n3A_1450 = arith.select %eq3A_1448, %jit3A_1449, %jit3A_1446 : i32
      %rem3A_1451 = arith.remsi %add3A_1445, %select_n3A_1450 : i32
      %ne3A_1452 = arith.constant 0 : i32
      %ne3A_1453 = arith.cmpi ne, %rem3A_1451, %ne3A_1452 : i32
      %lt3A_1454 = arith.constant 0 : i32
      %lt3A_1455 = arith.cmpi slt, %rem3A_1451, %lt3A_1454 : i32
      %lt3A_1456 = arith.constant 0 : i32
      %lt3A_1457 = arith.cmpi slt, %select_n3A_1450, %lt3A_1456 : i32
      %ne3A_1458 = arith.xori %lt3A_1455, %lt3A_1457 : i1
      %and3A_1459 = arith.andi %ne3A_1458, %ne3A_1453 : i1
      %add3A_1460 = arith.addi %rem3A_1451, %select_n3A_1450 : i32
      %select_n3A_1461 = arith.select %and3A_1459, %add3A_1460, %rem3A_1451 : i32
      %mul3A_1462 = arith.constant 64 : i32
      %mul3A_1463 = arith.muli %select_n3A_1461, %mul3A_1462 : i32
      %dma_start3A_1464 = tpu.memref_slice %arg6[%mul3A_1463] : memref<2048xi32, #tpu.memory_space<vmem>> -> memref<64xi32, #tpu.memory_space<vmem>>
      %dma_start3A_1465 = arith.constant 0 : i32
      %dma_start3A_1466 = arith.constant 0 : i32
      %dma_start3A_1467 = tpu.memref_slice %arg5[%dma_start3A_1465, %dma_start3A_1466] : memref<8192x128xf32, #tpu.memory_space<vmem_shared>> -> memref<8192x128xf32, #tpu.memory_space<vmem_shared>>
      tpu.enqueue_indirect_dma source(%dma_start3A_1467 : memref<8192x128xf32, #tpu.memory_space<vmem_shared>>) target(%arg8 : memref<64x128xf32, #tpu.memory_space<vmem>>) offsets(%dma_start3A_1464 : memref<64xi32, #tpu.memory_space<vmem>>) semaphore(%arg15 : memref<!tpu.dma_semaphore, #tpu.memory_space<semaphore_mem>>)
      %jit3A_1468 = arith.constant 32 : i32
      %eq3A_1469 = arith.constant 0 : i32
      %eq3A_1470 = arith.cmpi eq, %jit3A_1468, %eq3A_1469 : i32
      %jit3A_1471 = arith.constant 1 : i32
      %select_n3A_1472 = arith.select %eq3A_1470, %jit3A_1471, %jit3A_1468 : i32
      %rem3A_1473 = arith.remsi %add3A_1369, %select_n3A_1472 : i32
      %ne3A_1474 = arith.constant 0 : i32
      %ne3A_1475 = arith.cmpi ne, %rem3A_1473, %ne3A_1474 : i32
      %lt3A_1476 = arith.constant 0 : i32
      %lt3A_1477 = arith.cmpi slt, %rem3A_1473, %lt3A_1476 : i32
      %lt3A_1478 = arith.constant 0 : i32
      %lt3A_1479 = arith.cmpi slt, %select_n3A_1472, %lt3A_1478 : i32
      %ne3A_1480 = arith.xori %lt3A_1477, %lt3A_1479 : i1
      %and3A_1481 = arith.andi %ne3A_1480, %ne3A_1475 : i1
      %add3A_1482 = arith.addi %rem3A_1473, %select_n3A_1472 : i32
      %select_n3A_1483 = arith.select %and3A_1481, %add3A_1482, %rem3A_1473 : i32
      %mul3A_1484 = arith.constant 64 : i32
      %mul3A_1485 = arith.muli %select_n3A_1483, %mul3A_1484 : i32
      %add3A_1486 = arith.addi %mul3A_0, %mul3A_1485 : i32
      %mul3A_1487 = arith.constant 4 : i32
      %mul3A_1488 = arith.muli %arg0, %mul3A_1487 : i32
      %jit3A_1489 = arith.constant 32 : i32
      %div3A_1490 = arith.divsi %add3A_1369, %jit3A_1489 : i32
      %sign3A_1491 = arith.constant 0 : i32
      %sign3A_1492 = arith.cmpi sgt, %add3A_1369, %sign3A_1491 : i32
      %sign3A_1493 = arith.extui %sign3A_1492 : i1 to i32
      %sign3A_1494 = arith.constant 0 : i32
      %sign3A_1495 = arith.cmpi slt, %add3A_1369, %sign3A_1494 : i32
      %sign3A_1496 = arith.extui %sign3A_1495 : i1 to i32
      %sign3A_1497 = arith.subi %sign3A_1493, %sign3A_1496 : i32
      %sign3A_1498 = arith.constant 0 : i32
      %sign3A_1499 = arith.cmpi sgt, %jit3A_1489, %sign3A_1498 : i32
      %sign3A_1500 = arith.extui %sign3A_1499 : i1 to i32
      %sign3A_1501 = arith.constant 0 : i32
      %sign3A_1502 = arith.cmpi slt, %jit3A_1489, %sign3A_1501 : i32
      %sign3A_1503 = arith.extui %sign3A_1502 : i1 to i32
      %sign3A_1504 = arith.subi %sign3A_1500, %sign3A_1503 : i32
      %ne3A_1505 = arith.cmpi ne, %sign3A_1497, %sign3A_1504 : i32
      %rem3A_1506 = arith.remsi %add3A_1369, %jit3A_1489 : i32
      %ne3A_1507 = arith.constant 0 : i32
      %ne3A_1508 = arith.cmpi ne, %rem3A_1506, %ne3A_1507 : i32
      %and3A_1509 = arith.andi %ne3A_1505, %ne3A_1508 : i1
      %sub3A_1510 = arith.constant 1 : i32
      %sub3A_1511 = arith.subi %div3A_1490, %sub3A_1510 : i32
      %select_n3A_1512 = arith.select %and3A_1509, %sub3A_1511, %div3A_1490 : i32
      %add3A_1513 = arith.addi %mul3A_1488, %select_n3A_1512 : i32
      %mul3A_1514 = arith.constant 128 : i32
      %mul3A_1515 = arith.muli %add3A_1513, %mul3A_1514 : i32
      %dma_start3A_1516 = tpu.memref_slice %arg4[%add3A_1486, %mul3A_1515] : memref<32768x1024xf32, #tpu.memory_space<hbm>> -> memref<64x128xf32, #tpu.memory_space<hbm>>
      %dma_start3A_1517 = tpu.memref_slice %arg4[%add3A_1486, %mul3A_1515] : memref<32768x1024xf32, #tpu.memory_space<hbm>> -> memref<64x128xf32, #tpu.memory_space<hbm>>
      tpu.enqueue_dma source(%arg12 : memref<64x128xf32, #tpu.memory_space<vmem>>) target(%dma_start3A_1517 : memref<64x128xf32, #tpu.memory_space<hbm>>) target_semaphore(%arg19 : memref<!tpu.dma_semaphore, #tpu.memory_space<semaphore_mem>>)
      %mul3A_1518 = arith.constant 7 : i32
      %mul3A_1519 = arith.muli %scan3A_757, %mul3A_1518 : i32
      %add3A_1520 = arith.constant 64 : i32
      %add3A_1521 = arith.addi %add3A_1520, %mul3A_1519 : i32
      %add3A_1522 = arith.constant 5 : i32
      %add3A_1523 = arith.addi %add3A_1521, %add3A_1522 : i32
      %jit3A_1524 = arith.constant 32 : i32
      %eq3A_1525 = arith.constant 0 : i32
      %eq3A_1526 = arith.cmpi eq, %jit3A_1524, %eq3A_1525 : i32
      %jit3A_1527 = arith.constant 1 : i32
      %select_n3A_1528 = arith.select %eq3A_1526, %jit3A_1527, %jit3A_1524 : i32
      %rem3A_1529 = arith.remsi %add3A_1523, %select_n3A_1528 : i32
      %ne3A_1530 = arith.constant 0 : i32
      %ne3A_1531 = arith.cmpi ne, %rem3A_1529, %ne3A_1530 : i32
      %lt3A_1532 = arith.constant 0 : i32
      %lt3A_1533 = arith.cmpi slt, %rem3A_1529, %lt3A_1532 : i32
      %lt3A_1534 = arith.constant 0 : i32
      %lt3A_1535 = arith.cmpi slt, %select_n3A_1528, %lt3A_1534 : i32
      %ne3A_1536 = arith.xori %lt3A_1533, %lt3A_1535 : i1
      %and3A_1537 = arith.andi %ne3A_1536, %ne3A_1531 : i1
      %add3A_1538 = arith.addi %rem3A_1529, %select_n3A_1528 : i32
      %select_n3A_1539 = arith.select %and3A_1537, %add3A_1538, %rem3A_1529 : i32
      %mul3A_1540 = arith.constant 64 : i32
      %mul3A_1541 = arith.muli %select_n3A_1539, %mul3A_1540 : i32
      %dma_wait3A_1542 = tpu.memref_slice %arg6[%mul3A_1541] : memref<2048xi32, #tpu.memory_space<vmem>> -> memref<64xi32, #tpu.memory_space<vmem>>
      %dma_wait3A_1543 = arith.constant 0 : i32
      %dma_wait3A_1544 = arith.constant 0 : i32
      %dma_wait3A_1545 = tpu.memref_slice %arg5[%dma_wait3A_1543, %dma_wait3A_1544] : memref<8192x128xf32, #tpu.memory_space<vmem_shared>> -> memref<8192x128xf32, #tpu.memory_space<vmem_shared>>
      tpu.wait_indirect_dma semaphore(%arg20 : memref<!tpu.dma_semaphore, #tpu.memory_space<semaphore_mem>>) src(%dma_wait3A_1545 : memref<8192x128xf32, #tpu.memory_space<vmem_shared>>) dst(%arg13 : memref<64x128xf32, #tpu.memory_space<vmem>>)
      %sub3A_1546 = arith.constant 4 : i32
      %sub3A_1547 = arith.subi %add3A_1523, %sub3A_1546 : i32
      %jit3A_1548 = arith.constant 32 : i32
      %eq3A_1549 = arith.constant 0 : i32
      %eq3A_1550 = arith.cmpi eq, %jit3A_1548, %eq3A_1549 : i32
      %jit3A_1551 = arith.constant 1 : i32
      %select_n3A_1552 = arith.select %eq3A_1550, %jit3A_1551, %jit3A_1548 : i32
      %rem3A_1553 = arith.remsi %sub3A_1547, %select_n3A_1552 : i32
      %ne3A_1554 = arith.constant 0 : i32
      %ne3A_1555 = arith.cmpi ne, %rem3A_1553, %ne3A_1554 : i32
      %lt3A_1556 = arith.constant 0 : i32
      %lt3A_1557 = arith.cmpi slt, %rem3A_1553, %lt3A_1556 : i32
      %lt3A_1558 = arith.constant 0 : i32
      %lt3A_1559 = arith.cmpi slt, %select_n3A_1552, %lt3A_1558 : i32
      %ne3A_1560 = arith.xori %lt3A_1557, %lt3A_1559 : i1
      %and3A_1561 = arith.andi %ne3A_1560, %ne3A_1555 : i1
      %add3A_1562 = arith.addi %rem3A_1553, %select_n3A_1552 : i32
      %select_n3A_1563 = arith.select %and3A_1561, %add3A_1562, %rem3A_1553 : i32
      %mul3A_1564 = arith.constant 64 : i32
      %mul3A_1565 = arith.muli %select_n3A_1563, %mul3A_1564 : i32
      %add3A_1566 = arith.addi %mul3A_0, %mul3A_1565 : i32
      %mul3A_1567 = arith.constant 4 : i32
      %mul3A_1568 = arith.muli %arg0, %mul3A_1567 : i32
      %jit3A_1569 = arith.constant 32 : i32
      %div3A_1570 = arith.divsi %sub3A_1547, %jit3A_1569 : i32
      %sign3A_1571 = arith.constant 0 : i32
      %sign3A_1572 = arith.cmpi sgt, %sub3A_1547, %sign3A_1571 : i32
      %sign3A_1573 = arith.extui %sign3A_1572 : i1 to i32
      %sign3A_1574 = arith.constant 0 : i32
      %sign3A_1575 = arith.cmpi slt, %sub3A_1547, %sign3A_1574 : i32
      %sign3A_1576 = arith.extui %sign3A_1575 : i1 to i32
      %sign3A_1577 = arith.subi %sign3A_1573, %sign3A_1576 : i32
      %sign3A_1578 = arith.constant 0 : i32
      %sign3A_1579 = arith.cmpi sgt, %jit3A_1569, %sign3A_1578 : i32
      %sign3A_1580 = arith.extui %sign3A_1579 : i1 to i32
      %sign3A_1581 = arith.constant 0 : i32
      %sign3A_1582 = arith.cmpi slt, %jit3A_1569, %sign3A_1581 : i32
      %sign3A_1583 = arith.extui %sign3A_1582 : i1 to i32
      %sign3A_1584 = arith.subi %sign3A_1580, %sign3A_1583 : i32
      %ne3A_1585 = arith.cmpi ne, %sign3A_1577, %sign3A_1584 : i32
      %rem3A_1586 = arith.remsi %sub3A_1547, %jit3A_1569 : i32
      %ne3A_1587 = arith.constant 0 : i32
      %ne3A_1588 = arith.cmpi ne, %rem3A_1586, %ne3A_1587 : i32
      %and3A_1589 = arith.andi %ne3A_1585, %ne3A_1588 : i1
      %sub3A_1590 = arith.constant 1 : i32
      %sub3A_1591 = arith.subi %div3A_1570, %sub3A_1590 : i32
      %select_n3A_1592 = arith.select %and3A_1589, %sub3A_1591, %div3A_1570 : i32
      %add3A_1593 = arith.addi %mul3A_1568, %select_n3A_1592 : i32
      %mul3A_1594 = arith.constant 128 : i32
      %mul3A_1595 = arith.muli %add3A_1593, %mul3A_1594 : i32
      %dma_wait3A_1596 = tpu.memref_slice %arg4[%add3A_1566, %mul3A_1595] : memref<32768x1024xf32, #tpu.memory_space<hbm>> -> memref<64x128xf32, #tpu.memory_space<hbm>>
      %dma_wait3A_1597 = tpu.memref_slice %arg4[%add3A_1566, %mul3A_1595] : memref<32768x1024xf32, #tpu.memory_space<hbm>> -> memref<64x128xf32, #tpu.memory_space<hbm>>
      tpu.wait_dma2 semaphore(%arg16 : memref<!tpu.dma_semaphore, #tpu.memory_space<semaphore_mem>>) src(%arg9 : memref<64x128xf32, #tpu.memory_space<vmem>>) dst(%dma_wait3A_1597 : memref<64x128xf32, #tpu.memory_space<hbm>>)
      %add3A_1598 = arith.constant 3 : i32
      %add3A_1599 = arith.addi %add3A_1523, %add3A_1598 : i32
      %jit3A_1600 = arith.constant 32 : i32
      %eq3A_1601 = arith.constant 0 : i32
      %eq3A_1602 = arith.cmpi eq, %jit3A_1600, %eq3A_1601 : i32
      %jit3A_1603 = arith.constant 1 : i32
      %select_n3A_1604 = arith.select %eq3A_1602, %jit3A_1603, %jit3A_1600 : i32
      %rem3A_1605 = arith.remsi %add3A_1599, %select_n3A_1604 : i32
      %ne3A_1606 = arith.constant 0 : i32
      %ne3A_1607 = arith.cmpi ne, %rem3A_1605, %ne3A_1606 : i32
      %lt3A_1608 = arith.constant 0 : i32
      %lt3A_1609 = arith.cmpi slt, %rem3A_1605, %lt3A_1608 : i32
      %lt3A_1610 = arith.constant 0 : i32
      %lt3A_1611 = arith.cmpi slt, %select_n3A_1604, %lt3A_1610 : i32
      %ne3A_1612 = arith.xori %lt3A_1609, %lt3A_1611 : i1
      %and3A_1613 = arith.andi %ne3A_1612, %ne3A_1607 : i1
      %add3A_1614 = arith.addi %rem3A_1605, %select_n3A_1604 : i32
      %select_n3A_1615 = arith.select %and3A_1613, %add3A_1614, %rem3A_1605 : i32
      %mul3A_1616 = arith.constant 64 : i32
      %mul3A_1617 = arith.muli %select_n3A_1615, %mul3A_1616 : i32
      %dma_start3A_1618 = tpu.memref_slice %arg6[%mul3A_1617] : memref<2048xi32, #tpu.memory_space<vmem>> -> memref<64xi32, #tpu.memory_space<vmem>>
      %dma_start3A_1619 = arith.constant 0 : i32
      %dma_start3A_1620 = arith.constant 0 : i32
      %dma_start3A_1621 = tpu.memref_slice %arg5[%dma_start3A_1619, %dma_start3A_1620] : memref<8192x128xf32, #tpu.memory_space<vmem_shared>> -> memref<8192x128xf32, #tpu.memory_space<vmem_shared>>
      tpu.enqueue_indirect_dma source(%dma_start3A_1621 : memref<8192x128xf32, #tpu.memory_space<vmem_shared>>) target(%arg9 : memref<64x128xf32, #tpu.memory_space<vmem>>) offsets(%dma_start3A_1618 : memref<64xi32, #tpu.memory_space<vmem>>) semaphore(%arg16 : memref<!tpu.dma_semaphore, #tpu.memory_space<semaphore_mem>>)
      %jit3A_1622 = arith.constant 32 : i32
      %eq3A_1623 = arith.constant 0 : i32
      %eq3A_1624 = arith.cmpi eq, %jit3A_1622, %eq3A_1623 : i32
      %jit3A_1625 = arith.constant 1 : i32
      %select_n3A_1626 = arith.select %eq3A_1624, %jit3A_1625, %jit3A_1622 : i32
      %rem3A_1627 = arith.remsi %add3A_1523, %select_n3A_1626 : i32
      %ne3A_1628 = arith.constant 0 : i32
      %ne3A_1629 = arith.cmpi ne, %rem3A_1627, %ne3A_1628 : i32
      %lt3A_1630 = arith.constant 0 : i32
      %lt3A_1631 = arith.cmpi slt, %rem3A_1627, %lt3A_1630 : i32
      %lt3A_1632 = arith.constant 0 : i32
      %lt3A_1633 = arith.cmpi slt, %select_n3A_1626, %lt3A_1632 : i32
      %ne3A_1634 = arith.xori %lt3A_1631, %lt3A_1633 : i1
      %and3A_1635 = arith.andi %ne3A_1634, %ne3A_1629 : i1
      %add3A_1636 = arith.addi %rem3A_1627, %select_n3A_1626 : i32
      %select_n3A_1637 = arith.select %and3A_1635, %add3A_1636, %rem3A_1627 : i32
      %mul3A_1638 = arith.constant 64 : i32
      %mul3A_1639 = arith.muli %select_n3A_1637, %mul3A_1638 : i32
      %add3A_1640 = arith.addi %mul3A_0, %mul3A_1639 : i32
      %mul3A_1641 = arith.constant 4 : i32
      %mul3A_1642 = arith.muli %arg0, %mul3A_1641 : i32
      %jit3A_1643 = arith.constant 32 : i32
      %div3A_1644 = arith.divsi %add3A_1523, %jit3A_1643 : i32
      %sign3A_1645 = arith.constant 0 : i32
      %sign3A_1646 = arith.cmpi sgt, %add3A_1523, %sign3A_1645 : i32
      %sign3A_1647 = arith.extui %sign3A_1646 : i1 to i32
      %sign3A_1648 = arith.constant 0 : i32
      %sign3A_1649 = arith.cmpi slt, %add3A_1523, %sign3A_1648 : i32
      %sign3A_1650 = arith.extui %sign3A_1649 : i1 to i32
      %sign3A_1651 = arith.subi %sign3A_1647, %sign3A_1650 : i32
      %sign3A_1652 = arith.constant 0 : i32
      %sign3A_1653 = arith.cmpi sgt, %jit3A_1643, %sign3A_1652 : i32
      %sign3A_1654 = arith.extui %sign3A_1653 : i1 to i32
      %sign3A_1655 = arith.constant 0 : i32
      %sign3A_1656 = arith.cmpi slt, %jit3A_1643, %sign3A_1655 : i32
      %sign3A_1657 = arith.extui %sign3A_1656 : i1 to i32
      %sign3A_1658 = arith.subi %sign3A_1654, %sign3A_1657 : i32
      %ne3A_1659 = arith.cmpi ne, %sign3A_1651, %sign3A_1658 : i32
      %rem3A_1660 = arith.remsi %add3A_1523, %jit3A_1643 : i32
      %ne3A_1661 = arith.constant 0 : i32
      %ne3A_1662 = arith.cmpi ne, %rem3A_1660, %ne3A_1661 : i32
      %and3A_1663 = arith.andi %ne3A_1659, %ne3A_1662 : i1
      %sub3A_1664 = arith.constant 1 : i32
      %sub3A_1665 = arith.subi %div3A_1644, %sub3A_1664 : i32
      %select_n3A_1666 = arith.select %and3A_1663, %sub3A_1665, %div3A_1644 : i32
      %add3A_1667 = arith.addi %mul3A_1642, %select_n3A_1666 : i32
      %mul3A_1668 = arith.constant 128 : i32
      %mul3A_1669 = arith.muli %add3A_1667, %mul3A_1668 : i32
      %dma_start3A_1670 = tpu.memref_slice %arg4[%add3A_1640, %mul3A_1669] : memref<32768x1024xf32, #tpu.memory_space<hbm>> -> memref<64x128xf32, #tpu.memory_space<hbm>>
      %dma_start3A_1671 = tpu.memref_slice %arg4[%add3A_1640, %mul3A_1669] : memref<32768x1024xf32, #tpu.memory_space<hbm>> -> memref<64x128xf32, #tpu.memory_space<hbm>>
      tpu.enqueue_dma source(%arg13 : memref<64x128xf32, #tpu.memory_space<vmem>>) target(%dma_start3A_1671 : memref<64x128xf32, #tpu.memory_space<hbm>>) target_semaphore(%arg20 : memref<!tpu.dma_semaphore, #tpu.memory_space<semaphore_mem>>)
      %mul3A_1672 = arith.constant 7 : i32
      %mul3A_1673 = arith.muli %scan3A_757, %mul3A_1672 : i32
      %add3A_1674 = arith.constant 64 : i32
      %add3A_1675 = arith.addi %add3A_1674, %mul3A_1673 : i32
      %add3A_1676 = arith.constant 6 : i32
      %add3A_1677 = arith.addi %add3A_1675, %add3A_1676 : i32
      %jit3A_1678 = arith.constant 32 : i32
      %eq3A_1679 = arith.constant 0 : i32
      %eq3A_1680 = arith.cmpi eq, %jit3A_1678, %eq3A_1679 : i32
      %jit3A_1681 = arith.constant 1 : i32
      %select_n3A_1682 = arith.select %eq3A_1680, %jit3A_1681, %jit3A_1678 : i32
      %rem3A_1683 = arith.remsi %add3A_1677, %select_n3A_1682 : i32
      %ne3A_1684 = arith.constant 0 : i32
      %ne3A_1685 = arith.cmpi ne, %rem3A_1683, %ne3A_1684 : i32
      %lt3A_1686 = arith.constant 0 : i32
      %lt3A_1687 = arith.cmpi slt, %rem3A_1683, %lt3A_1686 : i32
      %lt3A_1688 = arith.constant 0 : i32
      %lt3A_1689 = arith.cmpi slt, %select_n3A_1682, %lt3A_1688 : i32
      %ne3A_1690 = arith.xori %lt3A_1687, %lt3A_1689 : i1
      %and3A_1691 = arith.andi %ne3A_1690, %ne3A_1685 : i1
      %add3A_1692 = arith.addi %rem3A_1683, %select_n3A_1682 : i32
      %select_n3A_1693 = arith.select %and3A_1691, %add3A_1692, %rem3A_1683 : i32
      %mul3A_1694 = arith.constant 64 : i32
      %mul3A_1695 = arith.muli %select_n3A_1693, %mul3A_1694 : i32
      %dma_wait3A_1696 = tpu.memref_slice %arg6[%mul3A_1695] : memref<2048xi32, #tpu.memory_space<vmem>> -> memref<64xi32, #tpu.memory_space<vmem>>
      %dma_wait3A_1697 = arith.constant 0 : i32
      %dma_wait3A_1698 = arith.constant 0 : i32
      %dma_wait3A_1699 = tpu.memref_slice %arg5[%dma_wait3A_1697, %dma_wait3A_1698] : memref<8192x128xf32, #tpu.memory_space<vmem_shared>> -> memref<8192x128xf32, #tpu.memory_space<vmem_shared>>
      tpu.wait_indirect_dma semaphore(%arg14 : memref<!tpu.dma_semaphore, #tpu.memory_space<semaphore_mem>>) src(%dma_wait3A_1699 : memref<8192x128xf32, #tpu.memory_space<vmem_shared>>) dst(%arg7 : memref<64x128xf32, #tpu.memory_space<vmem>>)
      %sub3A_1700 = arith.constant 4 : i32
      %sub3A_1701 = arith.subi %add3A_1677, %sub3A_1700 : i32
      %jit3A_1702 = arith.constant 32 : i32
      %eq3A_1703 = arith.constant 0 : i32
      %eq3A_1704 = arith.cmpi eq, %jit3A_1702, %eq3A_1703 : i32
      %jit3A_1705 = arith.constant 1 : i32
      %select_n3A_1706 = arith.select %eq3A_1704, %jit3A_1705, %jit3A_1702 : i32
      %rem3A_1707 = arith.remsi %sub3A_1701, %select_n3A_1706 : i32
      %ne3A_1708 = arith.constant 0 : i32
      %ne3A_1709 = arith.cmpi ne, %rem3A_1707, %ne3A_1708 : i32
      %lt3A_1710 = arith.constant 0 : i32
      %lt3A_1711 = arith.cmpi slt, %rem3A_1707, %lt3A_1710 : i32
      %lt3A_1712 = arith.constant 0 : i32
      %lt3A_1713 = arith.cmpi slt, %select_n3A_1706, %lt3A_1712 : i32
      %ne3A_1714 = arith.xori %lt3A_1711, %lt3A_1713 : i1
      %and3A_1715 = arith.andi %ne3A_1714, %ne3A_1709 : i1
      %add3A_1716 = arith.addi %rem3A_1707, %select_n3A_1706 : i32
      %select_n3A_1717 = arith.select %and3A_1715, %add3A_1716, %rem3A_1707 : i32
      %mul3A_1718 = arith.constant 64 : i32
      %mul3A_1719 = arith.muli %select_n3A_1717, %mul3A_1718 : i32
      %add3A_1720 = arith.addi %mul3A_0, %mul3A_1719 : i32
      %mul3A_1721 = arith.constant 4 : i32
      %mul3A_1722 = arith.muli %arg0, %mul3A_1721 : i32
      %jit3A_1723 = arith.constant 32 : i32
      %div3A_1724 = arith.divsi %sub3A_1701, %jit3A_1723 : i32
      %sign3A_1725 = arith.constant 0 : i32
      %sign3A_1726 = arith.cmpi sgt, %sub3A_1701, %sign3A_1725 : i32
      %sign3A_1727 = arith.extui %sign3A_1726 : i1 to i32
      %sign3A_1728 = arith.constant 0 : i32
      %sign3A_1729 = arith.cmpi slt, %sub3A_1701, %sign3A_1728 : i32
      %sign3A_1730 = arith.extui %sign3A_1729 : i1 to i32
      %sign3A_1731 = arith.subi %sign3A_1727, %sign3A_1730 : i32
      %sign3A_1732 = arith.constant 0 : i32
      %sign3A_1733 = arith.cmpi sgt, %jit3A_1723, %sign3A_1732 : i32
      %sign3A_1734 = arith.extui %sign3A_1733 : i1 to i32
      %sign3A_1735 = arith.constant 0 : i32
      %sign3A_1736 = arith.cmpi slt, %jit3A_1723, %sign3A_1735 : i32
      %sign3A_1737 = arith.extui %sign3A_1736 : i1 to i32
      %sign3A_1738 = arith.subi %sign3A_1734, %sign3A_1737 : i32
      %ne3A_1739 = arith.cmpi ne, %sign3A_1731, %sign3A_1738 : i32
      %rem3A_1740 = arith.remsi %sub3A_1701, %jit3A_1723 : i32
      %ne3A_1741 = arith.constant 0 : i32
      %ne3A_1742 = arith.cmpi ne, %rem3A_1740, %ne3A_1741 : i32
      %and3A_1743 = arith.andi %ne3A_1739, %ne3A_1742 : i1
      %sub3A_1744 = arith.constant 1 : i32
      %sub3A_1745 = arith.subi %div3A_1724, %sub3A_1744 : i32
      %select_n3A_1746 = arith.select %and3A_1743, %sub3A_1745, %div3A_1724 : i32
      %add3A_1747 = arith.addi %mul3A_1722, %select_n3A_1746 : i32
      %mul3A_1748 = arith.constant 128 : i32
      %mul3A_1749 = arith.muli %add3A_1747, %mul3A_1748 : i32
      %dma_wait3A_1750 = tpu.memref_slice %arg4[%add3A_1720, %mul3A_1749] : memref<32768x1024xf32, #tpu.memory_space<hbm>> -> memref<64x128xf32, #tpu.memory_space<hbm>>
      %dma_wait3A_1751 = tpu.memref_slice %arg4[%add3A_1720, %mul3A_1749] : memref<32768x1024xf32, #tpu.memory_space<hbm>> -> memref<64x128xf32, #tpu.memory_space<hbm>>
      tpu.wait_dma2 semaphore(%arg17 : memref<!tpu.dma_semaphore, #tpu.memory_space<semaphore_mem>>) src(%arg10 : memref<64x128xf32, #tpu.memory_space<vmem>>) dst(%dma_wait3A_1751 : memref<64x128xf32, #tpu.memory_space<hbm>>)
      %add3A_1752 = arith.constant 3 : i32
      %add3A_1753 = arith.addi %add3A_1677, %add3A_1752 : i32
      %jit3A_1754 = arith.constant 32 : i32
      %eq3A_1755 = arith.constant 0 : i32
      %eq3A_1756 = arith.cmpi eq, %jit3A_1754, %eq3A_1755 : i32
      %jit3A_1757 = arith.constant 1 : i32
      %select_n3A_1758 = arith.select %eq3A_1756, %jit3A_1757, %jit3A_1754 : i32
      %rem3A_1759 = arith.remsi %add3A_1753, %select_n3A_1758 : i32
      %ne3A_1760 = arith.constant 0 : i32
      %ne3A_1761 = arith.cmpi ne, %rem3A_1759, %ne3A_1760 : i32
      %lt3A_1762 = arith.constant 0 : i32
      %lt3A_1763 = arith.cmpi slt, %rem3A_1759, %lt3A_1762 : i32
      %lt3A_1764 = arith.constant 0 : i32
      %lt3A_1765 = arith.cmpi slt, %select_n3A_1758, %lt3A_1764 : i32
      %ne3A_1766 = arith.xori %lt3A_1763, %lt3A_1765 : i1
      %and3A_1767 = arith.andi %ne3A_1766, %ne3A_1761 : i1
      %add3A_1768 = arith.addi %rem3A_1759, %select_n3A_1758 : i32
      %select_n3A_1769 = arith.select %and3A_1767, %add3A_1768, %rem3A_1759 : i32
      %mul3A_1770 = arith.constant 64 : i32
      %mul3A_1771 = arith.muli %select_n3A_1769, %mul3A_1770 : i32
      %dma_start3A_1772 = tpu.memref_slice %arg6[%mul3A_1771] : memref<2048xi32, #tpu.memory_space<vmem>> -> memref<64xi32, #tpu.memory_space<vmem>>
      %dma_start3A_1773 = arith.constant 0 : i32
      %dma_start3A_1774 = arith.constant 0 : i32
      %dma_start3A_1775 = tpu.memref_slice %arg5[%dma_start3A_1773, %dma_start3A_1774] : memref<8192x128xf32, #tpu.memory_space<vmem_shared>> -> memref<8192x128xf32, #tpu.memory_space<vmem_shared>>
      tpu.enqueue_indirect_dma source(%dma_start3A_1775 : memref<8192x128xf32, #tpu.memory_space<vmem_shared>>) target(%arg10 : memref<64x128xf32, #tpu.memory_space<vmem>>) offsets(%dma_start3A_1772 : memref<64xi32, #tpu.memory_space<vmem>>) semaphore(%arg17 : memref<!tpu.dma_semaphore, #tpu.memory_space<semaphore_mem>>)
      %jit3A_1776 = arith.constant 32 : i32
      %eq3A_1777 = arith.constant 0 : i32
      %eq3A_1778 = arith.cmpi eq, %jit3A_1776, %eq3A_1777 : i32
      %jit3A_1779 = arith.constant 1 : i32
      %select_n3A_1780 = arith.select %eq3A_1778, %jit3A_1779, %jit3A_1776 : i32
      %rem3A_1781 = arith.remsi %add3A_1677, %select_n3A_1780 : i32
      %ne3A_1782 = arith.constant 0 : i32
      %ne3A_1783 = arith.cmpi ne, %rem3A_1781, %ne3A_1782 : i32
      %lt3A_1784 = arith.constant 0 : i32
      %lt3A_1785 = arith.cmpi slt, %rem3A_1781, %lt3A_1784 : i32
      %lt3A_1786 = arith.constant 0 : i32
      %lt3A_1787 = arith.cmpi slt, %select_n3A_1780, %lt3A_1786 : i32
      %ne3A_1788 = arith.xori %lt3A_1785, %lt3A_1787 : i1
      %and3A_1789 = arith.andi %ne3A_1788, %ne3A_1783 : i1
      %add3A_1790 = arith.addi %rem3A_1781, %select_n3A_1780 : i32
      %select_n3A_1791 = arith.select %and3A_1789, %add3A_1790, %rem3A_1781 : i32
      %mul3A_1792 = arith.constant 64 : i32
      %mul3A_1793 = arith.muli %select_n3A_1791, %mul3A_1792 : i32
      %add3A_1794 = arith.addi %mul3A_0, %mul3A_1793 : i32
      %mul3A_1795 = arith.constant 4 : i32
      %mul3A_1796 = arith.muli %arg0, %mul3A_1795 : i32
      %jit3A_1797 = arith.constant 32 : i32
      %div3A_1798 = arith.divsi %add3A_1677, %jit3A_1797 : i32
      %sign3A_1799 = arith.constant 0 : i32
      %sign3A_1800 = arith.cmpi sgt, %add3A_1677, %sign3A_1799 : i32
      %sign3A_1801 = arith.extui %sign3A_1800 : i1 to i32
      %sign3A_1802 = arith.constant 0 : i32
      %sign3A_1803 = arith.cmpi slt, %add3A_1677, %sign3A_1802 : i32
      %sign3A_1804 = arith.extui %sign3A_1803 : i1 to i32
      %sign3A_1805 = arith.subi %sign3A_1801, %sign3A_1804 : i32
      %sign3A_1806 = arith.constant 0 : i32
      %sign3A_1807 = arith.cmpi sgt, %jit3A_1797, %sign3A_1806 : i32
      %sign3A_1808 = arith.extui %sign3A_1807 : i1 to i32
      %sign3A_1809 = arith.constant 0 : i32
      %sign3A_1810 = arith.cmpi slt, %jit3A_1797, %sign3A_1809 : i32
      %sign3A_1811 = arith.extui %sign3A_1810 : i1 to i32
      %sign3A_1812 = arith.subi %sign3A_1808, %sign3A_1811 : i32
      %ne3A_1813 = arith.cmpi ne, %sign3A_1805, %sign3A_1812 : i32
      %rem3A_1814 = arith.remsi %add3A_1677, %jit3A_1797 : i32
      %ne3A_1815 = arith.constant 0 : i32
      %ne3A_1816 = arith.cmpi ne, %rem3A_1814, %ne3A_1815 : i32
      %and3A_1817 = arith.andi %ne3A_1813, %ne3A_1816 : i1
      %sub3A_1818 = arith.constant 1 : i32
      %sub3A_1819 = arith.subi %div3A_1798, %sub3A_1818 : i32
      %select_n3A_1820 = arith.select %and3A_1817, %sub3A_1819, %div3A_1798 : i32
      %add3A_1821 = arith.addi %mul3A_1796, %select_n3A_1820 : i32
      %mul3A_1822 = arith.constant 128 : i32
      %mul3A_1823 = arith.muli %add3A_1821, %mul3A_1822 : i32
      %dma_start3A_1824 = tpu.memref_slice %arg4[%add3A_1794, %mul3A_1823] : memref<32768x1024xf32, #tpu.memory_space<hbm>> -> memref<64x128xf32, #tpu.memory_space<hbm>>
      %dma_start3A_1825 = tpu.memref_slice %arg4[%add3A_1794, %mul3A_1823] : memref<32768x1024xf32, #tpu.memory_space<hbm>> -> memref<64x128xf32, #tpu.memory_space<hbm>>
      tpu.enqueue_dma source(%arg7 : memref<64x128xf32, #tpu.memory_space<vmem>>) target(%dma_start3A_1825 : memref<64x128xf32, #tpu.memory_space<hbm>>) target_semaphore(%arg14 : memref<!tpu.dma_semaphore, #tpu.memory_space<semaphore_mem>>)
    }
    %scan3A_473 = arith.constant 4 : i32
    %dma_wait3A_474 = arith.constant 1792 : i32
    %dma_wait3A_475 = tpu.memref_slice %arg6[%dma_wait3A_474] : memref<2048xi32, #tpu.memory_space<vmem>> -> memref<64xi32, #tpu.memory_space<vmem>>
    %dma_wait3A_476 = arith.constant 0 : i32
    %dma_wait3A_477 = arith.constant 0 : i32
    %dma_wait3A_478 = tpu.memref_slice %arg5[%dma_wait3A_476, %dma_wait3A_477] : memref<8192x128xf32, #tpu.memory_space<vmem_shared>> -> memref<8192x128xf32, #tpu.memory_space<vmem_shared>>
    tpu.wait_indirect_dma semaphore(%arg15 : memref<!tpu.dma_semaphore, #tpu.memory_space<semaphore_mem>>) src(%dma_wait3A_478 : memref<8192x128xf32, #tpu.memory_space<vmem_shared>>) dst(%arg8 : memref<64x128xf32, #tpu.memory_space<vmem>>)
    %add3A_479 = arith.constant 1536 : i32
    %add3A_480 = arith.addi %mul3A_0, %add3A_479 : i32
    %mul3A_481 = arith.constant 4 : i32
    %mul3A_482 = arith.muli %arg0, %mul3A_481 : i32
    %add3A_483 = arith.constant 2 : i32
    %add3A_484 = arith.addi %mul3A_482, %add3A_483 : i32
    %mul3A_485 = arith.constant 128 : i32
    %mul3A_486 = arith.muli %add3A_484, %mul3A_485 : i32
    %dma_wait3A_487 = tpu.memref_slice %arg4[%add3A_480, %mul3A_486] : memref<32768x1024xf32, #tpu.memory_space<hbm>> -> memref<64x128xf32, #tpu.memory_space<hbm>>
    %dma_wait3A_488 = tpu.memref_slice %arg4[%add3A_480, %mul3A_486] : memref<32768x1024xf32, #tpu.memory_space<hbm>> -> memref<64x128xf32, #tpu.memory_space<hbm>>
    tpu.wait_dma2 semaphore(%arg18 : memref<!tpu.dma_semaphore, #tpu.memory_space<semaphore_mem>>) src(%arg11 : memref<64x128xf32, #tpu.memory_space<vmem>>) dst(%dma_wait3A_488 : memref<64x128xf32, #tpu.memory_space<hbm>>)
    %dma_start3A_489 = arith.constant 1984 : i32
    %dma_start3A_490 = tpu.memref_slice %arg6[%dma_start3A_489] : memref<2048xi32, #tpu.memory_space<vmem>> -> memref<64xi32, #tpu.memory_space<vmem>>
    %dma_start3A_491 = arith.constant 0 : i32
    %dma_start3A_492 = arith.constant 0 : i32
    %dma_start3A_493 = tpu.memref_slice %arg5[%dma_start3A_491, %dma_start3A_492] : memref<8192x128xf32, #tpu.memory_space<vmem_shared>> -> memref<8192x128xf32, #tpu.memory_space<vmem_shared>>
    tpu.enqueue_indirect_dma source(%dma_start3A_493 : memref<8192x128xf32, #tpu.memory_space<vmem_shared>>) target(%arg11 : memref<64x128xf32, #tpu.memory_space<vmem>>) offsets(%dma_start3A_490 : memref<64xi32, #tpu.memory_space<vmem>>) semaphore(%arg18 : memref<!tpu.dma_semaphore, #tpu.memory_space<semaphore_mem>>)
    %add3A_494 = arith.constant 1792 : i32
    %add3A_495 = arith.addi %mul3A_0, %add3A_494 : i32
    %mul3A_496 = arith.constant 4 : i32
    %mul3A_497 = arith.muli %arg0, %mul3A_496 : i32
    %add3A_498 = arith.constant 2 : i32
    %add3A_499 = arith.addi %mul3A_497, %add3A_498 : i32
    %mul3A_500 = arith.constant 128 : i32
    %mul3A_501 = arith.muli %add3A_499, %mul3A_500 : i32
    %dma_start3A_502 = tpu.memref_slice %arg4[%add3A_495, %mul3A_501] : memref<32768x1024xf32, #tpu.memory_space<hbm>> -> memref<64x128xf32, #tpu.memory_space<hbm>>
    %dma_start3A_503 = tpu.memref_slice %arg4[%add3A_495, %mul3A_501] : memref<32768x1024xf32, #tpu.memory_space<hbm>> -> memref<64x128xf32, #tpu.memory_space<hbm>>
    tpu.enqueue_dma source(%arg8 : memref<64x128xf32, #tpu.memory_space<vmem>>) target(%dma_start3A_503 : memref<64x128xf32, #tpu.memory_space<hbm>>) target_semaphore(%arg15 : memref<!tpu.dma_semaphore, #tpu.memory_space<semaphore_mem>>)
    %dma_wait3A_504 = arith.constant 1856 : i32
    %dma_wait3A_505 = tpu.memref_slice %arg6[%dma_wait3A_504] : memref<2048xi32, #tpu.memory_space<vmem>> -> memref<64xi32, #tpu.memory_space<vmem>>
    %dma_wait3A_506 = arith.constant 0 : i32
    %dma_wait3A_507 = arith.constant 0 : i32
    %dma_wait3A_508 = tpu.memref_slice %arg5[%dma_wait3A_506, %dma_wait3A_507] : memref<8192x128xf32, #tpu.memory_space<vmem_shared>> -> memref<8192x128xf32, #tpu.memory_space<vmem_shared>>
    tpu.wait_indirect_dma semaphore(%arg16 : memref<!tpu.dma_semaphore, #tpu.memory_space<semaphore_mem>>) src(%dma_wait3A_508 : memref<8192x128xf32, #tpu.memory_space<vmem_shared>>) dst(%arg9 : memref<64x128xf32, #tpu.memory_space<vmem>>)
    %add3A_509 = arith.constant 1600 : i32
    %add3A_510 = arith.addi %mul3A_0, %add3A_509 : i32
    %mul3A_511 = arith.constant 4 : i32
    %mul3A_512 = arith.muli %arg0, %mul3A_511 : i32
    %add3A_513 = arith.constant 2 : i32
    %add3A_514 = arith.addi %mul3A_512, %add3A_513 : i32
    %mul3A_515 = arith.constant 128 : i32
    %mul3A_516 = arith.muli %add3A_514, %mul3A_515 : i32
    %dma_wait3A_517 = tpu.memref_slice %arg4[%add3A_510, %mul3A_516] : memref<32768x1024xf32, #tpu.memory_space<hbm>> -> memref<64x128xf32, #tpu.memory_space<hbm>>
    %dma_wait3A_518 = tpu.memref_slice %arg4[%add3A_510, %mul3A_516] : memref<32768x1024xf32, #tpu.memory_space<hbm>> -> memref<64x128xf32, #tpu.memory_space<hbm>>
    tpu.wait_dma2 semaphore(%arg19 : memref<!tpu.dma_semaphore, #tpu.memory_space<semaphore_mem>>) src(%arg12 : memref<64x128xf32, #tpu.memory_space<vmem>>) dst(%dma_wait3A_518 : memref<64x128xf32, #tpu.memory_space<hbm>>)
    %add3A_519 = arith.constant 1856 : i32
    %add3A_520 = arith.addi %mul3A_0, %add3A_519 : i32
    %mul3A_521 = arith.constant 4 : i32
    %mul3A_522 = arith.muli %arg0, %mul3A_521 : i32
    %add3A_523 = arith.constant 2 : i32
    %add3A_524 = arith.addi %mul3A_522, %add3A_523 : i32
    %mul3A_525 = arith.constant 128 : i32
    %mul3A_526 = arith.muli %add3A_524, %mul3A_525 : i32
    %dma_start3A_527 = tpu.memref_slice %arg4[%add3A_520, %mul3A_526] : memref<32768x1024xf32, #tpu.memory_space<hbm>> -> memref<64x128xf32, #tpu.memory_space<hbm>>
    %dma_start3A_528 = tpu.memref_slice %arg4[%add3A_520, %mul3A_526] : memref<32768x1024xf32, #tpu.memory_space<hbm>> -> memref<64x128xf32, #tpu.memory_space<hbm>>
    tpu.enqueue_dma source(%arg9 : memref<64x128xf32, #tpu.memory_space<vmem>>) target(%dma_start3A_528 : memref<64x128xf32, #tpu.memory_space<hbm>>) target_semaphore(%arg16 : memref<!tpu.dma_semaphore, #tpu.memory_space<semaphore_mem>>)
    %dma_wait3A_529 = arith.constant 1920 : i32
    %dma_wait3A_530 = tpu.memref_slice %arg6[%dma_wait3A_529] : memref<2048xi32, #tpu.memory_space<vmem>> -> memref<64xi32, #tpu.memory_space<vmem>>
    %dma_wait3A_531 = arith.constant 0 : i32
    %dma_wait3A_532 = arith.constant 0 : i32
    %dma_wait3A_533 = tpu.memref_slice %arg5[%dma_wait3A_531, %dma_wait3A_532] : memref<8192x128xf32, #tpu.memory_space<vmem_shared>> -> memref<8192x128xf32, #tpu.memory_space<vmem_shared>>
    tpu.wait_indirect_dma semaphore(%arg17 : memref<!tpu.dma_semaphore, #tpu.memory_space<semaphore_mem>>) src(%dma_wait3A_533 : memref<8192x128xf32, #tpu.memory_space<vmem_shared>>) dst(%arg10 : memref<64x128xf32, #tpu.memory_space<vmem>>)
    %add3A_534 = arith.constant 1664 : i32
    %add3A_535 = arith.addi %mul3A_0, %add3A_534 : i32
    %mul3A_536 = arith.constant 4 : i32
    %mul3A_537 = arith.muli %arg0, %mul3A_536 : i32
    %add3A_538 = arith.constant 2 : i32
    %add3A_539 = arith.addi %mul3A_537, %add3A_538 : i32
    %mul3A_540 = arith.constant 128 : i32
    %mul3A_541 = arith.muli %add3A_539, %mul3A_540 : i32
    %dma_wait3A_542 = tpu.memref_slice %arg4[%add3A_535, %mul3A_541] : memref<32768x1024xf32, #tpu.memory_space<hbm>> -> memref<64x128xf32, #tpu.memory_space<hbm>>
    %dma_wait3A_543 = tpu.memref_slice %arg4[%add3A_535, %mul3A_541] : memref<32768x1024xf32, #tpu.memory_space<hbm>> -> memref<64x128xf32, #tpu.memory_space<hbm>>
    tpu.wait_dma2 semaphore(%arg20 : memref<!tpu.dma_semaphore, #tpu.memory_space<semaphore_mem>>) src(%arg13 : memref<64x128xf32, #tpu.memory_space<vmem>>) dst(%dma_wait3A_543 : memref<64x128xf32, #tpu.memory_space<hbm>>)
    %add3A_544 = arith.constant 1920 : i32
    %add3A_545 = arith.addi %mul3A_0, %add3A_544 : i32
    %mul3A_546 = arith.constant 4 : i32
    %mul3A_547 = arith.muli %arg0, %mul3A_546 : i32
    %add3A_548 = arith.constant 2 : i32
    %add3A_549 = arith.addi %mul3A_547, %add3A_548 : i32
    %mul3A_550 = arith.constant 128 : i32
    %mul3A_551 = arith.muli %add3A_549, %mul3A_550 : i32
    %dma_start3A_552 = tpu.memref_slice %arg4[%add3A_545, %mul3A_551] : memref<32768x1024xf32, #tpu.memory_space<hbm>> -> memref<64x128xf32, #tpu.memory_space<hbm>>
    %dma_start3A_553 = tpu.memref_slice %arg4[%add3A_545, %mul3A_551] : memref<32768x1024xf32, #tpu.memory_space<hbm>> -> memref<64x128xf32, #tpu.memory_space<hbm>>
    tpu.enqueue_dma source(%arg10 : memref<64x128xf32, #tpu.memory_space<vmem>>) target(%dma_start3A_553 : memref<64x128xf32, #tpu.memory_space<hbm>>) target_semaphore(%arg17 : memref<!tpu.dma_semaphore, #tpu.memory_space<semaphore_mem>>)
    %dma_wait3A_554 = arith.constant 1984 : i32
    %dma_wait3A_555 = tpu.memref_slice %arg6[%dma_wait3A_554] : memref<2048xi32, #tpu.memory_space<vmem>> -> memref<64xi32, #tpu.memory_space<vmem>>
    %dma_wait3A_556 = arith.constant 0 : i32
    %dma_wait3A_557 = arith.constant 0 : i32
    %dma_wait3A_558 = tpu.memref_slice %arg5[%dma_wait3A_556, %dma_wait3A_557] : memref<8192x128xf32, #tpu.memory_space<vmem_shared>> -> memref<8192x128xf32, #tpu.memory_space<vmem_shared>>
    tpu.wait_indirect_dma semaphore(%arg18 : memref<!tpu.dma_semaphore, #tpu.memory_space<semaphore_mem>>) src(%dma_wait3A_558 : memref<8192x128xf32, #tpu.memory_space<vmem_shared>>) dst(%arg11 : memref<64x128xf32, #tpu.memory_space<vmem>>)
    %add3A_559 = arith.constant 1728 : i32
    %add3A_560 = arith.addi %mul3A_0, %add3A_559 : i32
    %mul3A_561 = arith.constant 4 : i32
    %mul3A_562 = arith.muli %arg0, %mul3A_561 : i32
    %add3A_563 = arith.constant 2 : i32
    %add3A_564 = arith.addi %mul3A_562, %add3A_563 : i32
    %mul3A_565 = arith.constant 128 : i32
    %mul3A_566 = arith.muli %add3A_564, %mul3A_565 : i32
    %dma_wait3A_567 = tpu.memref_slice %arg4[%add3A_560, %mul3A_566] : memref<32768x1024xf32, #tpu.memory_space<hbm>> -> memref<64x128xf32, #tpu.memory_space<hbm>>
    %dma_wait3A_568 = tpu.memref_slice %arg4[%add3A_560, %mul3A_566] : memref<32768x1024xf32, #tpu.memory_space<hbm>> -> memref<64x128xf32, #tpu.memory_space<hbm>>
    tpu.wait_dma2 semaphore(%arg14 : memref<!tpu.dma_semaphore, #tpu.memory_space<semaphore_mem>>) src(%arg7 : memref<64x128xf32, #tpu.memory_space<vmem>>) dst(%dma_wait3A_568 : memref<64x128xf32, #tpu.memory_space<hbm>>)
    %add3A_569 = arith.constant 1984 : i32
    %add3A_570 = arith.addi %mul3A_0, %add3A_569 : i32
    %mul3A_571 = arith.constant 4 : i32
    %mul3A_572 = arith.muli %arg0, %mul3A_571 : i32
    %add3A_573 = arith.constant 2 : i32
    %add3A_574 = arith.addi %mul3A_572, %add3A_573 : i32
    %mul3A_575 = arith.constant 128 : i32
    %mul3A_576 = arith.muli %add3A_574, %mul3A_575 : i32
    %dma_start3A_577 = tpu.memref_slice %arg4[%add3A_570, %mul3A_576] : memref<32768x1024xf32, #tpu.memory_space<hbm>> -> memref<64x128xf32, #tpu.memory_space<hbm>>
    %dma_start3A_578 = tpu.memref_slice %arg4[%add3A_570, %mul3A_576] : memref<32768x1024xf32, #tpu.memory_space<hbm>> -> memref<64x128xf32, #tpu.memory_space<hbm>>
    tpu.enqueue_dma source(%arg11 : memref<64x128xf32, #tpu.memory_space<vmem>>) target(%dma_start3A_578 : memref<64x128xf32, #tpu.memory_space<hbm>>) target_semaphore(%arg18 : memref<!tpu.dma_semaphore, #tpu.memory_space<semaphore_mem>>)
    %barrier3A_579 = arith.constant 0 : index
    tpu.barrier barrier_id(%barrier3A_579)
    %mul3A_580 = arith.constant 512 : i32
    %mul3A_581 = arith.muli %arg1, %mul3A_580 : i32
    %mul3A_582 = arith.constant 4 : i32
    %mul3A_583 = arith.muli %arg0, %mul3A_582 : i32
    %add3A_584 = arith.constant 3 : i32
    %add3A_585 = arith.addi %mul3A_583, %add3A_584 : i32
    %mul3A_586 = arith.constant 128 : i32
    %mul3A_587 = arith.muli %add3A_585, %mul3A_586 : i32
    %mul3A_588 = arith.constant 512 : i32
    %mul3A_589 = arith.muli %arg1, %mul3A_588 : i32
    "tpu.region"() ({
      %run_scoped3A = tpu.sem_alloc : memref<!tpu.dma_semaphore, #tpu.memory_space<semaphore_mem>>
      %dma_start3A_757 = arith.constant 0 : i32
      %dma_start3A_758 = tpu.memref_slice %arg5[%mul3A_589, %dma_start3A_757] : memref<8192x128xf32, #tpu.memory_space<vmem_shared>> -> memref<512x128xf32, #tpu.memory_space<vmem_shared>>
      %dma_start3A_759 = tpu.memref_slice %arg3[%mul3A_581, %mul3A_587] : memref<8192x1024xf32, #tpu.memory_space<hbm>> -> memref<512x128xf32, #tpu.memory_space<hbm>>
      tpu.enqueue_dma source(%dma_start3A_759 : memref<512x128xf32, #tpu.memory_space<hbm>>) target(%dma_start3A_758 : memref<512x128xf32, #tpu.memory_space<vmem_shared>>) target_semaphore(%run_scoped3A : memref<!tpu.dma_semaphore, #tpu.memory_space<semaphore_mem>>)
      %dma_wait3A_760 = arith.constant 0 : i32
      %dma_wait3A_761 = tpu.memref_slice %arg5[%mul3A_589, %dma_wait3A_760] : memref<8192x128xf32, #tpu.memory_space<vmem_shared>> -> memref<512x128xf32, #tpu.memory_space<vmem_shared>>
      %dma_wait3A_762 = tpu.memref_slice %arg3[%mul3A_581, %mul3A_587] : memref<8192x1024xf32, #tpu.memory_space<hbm>> -> memref<512x128xf32, #tpu.memory_space<hbm>>
      tpu.wait_dma2 semaphore(%run_scoped3A : memref<!tpu.dma_semaphore, #tpu.memory_space<semaphore_mem>>) src(%dma_wait3A_762 : memref<512x128xf32, #tpu.memory_space<hbm>>) dst(%dma_wait3A_761 : memref<512x128xf32, #tpu.memory_space<vmem_shared>>)
      tpu.yield
    }) : () -> ()
    %barrier3A_590 = arith.constant 0 : index
    tpu.barrier barrier_id(%barrier3A_590)
    %dma_start3A_591 = arith.constant 0 : i32
    %dma_start3A_592 = tpu.memref_slice %arg6[%dma_start3A_591] : memref<2048xi32, #tpu.memory_space<vmem>> -> memref<64xi32, #tpu.memory_space<vmem>>
    %dma_start3A_593 = arith.constant 0 : i32
    %dma_start3A_594 = arith.constant 0 : i32
    %dma_start3A_595 = tpu.memref_slice %arg5[%dma_start3A_593, %dma_start3A_594] : memref<8192x128xf32, #tpu.memory_space<vmem_shared>> -> memref<8192x128xf32, #tpu.memory_space<vmem_shared>>
    tpu.enqueue_indirect_dma source(%dma_start3A_595 : memref<8192x128xf32, #tpu.memory_space<vmem_shared>>) target(%arg12 : memref<64x128xf32, #tpu.memory_space<vmem>>) offsets(%dma_start3A_592 : memref<64xi32, #tpu.memory_space<vmem>>) semaphore(%arg19 : memref<!tpu.dma_semaphore, #tpu.memory_space<semaphore_mem>>)
    %dma_start3A_596 = arith.constant 64 : i32
    %dma_start3A_597 = tpu.memref_slice %arg6[%dma_start3A_596] : memref<2048xi32, #tpu.memory_space<vmem>> -> memref<64xi32, #tpu.memory_space<vmem>>
    %dma_start3A_598 = arith.constant 0 : i32
    %dma_start3A_599 = arith.constant 0 : i32
    %dma_start3A_600 = tpu.memref_slice %arg5[%dma_start3A_598, %dma_start3A_599] : memref<8192x128xf32, #tpu.memory_space<vmem_shared>> -> memref<8192x128xf32, #tpu.memory_space<vmem_shared>>
    tpu.enqueue_indirect_dma source(%dma_start3A_600 : memref<8192x128xf32, #tpu.memory_space<vmem_shared>>) target(%arg13 : memref<64x128xf32, #tpu.memory_space<vmem>>) offsets(%dma_start3A_597 : memref<64xi32, #tpu.memory_space<vmem>>) semaphore(%arg20 : memref<!tpu.dma_semaphore, #tpu.memory_space<semaphore_mem>>)
    %dma_start3A_601 = arith.constant 128 : i32
    %dma_start3A_602 = tpu.memref_slice %arg6[%dma_start3A_601] : memref<2048xi32, #tpu.memory_space<vmem>> -> memref<64xi32, #tpu.memory_space<vmem>>
    %dma_start3A_603 = arith.constant 0 : i32
    %dma_start3A_604 = arith.constant 0 : i32
    %dma_start3A_605 = tpu.memref_slice %arg5[%dma_start3A_603, %dma_start3A_604] : memref<8192x128xf32, #tpu.memory_space<vmem_shared>> -> memref<8192x128xf32, #tpu.memory_space<vmem_shared>>
    tpu.enqueue_indirect_dma source(%dma_start3A_605 : memref<8192x128xf32, #tpu.memory_space<vmem_shared>>) target(%arg7 : memref<64x128xf32, #tpu.memory_space<vmem>>) offsets(%dma_start3A_602 : memref<64xi32, #tpu.memory_space<vmem>>) semaphore(%arg14 : memref<!tpu.dma_semaphore, #tpu.memory_space<semaphore_mem>>)
    %scan3A_606 = arith.constant 0 : i32
    %scan3A_607 = arith.constant 0 : i32
    %scan3A_608 = arith.constant 4 : i32
    %scan3A_609 = arith.addi %scan3A_607, %scan3A_608 : i32
    %scan3A_610 = arith.constant 1 : i32
    scf.for %scan3A_757 = %scan3A_607 to %scan3A_609 step %scan3A_610  : i32 {
      %mul3A_758 = arith.constant 7 : i32
      %mul3A_759 = arith.muli %scan3A_757, %mul3A_758 : i32
      %add3A_760 = arith.constant 96 : i32
      %add3A_761 = arith.addi %add3A_760, %mul3A_759 : i32
      %add3A_762 = arith.constant 0 : i32
      %add3A_763 = arith.addi %add3A_761, %add3A_762 : i32
      %jit3A = arith.constant 32 : i32
      %eq3A = arith.constant 0 : i32
      %eq3A_764 = arith.cmpi eq, %jit3A, %eq3A : i32
      %jit3A_765 = arith.constant 1 : i32
      %select_n3A = arith.select %eq3A_764, %jit3A_765, %jit3A : i32
      %rem3A = arith.remsi %add3A_763, %select_n3A : i32
      %ne3A = arith.constant 0 : i32
      %ne3A_766 = arith.cmpi ne, %rem3A, %ne3A : i32
      %lt3A = arith.constant 0 : i32
      %lt3A_767 = arith.cmpi slt, %rem3A, %lt3A : i32
      %lt3A_768 = arith.constant 0 : i32
      %lt3A_769 = arith.cmpi slt, %select_n3A, %lt3A_768 : i32
      %ne3A_770 = arith.xori %lt3A_767, %lt3A_769 : i1
      %and3A = arith.andi %ne3A_770, %ne3A_766 : i1
      %add3A_771 = arith.addi %rem3A, %select_n3A : i32
      %select_n3A_772 = arith.select %and3A, %add3A_771, %rem3A : i32
      %mul3A_773 = arith.constant 64 : i32
      %mul3A_774 = arith.muli %select_n3A_772, %mul3A_773 : i32
      %dma_wait3A_775 = tpu.memref_slice %arg6[%mul3A_774] : memref<2048xi32, #tpu.memory_space<vmem>> -> memref<64xi32, #tpu.memory_space<vmem>>
      %dma_wait3A_776 = arith.constant 0 : i32
      %dma_wait3A_777 = arith.constant 0 : i32
      %dma_wait3A_778 = tpu.memref_slice %arg5[%dma_wait3A_776, %dma_wait3A_777] : memref<8192x128xf32, #tpu.memory_space<vmem_shared>> -> memref<8192x128xf32, #tpu.memory_space<vmem_shared>>
      tpu.wait_indirect_dma semaphore(%arg19 : memref<!tpu.dma_semaphore, #tpu.memory_space<semaphore_mem>>) src(%dma_wait3A_778 : memref<8192x128xf32, #tpu.memory_space<vmem_shared>>) dst(%arg12 : memref<64x128xf32, #tpu.memory_space<vmem>>)
      %sub3A = arith.constant 4 : i32
      %sub3A_779 = arith.subi %add3A_763, %sub3A : i32
      %jit3A_780 = arith.constant 32 : i32
      %eq3A_781 = arith.constant 0 : i32
      %eq3A_782 = arith.cmpi eq, %jit3A_780, %eq3A_781 : i32
      %jit3A_783 = arith.constant 1 : i32
      %select_n3A_784 = arith.select %eq3A_782, %jit3A_783, %jit3A_780 : i32
      %rem3A_785 = arith.remsi %sub3A_779, %select_n3A_784 : i32
      %ne3A_786 = arith.constant 0 : i32
      %ne3A_787 = arith.cmpi ne, %rem3A_785, %ne3A_786 : i32
      %lt3A_788 = arith.constant 0 : i32
      %lt3A_789 = arith.cmpi slt, %rem3A_785, %lt3A_788 : i32
      %lt3A_790 = arith.constant 0 : i32
      %lt3A_791 = arith.cmpi slt, %select_n3A_784, %lt3A_790 : i32
      %ne3A_792 = arith.xori %lt3A_789, %lt3A_791 : i1
      %and3A_793 = arith.andi %ne3A_792, %ne3A_787 : i1
      %add3A_794 = arith.addi %rem3A_785, %select_n3A_784 : i32
      %select_n3A_795 = arith.select %and3A_793, %add3A_794, %rem3A_785 : i32
      %mul3A_796 = arith.constant 64 : i32
      %mul3A_797 = arith.muli %select_n3A_795, %mul3A_796 : i32
      %add3A_798 = arith.addi %mul3A_0, %mul3A_797 : i32
      %mul3A_799 = arith.constant 4 : i32
      %mul3A_800 = arith.muli %arg0, %mul3A_799 : i32
      %jit3A_801 = arith.constant 32 : i32
      %div3A = arith.divsi %sub3A_779, %jit3A_801 : i32
      %sign3A = arith.constant 0 : i32
      %sign3A_802 = arith.cmpi sgt, %sub3A_779, %sign3A : i32
      %sign3A_803 = arith.extui %sign3A_802 : i1 to i32
      %sign3A_804 = arith.constant 0 : i32
      %sign3A_805 = arith.cmpi slt, %sub3A_779, %sign3A_804 : i32
      %sign3A_806 = arith.extui %sign3A_805 : i1 to i32
      %sign3A_807 = arith.subi %sign3A_803, %sign3A_806 : i32
      %sign3A_808 = arith.constant 0 : i32
      %sign3A_809 = arith.cmpi sgt, %jit3A_801, %sign3A_808 : i32
      %sign3A_810 = arith.extui %sign3A_809 : i1 to i32
      %sign3A_811 = arith.constant 0 : i32
      %sign3A_812 = arith.cmpi slt, %jit3A_801, %sign3A_811 : i32
      %sign3A_813 = arith.extui %sign3A_812 : i1 to i32
      %sign3A_814 = arith.subi %sign3A_810, %sign3A_813 : i32
      %ne3A_815 = arith.cmpi ne, %sign3A_807, %sign3A_814 : i32
      %rem3A_816 = arith.remsi %sub3A_779, %jit3A_801 : i32
      %ne3A_817 = arith.constant 0 : i32
      %ne3A_818 = arith.cmpi ne, %rem3A_816, %ne3A_817 : i32
      %and3A_819 = arith.andi %ne3A_815, %ne3A_818 : i1
      %sub3A_820 = arith.constant 1 : i32
      %sub3A_821 = arith.subi %div3A, %sub3A_820 : i32
      %select_n3A_822 = arith.select %and3A_819, %sub3A_821, %div3A : i32
      %add3A_823 = arith.addi %mul3A_800, %select_n3A_822 : i32
      %mul3A_824 = arith.constant 128 : i32
      %mul3A_825 = arith.muli %add3A_823, %mul3A_824 : i32
      %dma_wait3A_826 = tpu.memref_slice %arg4[%add3A_798, %mul3A_825] : memref<32768x1024xf32, #tpu.memory_space<hbm>> -> memref<64x128xf32, #tpu.memory_space<hbm>>
      %dma_wait3A_827 = tpu.memref_slice %arg4[%add3A_798, %mul3A_825] : memref<32768x1024xf32, #tpu.memory_space<hbm>> -> memref<64x128xf32, #tpu.memory_space<hbm>>
      tpu.wait_dma2 semaphore(%arg15 : memref<!tpu.dma_semaphore, #tpu.memory_space<semaphore_mem>>) src(%arg8 : memref<64x128xf32, #tpu.memory_space<vmem>>) dst(%dma_wait3A_827 : memref<64x128xf32, #tpu.memory_space<hbm>>)
      %add3A_828 = arith.constant 3 : i32
      %add3A_829 = arith.addi %add3A_763, %add3A_828 : i32
      %jit3A_830 = arith.constant 32 : i32
      %eq3A_831 = arith.constant 0 : i32
      %eq3A_832 = arith.cmpi eq, %jit3A_830, %eq3A_831 : i32
      %jit3A_833 = arith.constant 1 : i32
      %select_n3A_834 = arith.select %eq3A_832, %jit3A_833, %jit3A_830 : i32
      %rem3A_835 = arith.remsi %add3A_829, %select_n3A_834 : i32
      %ne3A_836 = arith.constant 0 : i32
      %ne3A_837 = arith.cmpi ne, %rem3A_835, %ne3A_836 : i32
      %lt3A_838 = arith.constant 0 : i32
      %lt3A_839 = arith.cmpi slt, %rem3A_835, %lt3A_838 : i32
      %lt3A_840 = arith.constant 0 : i32
      %lt3A_841 = arith.cmpi slt, %select_n3A_834, %lt3A_840 : i32
      %ne3A_842 = arith.xori %lt3A_839, %lt3A_841 : i1
      %and3A_843 = arith.andi %ne3A_842, %ne3A_837 : i1
      %add3A_844 = arith.addi %rem3A_835, %select_n3A_834 : i32
      %select_n3A_845 = arith.select %and3A_843, %add3A_844, %rem3A_835 : i32
      %mul3A_846 = arith.constant 64 : i32
      %mul3A_847 = arith.muli %select_n3A_845, %mul3A_846 : i32
      %dma_start3A_848 = tpu.memref_slice %arg6[%mul3A_847] : memref<2048xi32, #tpu.memory_space<vmem>> -> memref<64xi32, #tpu.memory_space<vmem>>
      %dma_start3A_849 = arith.constant 0 : i32
      %dma_start3A_850 = arith.constant 0 : i32
      %dma_start3A_851 = tpu.memref_slice %arg5[%dma_start3A_849, %dma_start3A_850] : memref<8192x128xf32, #tpu.memory_space<vmem_shared>> -> memref<8192x128xf32, #tpu.memory_space<vmem_shared>>
      tpu.enqueue_indirect_dma source(%dma_start3A_851 : memref<8192x128xf32, #tpu.memory_space<vmem_shared>>) target(%arg8 : memref<64x128xf32, #tpu.memory_space<vmem>>) offsets(%dma_start3A_848 : memref<64xi32, #tpu.memory_space<vmem>>) semaphore(%arg15 : memref<!tpu.dma_semaphore, #tpu.memory_space<semaphore_mem>>)
      %jit3A_852 = arith.constant 32 : i32
      %eq3A_853 = arith.constant 0 : i32
      %eq3A_854 = arith.cmpi eq, %jit3A_852, %eq3A_853 : i32
      %jit3A_855 = arith.constant 1 : i32
      %select_n3A_856 = arith.select %eq3A_854, %jit3A_855, %jit3A_852 : i32
      %rem3A_857 = arith.remsi %add3A_763, %select_n3A_856 : i32
      %ne3A_858 = arith.constant 0 : i32
      %ne3A_859 = arith.cmpi ne, %rem3A_857, %ne3A_858 : i32
      %lt3A_860 = arith.constant 0 : i32
      %lt3A_861 = arith.cmpi slt, %rem3A_857, %lt3A_860 : i32
      %lt3A_862 = arith.constant 0 : i32
      %lt3A_863 = arith.cmpi slt, %select_n3A_856, %lt3A_862 : i32
      %ne3A_864 = arith.xori %lt3A_861, %lt3A_863 : i1
      %and3A_865 = arith.andi %ne3A_864, %ne3A_859 : i1
      %add3A_866 = arith.addi %rem3A_857, %select_n3A_856 : i32
      %select_n3A_867 = arith.select %and3A_865, %add3A_866, %rem3A_857 : i32
      %mul3A_868 = arith.constant 64 : i32
      %mul3A_869 = arith.muli %select_n3A_867, %mul3A_868 : i32
      %add3A_870 = arith.addi %mul3A_0, %mul3A_869 : i32
      %mul3A_871 = arith.constant 4 : i32
      %mul3A_872 = arith.muli %arg0, %mul3A_871 : i32
      %jit3A_873 = arith.constant 32 : i32
      %div3A_874 = arith.divsi %add3A_763, %jit3A_873 : i32
      %sign3A_875 = arith.constant 0 : i32
      %sign3A_876 = arith.cmpi sgt, %add3A_763, %sign3A_875 : i32
      %sign3A_877 = arith.extui %sign3A_876 : i1 to i32
      %sign3A_878 = arith.constant 0 : i32
      %sign3A_879 = arith.cmpi slt, %add3A_763, %sign3A_878 : i32
      %sign3A_880 = arith.extui %sign3A_879 : i1 to i32
      %sign3A_881 = arith.subi %sign3A_877, %sign3A_880 : i32
      %sign3A_882 = arith.constant 0 : i32
      %sign3A_883 = arith.cmpi sgt, %jit3A_873, %sign3A_882 : i32
      %sign3A_884 = arith.extui %sign3A_883 : i1 to i32
      %sign3A_885 = arith.constant 0 : i32
      %sign3A_886 = arith.cmpi slt, %jit3A_873, %sign3A_885 : i32
      %sign3A_887 = arith.extui %sign3A_886 : i1 to i32
      %sign3A_888 = arith.subi %sign3A_884, %sign3A_887 : i32
      %ne3A_889 = arith.cmpi ne, %sign3A_881, %sign3A_888 : i32
      %rem3A_890 = arith.remsi %add3A_763, %jit3A_873 : i32
      %ne3A_891 = arith.constant 0 : i32
      %ne3A_892 = arith.cmpi ne, %rem3A_890, %ne3A_891 : i32
      %and3A_893 = arith.andi %ne3A_889, %ne3A_892 : i1
      %sub3A_894 = arith.constant 1 : i32
      %sub3A_895 = arith.subi %div3A_874, %sub3A_894 : i32
      %select_n3A_896 = arith.select %and3A_893, %sub3A_895, %div3A_874 : i32
      %add3A_897 = arith.addi %mul3A_872, %select_n3A_896 : i32
      %mul3A_898 = arith.constant 128 : i32
      %mul3A_899 = arith.muli %add3A_897, %mul3A_898 : i32
      %dma_start3A_900 = tpu.memref_slice %arg4[%add3A_870, %mul3A_899] : memref<32768x1024xf32, #tpu.memory_space<hbm>> -> memref<64x128xf32, #tpu.memory_space<hbm>>
      %dma_start3A_901 = tpu.memref_slice %arg4[%add3A_870, %mul3A_899] : memref<32768x1024xf32, #tpu.memory_space<hbm>> -> memref<64x128xf32, #tpu.memory_space<hbm>>
      tpu.enqueue_dma source(%arg12 : memref<64x128xf32, #tpu.memory_space<vmem>>) target(%dma_start3A_901 : memref<64x128xf32, #tpu.memory_space<hbm>>) target_semaphore(%arg19 : memref<!tpu.dma_semaphore, #tpu.memory_space<semaphore_mem>>)
      %mul3A_902 = arith.constant 7 : i32
      %mul3A_903 = arith.muli %scan3A_757, %mul3A_902 : i32
      %add3A_904 = arith.constant 96 : i32
      %add3A_905 = arith.addi %add3A_904, %mul3A_903 : i32
      %add3A_906 = arith.constant 1 : i32
      %add3A_907 = arith.addi %add3A_905, %add3A_906 : i32
      %jit3A_908 = arith.constant 32 : i32
      %eq3A_909 = arith.constant 0 : i32
      %eq3A_910 = arith.cmpi eq, %jit3A_908, %eq3A_909 : i32
      %jit3A_911 = arith.constant 1 : i32
      %select_n3A_912 = arith.select %eq3A_910, %jit3A_911, %jit3A_908 : i32
      %rem3A_913 = arith.remsi %add3A_907, %select_n3A_912 : i32
      %ne3A_914 = arith.constant 0 : i32
      %ne3A_915 = arith.cmpi ne, %rem3A_913, %ne3A_914 : i32
      %lt3A_916 = arith.constant 0 : i32
      %lt3A_917 = arith.cmpi slt, %rem3A_913, %lt3A_916 : i32
      %lt3A_918 = arith.constant 0 : i32
      %lt3A_919 = arith.cmpi slt, %select_n3A_912, %lt3A_918 : i32
      %ne3A_920 = arith.xori %lt3A_917, %lt3A_919 : i1
      %and3A_921 = arith.andi %ne3A_920, %ne3A_915 : i1
      %add3A_922 = arith.addi %rem3A_913, %select_n3A_912 : i32
      %select_n3A_923 = arith.select %and3A_921, %add3A_922, %rem3A_913 : i32
      %mul3A_924 = arith.constant 64 : i32
      %mul3A_925 = arith.muli %select_n3A_923, %mul3A_924 : i32
      %dma_wait3A_926 = tpu.memref_slice %arg6[%mul3A_925] : memref<2048xi32, #tpu.memory_space<vmem>> -> memref<64xi32, #tpu.memory_space<vmem>>
      %dma_wait3A_927 = arith.constant 0 : i32
      %dma_wait3A_928 = arith.constant 0 : i32
      %dma_wait3A_929 = tpu.memref_slice %arg5[%dma_wait3A_927, %dma_wait3A_928] : memref<8192x128xf32, #tpu.memory_space<vmem_shared>> -> memref<8192x128xf32, #tpu.memory_space<vmem_shared>>
      tpu.wait_indirect_dma semaphore(%arg20 : memref<!tpu.dma_semaphore, #tpu.memory_space<semaphore_mem>>) src(%dma_wait3A_929 : memref<8192x128xf32, #tpu.memory_space<vmem_shared>>) dst(%arg13 : memref<64x128xf32, #tpu.memory_space<vmem>>)
      %sub3A_930 = arith.constant 4 : i32
      %sub3A_931 = arith.subi %add3A_907, %sub3A_930 : i32
      %jit3A_932 = arith.constant 32 : i32
      %eq3A_933 = arith.constant 0 : i32
      %eq3A_934 = arith.cmpi eq, %jit3A_932, %eq3A_933 : i32
      %jit3A_935 = arith.constant 1 : i32
      %select_n3A_936 = arith.select %eq3A_934, %jit3A_935, %jit3A_932 : i32
      %rem3A_937 = arith.remsi %sub3A_931, %select_n3A_936 : i32
      %ne3A_938 = arith.constant 0 : i32
      %ne3A_939 = arith.cmpi ne, %rem3A_937, %ne3A_938 : i32
      %lt3A_940 = arith.constant 0 : i32
      %lt3A_941 = arith.cmpi slt, %rem3A_937, %lt3A_940 : i32
      %lt3A_942 = arith.constant 0 : i32
      %lt3A_943 = arith.cmpi slt, %select_n3A_936, %lt3A_942 : i32
      %ne3A_944 = arith.xori %lt3A_941, %lt3A_943 : i1
      %and3A_945 = arith.andi %ne3A_944, %ne3A_939 : i1
      %add3A_946 = arith.addi %rem3A_937, %select_n3A_936 : i32
      %select_n3A_947 = arith.select %and3A_945, %add3A_946, %rem3A_937 : i32
      %mul3A_948 = arith.constant 64 : i32
      %mul3A_949 = arith.muli %select_n3A_947, %mul3A_948 : i32
      %add3A_950 = arith.addi %mul3A_0, %mul3A_949 : i32
      %mul3A_951 = arith.constant 4 : i32
      %mul3A_952 = arith.muli %arg0, %mul3A_951 : i32
      %jit3A_953 = arith.constant 32 : i32
      %div3A_954 = arith.divsi %sub3A_931, %jit3A_953 : i32
      %sign3A_955 = arith.constant 0 : i32
      %sign3A_956 = arith.cmpi sgt, %sub3A_931, %sign3A_955 : i32
      %sign3A_957 = arith.extui %sign3A_956 : i1 to i32
      %sign3A_958 = arith.constant 0 : i32
      %sign3A_959 = arith.cmpi slt, %sub3A_931, %sign3A_958 : i32
      %sign3A_960 = arith.extui %sign3A_959 : i1 to i32
      %sign3A_961 = arith.subi %sign3A_957, %sign3A_960 : i32
      %sign3A_962 = arith.constant 0 : i32
      %sign3A_963 = arith.cmpi sgt, %jit3A_953, %sign3A_962 : i32
      %sign3A_964 = arith.extui %sign3A_963 : i1 to i32
      %sign3A_965 = arith.constant 0 : i32
      %sign3A_966 = arith.cmpi slt, %jit3A_953, %sign3A_965 : i32
      %sign3A_967 = arith.extui %sign3A_966 : i1 to i32
      %sign3A_968 = arith.subi %sign3A_964, %sign3A_967 : i32
      %ne3A_969 = arith.cmpi ne, %sign3A_961, %sign3A_968 : i32
      %rem3A_970 = arith.remsi %sub3A_931, %jit3A_953 : i32
      %ne3A_971 = arith.constant 0 : i32
      %ne3A_972 = arith.cmpi ne, %rem3A_970, %ne3A_971 : i32
      %and3A_973 = arith.andi %ne3A_969, %ne3A_972 : i1
      %sub3A_974 = arith.constant 1 : i32
      %sub3A_975 = arith.subi %div3A_954, %sub3A_974 : i32
      %select_n3A_976 = arith.select %and3A_973, %sub3A_975, %div3A_954 : i32
      %add3A_977 = arith.addi %mul3A_952, %select_n3A_976 : i32
      %mul3A_978 = arith.constant 128 : i32
      %mul3A_979 = arith.muli %add3A_977, %mul3A_978 : i32
      %dma_wait3A_980 = tpu.memref_slice %arg4[%add3A_950, %mul3A_979] : memref<32768x1024xf32, #tpu.memory_space<hbm>> -> memref<64x128xf32, #tpu.memory_space<hbm>>
      %dma_wait3A_981 = tpu.memref_slice %arg4[%add3A_950, %mul3A_979] : memref<32768x1024xf32, #tpu.memory_space<hbm>> -> memref<64x128xf32, #tpu.memory_space<hbm>>
      tpu.wait_dma2 semaphore(%arg16 : memref<!tpu.dma_semaphore, #tpu.memory_space<semaphore_mem>>) src(%arg9 : memref<64x128xf32, #tpu.memory_space<vmem>>) dst(%dma_wait3A_981 : memref<64x128xf32, #tpu.memory_space<hbm>>)
      %add3A_982 = arith.constant 3 : i32
      %add3A_983 = arith.addi %add3A_907, %add3A_982 : i32
      %jit3A_984 = arith.constant 32 : i32
      %eq3A_985 = arith.constant 0 : i32
      %eq3A_986 = arith.cmpi eq, %jit3A_984, %eq3A_985 : i32
      %jit3A_987 = arith.constant 1 : i32
      %select_n3A_988 = arith.select %eq3A_986, %jit3A_987, %jit3A_984 : i32
      %rem3A_989 = arith.remsi %add3A_983, %select_n3A_988 : i32
      %ne3A_990 = arith.constant 0 : i32
      %ne3A_991 = arith.cmpi ne, %rem3A_989, %ne3A_990 : i32
      %lt3A_992 = arith.constant 0 : i32
      %lt3A_993 = arith.cmpi slt, %rem3A_989, %lt3A_992 : i32
      %lt3A_994 = arith.constant 0 : i32
      %lt3A_995 = arith.cmpi slt, %select_n3A_988, %lt3A_994 : i32
      %ne3A_996 = arith.xori %lt3A_993, %lt3A_995 : i1
      %and3A_997 = arith.andi %ne3A_996, %ne3A_991 : i1
      %add3A_998 = arith.addi %rem3A_989, %select_n3A_988 : i32
      %select_n3A_999 = arith.select %and3A_997, %add3A_998, %rem3A_989 : i32
      %mul3A_1000 = arith.constant 64 : i32
      %mul3A_1001 = arith.muli %select_n3A_999, %mul3A_1000 : i32
      %dma_start3A_1002 = tpu.memref_slice %arg6[%mul3A_1001] : memref<2048xi32, #tpu.memory_space<vmem>> -> memref<64xi32, #tpu.memory_space<vmem>>
      %dma_start3A_1003 = arith.constant 0 : i32
      %dma_start3A_1004 = arith.constant 0 : i32
      %dma_start3A_1005 = tpu.memref_slice %arg5[%dma_start3A_1003, %dma_start3A_1004] : memref<8192x128xf32, #tpu.memory_space<vmem_shared>> -> memref<8192x128xf32, #tpu.memory_space<vmem_shared>>
      tpu.enqueue_indirect_dma source(%dma_start3A_1005 : memref<8192x128xf32, #tpu.memory_space<vmem_shared>>) target(%arg9 : memref<64x128xf32, #tpu.memory_space<vmem>>) offsets(%dma_start3A_1002 : memref<64xi32, #tpu.memory_space<vmem>>) semaphore(%arg16 : memref<!tpu.dma_semaphore, #tpu.memory_space<semaphore_mem>>)
      %jit3A_1006 = arith.constant 32 : i32
      %eq3A_1007 = arith.constant 0 : i32
      %eq3A_1008 = arith.cmpi eq, %jit3A_1006, %eq3A_1007 : i32
      %jit3A_1009 = arith.constant 1 : i32
      %select_n3A_1010 = arith.select %eq3A_1008, %jit3A_1009, %jit3A_1006 : i32
      %rem3A_1011 = arith.remsi %add3A_907, %select_n3A_1010 : i32
      %ne3A_1012 = arith.constant 0 : i32
      %ne3A_1013 = arith.cmpi ne, %rem3A_1011, %ne3A_1012 : i32
      %lt3A_1014 = arith.constant 0 : i32
      %lt3A_1015 = arith.cmpi slt, %rem3A_1011, %lt3A_1014 : i32
      %lt3A_1016 = arith.constant 0 : i32
      %lt3A_1017 = arith.cmpi slt, %select_n3A_1010, %lt3A_1016 : i32
      %ne3A_1018 = arith.xori %lt3A_1015, %lt3A_1017 : i1
      %and3A_1019 = arith.andi %ne3A_1018, %ne3A_1013 : i1
      %add3A_1020 = arith.addi %rem3A_1011, %select_n3A_1010 : i32
      %select_n3A_1021 = arith.select %and3A_1019, %add3A_1020, %rem3A_1011 : i32
      %mul3A_1022 = arith.constant 64 : i32
      %mul3A_1023 = arith.muli %select_n3A_1021, %mul3A_1022 : i32
      %add3A_1024 = arith.addi %mul3A_0, %mul3A_1023 : i32
      %mul3A_1025 = arith.constant 4 : i32
      %mul3A_1026 = arith.muli %arg0, %mul3A_1025 : i32
      %jit3A_1027 = arith.constant 32 : i32
      %div3A_1028 = arith.divsi %add3A_907, %jit3A_1027 : i32
      %sign3A_1029 = arith.constant 0 : i32
      %sign3A_1030 = arith.cmpi sgt, %add3A_907, %sign3A_1029 : i32
      %sign3A_1031 = arith.extui %sign3A_1030 : i1 to i32
      %sign3A_1032 = arith.constant 0 : i32
      %sign3A_1033 = arith.cmpi slt, %add3A_907, %sign3A_1032 : i32
      %sign3A_1034 = arith.extui %sign3A_1033 : i1 to i32
      %sign3A_1035 = arith.subi %sign3A_1031, %sign3A_1034 : i32
      %sign3A_1036 = arith.constant 0 : i32
      %sign3A_1037 = arith.cmpi sgt, %jit3A_1027, %sign3A_1036 : i32
      %sign3A_1038 = arith.extui %sign3A_1037 : i1 to i32
      %sign3A_1039 = arith.constant 0 : i32
      %sign3A_1040 = arith.cmpi slt, %jit3A_1027, %sign3A_1039 : i32
      %sign3A_1041 = arith.extui %sign3A_1040 : i1 to i32
      %sign3A_1042 = arith.subi %sign3A_1038, %sign3A_1041 : i32
      %ne3A_1043 = arith.cmpi ne, %sign3A_1035, %sign3A_1042 : i32
      %rem3A_1044 = arith.remsi %add3A_907, %jit3A_1027 : i32
      %ne3A_1045 = arith.constant 0 : i32
      %ne3A_1046 = arith.cmpi ne, %rem3A_1044, %ne3A_1045 : i32
      %and3A_1047 = arith.andi %ne3A_1043, %ne3A_1046 : i1
      %sub3A_1048 = arith.constant 1 : i32
      %sub3A_1049 = arith.subi %div3A_1028, %sub3A_1048 : i32
      %select_n3A_1050 = arith.select %and3A_1047, %sub3A_1049, %div3A_1028 : i32
      %add3A_1051 = arith.addi %mul3A_1026, %select_n3A_1050 : i32
      %mul3A_1052 = arith.constant 128 : i32
      %mul3A_1053 = arith.muli %add3A_1051, %mul3A_1052 : i32
      %dma_start3A_1054 = tpu.memref_slice %arg4[%add3A_1024, %mul3A_1053] : memref<32768x1024xf32, #tpu.memory_space<hbm>> -> memref<64x128xf32, #tpu.memory_space<hbm>>
      %dma_start3A_1055 = tpu.memref_slice %arg4[%add3A_1024, %mul3A_1053] : memref<32768x1024xf32, #tpu.memory_space<hbm>> -> memref<64x128xf32, #tpu.memory_space<hbm>>
      tpu.enqueue_dma source(%arg13 : memref<64x128xf32, #tpu.memory_space<vmem>>) target(%dma_start3A_1055 : memref<64x128xf32, #tpu.memory_space<hbm>>) target_semaphore(%arg20 : memref<!tpu.dma_semaphore, #tpu.memory_space<semaphore_mem>>)
      %mul3A_1056 = arith.constant 7 : i32
      %mul3A_1057 = arith.muli %scan3A_757, %mul3A_1056 : i32
      %add3A_1058 = arith.constant 96 : i32
      %add3A_1059 = arith.addi %add3A_1058, %mul3A_1057 : i32
      %add3A_1060 = arith.constant 2 : i32
      %add3A_1061 = arith.addi %add3A_1059, %add3A_1060 : i32
      %jit3A_1062 = arith.constant 32 : i32
      %eq3A_1063 = arith.constant 0 : i32
      %eq3A_1064 = arith.cmpi eq, %jit3A_1062, %eq3A_1063 : i32
      %jit3A_1065 = arith.constant 1 : i32
      %select_n3A_1066 = arith.select %eq3A_1064, %jit3A_1065, %jit3A_1062 : i32
      %rem3A_1067 = arith.remsi %add3A_1061, %select_n3A_1066 : i32
      %ne3A_1068 = arith.constant 0 : i32
      %ne3A_1069 = arith.cmpi ne, %rem3A_1067, %ne3A_1068 : i32
      %lt3A_1070 = arith.constant 0 : i32
      %lt3A_1071 = arith.cmpi slt, %rem3A_1067, %lt3A_1070 : i32
      %lt3A_1072 = arith.constant 0 : i32
      %lt3A_1073 = arith.cmpi slt, %select_n3A_1066, %lt3A_1072 : i32
      %ne3A_1074 = arith.xori %lt3A_1071, %lt3A_1073 : i1
      %and3A_1075 = arith.andi %ne3A_1074, %ne3A_1069 : i1
      %add3A_1076 = arith.addi %rem3A_1067, %select_n3A_1066 : i32
      %select_n3A_1077 = arith.select %and3A_1075, %add3A_1076, %rem3A_1067 : i32
      %mul3A_1078 = arith.constant 64 : i32
      %mul3A_1079 = arith.muli %select_n3A_1077, %mul3A_1078 : i32
      %dma_wait3A_1080 = tpu.memref_slice %arg6[%mul3A_1079] : memref<2048xi32, #tpu.memory_space<vmem>> -> memref<64xi32, #tpu.memory_space<vmem>>
      %dma_wait3A_1081 = arith.constant 0 : i32
      %dma_wait3A_1082 = arith.constant 0 : i32
      %dma_wait3A_1083 = tpu.memref_slice %arg5[%dma_wait3A_1081, %dma_wait3A_1082] : memref<8192x128xf32, #tpu.memory_space<vmem_shared>> -> memref<8192x128xf32, #tpu.memory_space<vmem_shared>>
      tpu.wait_indirect_dma semaphore(%arg14 : memref<!tpu.dma_semaphore, #tpu.memory_space<semaphore_mem>>) src(%dma_wait3A_1083 : memref<8192x128xf32, #tpu.memory_space<vmem_shared>>) dst(%arg7 : memref<64x128xf32, #tpu.memory_space<vmem>>)
      %sub3A_1084 = arith.constant 4 : i32
      %sub3A_1085 = arith.subi %add3A_1061, %sub3A_1084 : i32
      %jit3A_1086 = arith.constant 32 : i32
      %eq3A_1087 = arith.constant 0 : i32
      %eq3A_1088 = arith.cmpi eq, %jit3A_1086, %eq3A_1087 : i32
      %jit3A_1089 = arith.constant 1 : i32
      %select_n3A_1090 = arith.select %eq3A_1088, %jit3A_1089, %jit3A_1086 : i32
      %rem3A_1091 = arith.remsi %sub3A_1085, %select_n3A_1090 : i32
      %ne3A_1092 = arith.constant 0 : i32
      %ne3A_1093 = arith.cmpi ne, %rem3A_1091, %ne3A_1092 : i32
      %lt3A_1094 = arith.constant 0 : i32
      %lt3A_1095 = arith.cmpi slt, %rem3A_1091, %lt3A_1094 : i32
      %lt3A_1096 = arith.constant 0 : i32
      %lt3A_1097 = arith.cmpi slt, %select_n3A_1090, %lt3A_1096 : i32
      %ne3A_1098 = arith.xori %lt3A_1095, %lt3A_1097 : i1
      %and3A_1099 = arith.andi %ne3A_1098, %ne3A_1093 : i1
      %add3A_1100 = arith.addi %rem3A_1091, %select_n3A_1090 : i32
      %select_n3A_1101 = arith.select %and3A_1099, %add3A_1100, %rem3A_1091 : i32
      %mul3A_1102 = arith.constant 64 : i32
      %mul3A_1103 = arith.muli %select_n3A_1101, %mul3A_1102 : i32
      %add3A_1104 = arith.addi %mul3A_0, %mul3A_1103 : i32
      %mul3A_1105 = arith.constant 4 : i32
      %mul3A_1106 = arith.muli %arg0, %mul3A_1105 : i32
      %jit3A_1107 = arith.constant 32 : i32
      %div3A_1108 = arith.divsi %sub3A_1085, %jit3A_1107 : i32
      %sign3A_1109 = arith.constant 0 : i32
      %sign3A_1110 = arith.cmpi sgt, %sub3A_1085, %sign3A_1109 : i32
      %sign3A_1111 = arith.extui %sign3A_1110 : i1 to i32
      %sign3A_1112 = arith.constant 0 : i32
      %sign3A_1113 = arith.cmpi slt, %sub3A_1085, %sign3A_1112 : i32
      %sign3A_1114 = arith.extui %sign3A_1113 : i1 to i32
      %sign3A_1115 = arith.subi %sign3A_1111, %sign3A_1114 : i32
      %sign3A_1116 = arith.constant 0 : i32
      %sign3A_1117 = arith.cmpi sgt, %jit3A_1107, %sign3A_1116 : i32
      %sign3A_1118 = arith.extui %sign3A_1117 : i1 to i32
      %sign3A_1119 = arith.constant 0 : i32
      %sign3A_1120 = arith.cmpi slt, %jit3A_1107, %sign3A_1119 : i32
      %sign3A_1121 = arith.extui %sign3A_1120 : i1 to i32
      %sign3A_1122 = arith.subi %sign3A_1118, %sign3A_1121 : i32
      %ne3A_1123 = arith.cmpi ne, %sign3A_1115, %sign3A_1122 : i32
      %rem3A_1124 = arith.remsi %sub3A_1085, %jit3A_1107 : i32
      %ne3A_1125 = arith.constant 0 : i32
      %ne3A_1126 = arith.cmpi ne, %rem3A_1124, %ne3A_1125 : i32
      %and3A_1127 = arith.andi %ne3A_1123, %ne3A_1126 : i1
      %sub3A_1128 = arith.constant 1 : i32
      %sub3A_1129 = arith.subi %div3A_1108, %sub3A_1128 : i32
      %select_n3A_1130 = arith.select %and3A_1127, %sub3A_1129, %div3A_1108 : i32
      %add3A_1131 = arith.addi %mul3A_1106, %select_n3A_1130 : i32
      %mul3A_1132 = arith.constant 128 : i32
      %mul3A_1133 = arith.muli %add3A_1131, %mul3A_1132 : i32
      %dma_wait3A_1134 = tpu.memref_slice %arg4[%add3A_1104, %mul3A_1133] : memref<32768x1024xf32, #tpu.memory_space<hbm>> -> memref<64x128xf32, #tpu.memory_space<hbm>>
      %dma_wait3A_1135 = tpu.memref_slice %arg4[%add3A_1104, %mul3A_1133] : memref<32768x1024xf32, #tpu.memory_space<hbm>> -> memref<64x128xf32, #tpu.memory_space<hbm>>
      tpu.wait_dma2 semaphore(%arg17 : memref<!tpu.dma_semaphore, #tpu.memory_space<semaphore_mem>>) src(%arg10 : memref<64x128xf32, #tpu.memory_space<vmem>>) dst(%dma_wait3A_1135 : memref<64x128xf32, #tpu.memory_space<hbm>>)
      %add3A_1136 = arith.constant 3 : i32
      %add3A_1137 = arith.addi %add3A_1061, %add3A_1136 : i32
      %jit3A_1138 = arith.constant 32 : i32
      %eq3A_1139 = arith.constant 0 : i32
      %eq3A_1140 = arith.cmpi eq, %jit3A_1138, %eq3A_1139 : i32
      %jit3A_1141 = arith.constant 1 : i32
      %select_n3A_1142 = arith.select %eq3A_1140, %jit3A_1141, %jit3A_1138 : i32
      %rem3A_1143 = arith.remsi %add3A_1137, %select_n3A_1142 : i32
      %ne3A_1144 = arith.constant 0 : i32
      %ne3A_1145 = arith.cmpi ne, %rem3A_1143, %ne3A_1144 : i32
      %lt3A_1146 = arith.constant 0 : i32
      %lt3A_1147 = arith.cmpi slt, %rem3A_1143, %lt3A_1146 : i32
      %lt3A_1148 = arith.constant 0 : i32
      %lt3A_1149 = arith.cmpi slt, %select_n3A_1142, %lt3A_1148 : i32
      %ne3A_1150 = arith.xori %lt3A_1147, %lt3A_1149 : i1
      %and3A_1151 = arith.andi %ne3A_1150, %ne3A_1145 : i1
      %add3A_1152 = arith.addi %rem3A_1143, %select_n3A_1142 : i32
      %select_n3A_1153 = arith.select %and3A_1151, %add3A_1152, %rem3A_1143 : i32
      %mul3A_1154 = arith.constant 64 : i32
      %mul3A_1155 = arith.muli %select_n3A_1153, %mul3A_1154 : i32
      %dma_start3A_1156 = tpu.memref_slice %arg6[%mul3A_1155] : memref<2048xi32, #tpu.memory_space<vmem>> -> memref<64xi32, #tpu.memory_space<vmem>>
      %dma_start3A_1157 = arith.constant 0 : i32
      %dma_start3A_1158 = arith.constant 0 : i32
      %dma_start3A_1159 = tpu.memref_slice %arg5[%dma_start3A_1157, %dma_start3A_1158] : memref<8192x128xf32, #tpu.memory_space<vmem_shared>> -> memref<8192x128xf32, #tpu.memory_space<vmem_shared>>
      tpu.enqueue_indirect_dma source(%dma_start3A_1159 : memref<8192x128xf32, #tpu.memory_space<vmem_shared>>) target(%arg10 : memref<64x128xf32, #tpu.memory_space<vmem>>) offsets(%dma_start3A_1156 : memref<64xi32, #tpu.memory_space<vmem>>) semaphore(%arg17 : memref<!tpu.dma_semaphore, #tpu.memory_space<semaphore_mem>>)
      %jit3A_1160 = arith.constant 32 : i32
      %eq3A_1161 = arith.constant 0 : i32
      %eq3A_1162 = arith.cmpi eq, %jit3A_1160, %eq3A_1161 : i32
      %jit3A_1163 = arith.constant 1 : i32
      %select_n3A_1164 = arith.select %eq3A_1162, %jit3A_1163, %jit3A_1160 : i32
      %rem3A_1165 = arith.remsi %add3A_1061, %select_n3A_1164 : i32
      %ne3A_1166 = arith.constant 0 : i32
      %ne3A_1167 = arith.cmpi ne, %rem3A_1165, %ne3A_1166 : i32
      %lt3A_1168 = arith.constant 0 : i32
      %lt3A_1169 = arith.cmpi slt, %rem3A_1165, %lt3A_1168 : i32
      %lt3A_1170 = arith.constant 0 : i32
      %lt3A_1171 = arith.cmpi slt, %select_n3A_1164, %lt3A_1170 : i32
      %ne3A_1172 = arith.xori %lt3A_1169, %lt3A_1171 : i1
      %and3A_1173 = arith.andi %ne3A_1172, %ne3A_1167 : i1
      %add3A_1174 = arith.addi %rem3A_1165, %select_n3A_1164 : i32
      %select_n3A_1175 = arith.select %and3A_1173, %add3A_1174, %rem3A_1165 : i32
      %mul3A_1176 = arith.constant 64 : i32
      %mul3A_1177 = arith.muli %select_n3A_1175, %mul3A_1176 : i32
      %add3A_1178 = arith.addi %mul3A_0, %mul3A_1177 : i32
      %mul3A_1179 = arith.constant 4 : i32
      %mul3A_1180 = arith.muli %arg0, %mul3A_1179 : i32
      %jit3A_1181 = arith.constant 32 : i32
      %div3A_1182 = arith.divsi %add3A_1061, %jit3A_1181 : i32
      %sign3A_1183 = arith.constant 0 : i32
      %sign3A_1184 = arith.cmpi sgt, %add3A_1061, %sign3A_1183 : i32
      %sign3A_1185 = arith.extui %sign3A_1184 : i1 to i32
      %sign3A_1186 = arith.constant 0 : i32
      %sign3A_1187 = arith.cmpi slt, %add3A_1061, %sign3A_1186 : i32
      %sign3A_1188 = arith.extui %sign3A_1187 : i1 to i32
      %sign3A_1189 = arith.subi %sign3A_1185, %sign3A_1188 : i32
      %sign3A_1190 = arith.constant 0 : i32
      %sign3A_1191 = arith.cmpi sgt, %jit3A_1181, %sign3A_1190 : i32
      %sign3A_1192 = arith.extui %sign3A_1191 : i1 to i32
      %sign3A_1193 = arith.constant 0 : i32
      %sign3A_1194 = arith.cmpi slt, %jit3A_1181, %sign3A_1193 : i32
      %sign3A_1195 = arith.extui %sign3A_1194 : i1 to i32
      %sign3A_1196 = arith.subi %sign3A_1192, %sign3A_1195 : i32
      %ne3A_1197 = arith.cmpi ne, %sign3A_1189, %sign3A_1196 : i32
      %rem3A_1198 = arith.remsi %add3A_1061, %jit3A_1181 : i32
      %ne3A_1199 = arith.constant 0 : i32
      %ne3A_1200 = arith.cmpi ne, %rem3A_1198, %ne3A_1199 : i32
      %and3A_1201 = arith.andi %ne3A_1197, %ne3A_1200 : i1
      %sub3A_1202 = arith.constant 1 : i32
      %sub3A_1203 = arith.subi %div3A_1182, %sub3A_1202 : i32
      %select_n3A_1204 = arith.select %and3A_1201, %sub3A_1203, %div3A_1182 : i32
      %add3A_1205 = arith.addi %mul3A_1180, %select_n3A_1204 : i32
      %mul3A_1206 = arith.constant 128 : i32
      %mul3A_1207 = arith.muli %add3A_1205, %mul3A_1206 : i32
      %dma_start3A_1208 = tpu.memref_slice %arg4[%add3A_1178, %mul3A_1207] : memref<32768x1024xf32, #tpu.memory_space<hbm>> -> memref<64x128xf32, #tpu.memory_space<hbm>>
      %dma_start3A_1209 = tpu.memref_slice %arg4[%add3A_1178, %mul3A_1207] : memref<32768x1024xf32, #tpu.memory_space<hbm>> -> memref<64x128xf32, #tpu.memory_space<hbm>>
      tpu.enqueue_dma source(%arg7 : memref<64x128xf32, #tpu.memory_space<vmem>>) target(%dma_start3A_1209 : memref<64x128xf32, #tpu.memory_space<hbm>>) target_semaphore(%arg14 : memref<!tpu.dma_semaphore, #tpu.memory_space<semaphore_mem>>)
      %mul3A_1210 = arith.constant 7 : i32
      %mul3A_1211 = arith.muli %scan3A_757, %mul3A_1210 : i32
      %add3A_1212 = arith.constant 96 : i32
      %add3A_1213 = arith.addi %add3A_1212, %mul3A_1211 : i32
      %add3A_1214 = arith.constant 3 : i32
      %add3A_1215 = arith.addi %add3A_1213, %add3A_1214 : i32
      %jit3A_1216 = arith.constant 32 : i32
      %eq3A_1217 = arith.constant 0 : i32
      %eq3A_1218 = arith.cmpi eq, %jit3A_1216, %eq3A_1217 : i32
      %jit3A_1219 = arith.constant 1 : i32
      %select_n3A_1220 = arith.select %eq3A_1218, %jit3A_1219, %jit3A_1216 : i32
      %rem3A_1221 = arith.remsi %add3A_1215, %select_n3A_1220 : i32
      %ne3A_1222 = arith.constant 0 : i32
      %ne3A_1223 = arith.cmpi ne, %rem3A_1221, %ne3A_1222 : i32
      %lt3A_1224 = arith.constant 0 : i32
      %lt3A_1225 = arith.cmpi slt, %rem3A_1221, %lt3A_1224 : i32
      %lt3A_1226 = arith.constant 0 : i32
      %lt3A_1227 = arith.cmpi slt, %select_n3A_1220, %lt3A_1226 : i32
      %ne3A_1228 = arith.xori %lt3A_1225, %lt3A_1227 : i1
      %and3A_1229 = arith.andi %ne3A_1228, %ne3A_1223 : i1
      %add3A_1230 = arith.addi %rem3A_1221, %select_n3A_1220 : i32
      %select_n3A_1231 = arith.select %and3A_1229, %add3A_1230, %rem3A_1221 : i32
      %mul3A_1232 = arith.constant 64 : i32
      %mul3A_1233 = arith.muli %select_n3A_1231, %mul3A_1232 : i32
      %dma_wait3A_1234 = tpu.memref_slice %arg6[%mul3A_1233] : memref<2048xi32, #tpu.memory_space<vmem>> -> memref<64xi32, #tpu.memory_space<vmem>>
      %dma_wait3A_1235 = arith.constant 0 : i32
      %dma_wait3A_1236 = arith.constant 0 : i32
      %dma_wait3A_1237 = tpu.memref_slice %arg5[%dma_wait3A_1235, %dma_wait3A_1236] : memref<8192x128xf32, #tpu.memory_space<vmem_shared>> -> memref<8192x128xf32, #tpu.memory_space<vmem_shared>>
      tpu.wait_indirect_dma semaphore(%arg15 : memref<!tpu.dma_semaphore, #tpu.memory_space<semaphore_mem>>) src(%dma_wait3A_1237 : memref<8192x128xf32, #tpu.memory_space<vmem_shared>>) dst(%arg8 : memref<64x128xf32, #tpu.memory_space<vmem>>)
      %sub3A_1238 = arith.constant 4 : i32
      %sub3A_1239 = arith.subi %add3A_1215, %sub3A_1238 : i32
      %jit3A_1240 = arith.constant 32 : i32
      %eq3A_1241 = arith.constant 0 : i32
      %eq3A_1242 = arith.cmpi eq, %jit3A_1240, %eq3A_1241 : i32
      %jit3A_1243 = arith.constant 1 : i32
      %select_n3A_1244 = arith.select %eq3A_1242, %jit3A_1243, %jit3A_1240 : i32
      %rem3A_1245 = arith.remsi %sub3A_1239, %select_n3A_1244 : i32
      %ne3A_1246 = arith.constant 0 : i32
      %ne3A_1247 = arith.cmpi ne, %rem3A_1245, %ne3A_1246 : i32
      %lt3A_1248 = arith.constant 0 : i32
      %lt3A_1249 = arith.cmpi slt, %rem3A_1245, %lt3A_1248 : i32
      %lt3A_1250 = arith.constant 0 : i32
      %lt3A_1251 = arith.cmpi slt, %select_n3A_1244, %lt3A_1250 : i32
      %ne3A_1252 = arith.xori %lt3A_1249, %lt3A_1251 : i1
      %and3A_1253 = arith.andi %ne3A_1252, %ne3A_1247 : i1
      %add3A_1254 = arith.addi %rem3A_1245, %select_n3A_1244 : i32
      %select_n3A_1255 = arith.select %and3A_1253, %add3A_1254, %rem3A_1245 : i32
      %mul3A_1256 = arith.constant 64 : i32
      %mul3A_1257 = arith.muli %select_n3A_1255, %mul3A_1256 : i32
      %add3A_1258 = arith.addi %mul3A_0, %mul3A_1257 : i32
      %mul3A_1259 = arith.constant 4 : i32
      %mul3A_1260 = arith.muli %arg0, %mul3A_1259 : i32
      %jit3A_1261 = arith.constant 32 : i32
      %div3A_1262 = arith.divsi %sub3A_1239, %jit3A_1261 : i32
      %sign3A_1263 = arith.constant 0 : i32
      %sign3A_1264 = arith.cmpi sgt, %sub3A_1239, %sign3A_1263 : i32
      %sign3A_1265 = arith.extui %sign3A_1264 : i1 to i32
      %sign3A_1266 = arith.constant 0 : i32
      %sign3A_1267 = arith.cmpi slt, %sub3A_1239, %sign3A_1266 : i32
      %sign3A_1268 = arith.extui %sign3A_1267 : i1 to i32
      %sign3A_1269 = arith.subi %sign3A_1265, %sign3A_1268 : i32
      %sign3A_1270 = arith.constant 0 : i32
      %sign3A_1271 = arith.cmpi sgt, %jit3A_1261, %sign3A_1270 : i32
      %sign3A_1272 = arith.extui %sign3A_1271 : i1 to i32
      %sign3A_1273 = arith.constant 0 : i32
      %sign3A_1274 = arith.cmpi slt, %jit3A_1261, %sign3A_1273 : i32
      %sign3A_1275 = arith.extui %sign3A_1274 : i1 to i32
      %sign3A_1276 = arith.subi %sign3A_1272, %sign3A_1275 : i32
      %ne3A_1277 = arith.cmpi ne, %sign3A_1269, %sign3A_1276 : i32
      %rem3A_1278 = arith.remsi %sub3A_1239, %jit3A_1261 : i32
      %ne3A_1279 = arith.constant 0 : i32
      %ne3A_1280 = arith.cmpi ne, %rem3A_1278, %ne3A_1279 : i32
      %and3A_1281 = arith.andi %ne3A_1277, %ne3A_1280 : i1
      %sub3A_1282 = arith.constant 1 : i32
      %sub3A_1283 = arith.subi %div3A_1262, %sub3A_1282 : i32
      %select_n3A_1284 = arith.select %and3A_1281, %sub3A_1283, %div3A_1262 : i32
      %add3A_1285 = arith.addi %mul3A_1260, %select_n3A_1284 : i32
      %mul3A_1286 = arith.constant 128 : i32
      %mul3A_1287 = arith.muli %add3A_1285, %mul3A_1286 : i32
      %dma_wait3A_1288 = tpu.memref_slice %arg4[%add3A_1258, %mul3A_1287] : memref<32768x1024xf32, #tpu.memory_space<hbm>> -> memref<64x128xf32, #tpu.memory_space<hbm>>
      %dma_wait3A_1289 = tpu.memref_slice %arg4[%add3A_1258, %mul3A_1287] : memref<32768x1024xf32, #tpu.memory_space<hbm>> -> memref<64x128xf32, #tpu.memory_space<hbm>>
      tpu.wait_dma2 semaphore(%arg18 : memref<!tpu.dma_semaphore, #tpu.memory_space<semaphore_mem>>) src(%arg11 : memref<64x128xf32, #tpu.memory_space<vmem>>) dst(%dma_wait3A_1289 : memref<64x128xf32, #tpu.memory_space<hbm>>)
      %add3A_1290 = arith.constant 3 : i32
      %add3A_1291 = arith.addi %add3A_1215, %add3A_1290 : i32
      %jit3A_1292 = arith.constant 32 : i32
      %eq3A_1293 = arith.constant 0 : i32
      %eq3A_1294 = arith.cmpi eq, %jit3A_1292, %eq3A_1293 : i32
      %jit3A_1295 = arith.constant 1 : i32
      %select_n3A_1296 = arith.select %eq3A_1294, %jit3A_1295, %jit3A_1292 : i32
      %rem3A_1297 = arith.remsi %add3A_1291, %select_n3A_1296 : i32
      %ne3A_1298 = arith.constant 0 : i32
      %ne3A_1299 = arith.cmpi ne, %rem3A_1297, %ne3A_1298 : i32
      %lt3A_1300 = arith.constant 0 : i32
      %lt3A_1301 = arith.cmpi slt, %rem3A_1297, %lt3A_1300 : i32
      %lt3A_1302 = arith.constant 0 : i32
      %lt3A_1303 = arith.cmpi slt, %select_n3A_1296, %lt3A_1302 : i32
      %ne3A_1304 = arith.xori %lt3A_1301, %lt3A_1303 : i1
      %and3A_1305 = arith.andi %ne3A_1304, %ne3A_1299 : i1
      %add3A_1306 = arith.addi %rem3A_1297, %select_n3A_1296 : i32
      %select_n3A_1307 = arith.select %and3A_1305, %add3A_1306, %rem3A_1297 : i32
      %mul3A_1308 = arith.constant 64 : i32
      %mul3A_1309 = arith.muli %select_n3A_1307, %mul3A_1308 : i32
      %dma_start3A_1310 = tpu.memref_slice %arg6[%mul3A_1309] : memref<2048xi32, #tpu.memory_space<vmem>> -> memref<64xi32, #tpu.memory_space<vmem>>
      %dma_start3A_1311 = arith.constant 0 : i32
      %dma_start3A_1312 = arith.constant 0 : i32
      %dma_start3A_1313 = tpu.memref_slice %arg5[%dma_start3A_1311, %dma_start3A_1312] : memref<8192x128xf32, #tpu.memory_space<vmem_shared>> -> memref<8192x128xf32, #tpu.memory_space<vmem_shared>>
      tpu.enqueue_indirect_dma source(%dma_start3A_1313 : memref<8192x128xf32, #tpu.memory_space<vmem_shared>>) target(%arg11 : memref<64x128xf32, #tpu.memory_space<vmem>>) offsets(%dma_start3A_1310 : memref<64xi32, #tpu.memory_space<vmem>>) semaphore(%arg18 : memref<!tpu.dma_semaphore, #tpu.memory_space<semaphore_mem>>)
      %jit3A_1314 = arith.constant 32 : i32
      %eq3A_1315 = arith.constant 0 : i32
      %eq3A_1316 = arith.cmpi eq, %jit3A_1314, %eq3A_1315 : i32
      %jit3A_1317 = arith.constant 1 : i32
      %select_n3A_1318 = arith.select %eq3A_1316, %jit3A_1317, %jit3A_1314 : i32
      %rem3A_1319 = arith.remsi %add3A_1215, %select_n3A_1318 : i32
      %ne3A_1320 = arith.constant 0 : i32
      %ne3A_1321 = arith.cmpi ne, %rem3A_1319, %ne3A_1320 : i32
      %lt3A_1322 = arith.constant 0 : i32
      %lt3A_1323 = arith.cmpi slt, %rem3A_1319, %lt3A_1322 : i32
      %lt3A_1324 = arith.constant 0 : i32
      %lt3A_1325 = arith.cmpi slt, %select_n3A_1318, %lt3A_1324 : i32
      %ne3A_1326 = arith.xori %lt3A_1323, %lt3A_1325 : i1
      %and3A_1327 = arith.andi %ne3A_1326, %ne3A_1321 : i1
      %add3A_1328 = arith.addi %rem3A_1319, %select_n3A_1318 : i32
      %select_n3A_1329 = arith.select %and3A_1327, %add3A_1328, %rem3A_1319 : i32
      %mul3A_1330 = arith.constant 64 : i32
      %mul3A_1331 = arith.muli %select_n3A_1329, %mul3A_1330 : i32
      %add3A_1332 = arith.addi %mul3A_0, %mul3A_1331 : i32
      %mul3A_1333 = arith.constant 4 : i32
      %mul3A_1334 = arith.muli %arg0, %mul3A_1333 : i32
      %jit3A_1335 = arith.constant 32 : i32
      %div3A_1336 = arith.divsi %add3A_1215, %jit3A_1335 : i32
      %sign3A_1337 = arith.constant 0 : i32
      %sign3A_1338 = arith.cmpi sgt, %add3A_1215, %sign3A_1337 : i32
      %sign3A_1339 = arith.extui %sign3A_1338 : i1 to i32
      %sign3A_1340 = arith.constant 0 : i32
      %sign3A_1341 = arith.cmpi slt, %add3A_1215, %sign3A_1340 : i32
      %sign3A_1342 = arith.extui %sign3A_1341 : i1 to i32
      %sign3A_1343 = arith.subi %sign3A_1339, %sign3A_1342 : i32
      %sign3A_1344 = arith.constant 0 : i32
      %sign3A_1345 = arith.cmpi sgt, %jit3A_1335, %sign3A_1344 : i32
      %sign3A_1346 = arith.extui %sign3A_1345 : i1 to i32
      %sign3A_1347 = arith.constant 0 : i32
      %sign3A_1348 = arith.cmpi slt, %jit3A_1335, %sign3A_1347 : i32
      %sign3A_1349 = arith.extui %sign3A_1348 : i1 to i32
      %sign3A_1350 = arith.subi %sign3A_1346, %sign3A_1349 : i32
      %ne3A_1351 = arith.cmpi ne, %sign3A_1343, %sign3A_1350 : i32
      %rem3A_1352 = arith.remsi %add3A_1215, %jit3A_1335 : i32
      %ne3A_1353 = arith.constant 0 : i32
      %ne3A_1354 = arith.cmpi ne, %rem3A_1352, %ne3A_1353 : i32
      %and3A_1355 = arith.andi %ne3A_1351, %ne3A_1354 : i1
      %sub3A_1356 = arith.constant 1 : i32
      %sub3A_1357 = arith.subi %div3A_1336, %sub3A_1356 : i32
      %select_n3A_1358 = arith.select %and3A_1355, %sub3A_1357, %div3A_1336 : i32
      %add3A_1359 = arith.addi %mul3A_1334, %select_n3A_1358 : i32
      %mul3A_1360 = arith.constant 128 : i32
      %mul3A_1361 = arith.muli %add3A_1359, %mul3A_1360 : i32
      %dma_start3A_1362 = tpu.memref_slice %arg4[%add3A_1332, %mul3A_1361] : memref<32768x1024xf32, #tpu.memory_space<hbm>> -> memref<64x128xf32, #tpu.memory_space<hbm>>
      %dma_start3A_1363 = tpu.memref_slice %arg4[%add3A_1332, %mul3A_1361] : memref<32768x1024xf32, #tpu.memory_space<hbm>> -> memref<64x128xf32, #tpu.memory_space<hbm>>
      tpu.enqueue_dma source(%arg8 : memref<64x128xf32, #tpu.memory_space<vmem>>) target(%dma_start3A_1363 : memref<64x128xf32, #tpu.memory_space<hbm>>) target_semaphore(%arg15 : memref<!tpu.dma_semaphore, #tpu.memory_space<semaphore_mem>>)
      %mul3A_1364 = arith.constant 7 : i32
      %mul3A_1365 = arith.muli %scan3A_757, %mul3A_1364 : i32
      %add3A_1366 = arith.constant 96 : i32
      %add3A_1367 = arith.addi %add3A_1366, %mul3A_1365 : i32
      %add3A_1368 = arith.constant 4 : i32
      %add3A_1369 = arith.addi %add3A_1367, %add3A_1368 : i32
      %jit3A_1370 = arith.constant 32 : i32
      %eq3A_1371 = arith.constant 0 : i32
      %eq3A_1372 = arith.cmpi eq, %jit3A_1370, %eq3A_1371 : i32
      %jit3A_1373 = arith.constant 1 : i32
      %select_n3A_1374 = arith.select %eq3A_1372, %jit3A_1373, %jit3A_1370 : i32
      %rem3A_1375 = arith.remsi %add3A_1369, %select_n3A_1374 : i32
      %ne3A_1376 = arith.constant 0 : i32
      %ne3A_1377 = arith.cmpi ne, %rem3A_1375, %ne3A_1376 : i32
      %lt3A_1378 = arith.constant 0 : i32
      %lt3A_1379 = arith.cmpi slt, %rem3A_1375, %lt3A_1378 : i32
      %lt3A_1380 = arith.constant 0 : i32
      %lt3A_1381 = arith.cmpi slt, %select_n3A_1374, %lt3A_1380 : i32
      %ne3A_1382 = arith.xori %lt3A_1379, %lt3A_1381 : i1
      %and3A_1383 = arith.andi %ne3A_1382, %ne3A_1377 : i1
      %add3A_1384 = arith.addi %rem3A_1375, %select_n3A_1374 : i32
      %select_n3A_1385 = arith.select %and3A_1383, %add3A_1384, %rem3A_1375 : i32
      %mul3A_1386 = arith.constant 64 : i32
      %mul3A_1387 = arith.muli %select_n3A_1385, %mul3A_1386 : i32
      %dma_wait3A_1388 = tpu.memref_slice %arg6[%mul3A_1387] : memref<2048xi32, #tpu.memory_space<vmem>> -> memref<64xi32, #tpu.memory_space<vmem>>
      %dma_wait3A_1389 = arith.constant 0 : i32
      %dma_wait3A_1390 = arith.constant 0 : i32
      %dma_wait3A_1391 = tpu.memref_slice %arg5[%dma_wait3A_1389, %dma_wait3A_1390] : memref<8192x128xf32, #tpu.memory_space<vmem_shared>> -> memref<8192x128xf32, #tpu.memory_space<vmem_shared>>
      tpu.wait_indirect_dma semaphore(%arg16 : memref<!tpu.dma_semaphore, #tpu.memory_space<semaphore_mem>>) src(%dma_wait3A_1391 : memref<8192x128xf32, #tpu.memory_space<vmem_shared>>) dst(%arg9 : memref<64x128xf32, #tpu.memory_space<vmem>>)
      %sub3A_1392 = arith.constant 4 : i32
      %sub3A_1393 = arith.subi %add3A_1369, %sub3A_1392 : i32
      %jit3A_1394 = arith.constant 32 : i32
      %eq3A_1395 = arith.constant 0 : i32
      %eq3A_1396 = arith.cmpi eq, %jit3A_1394, %eq3A_1395 : i32
      %jit3A_1397 = arith.constant 1 : i32
      %select_n3A_1398 = arith.select %eq3A_1396, %jit3A_1397, %jit3A_1394 : i32
      %rem3A_1399 = arith.remsi %sub3A_1393, %select_n3A_1398 : i32
      %ne3A_1400 = arith.constant 0 : i32
      %ne3A_1401 = arith.cmpi ne, %rem3A_1399, %ne3A_1400 : i32
      %lt3A_1402 = arith.constant 0 : i32
      %lt3A_1403 = arith.cmpi slt, %rem3A_1399, %lt3A_1402 : i32
      %lt3A_1404 = arith.constant 0 : i32
      %lt3A_1405 = arith.cmpi slt, %select_n3A_1398, %lt3A_1404 : i32
      %ne3A_1406 = arith.xori %lt3A_1403, %lt3A_1405 : i1
      %and3A_1407 = arith.andi %ne3A_1406, %ne3A_1401 : i1
      %add3A_1408 = arith.addi %rem3A_1399, %select_n3A_1398 : i32
      %select_n3A_1409 = arith.select %and3A_1407, %add3A_1408, %rem3A_1399 : i32
      %mul3A_1410 = arith.constant 64 : i32
      %mul3A_1411 = arith.muli %select_n3A_1409, %mul3A_1410 : i32
      %add3A_1412 = arith.addi %mul3A_0, %mul3A_1411 : i32
      %mul3A_1413 = arith.constant 4 : i32
      %mul3A_1414 = arith.muli %arg0, %mul3A_1413 : i32
      %jit3A_1415 = arith.constant 32 : i32
      %div3A_1416 = arith.divsi %sub3A_1393, %jit3A_1415 : i32
      %sign3A_1417 = arith.constant 0 : i32
      %sign3A_1418 = arith.cmpi sgt, %sub3A_1393, %sign3A_1417 : i32
      %sign3A_1419 = arith.extui %sign3A_1418 : i1 to i32
      %sign3A_1420 = arith.constant 0 : i32
      %sign3A_1421 = arith.cmpi slt, %sub3A_1393, %sign3A_1420 : i32
      %sign3A_1422 = arith.extui %sign3A_1421 : i1 to i32
      %sign3A_1423 = arith.subi %sign3A_1419, %sign3A_1422 : i32
      %sign3A_1424 = arith.constant 0 : i32
      %sign3A_1425 = arith.cmpi sgt, %jit3A_1415, %sign3A_1424 : i32
      %sign3A_1426 = arith.extui %sign3A_1425 : i1 to i32
      %sign3A_1427 = arith.constant 0 : i32
      %sign3A_1428 = arith.cmpi slt, %jit3A_1415, %sign3A_1427 : i32
      %sign3A_1429 = arith.extui %sign3A_1428 : i1 to i32
      %sign3A_1430 = arith.subi %sign3A_1426, %sign3A_1429 : i32
      %ne3A_1431 = arith.cmpi ne, %sign3A_1423, %sign3A_1430 : i32
      %rem3A_1432 = arith.remsi %sub3A_1393, %jit3A_1415 : i32
      %ne3A_1433 = arith.constant 0 : i32
      %ne3A_1434 = arith.cmpi ne, %rem3A_1432, %ne3A_1433 : i32
      %and3A_1435 = arith.andi %ne3A_1431, %ne3A_1434 : i1
      %sub3A_1436 = arith.constant 1 : i32
      %sub3A_1437 = arith.subi %div3A_1416, %sub3A_1436 : i32
      %select_n3A_1438 = arith.select %and3A_1435, %sub3A_1437, %div3A_1416 : i32
      %add3A_1439 = arith.addi %mul3A_1414, %select_n3A_1438 : i32
      %mul3A_1440 = arith.constant 128 : i32
      %mul3A_1441 = arith.muli %add3A_1439, %mul3A_1440 : i32
      %dma_wait3A_1442 = tpu.memref_slice %arg4[%add3A_1412, %mul3A_1441] : memref<32768x1024xf32, #tpu.memory_space<hbm>> -> memref<64x128xf32, #tpu.memory_space<hbm>>
      %dma_wait3A_1443 = tpu.memref_slice %arg4[%add3A_1412, %mul3A_1441] : memref<32768x1024xf32, #tpu.memory_space<hbm>> -> memref<64x128xf32, #tpu.memory_space<hbm>>
      tpu.wait_dma2 semaphore(%arg19 : memref<!tpu.dma_semaphore, #tpu.memory_space<semaphore_mem>>) src(%arg12 : memref<64x128xf32, #tpu.memory_space<vmem>>) dst(%dma_wait3A_1443 : memref<64x128xf32, #tpu.memory_space<hbm>>)
      %add3A_1444 = arith.constant 3 : i32
      %add3A_1445 = arith.addi %add3A_1369, %add3A_1444 : i32
      %jit3A_1446 = arith.constant 32 : i32
      %eq3A_1447 = arith.constant 0 : i32
      %eq3A_1448 = arith.cmpi eq, %jit3A_1446, %eq3A_1447 : i32
      %jit3A_1449 = arith.constant 1 : i32
      %select_n3A_1450 = arith.select %eq3A_1448, %jit3A_1449, %jit3A_1446 : i32
      %rem3A_1451 = arith.remsi %add3A_1445, %select_n3A_1450 : i32
      %ne3A_1452 = arith.constant 0 : i32
      %ne3A_1453 = arith.cmpi ne, %rem3A_1451, %ne3A_1452 : i32
      %lt3A_1454 = arith.constant 0 : i32
      %lt3A_1455 = arith.cmpi slt, %rem3A_1451, %lt3A_1454 : i32
      %lt3A_1456 = arith.constant 0 : i32
      %lt3A_1457 = arith.cmpi slt, %select_n3A_1450, %lt3A_1456 : i32
      %ne3A_1458 = arith.xori %lt3A_1455, %lt3A_1457 : i1
      %and3A_1459 = arith.andi %ne3A_1458, %ne3A_1453 : i1
      %add3A_1460 = arith.addi %rem3A_1451, %select_n3A_1450 : i32
      %select_n3A_1461 = arith.select %and3A_1459, %add3A_1460, %rem3A_1451 : i32
      %mul3A_1462 = arith.constant 64 : i32
      %mul3A_1463 = arith.muli %select_n3A_1461, %mul3A_1462 : i32
      %dma_start3A_1464 = tpu.memref_slice %arg6[%mul3A_1463] : memref<2048xi32, #tpu.memory_space<vmem>> -> memref<64xi32, #tpu.memory_space<vmem>>
      %dma_start3A_1465 = arith.constant 0 : i32
      %dma_start3A_1466 = arith.constant 0 : i32
      %dma_start3A_1467 = tpu.memref_slice %arg5[%dma_start3A_1465, %dma_start3A_1466] : memref<8192x128xf32, #tpu.memory_space<vmem_shared>> -> memref<8192x128xf32, #tpu.memory_space<vmem_shared>>
      tpu.enqueue_indirect_dma source(%dma_start3A_1467 : memref<8192x128xf32, #tpu.memory_space<vmem_shared>>) target(%arg12 : memref<64x128xf32, #tpu.memory_space<vmem>>) offsets(%dma_start3A_1464 : memref<64xi32, #tpu.memory_space<vmem>>) semaphore(%arg19 : memref<!tpu.dma_semaphore, #tpu.memory_space<semaphore_mem>>)
      %jit3A_1468 = arith.constant 32 : i32
      %eq3A_1469 = arith.constant 0 : i32
      %eq3A_1470 = arith.cmpi eq, %jit3A_1468, %eq3A_1469 : i32
      %jit3A_1471 = arith.constant 1 : i32
      %select_n3A_1472 = arith.select %eq3A_1470, %jit3A_1471, %jit3A_1468 : i32
      %rem3A_1473 = arith.remsi %add3A_1369, %select_n3A_1472 : i32
      %ne3A_1474 = arith.constant 0 : i32
      %ne3A_1475 = arith.cmpi ne, %rem3A_1473, %ne3A_1474 : i32
      %lt3A_1476 = arith.constant 0 : i32
      %lt3A_1477 = arith.cmpi slt, %rem3A_1473, %lt3A_1476 : i32
      %lt3A_1478 = arith.constant 0 : i32
      %lt3A_1479 = arith.cmpi slt, %select_n3A_1472, %lt3A_1478 : i32
      %ne3A_1480 = arith.xori %lt3A_1477, %lt3A_1479 : i1
      %and3A_1481 = arith.andi %ne3A_1480, %ne3A_1475 : i1
      %add3A_1482 = arith.addi %rem3A_1473, %select_n3A_1472 : i32
      %select_n3A_1483 = arith.select %and3A_1481, %add3A_1482, %rem3A_1473 : i32
      %mul3A_1484 = arith.constant 64 : i32
      %mul3A_1485 = arith.muli %select_n3A_1483, %mul3A_1484 : i32
      %add3A_1486 = arith.addi %mul3A_0, %mul3A_1485 : i32
      %mul3A_1487 = arith.constant 4 : i32
      %mul3A_1488 = arith.muli %arg0, %mul3A_1487 : i32
      %jit3A_1489 = arith.constant 32 : i32
      %div3A_1490 = arith.divsi %add3A_1369, %jit3A_1489 : i32
      %sign3A_1491 = arith.constant 0 : i32
      %sign3A_1492 = arith.cmpi sgt, %add3A_1369, %sign3A_1491 : i32
      %sign3A_1493 = arith.extui %sign3A_1492 : i1 to i32
      %sign3A_1494 = arith.constant 0 : i32
      %sign3A_1495 = arith.cmpi slt, %add3A_1369, %sign3A_1494 : i32
      %sign3A_1496 = arith.extui %sign3A_1495 : i1 to i32
      %sign3A_1497 = arith.subi %sign3A_1493, %sign3A_1496 : i32
      %sign3A_1498 = arith.constant 0 : i32
      %sign3A_1499 = arith.cmpi sgt, %jit3A_1489, %sign3A_1498 : i32
      %sign3A_1500 = arith.extui %sign3A_1499 : i1 to i32
      %sign3A_1501 = arith.constant 0 : i32
      %sign3A_1502 = arith.cmpi slt, %jit3A_1489, %sign3A_1501 : i32
      %sign3A_1503 = arith.extui %sign3A_1502 : i1 to i32
      %sign3A_1504 = arith.subi %sign3A_1500, %sign3A_1503 : i32
      %ne3A_1505 = arith.cmpi ne, %sign3A_1497, %sign3A_1504 : i32
      %rem3A_1506 = arith.remsi %add3A_1369, %jit3A_1489 : i32
      %ne3A_1507 = arith.constant 0 : i32
      %ne3A_1508 = arith.cmpi ne, %rem3A_1506, %ne3A_1507 : i32
      %and3A_1509 = arith.andi %ne3A_1505, %ne3A_1508 : i1
      %sub3A_1510 = arith.constant 1 : i32
      %sub3A_1511 = arith.subi %div3A_1490, %sub3A_1510 : i32
      %select_n3A_1512 = arith.select %and3A_1509, %sub3A_1511, %div3A_1490 : i32
      %add3A_1513 = arith.addi %mul3A_1488, %select_n3A_1512 : i32
      %mul3A_1514 = arith.constant 128 : i32
      %mul3A_1515 = arith.muli %add3A_1513, %mul3A_1514 : i32
      %dma_start3A_1516 = tpu.memref_slice %arg4[%add3A_1486, %mul3A_1515] : memref<32768x1024xf32, #tpu.memory_space<hbm>> -> memref<64x128xf32, #tpu.memory_space<hbm>>
      %dma_start3A_1517 = tpu.memref_slice %arg4[%add3A_1486, %mul3A_1515] : memref<32768x1024xf32, #tpu.memory_space<hbm>> -> memref<64x128xf32, #tpu.memory_space<hbm>>
      tpu.enqueue_dma source(%arg9 : memref<64x128xf32, #tpu.memory_space<vmem>>) target(%dma_start3A_1517 : memref<64x128xf32, #tpu.memory_space<hbm>>) target_semaphore(%arg16 : memref<!tpu.dma_semaphore, #tpu.memory_space<semaphore_mem>>)
      %mul3A_1518 = arith.constant 7 : i32
      %mul3A_1519 = arith.muli %scan3A_757, %mul3A_1518 : i32
      %add3A_1520 = arith.constant 96 : i32
      %add3A_1521 = arith.addi %add3A_1520, %mul3A_1519 : i32
      %add3A_1522 = arith.constant 5 : i32
      %add3A_1523 = arith.addi %add3A_1521, %add3A_1522 : i32
      %jit3A_1524 = arith.constant 32 : i32
      %eq3A_1525 = arith.constant 0 : i32
      %eq3A_1526 = arith.cmpi eq, %jit3A_1524, %eq3A_1525 : i32
      %jit3A_1527 = arith.constant 1 : i32
      %select_n3A_1528 = arith.select %eq3A_1526, %jit3A_1527, %jit3A_1524 : i32
      %rem3A_1529 = arith.remsi %add3A_1523, %select_n3A_1528 : i32
      %ne3A_1530 = arith.constant 0 : i32
      %ne3A_1531 = arith.cmpi ne, %rem3A_1529, %ne3A_1530 : i32
      %lt3A_1532 = arith.constant 0 : i32
      %lt3A_1533 = arith.cmpi slt, %rem3A_1529, %lt3A_1532 : i32
      %lt3A_1534 = arith.constant 0 : i32
      %lt3A_1535 = arith.cmpi slt, %select_n3A_1528, %lt3A_1534 : i32
      %ne3A_1536 = arith.xori %lt3A_1533, %lt3A_1535 : i1
      %and3A_1537 = arith.andi %ne3A_1536, %ne3A_1531 : i1
      %add3A_1538 = arith.addi %rem3A_1529, %select_n3A_1528 : i32
      %select_n3A_1539 = arith.select %and3A_1537, %add3A_1538, %rem3A_1529 : i32
      %mul3A_1540 = arith.constant 64 : i32
      %mul3A_1541 = arith.muli %select_n3A_1539, %mul3A_1540 : i32
      %dma_wait3A_1542 = tpu.memref_slice %arg6[%mul3A_1541] : memref<2048xi32, #tpu.memory_space<vmem>> -> memref<64xi32, #tpu.memory_space<vmem>>
      %dma_wait3A_1543 = arith.constant 0 : i32
      %dma_wait3A_1544 = arith.constant 0 : i32
      %dma_wait3A_1545 = tpu.memref_slice %arg5[%dma_wait3A_1543, %dma_wait3A_1544] : memref<8192x128xf32, #tpu.memory_space<vmem_shared>> -> memref<8192x128xf32, #tpu.memory_space<vmem_shared>>
      tpu.wait_indirect_dma semaphore(%arg17 : memref<!tpu.dma_semaphore, #tpu.memory_space<semaphore_mem>>) src(%dma_wait3A_1545 : memref<8192x128xf32, #tpu.memory_space<vmem_shared>>) dst(%arg10 : memref<64x128xf32, #tpu.memory_space<vmem>>)
      %sub3A_1546 = arith.constant 4 : i32
      %sub3A_1547 = arith.subi %add3A_1523, %sub3A_1546 : i32
      %jit3A_1548 = arith.constant 32 : i32
      %eq3A_1549 = arith.constant 0 : i32
      %eq3A_1550 = arith.cmpi eq, %jit3A_1548, %eq3A_1549 : i32
      %jit3A_1551 = arith.constant 1 : i32
      %select_n3A_1552 = arith.select %eq3A_1550, %jit3A_1551, %jit3A_1548 : i32
      %rem3A_1553 = arith.remsi %sub3A_1547, %select_n3A_1552 : i32
      %ne3A_1554 = arith.constant 0 : i32
      %ne3A_1555 = arith.cmpi ne, %rem3A_1553, %ne3A_1554 : i32
      %lt3A_1556 = arith.constant 0 : i32
      %lt3A_1557 = arith.cmpi slt, %rem3A_1553, %lt3A_1556 : i32
      %lt3A_1558 = arith.constant 0 : i32
      %lt3A_1559 = arith.cmpi slt, %select_n3A_1552, %lt3A_1558 : i32
      %ne3A_1560 = arith.xori %lt3A_1557, %lt3A_1559 : i1
      %and3A_1561 = arith.andi %ne3A_1560, %ne3A_1555 : i1
      %add3A_1562 = arith.addi %rem3A_1553, %select_n3A_1552 : i32
      %select_n3A_1563 = arith.select %and3A_1561, %add3A_1562, %rem3A_1553 : i32
      %mul3A_1564 = arith.constant 64 : i32
      %mul3A_1565 = arith.muli %select_n3A_1563, %mul3A_1564 : i32
      %add3A_1566 = arith.addi %mul3A_0, %mul3A_1565 : i32
      %mul3A_1567 = arith.constant 4 : i32
      %mul3A_1568 = arith.muli %arg0, %mul3A_1567 : i32
      %jit3A_1569 = arith.constant 32 : i32
      %div3A_1570 = arith.divsi %sub3A_1547, %jit3A_1569 : i32
      %sign3A_1571 = arith.constant 0 : i32
      %sign3A_1572 = arith.cmpi sgt, %sub3A_1547, %sign3A_1571 : i32
      %sign3A_1573 = arith.extui %sign3A_1572 : i1 to i32
      %sign3A_1574 = arith.constant 0 : i32
      %sign3A_1575 = arith.cmpi slt, %sub3A_1547, %sign3A_1574 : i32
      %sign3A_1576 = arith.extui %sign3A_1575 : i1 to i32
      %sign3A_1577 = arith.subi %sign3A_1573, %sign3A_1576 : i32
      %sign3A_1578 = arith.constant 0 : i32
      %sign3A_1579 = arith.cmpi sgt, %jit3A_1569, %sign3A_1578 : i32
      %sign3A_1580 = arith.extui %sign3A_1579 : i1 to i32
      %sign3A_1581 = arith.constant 0 : i32
      %sign3A_1582 = arith.cmpi slt, %jit3A_1569, %sign3A_1581 : i32
      %sign3A_1583 = arith.extui %sign3A_1582 : i1 to i32
      %sign3A_1584 = arith.subi %sign3A_1580, %sign3A_1583 : i32
      %ne3A_1585 = arith.cmpi ne, %sign3A_1577, %sign3A_1584 : i32
      %rem3A_1586 = arith.remsi %sub3A_1547, %jit3A_1569 : i32
      %ne3A_1587 = arith.constant 0 : i32
      %ne3A_1588 = arith.cmpi ne, %rem3A_1586, %ne3A_1587 : i32
      %and3A_1589 = arith.andi %ne3A_1585, %ne3A_1588 : i1
      %sub3A_1590 = arith.constant 1 : i32
      %sub3A_1591 = arith.subi %div3A_1570, %sub3A_1590 : i32
      %select_n3A_1592 = arith.select %and3A_1589, %sub3A_1591, %div3A_1570 : i32
      %add3A_1593 = arith.addi %mul3A_1568, %select_n3A_1592 : i32
      %mul3A_1594 = arith.constant 128 : i32
      %mul3A_1595 = arith.muli %add3A_1593, %mul3A_1594 : i32
      %dma_wait3A_1596 = tpu.memref_slice %arg4[%add3A_1566, %mul3A_1595] : memref<32768x1024xf32, #tpu.memory_space<hbm>> -> memref<64x128xf32, #tpu.memory_space<hbm>>
      %dma_wait3A_1597 = tpu.memref_slice %arg4[%add3A_1566, %mul3A_1595] : memref<32768x1024xf32, #tpu.memory_space<hbm>> -> memref<64x128xf32, #tpu.memory_space<hbm>>
      tpu.wait_dma2 semaphore(%arg20 : memref<!tpu.dma_semaphore, #tpu.memory_space<semaphore_mem>>) src(%arg13 : memref<64x128xf32, #tpu.memory_space<vmem>>) dst(%dma_wait3A_1597 : memref<64x128xf32, #tpu.memory_space<hbm>>)
      %add3A_1598 = arith.constant 3 : i32
      %add3A_1599 = arith.addi %add3A_1523, %add3A_1598 : i32
      %jit3A_1600 = arith.constant 32 : i32
      %eq3A_1601 = arith.constant 0 : i32
      %eq3A_1602 = arith.cmpi eq, %jit3A_1600, %eq3A_1601 : i32
      %jit3A_1603 = arith.constant 1 : i32
      %select_n3A_1604 = arith.select %eq3A_1602, %jit3A_1603, %jit3A_1600 : i32
      %rem3A_1605 = arith.remsi %add3A_1599, %select_n3A_1604 : i32
      %ne3A_1606 = arith.constant 0 : i32
      %ne3A_1607 = arith.cmpi ne, %rem3A_1605, %ne3A_1606 : i32
      %lt3A_1608 = arith.constant 0 : i32
      %lt3A_1609 = arith.cmpi slt, %rem3A_1605, %lt3A_1608 : i32
      %lt3A_1610 = arith.constant 0 : i32
      %lt3A_1611 = arith.cmpi slt, %select_n3A_1604, %lt3A_1610 : i32
      %ne3A_1612 = arith.xori %lt3A_1609, %lt3A_1611 : i1
      %and3A_1613 = arith.andi %ne3A_1612, %ne3A_1607 : i1
      %add3A_1614 = arith.addi %rem3A_1605, %select_n3A_1604 : i32
      %select_n3A_1615 = arith.select %and3A_1613, %add3A_1614, %rem3A_1605 : i32
      %mul3A_1616 = arith.constant 64 : i32
      %mul3A_1617 = arith.muli %select_n3A_1615, %mul3A_1616 : i32
      %dma_start3A_1618 = tpu.memref_slice %arg6[%mul3A_1617] : memref<2048xi32, #tpu.memory_space<vmem>> -> memref<64xi32, #tpu.memory_space<vmem>>
      %dma_start3A_1619 = arith.constant 0 : i32
      %dma_start3A_1620 = arith.constant 0 : i32
      %dma_start3A_1621 = tpu.memref_slice %arg5[%dma_start3A_1619, %dma_start3A_1620] : memref<8192x128xf32, #tpu.memory_space<vmem_shared>> -> memref<8192x128xf32, #tpu.memory_space<vmem_shared>>
      tpu.enqueue_indirect_dma source(%dma_start3A_1621 : memref<8192x128xf32, #tpu.memory_space<vmem_shared>>) target(%arg13 : memref<64x128xf32, #tpu.memory_space<vmem>>) offsets(%dma_start3A_1618 : memref<64xi32, #tpu.memory_space<vmem>>) semaphore(%arg20 : memref<!tpu.dma_semaphore, #tpu.memory_space<semaphore_mem>>)
      %jit3A_1622 = arith.constant 32 : i32
      %eq3A_1623 = arith.constant 0 : i32
      %eq3A_1624 = arith.cmpi eq, %jit3A_1622, %eq3A_1623 : i32
      %jit3A_1625 = arith.constant 1 : i32
      %select_n3A_1626 = arith.select %eq3A_1624, %jit3A_1625, %jit3A_1622 : i32
      %rem3A_1627 = arith.remsi %add3A_1523, %select_n3A_1626 : i32
      %ne3A_1628 = arith.constant 0 : i32
      %ne3A_1629 = arith.cmpi ne, %rem3A_1627, %ne3A_1628 : i32
      %lt3A_1630 = arith.constant 0 : i32
      %lt3A_1631 = arith.cmpi slt, %rem3A_1627, %lt3A_1630 : i32
      %lt3A_1632 = arith.constant 0 : i32
      %lt3A_1633 = arith.cmpi slt, %select_n3A_1626, %lt3A_1632 : i32
      %ne3A_1634 = arith.xori %lt3A_1631, %lt3A_1633 : i1
      %and3A_1635 = arith.andi %ne3A_1634, %ne3A_1629 : i1
      %add3A_1636 = arith.addi %rem3A_1627, %select_n3A_1626 : i32
      %select_n3A_1637 = arith.select %and3A_1635, %add3A_1636, %rem3A_1627 : i32
      %mul3A_1638 = arith.constant 64 : i32
      %mul3A_1639 = arith.muli %select_n3A_1637, %mul3A_1638 : i32
      %add3A_1640 = arith.addi %mul3A_0, %mul3A_1639 : i32
      %mul3A_1641 = arith.constant 4 : i32
      %mul3A_1642 = arith.muli %arg0, %mul3A_1641 : i32
      %jit3A_1643 = arith.constant 32 : i32
      %div3A_1644 = arith.divsi %add3A_1523, %jit3A_1643 : i32
      %sign3A_1645 = arith.constant 0 : i32
      %sign3A_1646 = arith.cmpi sgt, %add3A_1523, %sign3A_1645 : i32
      %sign3A_1647 = arith.extui %sign3A_1646 : i1 to i32
      %sign3A_1648 = arith.constant 0 : i32
      %sign3A_1649 = arith.cmpi slt, %add3A_1523, %sign3A_1648 : i32
      %sign3A_1650 = arith.extui %sign3A_1649 : i1 to i32
      %sign3A_1651 = arith.subi %sign3A_1647, %sign3A_1650 : i32
      %sign3A_1652 = arith.constant 0 : i32
      %sign3A_1653 = arith.cmpi sgt, %jit3A_1643, %sign3A_1652 : i32
      %sign3A_1654 = arith.extui %sign3A_1653 : i1 to i32
      %sign3A_1655 = arith.constant 0 : i32
      %sign3A_1656 = arith.cmpi slt, %jit3A_1643, %sign3A_1655 : i32
      %sign3A_1657 = arith.extui %sign3A_1656 : i1 to i32
      %sign3A_1658 = arith.subi %sign3A_1654, %sign3A_1657 : i32
      %ne3A_1659 = arith.cmpi ne, %sign3A_1651, %sign3A_1658 : i32
      %rem3A_1660 = arith.remsi %add3A_1523, %jit3A_1643 : i32
      %ne3A_1661 = arith.constant 0 : i32
      %ne3A_1662 = arith.cmpi ne, %rem3A_1660, %ne3A_1661 : i32
      %and3A_1663 = arith.andi %ne3A_1659, %ne3A_1662 : i1
      %sub3A_1664 = arith.constant 1 : i32
      %sub3A_1665 = arith.subi %div3A_1644, %sub3A_1664 : i32
      %select_n3A_1666 = arith.select %and3A_1663, %sub3A_1665, %div3A_1644 : i32
      %add3A_1667 = arith.addi %mul3A_1642, %select_n3A_1666 : i32
      %mul3A_1668 = arith.constant 128 : i32
      %mul3A_1669 = arith.muli %add3A_1667, %mul3A_1668 : i32
      %dma_start3A_1670 = tpu.memref_slice %arg4[%add3A_1640, %mul3A_1669] : memref<32768x1024xf32, #tpu.memory_space<hbm>> -> memref<64x128xf32, #tpu.memory_space<hbm>>
      %dma_start3A_1671 = tpu.memref_slice %arg4[%add3A_1640, %mul3A_1669] : memref<32768x1024xf32, #tpu.memory_space<hbm>> -> memref<64x128xf32, #tpu.memory_space<hbm>>
      tpu.enqueue_dma source(%arg10 : memref<64x128xf32, #tpu.memory_space<vmem>>) target(%dma_start3A_1671 : memref<64x128xf32, #tpu.memory_space<hbm>>) target_semaphore(%arg17 : memref<!tpu.dma_semaphore, #tpu.memory_space<semaphore_mem>>)
      %mul3A_1672 = arith.constant 7 : i32
      %mul3A_1673 = arith.muli %scan3A_757, %mul3A_1672 : i32
      %add3A_1674 = arith.constant 96 : i32
      %add3A_1675 = arith.addi %add3A_1674, %mul3A_1673 : i32
      %add3A_1676 = arith.constant 6 : i32
      %add3A_1677 = arith.addi %add3A_1675, %add3A_1676 : i32
      %jit3A_1678 = arith.constant 32 : i32
      %eq3A_1679 = arith.constant 0 : i32
      %eq3A_1680 = arith.cmpi eq, %jit3A_1678, %eq3A_1679 : i32
      %jit3A_1681 = arith.constant 1 : i32
      %select_n3A_1682 = arith.select %eq3A_1680, %jit3A_1681, %jit3A_1678 : i32
      %rem3A_1683 = arith.remsi %add3A_1677, %select_n3A_1682 : i32
      %ne3A_1684 = arith.constant 0 : i32
      %ne3A_1685 = arith.cmpi ne, %rem3A_1683, %ne3A_1684 : i32
      %lt3A_1686 = arith.constant 0 : i32
      %lt3A_1687 = arith.cmpi slt, %rem3A_1683, %lt3A_1686 : i32
      %lt3A_1688 = arith.constant 0 : i32
      %lt3A_1689 = arith.cmpi slt, %select_n3A_1682, %lt3A_1688 : i32
      %ne3A_1690 = arith.xori %lt3A_1687, %lt3A_1689 : i1
      %and3A_1691 = arith.andi %ne3A_1690, %ne3A_1685 : i1
      %add3A_1692 = arith.addi %rem3A_1683, %select_n3A_1682 : i32
      %select_n3A_1693 = arith.select %and3A_1691, %add3A_1692, %rem3A_1683 : i32
      %mul3A_1694 = arith.constant 64 : i32
      %mul3A_1695 = arith.muli %select_n3A_1693, %mul3A_1694 : i32
      %dma_wait3A_1696 = tpu.memref_slice %arg6[%mul3A_1695] : memref<2048xi32, #tpu.memory_space<vmem>> -> memref<64xi32, #tpu.memory_space<vmem>>
      %dma_wait3A_1697 = arith.constant 0 : i32
      %dma_wait3A_1698 = arith.constant 0 : i32
      %dma_wait3A_1699 = tpu.memref_slice %arg5[%dma_wait3A_1697, %dma_wait3A_1698] : memref<8192x128xf32, #tpu.memory_space<vmem_shared>> -> memref<8192x128xf32, #tpu.memory_space<vmem_shared>>
      tpu.wait_indirect_dma semaphore(%arg18 : memref<!tpu.dma_semaphore, #tpu.memory_space<semaphore_mem>>) src(%dma_wait3A_1699 : memref<8192x128xf32, #tpu.memory_space<vmem_shared>>) dst(%arg11 : memref<64x128xf32, #tpu.memory_space<vmem>>)
      %sub3A_1700 = arith.constant 4 : i32
      %sub3A_1701 = arith.subi %add3A_1677, %sub3A_1700 : i32
      %jit3A_1702 = arith.constant 32 : i32
      %eq3A_1703 = arith.constant 0 : i32
      %eq3A_1704 = arith.cmpi eq, %jit3A_1702, %eq3A_1703 : i32
      %jit3A_1705 = arith.constant 1 : i32
      %select_n3A_1706 = arith.select %eq3A_1704, %jit3A_1705, %jit3A_1702 : i32
      %rem3A_1707 = arith.remsi %sub3A_1701, %select_n3A_1706 : i32
      %ne3A_1708 = arith.constant 0 : i32
      %ne3A_1709 = arith.cmpi ne, %rem3A_1707, %ne3A_1708 : i32
      %lt3A_1710 = arith.constant 0 : i32
      %lt3A_1711 = arith.cmpi slt, %rem3A_1707, %lt3A_1710 : i32
      %lt3A_1712 = arith.constant 0 : i32
      %lt3A_1713 = arith.cmpi slt, %select_n3A_1706, %lt3A_1712 : i32
      %ne3A_1714 = arith.xori %lt3A_1711, %lt3A_1713 : i1
      %and3A_1715 = arith.andi %ne3A_1714, %ne3A_1709 : i1
      %add3A_1716 = arith.addi %rem3A_1707, %select_n3A_1706 : i32
      %select_n3A_1717 = arith.select %and3A_1715, %add3A_1716, %rem3A_1707 : i32
      %mul3A_1718 = arith.constant 64 : i32
      %mul3A_1719 = arith.muli %select_n3A_1717, %mul3A_1718 : i32
      %add3A_1720 = arith.addi %mul3A_0, %mul3A_1719 : i32
      %mul3A_1721 = arith.constant 4 : i32
      %mul3A_1722 = arith.muli %arg0, %mul3A_1721 : i32
      %jit3A_1723 = arith.constant 32 : i32
      %div3A_1724 = arith.divsi %sub3A_1701, %jit3A_1723 : i32
      %sign3A_1725 = arith.constant 0 : i32
      %sign3A_1726 = arith.cmpi sgt, %sub3A_1701, %sign3A_1725 : i32
      %sign3A_1727 = arith.extui %sign3A_1726 : i1 to i32
      %sign3A_1728 = arith.constant 0 : i32
      %sign3A_1729 = arith.cmpi slt, %sub3A_1701, %sign3A_1728 : i32
      %sign3A_1730 = arith.extui %sign3A_1729 : i1 to i32
      %sign3A_1731 = arith.subi %sign3A_1727, %sign3A_1730 : i32
      %sign3A_1732 = arith.constant 0 : i32
      %sign3A_1733 = arith.cmpi sgt, %jit3A_1723, %sign3A_1732 : i32
      %sign3A_1734 = arith.extui %sign3A_1733 : i1 to i32
      %sign3A_1735 = arith.constant 0 : i32
      %sign3A_1736 = arith.cmpi slt, %jit3A_1723, %sign3A_1735 : i32
      %sign3A_1737 = arith.extui %sign3A_1736 : i1 to i32
      %sign3A_1738 = arith.subi %sign3A_1734, %sign3A_1737 : i32
      %ne3A_1739 = arith.cmpi ne, %sign3A_1731, %sign3A_1738 : i32
      %rem3A_1740 = arith.remsi %sub3A_1701, %jit3A_1723 : i32
      %ne3A_1741 = arith.constant 0 : i32
      %ne3A_1742 = arith.cmpi ne, %rem3A_1740, %ne3A_1741 : i32
      %and3A_1743 = arith.andi %ne3A_1739, %ne3A_1742 : i1
      %sub3A_1744 = arith.constant 1 : i32
      %sub3A_1745 = arith.subi %div3A_1724, %sub3A_1744 : i32
      %select_n3A_1746 = arith.select %and3A_1743, %sub3A_1745, %div3A_1724 : i32
      %add3A_1747 = arith.addi %mul3A_1722, %select_n3A_1746 : i32
      %mul3A_1748 = arith.constant 128 : i32
      %mul3A_1749 = arith.muli %add3A_1747, %mul3A_1748 : i32
      %dma_wait3A_1750 = tpu.memref_slice %arg4[%add3A_1720, %mul3A_1749] : memref<32768x1024xf32, #tpu.memory_space<hbm>> -> memref<64x128xf32, #tpu.memory_space<hbm>>
      %dma_wait3A_1751 = tpu.memref_slice %arg4[%add3A_1720, %mul3A_1749] : memref<32768x1024xf32, #tpu.memory_space<hbm>> -> memref<64x128xf32, #tpu.memory_space<hbm>>
      tpu.wait_dma2 semaphore(%arg14 : memref<!tpu.dma_semaphore, #tpu.memory_space<semaphore_mem>>) src(%arg7 : memref<64x128xf32, #tpu.memory_space<vmem>>) dst(%dma_wait3A_1751 : memref<64x128xf32, #tpu.memory_space<hbm>>)
      %add3A_1752 = arith.constant 3 : i32
      %add3A_1753 = arith.addi %add3A_1677, %add3A_1752 : i32
      %jit3A_1754 = arith.constant 32 : i32
      %eq3A_1755 = arith.constant 0 : i32
      %eq3A_1756 = arith.cmpi eq, %jit3A_1754, %eq3A_1755 : i32
      %jit3A_1757 = arith.constant 1 : i32
      %select_n3A_1758 = arith.select %eq3A_1756, %jit3A_1757, %jit3A_1754 : i32
      %rem3A_1759 = arith.remsi %add3A_1753, %select_n3A_1758 : i32
      %ne3A_1760 = arith.constant 0 : i32
      %ne3A_1761 = arith.cmpi ne, %rem3A_1759, %ne3A_1760 : i32
      %lt3A_1762 = arith.constant 0 : i32
      %lt3A_1763 = arith.cmpi slt, %rem3A_1759, %lt3A_1762 : i32
      %lt3A_1764 = arith.constant 0 : i32
      %lt3A_1765 = arith.cmpi slt, %select_n3A_1758, %lt3A_1764 : i32
      %ne3A_1766 = arith.xori %lt3A_1763, %lt3A_1765 : i1
      %and3A_1767 = arith.andi %ne3A_1766, %ne3A_1761 : i1
      %add3A_1768 = arith.addi %rem3A_1759, %select_n3A_1758 : i32
      %select_n3A_1769 = arith.select %and3A_1767, %add3A_1768, %rem3A_1759 : i32
      %mul3A_1770 = arith.constant 64 : i32
      %mul3A_1771 = arith.muli %select_n3A_1769, %mul3A_1770 : i32
      %dma_start3A_1772 = tpu.memref_slice %arg6[%mul3A_1771] : memref<2048xi32, #tpu.memory_space<vmem>> -> memref<64xi32, #tpu.memory_space<vmem>>
      %dma_start3A_1773 = arith.constant 0 : i32
      %dma_start3A_1774 = arith.constant 0 : i32
      %dma_start3A_1775 = tpu.memref_slice %arg5[%dma_start3A_1773, %dma_start3A_1774] : memref<8192x128xf32, #tpu.memory_space<vmem_shared>> -> memref<8192x128xf32, #tpu.memory_space<vmem_shared>>
      tpu.enqueue_indirect_dma source(%dma_start3A_1775 : memref<8192x128xf32, #tpu.memory_space<vmem_shared>>) target(%arg7 : memref<64x128xf32, #tpu.memory_space<vmem>>) offsets(%dma_start3A_1772 : memref<64xi32, #tpu.memory_space<vmem>>) semaphore(%arg14 : memref<!tpu.dma_semaphore, #tpu.memory_space<semaphore_mem>>)
      %jit3A_1776 = arith.constant 32 : i32
      %eq3A_1777 = arith.constant 0 : i32
      %eq3A_1778 = arith.cmpi eq, %jit3A_1776, %eq3A_1777 : i32
      %jit3A_1779 = arith.constant 1 : i32
      %select_n3A_1780 = arith.select %eq3A_1778, %jit3A_1779, %jit3A_1776 : i32
      %rem3A_1781 = arith.remsi %add3A_1677, %select_n3A_1780 : i32
      %ne3A_1782 = arith.constant 0 : i32
      %ne3A_1783 = arith.cmpi ne, %rem3A_1781, %ne3A_1782 : i32
      %lt3A_1784 = arith.constant 0 : i32
      %lt3A_1785 = arith.cmpi slt, %rem3A_1781, %lt3A_1784 : i32
      %lt3A_1786 = arith.constant 0 : i32
      %lt3A_1787 = arith.cmpi slt, %select_n3A_1780, %lt3A_1786 : i32
      %ne3A_1788 = arith.xori %lt3A_1785, %lt3A_1787 : i1
      %and3A_1789 = arith.andi %ne3A_1788, %ne3A_1783 : i1
      %add3A_1790 = arith.addi %rem3A_1781, %select_n3A_1780 : i32
      %select_n3A_1791 = arith.select %and3A_1789, %add3A_1790, %rem3A_1781 : i32
      %mul3A_1792 = arith.constant 64 : i32
      %mul3A_1793 = arith.muli %select_n3A_1791, %mul3A_1792 : i32
      %add3A_1794 = arith.addi %mul3A_0, %mul3A_1793 : i32
      %mul3A_1795 = arith.constant 4 : i32
      %mul3A_1796 = arith.muli %arg0, %mul3A_1795 : i32
      %jit3A_1797 = arith.constant 32 : i32
      %div3A_1798 = arith.divsi %add3A_1677, %jit3A_1797 : i32
      %sign3A_1799 = arith.constant 0 : i32
      %sign3A_1800 = arith.cmpi sgt, %add3A_1677, %sign3A_1799 : i32
      %sign3A_1801 = arith.extui %sign3A_1800 : i1 to i32
      %sign3A_1802 = arith.constant 0 : i32
      %sign3A_1803 = arith.cmpi slt, %add3A_1677, %sign3A_1802 : i32
      %sign3A_1804 = arith.extui %sign3A_1803 : i1 to i32
      %sign3A_1805 = arith.subi %sign3A_1801, %sign3A_1804 : i32
      %sign3A_1806 = arith.constant 0 : i32
      %sign3A_1807 = arith.cmpi sgt, %jit3A_1797, %sign3A_1806 : i32
      %sign3A_1808 = arith.extui %sign3A_1807 : i1 to i32
      %sign3A_1809 = arith.constant 0 : i32
      %sign3A_1810 = arith.cmpi slt, %jit3A_1797, %sign3A_1809 : i32
      %sign3A_1811 = arith.extui %sign3A_1810 : i1 to i32
      %sign3A_1812 = arith.subi %sign3A_1808, %sign3A_1811 : i32
      %ne3A_1813 = arith.cmpi ne, %sign3A_1805, %sign3A_1812 : i32
      %rem3A_1814 = arith.remsi %add3A_1677, %jit3A_1797 : i32
      %ne3A_1815 = arith.constant 0 : i32
      %ne3A_1816 = arith.cmpi ne, %rem3A_1814, %ne3A_1815 : i32
      %and3A_1817 = arith.andi %ne3A_1813, %ne3A_1816 : i1
      %sub3A_1818 = arith.constant 1 : i32
      %sub3A_1819 = arith.subi %div3A_1798, %sub3A_1818 : i32
      %select_n3A_1820 = arith.select %and3A_1817, %sub3A_1819, %div3A_1798 : i32
      %add3A_1821 = arith.addi %mul3A_1796, %select_n3A_1820 : i32
      %mul3A_1822 = arith.constant 128 : i32
      %mul3A_1823 = arith.muli %add3A_1821, %mul3A_1822 : i32
      %dma_start3A_1824 = tpu.memref_slice %arg4[%add3A_1794, %mul3A_1823] : memref<32768x1024xf32, #tpu.memory_space<hbm>> -> memref<64x128xf32, #tpu.memory_space<hbm>>
      %dma_start3A_1825 = tpu.memref_slice %arg4[%add3A_1794, %mul3A_1823] : memref<32768x1024xf32, #tpu.memory_space<hbm>> -> memref<64x128xf32, #tpu.memory_space<hbm>>
      tpu.enqueue_dma source(%arg11 : memref<64x128xf32, #tpu.memory_space<vmem>>) target(%dma_start3A_1825 : memref<64x128xf32, #tpu.memory_space<hbm>>) target_semaphore(%arg18 : memref<!tpu.dma_semaphore, #tpu.memory_space<semaphore_mem>>)
    }
    %scan3A_611 = arith.constant 4 : i32
    %dma_wait3A_612 = arith.constant 1792 : i32
    %dma_wait3A_613 = tpu.memref_slice %arg6[%dma_wait3A_612] : memref<2048xi32, #tpu.memory_space<vmem>> -> memref<64xi32, #tpu.memory_space<vmem>>
    %dma_wait3A_614 = arith.constant 0 : i32
    %dma_wait3A_615 = arith.constant 0 : i32
    %dma_wait3A_616 = tpu.memref_slice %arg5[%dma_wait3A_614, %dma_wait3A_615] : memref<8192x128xf32, #tpu.memory_space<vmem_shared>> -> memref<8192x128xf32, #tpu.memory_space<vmem_shared>>
    tpu.wait_indirect_dma semaphore(%arg19 : memref<!tpu.dma_semaphore, #tpu.memory_space<semaphore_mem>>) src(%dma_wait3A_616 : memref<8192x128xf32, #tpu.memory_space<vmem_shared>>) dst(%arg12 : memref<64x128xf32, #tpu.memory_space<vmem>>)
    %add3A_617 = arith.constant 1536 : i32
    %add3A_618 = arith.addi %mul3A_0, %add3A_617 : i32
    %mul3A_619 = arith.constant 4 : i32
    %mul3A_620 = arith.muli %arg0, %mul3A_619 : i32
    %add3A_621 = arith.constant 3 : i32
    %add3A_622 = arith.addi %mul3A_620, %add3A_621 : i32
    %mul3A_623 = arith.constant 128 : i32
    %mul3A_624 = arith.muli %add3A_622, %mul3A_623 : i32
    %dma_wait3A_625 = tpu.memref_slice %arg4[%add3A_618, %mul3A_624] : memref<32768x1024xf32, #tpu.memory_space<hbm>> -> memref<64x128xf32, #tpu.memory_space<hbm>>
    %dma_wait3A_626 = tpu.memref_slice %arg4[%add3A_618, %mul3A_624] : memref<32768x1024xf32, #tpu.memory_space<hbm>> -> memref<64x128xf32, #tpu.memory_space<hbm>>
    tpu.wait_dma2 semaphore(%arg15 : memref<!tpu.dma_semaphore, #tpu.memory_space<semaphore_mem>>) src(%arg8 : memref<64x128xf32, #tpu.memory_space<vmem>>) dst(%dma_wait3A_626 : memref<64x128xf32, #tpu.memory_space<hbm>>)
    %dma_start3A_627 = arith.constant 1984 : i32
    %dma_start3A_628 = tpu.memref_slice %arg6[%dma_start3A_627] : memref<2048xi32, #tpu.memory_space<vmem>> -> memref<64xi32, #tpu.memory_space<vmem>>
    %dma_start3A_629 = arith.constant 0 : i32
    %dma_start3A_630 = arith.constant 0 : i32
    %dma_start3A_631 = tpu.memref_slice %arg5[%dma_start3A_629, %dma_start3A_630] : memref<8192x128xf32, #tpu.memory_space<vmem_shared>> -> memref<8192x128xf32, #tpu.memory_space<vmem_shared>>
    tpu.enqueue_indirect_dma source(%dma_start3A_631 : memref<8192x128xf32, #tpu.memory_space<vmem_shared>>) target(%arg8 : memref<64x128xf32, #tpu.memory_space<vmem>>) offsets(%dma_start3A_628 : memref<64xi32, #tpu.memory_space<vmem>>) semaphore(%arg15 : memref<!tpu.dma_semaphore, #tpu.memory_space<semaphore_mem>>)
    %add3A_632 = arith.constant 1792 : i32
    %add3A_633 = arith.addi %mul3A_0, %add3A_632 : i32
    %mul3A_634 = arith.constant 4 : i32
    %mul3A_635 = arith.muli %arg0, %mul3A_634 : i32
    %add3A_636 = arith.constant 3 : i32
    %add3A_637 = arith.addi %mul3A_635, %add3A_636 : i32
    %mul3A_638 = arith.constant 128 : i32
    %mul3A_639 = arith.muli %add3A_637, %mul3A_638 : i32
    %dma_start3A_640 = tpu.memref_slice %arg4[%add3A_633, %mul3A_639] : memref<32768x1024xf32, #tpu.memory_space<hbm>> -> memref<64x128xf32, #tpu.memory_space<hbm>>
    %dma_start3A_641 = tpu.memref_slice %arg4[%add3A_633, %mul3A_639] : memref<32768x1024xf32, #tpu.memory_space<hbm>> -> memref<64x128xf32, #tpu.memory_space<hbm>>
    tpu.enqueue_dma source(%arg12 : memref<64x128xf32, #tpu.memory_space<vmem>>) target(%dma_start3A_641 : memref<64x128xf32, #tpu.memory_space<hbm>>) target_semaphore(%arg19 : memref<!tpu.dma_semaphore, #tpu.memory_space<semaphore_mem>>)
    %dma_wait3A_642 = arith.constant 1856 : i32
    %dma_wait3A_643 = tpu.memref_slice %arg6[%dma_wait3A_642] : memref<2048xi32, #tpu.memory_space<vmem>> -> memref<64xi32, #tpu.memory_space<vmem>>
    %dma_wait3A_644 = arith.constant 0 : i32
    %dma_wait3A_645 = arith.constant 0 : i32
    %dma_wait3A_646 = tpu.memref_slice %arg5[%dma_wait3A_644, %dma_wait3A_645] : memref<8192x128xf32, #tpu.memory_space<vmem_shared>> -> memref<8192x128xf32, #tpu.memory_space<vmem_shared>>
    tpu.wait_indirect_dma semaphore(%arg20 : memref<!tpu.dma_semaphore, #tpu.memory_space<semaphore_mem>>) src(%dma_wait3A_646 : memref<8192x128xf32, #tpu.memory_space<vmem_shared>>) dst(%arg13 : memref<64x128xf32, #tpu.memory_space<vmem>>)
    %add3A_647 = arith.constant 1600 : i32
    %add3A_648 = arith.addi %mul3A_0, %add3A_647 : i32
    %mul3A_649 = arith.constant 4 : i32
    %mul3A_650 = arith.muli %arg0, %mul3A_649 : i32
    %add3A_651 = arith.constant 3 : i32
    %add3A_652 = arith.addi %mul3A_650, %add3A_651 : i32
    %mul3A_653 = arith.constant 128 : i32
    %mul3A_654 = arith.muli %add3A_652, %mul3A_653 : i32
    %dma_wait3A_655 = tpu.memref_slice %arg4[%add3A_648, %mul3A_654] : memref<32768x1024xf32, #tpu.memory_space<hbm>> -> memref<64x128xf32, #tpu.memory_space<hbm>>
    %dma_wait3A_656 = tpu.memref_slice %arg4[%add3A_648, %mul3A_654] : memref<32768x1024xf32, #tpu.memory_space<hbm>> -> memref<64x128xf32, #tpu.memory_space<hbm>>
    tpu.wait_dma2 semaphore(%arg16 : memref<!tpu.dma_semaphore, #tpu.memory_space<semaphore_mem>>) src(%arg9 : memref<64x128xf32, #tpu.memory_space<vmem>>) dst(%dma_wait3A_656 : memref<64x128xf32, #tpu.memory_space<hbm>>)
    %add3A_657 = arith.constant 1856 : i32
    %add3A_658 = arith.addi %mul3A_0, %add3A_657 : i32
    %mul3A_659 = arith.constant 4 : i32
    %mul3A_660 = arith.muli %arg0, %mul3A_659 : i32
    %add3A_661 = arith.constant 3 : i32
    %add3A_662 = arith.addi %mul3A_660, %add3A_661 : i32
    %mul3A_663 = arith.constant 128 : i32
    %mul3A_664 = arith.muli %add3A_662, %mul3A_663 : i32
    %dma_start3A_665 = tpu.memref_slice %arg4[%add3A_658, %mul3A_664] : memref<32768x1024xf32, #tpu.memory_space<hbm>> -> memref<64x128xf32, #tpu.memory_space<hbm>>
    %dma_start3A_666 = tpu.memref_slice %arg4[%add3A_658, %mul3A_664] : memref<32768x1024xf32, #tpu.memory_space<hbm>> -> memref<64x128xf32, #tpu.memory_space<hbm>>
    tpu.enqueue_dma source(%arg13 : memref<64x128xf32, #tpu.memory_space<vmem>>) target(%dma_start3A_666 : memref<64x128xf32, #tpu.memory_space<hbm>>) target_semaphore(%arg20 : memref<!tpu.dma_semaphore, #tpu.memory_space<semaphore_mem>>)
    %dma_wait3A_667 = arith.constant 1920 : i32
    %dma_wait3A_668 = tpu.memref_slice %arg6[%dma_wait3A_667] : memref<2048xi32, #tpu.memory_space<vmem>> -> memref<64xi32, #tpu.memory_space<vmem>>
    %dma_wait3A_669 = arith.constant 0 : i32
    %dma_wait3A_670 = arith.constant 0 : i32
    %dma_wait3A_671 = tpu.memref_slice %arg5[%dma_wait3A_669, %dma_wait3A_670] : memref<8192x128xf32, #tpu.memory_space<vmem_shared>> -> memref<8192x128xf32, #tpu.memory_space<vmem_shared>>
    tpu.wait_indirect_dma semaphore(%arg14 : memref<!tpu.dma_semaphore, #tpu.memory_space<semaphore_mem>>) src(%dma_wait3A_671 : memref<8192x128xf32, #tpu.memory_space<vmem_shared>>) dst(%arg7 : memref<64x128xf32, #tpu.memory_space<vmem>>)
    %add3A_672 = arith.constant 1664 : i32
    %add3A_673 = arith.addi %mul3A_0, %add3A_672 : i32
    %mul3A_674 = arith.constant 4 : i32
    %mul3A_675 = arith.muli %arg0, %mul3A_674 : i32
    %add3A_676 = arith.constant 3 : i32
    %add3A_677 = arith.addi %mul3A_675, %add3A_676 : i32
    %mul3A_678 = arith.constant 128 : i32
    %mul3A_679 = arith.muli %add3A_677, %mul3A_678 : i32
    %dma_wait3A_680 = tpu.memref_slice %arg4[%add3A_673, %mul3A_679] : memref<32768x1024xf32, #tpu.memory_space<hbm>> -> memref<64x128xf32, #tpu.memory_space<hbm>>
    %dma_wait3A_681 = tpu.memref_slice %arg4[%add3A_673, %mul3A_679] : memref<32768x1024xf32, #tpu.memory_space<hbm>> -> memref<64x128xf32, #tpu.memory_space<hbm>>
    tpu.wait_dma2 semaphore(%arg17 : memref<!tpu.dma_semaphore, #tpu.memory_space<semaphore_mem>>) src(%arg10 : memref<64x128xf32, #tpu.memory_space<vmem>>) dst(%dma_wait3A_681 : memref<64x128xf32, #tpu.memory_space<hbm>>)
    %add3A_682 = arith.constant 1920 : i32
    %add3A_683 = arith.addi %mul3A_0, %add3A_682 : i32
    %mul3A_684 = arith.constant 4 : i32
    %mul3A_685 = arith.muli %arg0, %mul3A_684 : i32
    %add3A_686 = arith.constant 3 : i32
    %add3A_687 = arith.addi %mul3A_685, %add3A_686 : i32
    %mul3A_688 = arith.constant 128 : i32
    %mul3A_689 = arith.muli %add3A_687, %mul3A_688 : i32
    %dma_start3A_690 = tpu.memref_slice %arg4[%add3A_683, %mul3A_689] : memref<32768x1024xf32, #tpu.memory_space<hbm>> -> memref<64x128xf32, #tpu.memory_space<hbm>>
    %dma_start3A_691 = tpu.memref_slice %arg4[%add3A_683, %mul3A_689] : memref<32768x1024xf32, #tpu.memory_space<hbm>> -> memref<64x128xf32, #tpu.memory_space<hbm>>
    tpu.enqueue_dma source(%arg7 : memref<64x128xf32, #tpu.memory_space<vmem>>) target(%dma_start3A_691 : memref<64x128xf32, #tpu.memory_space<hbm>>) target_semaphore(%arg14 : memref<!tpu.dma_semaphore, #tpu.memory_space<semaphore_mem>>)
    %dma_wait3A_692 = arith.constant 1984 : i32
    %dma_wait3A_693 = tpu.memref_slice %arg6[%dma_wait3A_692] : memref<2048xi32, #tpu.memory_space<vmem>> -> memref<64xi32, #tpu.memory_space<vmem>>
    %dma_wait3A_694 = arith.constant 0 : i32
    %dma_wait3A_695 = arith.constant 0 : i32
    %dma_wait3A_696 = tpu.memref_slice %arg5[%dma_wait3A_694, %dma_wait3A_695] : memref<8192x128xf32, #tpu.memory_space<vmem_shared>> -> memref<8192x128xf32, #tpu.memory_space<vmem_shared>>
    tpu.wait_indirect_dma semaphore(%arg15 : memref<!tpu.dma_semaphore, #tpu.memory_space<semaphore_mem>>) src(%dma_wait3A_696 : memref<8192x128xf32, #tpu.memory_space<vmem_shared>>) dst(%arg8 : memref<64x128xf32, #tpu.memory_space<vmem>>)
    %add3A_697 = arith.constant 1728 : i32
    %add3A_698 = arith.addi %mul3A_0, %add3A_697 : i32
    %mul3A_699 = arith.constant 4 : i32
    %mul3A_700 = arith.muli %arg0, %mul3A_699 : i32
    %add3A_701 = arith.constant 3 : i32
    %add3A_702 = arith.addi %mul3A_700, %add3A_701 : i32
    %mul3A_703 = arith.constant 128 : i32
    %mul3A_704 = arith.muli %add3A_702, %mul3A_703 : i32
    %dma_wait3A_705 = tpu.memref_slice %arg4[%add3A_698, %mul3A_704] : memref<32768x1024xf32, #tpu.memory_space<hbm>> -> memref<64x128xf32, #tpu.memory_space<hbm>>
    %dma_wait3A_706 = tpu.memref_slice %arg4[%add3A_698, %mul3A_704] : memref<32768x1024xf32, #tpu.memory_space<hbm>> -> memref<64x128xf32, #tpu.memory_space<hbm>>
    tpu.wait_dma2 semaphore(%arg18 : memref<!tpu.dma_semaphore, #tpu.memory_space<semaphore_mem>>) src(%arg11 : memref<64x128xf32, #tpu.memory_space<vmem>>) dst(%dma_wait3A_706 : memref<64x128xf32, #tpu.memory_space<hbm>>)
    %add3A_707 = arith.constant 1984 : i32
    %add3A_708 = arith.addi %mul3A_0, %add3A_707 : i32
    %mul3A_709 = arith.constant 4 : i32
    %mul3A_710 = arith.muli %arg0, %mul3A_709 : i32
    %add3A_711 = arith.constant 3 : i32
    %add3A_712 = arith.addi %mul3A_710, %add3A_711 : i32
    %mul3A_713 = arith.constant 128 : i32
    %mul3A_714 = arith.muli %add3A_712, %mul3A_713 : i32
    %dma_start3A_715 = tpu.memref_slice %arg4[%add3A_708, %mul3A_714] : memref<32768x1024xf32, #tpu.memory_space<hbm>> -> memref<64x128xf32, #tpu.memory_space<hbm>>
    %dma_start3A_716 = tpu.memref_slice %arg4[%add3A_708, %mul3A_714] : memref<32768x1024xf32, #tpu.memory_space<hbm>> -> memref<64x128xf32, #tpu.memory_space<hbm>>
    tpu.enqueue_dma source(%arg8 : memref<64x128xf32, #tpu.memory_space<vmem>>) target(%dma_start3A_716 : memref<64x128xf32, #tpu.memory_space<hbm>>) target_semaphore(%arg15 : memref<!tpu.dma_semaphore, #tpu.memory_space<semaphore_mem>>)
    %add3A_717 = arith.constant 1792 : i32
    %add3A_718 = arith.addi %mul3A_0, %add3A_717 : i32
    %mul3A_719 = arith.constant 4 : i32
    %mul3A_720 = arith.muli %arg0, %mul3A_719 : i32
    %add3A_721 = arith.constant 3 : i32
    %add3A_722 = arith.addi %mul3A_720, %add3A_721 : i32
    %mul3A_723 = arith.constant 128 : i32
    %mul3A_724 = arith.muli %add3A_722, %mul3A_723 : i32
    %dma_wait3A_725 = tpu.memref_slice %arg4[%add3A_718, %mul3A_724] : memref<32768x1024xf32, #tpu.memory_space<hbm>> -> memref<64x128xf32, #tpu.memory_space<hbm>>
    %dma_wait3A_726 = tpu.memref_slice %arg4[%add3A_718, %mul3A_724] : memref<32768x1024xf32, #tpu.memory_space<hbm>> -> memref<64x128xf32, #tpu.memory_space<hbm>>
    tpu.wait_dma2 semaphore(%arg19 : memref<!tpu.dma_semaphore, #tpu.memory_space<semaphore_mem>>) src(%arg12 : memref<64x128xf32, #tpu.memory_space<vmem>>) dst(%dma_wait3A_726 : memref<64x128xf32, #tpu.memory_space<hbm>>)
    %add3A_727 = arith.constant 1856 : i32
    %add3A_728 = arith.addi %mul3A_0, %add3A_727 : i32
    %mul3A_729 = arith.constant 4 : i32
    %mul3A_730 = arith.muli %arg0, %mul3A_729 : i32
    %add3A_731 = arith.constant 3 : i32
    %add3A_732 = arith.addi %mul3A_730, %add3A_731 : i32
    %mul3A_733 = arith.constant 128 : i32
    %mul3A_734 = arith.muli %add3A_732, %mul3A_733 : i32
    %dma_wait3A_735 = tpu.memref_slice %arg4[%add3A_728, %mul3A_734] : memref<32768x1024xf32, #tpu.memory_space<hbm>> -> memref<64x128xf32, #tpu.memory_space<hbm>>
    %dma_wait3A_736 = tpu.memref_slice %arg4[%add3A_728, %mul3A_734] : memref<32768x1024xf32, #tpu.memory_space<hbm>> -> memref<64x128xf32, #tpu.memory_space<hbm>>
    tpu.wait_dma2 semaphore(%arg20 : memref<!tpu.dma_semaphore, #tpu.memory_space<semaphore_mem>>) src(%arg13 : memref<64x128xf32, #tpu.memory_space<vmem>>) dst(%dma_wait3A_736 : memref<64x128xf32, #tpu.memory_space<hbm>>)
    %add3A_737 = arith.constant 1920 : i32
    %add3A_738 = arith.addi %mul3A_0, %add3A_737 : i32
    %mul3A_739 = arith.constant 4 : i32
    %mul3A_740 = arith.muli %arg0, %mul3A_739 : i32
    %add3A_741 = arith.constant 3 : i32
    %add3A_742 = arith.addi %mul3A_740, %add3A_741 : i32
    %mul3A_743 = arith.constant 128 : i32
    %mul3A_744 = arith.muli %add3A_742, %mul3A_743 : i32
    %dma_wait3A_745 = tpu.memref_slice %arg4[%add3A_738, %mul3A_744] : memref<32768x1024xf32, #tpu.memory_space<hbm>> -> memref<64x128xf32, #tpu.memory_space<hbm>>
    %dma_wait3A_746 = tpu.memref_slice %arg4[%add3A_738, %mul3A_744] : memref<32768x1024xf32, #tpu.memory_space<hbm>> -> memref<64x128xf32, #tpu.memory_space<hbm>>
    tpu.wait_dma2 semaphore(%arg14 : memref<!tpu.dma_semaphore, #tpu.memory_space<semaphore_mem>>) src(%arg7 : memref<64x128xf32, #tpu.memory_space<vmem>>) dst(%dma_wait3A_746 : memref<64x128xf32, #tpu.memory_space<hbm>>)
    %add3A_747 = arith.constant 1984 : i32
    %add3A_748 = arith.addi %mul3A_0, %add3A_747 : i32
    %mul3A_749 = arith.constant 4 : i32
    %mul3A_750 = arith.muli %arg0, %mul3A_749 : i32
    %add3A_751 = arith.constant 3 : i32
    %add3A_752 = arith.addi %mul3A_750, %add3A_751 : i32
    %mul3A_753 = arith.constant 128 : i32
    %mul3A_754 = arith.muli %add3A_752, %mul3A_753 : i32
    %dma_wait3A_755 = tpu.memref_slice %arg4[%add3A_748, %mul3A_754] : memref<32768x1024xf32, #tpu.memory_space<hbm>> -> memref<64x128xf32, #tpu.memory_space<hbm>>
    %dma_wait3A_756 = tpu.memref_slice %arg4[%add3A_748, %mul3A_754] : memref<32768x1024xf32, #tpu.memory_space<hbm>> -> memref<64x128xf32, #tpu.memory_space<hbm>>
    tpu.wait_dma2 semaphore(%arg15 : memref<!tpu.dma_semaphore, #tpu.memory_space<semaphore_mem>>) src(%arg8 : memref<64x128xf32, #tpu.memory_space<vmem>>) dst(%dma_wait3A_756 : memref<64x128xf32, #tpu.memory_space<hbm>>)
    return
  }
}

</mosaic_0001>

<sc_bundles>
// kernel: kernel.3.cloned.1.call-start
scs
__scs_entry_jumppad:
0x0: {  	(pc) =	sbr.rel $0x88, $3  }
0x1: {  	(tag) =	ssettag $0x0;
	lr =	simm.s32 $0x1  }
0x2: {  	[smem:$0x3F9F] =	sst lr;
	_ =	strace $0xD0000000  }
0x3: {  	_ = 	snop  }
0x4: {  	_ = 	snop  }
0x5: {  	_ = 	snop  }
0x6: {  	_ = 	snop  }
0x7: {  	_ = 	snop  }
__scs_overlays_trampoline_lowered:
0x8: {  	[smem:$0x3FAE] =	sst s0  }
0x9: {  	[smem:$0x3FAF] =	sst s1  }
0xa: {  	[smem:$0x3FB0] =	sst s2  }
0xb: {  	[smem:$0x3FB1] =	sst s3  }
0xc: {  	[smem:$0x3FB2] =	sst s4  }
0xd: {  	[smem:$0x3FB3] =	sst s5  }
0xe: {  	[smem:$0x3FB4] =	sst s6  }
0xf: {  	[smem:$0x3FB5] =	sst s7  }
0x10: {  	[smem:$0x3FB6] =	sst s8  }
0x11: {  	[smem:$0x3FB7] =	sst s9;
	s0 =	simm.s32 @!p0 $0x0  }
0x12: {  	s1 =	sld [smem:$0x3F9D];
	s0 =	simm.s32 @p0 $0x1  }
0x13: {  	[smem:$0x3FB8] =	sst s0;
	s0 =	simm.s32 @!p1 $0x0  }
0x14: {  	s2 =	sld [smem:$0x3F9C];
	s0 =	simm.s32 @p1 $0x1  }
0x15: {  	[smem:$0x3FB9] =	sst s0;
	s0 =	simm.s32 @!p2 $0x0  }
0x16: {  	s3 =	sld [smem:$0x3FDB];
	s0 =	simm.s32 @p2 $0x1  }
0x17: {  	s4 =	simm.s32 $0x1BF5;
	[smem:$0x3FBB] =	sst s0  }
0x18: {  	s0 =	sld [smem:$0x3F9E];
	_ =	swait.ge [sflag:s4], $0x0  }
0x19: {  	s7 =	sld [smem:$0x3F9F]  }
0x1a: {  	s8 =	sadd.s32 $0xFFFFE003, lr  }
0x1b: {  	s9 =	sadd.s32 $0xFFFFFEF7, lr;
	s5 =	simm.s32 $0xFFFFFFFF;
	p2 =	slt.u32 s8, $0xFFFFF086  }
0x1c: {  	p1 =	slt.u32 s9, $0xF7A;
	s5 =	simm.s32 @!p2 $0x0  }
0x1d: {  	s5 =	simm.s32 @p1 $0x1;
	p0 =	seq.s32 s7, s2  }
0x1e: {  	s7 =	smul.u32 @!p0 $0xF7A, s2;
	p2 =	seq.s32 @!p0 s5, $0x0  }
0x1f: {  	s9 =	smul.u32 $0xF7A, s1;
	s8 =	simm.s32 @!p0 $0x1BF5;
	p2 =	por !p2, p0  }
0x20: {  	[sflag:s8] =	ssyncset.s32 @!p0 $0xFFFFF086;
	s6 =	sadd.s32 @!p0 s3, s7;
	s7 =	simm.s32 @!p0 $0x108  }
0x21: {  	s3 =	sadd.s32 s3, s9;
	s6 =	sadd.s32 @!p0 $0x88, s6;
	s7 =	simm.s32 @p2 $0x1082  }
0x22: {  	[simem:s7], [sflag:s8] =	dma.local @!p0 [hbm:s6], $0xF7A  }
0x23: {  	s9 =	sor.u32 $0xD0000000, s2;
	s6 =	simm.s32 $0x108;
	_ =	swait.ge @!p0 [sflag:s8], $0x0  }
0x24: {  	s3 =	sadd.s32 $0x88, s3;
	s6 =	simm.s32 @!p1 $0x1082;
	[sflag:s4] =	ssyncset.s32 $0xFFFFF086  }
0x25: {  	[simem:s6], [sflag:s4] =	dma.local [hbm:s3], $0xF7A  }
0x26: {  	[smem:$0x3F9F] =	sst s1;
	(tag) =	ssettag s2;
	_ =	strace s9  }
0x27: {  	s1 =	sld [smem:$0x3FAF]  }
0x28: {  	s2 =	sld [smem:$0x3FB0]  }
0x29: {  	s4 =	sld [smem:$0x3FB2]  }
0x2a: {  	p0 =	seq.s32 s5, $0x0;
	s5 =	sld [smem:$0x3FB3]  }
0x2b: {  	s6 =	sld [smem:$0x3FB4]  }
0x2c: {  	s7 =	sld [smem:$0x3FB5]  }
0x2d: {  	s3 =	simm.s32 $0x108;
	s8 =	sld [smem:$0x3FB6]  }
0x2e: {  	s3 =	simm.s32 @!p0 $0x1082;
	s9 =	sld [smem:$0x3FB7]  }
0x2f: {  	lr =	sadd.s32 s0, s3;
	s0 =	sld [smem:$0x3FAE]  }
0x30: {  	s3 =	sld [smem:$0x3FB1]  }
0x31: {  	[smem:$0x3FBA] =	sst s10  }
0x32: {  	s10 =	sld [smem:$0x3FB8];
	_ =	sdelay $0x3  }
0x33: {  	p0 =	seq.s32 s10, $0x1;
	s10 =	sld [smem:$0x3FBA];
	_ =	sdelay $0x3  }
0x34: {  	[smem:$0x3FBA] =	sst s10  }
0x35: {  	s10 =	sld [smem:$0x3FB9];
	_ =	sdelay $0x3  }
0x36: {  	p1 =	seq.s32 s10, $0x1;
	s10 =	sld [smem:$0x3FBA];
	_ =	sdelay $0x3  }
0x37: {  	[smem:$0x3FBA] =	sst s10  }
0x38: {  	s10 =	sld [smem:$0x3FBB]  }
0x39: {  	_ = 	snop;
	(pc) =	sbr.ind lr, $3  }
0x3a: {  	_ = 	snop  }
0x3b: {  	_ = 	snop  }
0x3c: {  	p2 =	seq.s32 s10, $0x1;
	s10 =	sld [smem:$0x3FBA]  }
0x3d: {  	_ =	shalt  }
0x3e: {  	_ =	shalt  }
0x3f: {  	_ =	shalt  }
0x40: {  	_ =	shalt  }
0x41: {  	_ =	shalt  }
0x42: {  	_ =	shalt  }
0x43: {  	_ =	shalt  }
0x44: {  	_ =	shalt  }
0x45: {  	_ =	shalt  }
0x46: {  	_ =	shalt  }
0x47: {  	_ =	shalt  }
0x48: {  	_ =	shalt  }
0x49: {  	_ =	shalt  }
0x4a: {  	_ =	shalt  }
0x4b: {  	_ =	shalt  }
0x4c: {  	_ =	shalt  }
0x4d: {  	_ =	shalt  }
0x4e: {  	_ =	shalt  }
0x4f: {  	_ =	shalt  }
0x50: {  	_ =	shalt  }
0x51: {  	_ =	shalt  }
0x52: {  	_ =	shalt  }
0x53: {  	_ =	shalt  }
0x54: {  	_ =	shalt  }
0x55: {  	_ =	shalt  }
0x56: {  	_ =	shalt  }
0x57: {  	_ =	shalt  }
0x58: {  	_ =	shalt  }
0x59: {  	_ =	shalt  }
0x5a: {  	_ =	shalt  }
0x5b: {  	_ =	shalt  }
0x5c: {  	_ =	shalt  }
0x5d: {  	_ =	shalt  }
0x5e: {  	_ =	shalt  }
0x5f: {  	_ =	shalt  }
0x60: {  	_ =	shalt  }
0x61: {  	_ =	shalt  }
0x62: {  	_ =	shalt  }
0x63: {  	_ =	shalt  }
0x64: {  	_ =	shalt  }
0x65: {  	_ =	shalt  }
0x66: {  	_ =	shalt  }
0x67: {  	_ =	shalt  }
0x68: {  	_ =	shalt  }
0x69: {  	_ =	shalt  }
0x6a: {  	_ =	shalt  }
0x6b: {  	_ =	shalt  }
0x6c: {  	_ =	shalt  }
0x6d: {  	_ =	shalt  }
0x6e: {  	_ =	shalt  }
0x6f: {  	_ =	shalt  }
0x70: {  	_ =	shalt  }
0x71: {  	_ =	shalt  }
0x72: {  	_ =	shalt  }
0x73: {  	_ =	shalt  }
0x74: {  	_ =	shalt  }
0x75: {  	_ =	shalt  }
0x76: {  	_ =	shalt  }
0x77: {  	_ =	shalt  }
0x78: {  	_ =	shalt  }
0x79: {  	_ =	shalt  }
0x7a: {  	_ =	shalt  }
0x7b: {  	_ =	shalt  }
0x7c: {  	_ =	shalt  }
0x7d: {  	_ =	shalt  }
0x7e: {  	_ =	shalt  }
0x7f: {  	_ =	shalt  }
0x80: {  	_ =	shalt  }
0x81: {  	_ =	shalt  }
0x82: {  	_ =	shalt  }
0x83: {  	_ =	shalt  }
0x84: {  	_ =	shalt  }
0x85: {  	_ =	shalt  }
0x86: {  	_ =	shalt  }
0x87: {  	_ =	shalt  }
.Lfunc_end0:
.L_simem_size_0:
called_computation_lowered:
.L_overlay_start_0:
0x88: {  	s2 =	sld [smem:$0x3FD9]  }
0x89: {  	s3 =	sld [smem:$0x3FFE];
	_ =	sdelay $0x1  }
0x8a: {  	s1 =	srdreg.scid  }
0x8b: {  	s0 =	sand.u32 $0x1, s1  }
0x8c: {  	s17 =	sshll.u32 s0, $0xA;
	s2 =	sadd.s32 s3, s2  }
0x8d: {  	s2 =	sadd.s32 s2, s17  }
0x8e: {  	[smem:$0x3FC6] =	sst s2  }
0x8f: {  	_ = 	snop  }
0x90: {  	s2 =	sld [smem:$0x3FC8]  }
0x91: {  	s18 =	sld [smem:$0x3FD0];
	(tm) =	ssettm $0x1  }
0x92: {  	s4 =	sld [smem:$0x3FFB];
	_ =	sdelay $0x3  }
0x93: {  	_ =	strace s4  }
0x94: {  	s4 =	sld [smem:$0x3FFC];
	_ =	sdelay $0x3  }
0x95: {  	_ =	strace s4  }
0x96: {  	s4 =	sld [smem:$0x3FFD];
	_ =	sdelay $0x3  }
0x97: {  	_ =	strace s4  }
0x98: {  	_ =	strace $0x8FFFFFFF  }
0x99: {  	s19 =	sld [smem:$0x3FDB];
	_ =	sdelay $0x1  }
0x9a: {  	s5 =	simm.s32 $_scs_section_size  }
0x9b: {  	s6 =	simm.s32 $_size__tile_overlayer_lowered;
	s7 =	simm.s32 $_tile_overlayer_lowered  }
0x9c: {  	s22 =	simm.s32 $0x1BFF;
	s21 =	sshll.u32 s7, $0x1;
	s4 =	sadd.s32 s5, s19  }
0x9d: {  	s8 =	simm.s32 $0x0;
	s20 =	sshll.u32 s6, $0x1;
	s6 =	sadd.s32 s21, s4  }
0x9e: {  	[timem:s8], [sflag:s22] =	dma.local [hbm:s6], s20  }
0x9f: {  	_ =	swait.ge [sflag:s22], s20  }
0xa0: {  	s5 =	ssub.s32 $0x0, s20;
	[sflag:s22] =	ssyncset.done $0x0  }
0xa1: {  	[sflag:s22] =	ssyncadd.s32 s5;
	_ =	sdelay $0x1  }
0xa2: {  	s23 =	simm.s32 $0x1B8B  }
0xa3: {  	_ =	swait.ge [sflag:s23], $0x1  }
0xa4: {  	[sflag:s23] =	ssyncset.done $0x0  }
0xa5: {  	s25 =	simm.s32 $0x1B8E;
	s24 =	sld [smem:$0x3FFE];
	[sflag:s23] =	ssyncadd.s32 $0xFFFFFFFF  }
0xa6: {  	s26 =	simm.s32 $execute0_lowered;
	[smem:$0x3FD2] =	sst s25  }
0xa7: {  	s6 =	sshll.u32 s26, $0x1;
	_ =	strace $0x80000046;
	[dreg:$0x1] =	wrdreg $0xFFFFFFFF  }
0xa8: {  	s28 =	simm.s32 $_size_execute0_lowered;
	s4 =	sadd.s32 s4, s6;
	[dreg:$0x0] =	wrdreg $0x0  }
0xa9: {  	s6 =	sshll.u32 s28, $0x1;
	[dreg:$0x2] =	wrdreg s4  }
0xaa: {  	[dreg:$0x3] =	wrdreg s6  }
0xab: {  	[dreg:$0x4] =	wrdreg $0xC0  }
0xac: {  	_ =	task [dreg:s8], $0x5FFFF  }
0xad: {  	[dreg:$0x1] =	wrdreg $0xFFFFFFFF  }
0xae: {  	[dreg:$0x0] =	wrdreg $0x60  }
0xaf: {  	[dreg:$0x2] =	wrdreg s24  }
0xb0: {  	[dreg:$0x3] =	wrdreg s2  }
0xb1: {  	[dreg:$0x4] =	wrdreg s18  }
0xb2: {  	[dreg:$0x5] =	wrdreg $0x0  }
0xb3: {  	[dreg:$0x6] =	wrdreg $0x9  }
0xb4: {  	_ =	task.clear_ibuf [dreg:s8], $0x7FFFF;
	_ =	strace $0x90000046  }
0xb5: {  	s29 =	simm.s32 $0x9;
	_ =	strace $0x80000048  }
0xb6: {  	_ =	swait.ge [sflag:s29], $0x1  }
0xb7: {  	[sflag:s29] =	ssyncadd.s32 $0xFFFFFFFF  }
0xb8: {  	_ =	strace $0x90000048  }
0xb9: {  	_ =	sfence  }
0xba: {  	s30 =	sld [smem:$0x0];
	_ =	sdelay $0x2  }
0xbb: {  	s31 =	sshll.u32 s1, $0xD;
	s1 =	sshrl.u32 s1, $0x2  }
0xbc: {  	s3 =	sand.u32 $0x4000, s31;
	s1 =	sadd.s32 s1, s30  }
0xbd: {  	s0 =	sor.u32 s3, s0;
	s1 =	sshll.u32 s1, $0x11  }
0xbe: {  	s0 =	sor.u32 s1, s0  }
0xbf: {  	s0 =	sadd.s32 $0x8F2B, s0  }
0xc0: {  	[sflag:s0] =	ssyncadd.remote.s32 $0x1  }
0xc1: {  	_ =	sfence.sel $0xFFFF  }
0xc2: {  	[dreg:$0x0] =	wrdreg $0xFFFFFFFF;
	(pc) =	sbr.abs _section_cstart, $3  }
0xc3: {  	[dreg:$0x1] =	wrdreg $0xFFFFFFFF  }
0xc4: {  	_ =	task.clear_ibuf [dreg:s8], $0x2FFFF;
	_ =	strace $0x9FFFFFFF  }
0xc5: {  	(tm) =	ssettm $0x7FFFFFFF  }
tec
execute0_lowered:
.L_overlay_start_1:
0x0: {  	(tag) =	ssettag $0x1  }
0x1: {  	s0 =	rddreg [dreg:$0x0]  }
0x2: {  	s2 =	rddreg [dreg:$0x1]  }
0x3: {  	s1 =	rddreg [dreg:$0x2];
	s3 =	srdreg.scid  }
0x4: {  	s4 =	simm.s32 $0x0;
	s23 =	stileid.u32;
	s30 =	simm.s32 $0x2  }
0x5: {  	s31 =	simm.s32 $0x3;
	s29 =	simm.s32 $0x107C0;
	s3 =	sand.u32 $0x1, s3  }
0x6: {  	[smem:$0x7FF] =	sst s4;
	s26 =	sshll.u32 s23, $0x13;
	s6 =	sshll.u32 s23, $0x8  }
0x7: {  	s22 =	sshll.u32 s23, $0x15;
	s5 =	sshll.u32 s3, $0xC;
	s7 =	ssub.s32 $0x2, s3  }
0x8: {  	s6 =	sadd.s32 s6, s0;
	s10 =	sor.u32 $0x1C0000, s22;
	s11 =	sor.u32 $0x1D0000, s22  }
0x9: {  	s14 =	sor.u32 $0x1E0000, s22;
	s3 =	sshll.u32 s3, $0x2;
	s8 =	sor.u32 s5, s26  }
0xa: {  	s20 =	sshrl.u32 s7, $0x1;
	s9 =	sor.u32 s5, s22;
	s12 =	sor.u32 s5, s10  }
0xb: {  	s13 =	sor.u32 s5, s11;
	s24 =	sor.u32 $0x400, s5;
	s16 =	sor.u32 s5, s14  }
0xc: {  	s18 =	sor.u32 $0x800, s5;
	s6 =	sadd.s32 $0x400, s6;
	s8 =	sshrl.u32 s8, $0x3  }
0xd: {  	s0 =	ssub.s32 s7, s20;
	s7 =	sor.u32 $0x1F0000, s22;
	s15 =	sor.u32 s26, s24  }
0xe: {  	s19 =	sor.u32 s24, s11;
	s20 =	sor.u32 s26, s18;
	s12 =	sshrl.u32 s12, $0x3  }
0xf: {  	s13 =	sshrl.u32 s13, $0x3;
	s16 =	sshrl.u32 s16, $0x3;
	s21 =	sadd.s32 s2, s8  }
0x10: {  	s17 =	sor.u32 s5, s7;
	s15 =	sshrl.u32 s15, $0x3;
	s5 =	sor.u32 $0xC00, s5  }
0x11: {  	s20 =	sshrl.u32 s20, $0x3;
	s22 =	sor.u32 s24, s7;
	s8 =	rddreg [dreg:$0x3]  }
0x12: {  	[dreg:$0x5] =	wrdreg s21;
	s15 =	sadd.s32 s2, s15;
	s21 =	sor.u32 s24, s14  }
0x13: {  	s4 =	sor.u32 s26, s5;
	s25 =	sadd.s32 s2, s20;
	s20 =	sor.u32 s18, s14  }
0x14: {  	s14 =	sor.u32 s5, s14;
	s26 =	sshrl.u32 s9, $0x3;
	s9 =	sshll.u32 s23, $0x10  }
0x15: {  	[dreg:$0x6] =	wrdreg s15;
	s15 =	sor.u32 s24, s10;
	s4 =	sshrl.u32 s4, $0x3  }
0x16: {  	[dreg:$0x7] =	wrdreg s25;
	s2 =	sadd.s32 s2, s4;
	s4 =	sor.u32 s18, s11  }
0x17: {  	s11 =	sor.u32 s5, s11;
	[dreg:$0x8] =	wrdreg s2;
	s2 =	sor.u32 s18, s10  }
0x18: {  	s18 =	sor.u32 s18, s7;
	s10 =	sor.u32 s5, s10;
	s5 =	sor.u32 s5, s7  }
0x19: {  	s7 =	sadd.s32 s9, s8;
	_ =	strace $0x80000047;
	[dreg:$0x9] =	wrdreg s6  }
0x1a: {  	s0 =	smax.u32 s0, $0x1;
	s24 =	sadd.s32 s1, s13;
	[dreg:$0xa] =	wrdreg s7  }
0x1b: {  	s25 =	sadd.s32 s1, s26;
	s26 =	sadd.s32 s1, s16;
	[dreg:$0xd] =	wrdreg s24  }
0x1c: {  	s16 =	sshrl.u32 s21, $0x3;
	s9 =	sshrl.u32 s15, $0x3;
	[dreg:$0xe] =	wrdreg s26  }
0x1d: {  	s21 =	sshrl.u32 s4, $0x3;
	s6 =	sadd.s32 s1, s12;
	[dreg:$0x1c] =	wrdreg s0  }
0x1e: {  	s7 =	sshrl.u32 s17, $0x3;
	s12 =	sshrl.u32 s19, $0x3;
	[dreg:$0xb] =	wrdreg s25  }
0x1f: {  	s13 =	sadd.s32 s1, s9;
	s17 =	sshrl.u32 s22, $0x3;
	[dreg:$0xc] =	wrdreg s6  }
0x20: {  	s22 =	sshrl.u32 s20, $0x3;
	s20 =	sadd.s32 $0x4000, s25;
	[dreg:$0x10] =	wrdreg s13  }
0x21: {  	s2 =	sshrl.u32 s2, $0x3;
	s6 =	sadd.s32 s1, s7;
	[smem:$0x7F9] =	sst s20  }
0x22: {  	s24 =	sshrl.u32 s18, $0x3;
	s15 =	sadd.s32 s1, s12;
	[dreg:$0xf] =	wrdreg s6  }
0x23: {  	s19 =	sadd.s32 s1, s17;
	s2 =	sadd.s32 s1, s2;
	[dreg:$0x11] =	wrdreg s15  }
0x24: {  	s26 =	sadd.s32 s1, s22;
	s4 =	sadd.s32 s1, s24;
	[dreg:$0x13] =	wrdreg s19  }
0x25: {  	s7 =	sshrl.u32 s11, $0x3;
	s24 =	sshll.u32 s23, $0xB;
	[dreg:$0x14] =	wrdreg s2  }
0x26: {  	s11 =	sshrl.u32 s5, $0x3;
	s22 =	sadd.s32 $0x32000, s25;
	[dreg:$0x16] =	wrdreg s26  }
0x27: {  	s23 =	sadd.s32 $0x34000, s25;
	s20 =	simm.s32 $0x8;
	[dreg:$0x17] =	wrdreg s4  }
0x28: {  	s5 =	simm.s32 $0x4;
	s6 =	sadd.s32 s1, s16;
	[smem:$0x7FB] =	sst s22  }
0x29: {  	s2 =	sadd.s32 s1, s21;
	s9 =	sadd.s32 s1, s7;
	[smem:$0x7FC] =	sst s23  }
0x2a: {  	s28 =	sor.u32 s24, s3;
	s13 =	sadd.s32 s1, s11;
	[dreg:$0x12] =	wrdreg s6  }
0x2b: {  	s15 =	sor.u32 $0x180, s3;
	s19 =	sadd.s32 $0x2000, s25;
	[dreg:$0x15] =	wrdreg s2  }
0x2c: {  	s21 =	sadd.s32 $0x6000, s25;
	s26 =	sadd.s32 $0x36000, s25;
	[dreg:$0x19] =	wrdreg s9  }
0x2d: {  	s7 =	simm.s32 $0x80;
	s25 =	simm.s32 $0x10080;
	[dreg:$0x1b] =	wrdreg s13  }
0x2e: {  	s22 =	simm.s32 $0x14800;
	s23 =	simm.s32 $0x1;
	[dreg:$0x1d] =	wrdreg s15  }
0x2f: {  	s4 =	simm.s32 $0x1C800;
	s6 =	sshrl.u32 s10, $0x3;
	[smem:$0x7F8] =	sst s19  }
0x30: {  	s10 =	sshrl.u32 s14, $0x3;
	s12 =	sshll.u32 s28, $0x7;
	[smem:$0x7FA] =	sst s21  }
0x31: {  	[smem:$0x7FD] =	sst s26;
	s26 =	simm.s32 $0x2000;
	s2 =	sadd.s32 s1, s6  }
0x32: {  	s14 =	sadd.s32 s12, s1;
	[dreg:$0x18] =	wrdreg s2;
	s2 =	sadd.s32 s1, s10  }
0x33: {  	s9 =	simm.s32 $0x5;
	s16 =	sadd.s32 $0x80, s14;
	[dreg:$0x1a] =	wrdreg s2  }
0x34: {  	s6 =	simm.s32 $0x1A800;
	s17 =	sadd.s32 $0x100, s14;
	[dreg:$0x1e] =	wrdreg s16  }
0x35: {  	s12 =	simm.s32 $0x7;
	s18 =	sadd.s32 $0x180, s14;
	[dreg:$0x1f] =	wrdreg s17  }
0x36: {  	s10 =	simm.s32 $0x6;
	[smem:$0x7F7] =	sst s18;
	s18 =	simm.s32 $0x10000  }
0x37: {  	s16 =	simm.s32 $0x400;
	s17 =	simm.s32 $0x40;
	s2 =	simm.s32 $0x0  }
.LBB2_1:
0x38: {  	[smem:$0x7F4] =	sst s2  }
0x39: {  	s0 =	simm.s32 $0x0;
	s13 =	rddreg [dreg:$0x9]  }
0x3a: {  	[tilespmem:s18], [sflag:$0x8] =	stream.linear.gather [hbm4b:s13+s0], $0x800, $0x38;
	[tilespmem:$0x1E800] =	vst v63  }
0x3b: {  	s14 =	stileid.u32;
	_ =	swait.ge [sflag:s20], $0x800  }
0x3c: {  	s0 =	sshll.u32 s14, $0x6;
	s19 =	rddreg [dreg:$0xa]  }
0x3d: {  	s15 =	sor.u32 $0x1C08, s0;
	s3 =	rddreg [dreg:$0x5]  }
0x3e: {  	[sflag:s20] =	ssyncset.done $0x0;
	[smem:$0x7F5] =	sst s15;
	s0 =	sshrl.u32 s19, $0x3  }
0x3f: {  	[sflag:s20] =	ssyncadd.s32 $0xFFFFF800;
	[smem:$0x7F6] =	sst s0  }
0x40: {  	[spmem:s0@s7], [sflag:s15] =	dma.strided [hbm:s3@s16], $0x2000, s20, $0x10   }
0x41: {  	_ =	swait.ge [sflag:s20], $0x2000  }
0x42: {  	[sflag:s20] =	ssyncset.done $0x0  }
0x43: {  	[sflag:s20] =	ssyncadd.s32 $0xFFFFE000  }
0x44: {  	s11 =	simm.s32 $0x10800;
	[bflag:$0x0] =	sbarrier.arrive $0xFFFF  }
0x45: {  	[tilespmem:s11], [sflag:$0x1] =	stream.indirect.gather [spmem:s8], $0x80, s18, s17, $0xb8;
	[tilespmem:$0x1E800] =	vst v63  }
0x46: {  	s21 =	simm.s32 $0x10040;
	s13 =	simm.s32 $0x12800  }
0x47: {  	[tilespmem:s13], [sflag:$0x2] =	stream.indirect.gather [spmem:s8], $0x80, s21, s17, $0xb8;
	[tilespmem:$0x1E800] =	vst v63  }
0x48: {  	_ = 	snop  }
0x49: {  	[tilespmem:s22], [sflag:$0x3] =	stream.indirect.gather [spmem:s8], $0x80, s25, s17, $0xb8;
	[tilespmem:$0x1E800] =	vst v63  }
0x4a: {  	_ =	swait.ge [sflag:s23], $0x2000  }
0x4b: {  	[sflag:s23] =	ssyncset.done $0x0  }
0x4c: {  	s14 =	simm.s32 $0x16800;
	s0 =	simm.s32 $0x100C0;
	[sflag:s23] =	ssyncadd.s32 $0xFFFFE000  }
0x4d: {  	[tilespmem:s14], [sflag:$0x4] =	stream.indirect.gather [spmem:s8], $0x80, s0, s17, $0xb8;
	[tilespmem:$0x1E800] =	vst v63  }
0x4e: {  	s2 =	rddreg [dreg:$0xb]  }
0x4f: {  	[hbm4b:s2+s16] =	stream.strided.scatter [tilespmem:s11], [sflag:$0x1], $0x2000, s26, s16, $0x38;
	[tilespmem:$0x1E800] =	vst v63  }
0x50: {  	_ =	swait.ge [sflag:s30], $0x2000  }
0x51: {  	s3 =	simm.s32 $0x10100;
	[sflag:s30] =	ssyncset.done $0x0  }
0x52: {  	s0 =	simm.s32 $0x18800;
	s7 =	sld [smem:$0x7F8];
	[sflag:s30] =	ssyncadd.s32 $0xFFFFE000  }
0x53: {  	[tilespmem:s0], [sflag:$0x5] =	stream.indirect.gather [spmem:s8], $0x80, s3, s17, $0xb8;
	[tilespmem:$0x1E800] =	vst v63  }
0x54: {  	_ = 	snop  }
0x55: {  	[hbm4b:s7+s16] =	stream.strided.scatter [tilespmem:s13], [sflag:$0x2], $0x2000, s26, s16, $0x38;
	[tilespmem:$0x1E800] =	vst v63  }
0x56: {  	_ =	swait.ge [sflag:s31], $0x2000  }
0x57: {  	[sflag:s31] =	ssyncset.done $0x0  }
0x58: {  	s15 =	simm.s32 $0x10140;
	s19 =	sld [smem:$0x7F9];
	[sflag:s31] =	ssyncadd.s32 $0xFFFFE000  }
0x59: {  	[tilespmem:s6], [sflag:$0x6] =	stream.indirect.gather [spmem:s8], $0x80, s15, s17, $0xb8;
	[tilespmem:$0x1E800] =	vst v63  }
0x5a: {  	_ = 	snop  }
0x5b: {  	[hbm4b:s19+s16] =	stream.strided.scatter [tilespmem:s22], [sflag:$0x3], $0x2000, s26, s16, $0x38;
	[tilespmem:$0x1E800] =	vst v63  }
0x5c: {  	_ =	swait.ge [sflag:s5], $0x2000  }
0x5d: {  	[sflag:s5] =	ssyncset.done $0x0  }
0x5e: {  	s21 =	simm.s32 $0x10180;
	s2 =	sld [smem:$0x7FA];
	[sflag:s5] =	ssyncadd.s32 $0xFFFFE000  }
0x5f: {  	[tilespmem:s4], [sflag:$0x7] =	stream.indirect.gather [spmem:s8], $0x80, s21, s17, $0xb8;
	[tilespmem:$0x1E800] =	vst v63  }
0x60: {  	_ = 	snop  }
0x61: {  	[hbm4b:s2+s16] =	stream.strided.scatter [tilespmem:s14], [sflag:$0x4], $0x2000, s26, s16, $0x38;
	[tilespmem:$0x1E800] =	vst v63  }
0x62: {  	_ =	swait.ge [sflag:s9], $0x2000  }
0x63: {  	s7 =	simm.s32 $0x100;
	s15 =	simm.s32 $0x0;
	[sflag:s9] =	ssyncset.done $0x0  }
0x64: {  	s3 =	sor.u32 s7, s15;
	[sflag:s9] =	ssyncadd.s32 $0xFFFFE000  }
0x65: {  	s3 =	sor.u32 s28, s3;
	_ =	swait.ge [sflag:s23], $0x2000  }
0x66: {  	s3 =	sshll.u32 s3, $0x7;
	[sflag:s23] =	ssyncset.done $0x0  }
0x67: {  	s19 =	simm.s32 $0x101C0;
	s3 =	sand.u32 $0x1FFFFF80, s3;
	[sflag:s23] =	ssyncadd.s32 $0xFFFFE000  }
0x68: {  	[tilespmem:s11], [sflag:$0x1] =	stream.indirect.gather [spmem:s8], $0x80, s19, s17, $0xb8;
	[tilespmem:$0x1E800] =	vst v63  }
0x69: {  	s3 =	sadd.s32 s1, s3  }
0x6a: {  	[hbm4b:s3+s16] =	stream.strided.scatter [tilespmem:s0], [sflag:$0x5], $0x2000, s26, s16, $0x38;
	[tilespmem:$0x1E800] =	vst v63  }
0x6b: {  	_ =	swait.ge [sflag:s10], $0x2000  }
0x6c: {  	s21 =	simm.s32 $0x140;
	s2 =	simm.s32 $0x0;
	[sflag:s10] =	ssyncset.done $0x0  }
0x6d: {  	s3 =	sor.u32 s21, s2;
	[sflag:s10] =	ssyncadd.s32 $0xFFFFE000  }
0x6e: {  	s3 =	sor.u32 s28, s3;
	_ =	swait.ge [sflag:s30], $0x2000  }
0x6f: {  	s3 =	sshll.u32 s3, $0x7;
	[sflag:s30] =	ssyncset.done $0x0  }
0x70: {  	s15 =	simm.s32 $0x10200;
	s3 =	sand.u32 $0x1FFFFF80, s3;
	[sflag:s30] =	ssyncadd.s32 $0xFFFFE000  }
0x71: {  	[tilespmem:s13], [sflag:$0x2] =	stream.indirect.gather [spmem:s8], $0x80, s15, s17, $0xb8;
	[tilespmem:$0x1E800] =	vst v63  }
0x72: {  	s3 =	sadd.s32 s1, s3  }
0x73: {  	[hbm4b:s3+s16] =	stream.strided.scatter [tilespmem:s6], [sflag:$0x6], $0x2000, s26, s16, $0x38;
	[tilespmem:$0x1E800] =	vst v63  }
0x74: {  	_ =	swait.ge [sflag:s12], $0x2000  }
0x75: {  	s19 =	simm.s32 $0x180;
	s21 =	simm.s32 $0x0;
	[sflag:s12] =	ssyncset.done $0x0  }
0x76: {  	s3 =	sor.u32 s19, s21;
	[sflag:s12] =	ssyncadd.s32 $0xFFFFE000  }
0x77: {  	s3 =	sor.u32 s28, s3;
	_ =	swait.ge [sflag:s31], $0x2000  }
0x78: {  	s3 =	sshll.u32 s3, $0x7;
	[sflag:s31] =	ssyncset.done $0x0  }
0x79: {  	s2 =	simm.s32 $0x10240;
	s3 =	sand.u32 $0x1FFFFF80, s3;
	[sflag:s31] =	ssyncadd.s32 $0xFFFFE000  }
0x7a: {  	[tilespmem:s22], [sflag:$0x3] =	stream.indirect.gather [spmem:s8], $0x80, s2, s17, $0xb8;
	[tilespmem:$0x1E800] =	vst v63  }
0x7b: {  	s3 =	sadd.s32 s1, s3  }
0x7c: {  	[hbm4b:s3+s16] =	stream.strided.scatter [tilespmem:s4], [sflag:$0x7], $0x2000, s26, s16, $0x38;
	[tilespmem:$0x1E800] =	vst v63  }
0x7d: {  	_ =	swait.ge [sflag:s23], $0x2000  }
0x7e: {  	s7 =	simm.s32 $0x0;
	[sflag:s23] =	ssyncset.done $0x0  }
0x7f: {  	s15 =	simm.s32 $0x1C0;
	s3 =	sor.u32 s28, s7;
	[sflag:s23] =	ssyncadd.s32 $0xFFFFE000  }
0x80: {  	s3 =	sor.u32 s15, s3;
	_ =	swait.ge [sflag:s5], $0x2000  }
0x81: {  	s3 =	sshll.u32 s3, $0x7;
	[sflag:s5] =	ssyncset.done $0x0  }
0x82: {  	s19 =	simm.s32 $0x10280;
	s3 =	sand.u32 $0x1FFFFF80, s3;
	[sflag:s5] =	ssyncadd.s32 $0xFFFFE000  }
0x83: {  	[tilespmem:s14], [sflag:$0x4] =	stream.indirect.gather [spmem:s8], $0x80, s19, s17, $0xb8;
	[tilespmem:$0x1E800] =	vst v63  }
0x84: {  	s3 =	sadd.s32 s1, s3  }
0x85: {  	[hbm4b:s3+s16] =	stream.strided.scatter [tilespmem:s11], [sflag:$0x1], $0x2000, s26, s16, $0x38;
	[tilespmem:$0x1E800] =	vst v63  }
0x86: {  	_ =	swait.ge [sflag:s30], $0x2000  }
0x87: {  	s21 =	simm.s32 $0x0;
	[sflag:s30] =	ssyncset.done $0x0  }
0x88: {  	s2 =	simm.s32 $0x200;
	s3 =	sor.u32 s28, s21;
	[sflag:s30] =	ssyncadd.s32 $0xFFFFE000  }
0x89: {  	s3 =	sor.u32 s2, s3;
	_ =	swait.ge [sflag:s9], $0x2000  }
0x8a: {  	s3 =	sshll.u32 s3, $0x7;
	[sflag:s9] =	ssyncset.done $0x0  }
0x8b: {  	s11 =	simm.s32 $0x102C0;
	s3 =	sand.u32 $0x1FFFFF80, s3;
	[sflag:s9] =	ssyncadd.s32 $0xFFFFE000  }
0x8c: {  	[tilespmem:s0], [sflag:$0x5] =	stream.indirect.gather [spmem:s8], $0x80, s11, s17, $0xb8;
	[tilespmem:$0x1E800] =	vst v63  }
0x8d: {  	s3 =	sadd.s32 s1, s3  }
0x8e: {  	[hbm4b:s3+s16] =	stream.strided.scatter [tilespmem:s13], [sflag:$0x2], $0x2000, s26, s16, $0x38;
	[tilespmem:$0x1E800] =	vst v63  }
0x8f: {  	_ =	swait.ge [sflag:s31], $0x2000  }
0x90: {  	s14 =	simm.s32 $0x0;
	[sflag:s31] =	ssyncset.done $0x0  }
0x91: {  	s15 =	simm.s32 $0x240;
	s3 =	sor.u32 s28, s14;
	[sflag:s31] =	ssyncadd.s32 $0xFFFFE000  }
0x92: {  	s3 =	sor.u32 s15, s3;
	_ =	swait.ge [sflag:s10], $0x2000  }
0x93: {  	s3 =	sshll.u32 s3, $0x7;
	[sflag:s10] =	ssyncset.done $0x0  }
0x94: {  	s19 =	simm.s32 $0x10300;
	s3 =	sand.u32 $0x1FFFFF80, s3;
	[sflag:s10] =	ssyncadd.s32 $0xFFFFE000  }
0x95: {  	[tilespmem:s6], [sflag:$0x6] =	stream.indirect.gather [spmem:s8], $0x80, s19, s17, $0xb8;
	[tilespmem:$0x1E800] =	vst v63  }
0x96: {  	s3 =	sadd.s32 s1, s3  }
0x97: {  	[hbm4b:s3+s16] =	stream.strided.scatter [tilespmem:s22], [sflag:$0x3], $0x2000, s26, s16, $0x38;
	[tilespmem:$0x1E800] =	vst v63  }
0x98: {  	_ =	swait.ge [sflag:s5], $0x2000  }
0x99: {  	s21 =	simm.s32 $0x0;
	[sflag:s5] =	ssyncset.done $0x0  }
0x9a: {  	s7 =	sor.u32 s28, s21;
	s3 =	simm.s32 $0x280;
	[sflag:s5] =	ssyncadd.s32 $0xFFFFE000  }
0x9b: {  	s7 =	sor.u32 s3, s7;
	_ =	swait.ge [sflag:s12], $0x2000  }
0x9c: {  	s21 =	simm.s32 $0x11;
	s7 =	sshll.u32 s7, $0x7;
	[sflag:s12] =	ssyncset.done $0x0  }
0x9d: {  	s19 =	simm.s32 $0x10340;
	s7 =	sand.u32 $0x1FFFFF80, s7;
	[sflag:s12] =	ssyncadd.s32 $0xFFFFE000  }
0x9e: {  	[tilespmem:s4], [sflag:$0x7] =	stream.indirect.gather [spmem:s8], $0x80, s19, s17, $0xb8;
	[tilespmem:$0x1E800] =	vst v63  }
.LBB2_2:
0x9f: {  	s11 =	sadd.s32 s1, s7;
	s19 =	sadd.s32 $0x1C0, s19  }
0xa0: {  	s3 =	sadd.s32 $0x1C0, s3;
	s7 =	smov.u32 s21;
	s0 =	simm.s32 $0x16800  }
0xa1: {  	[hbm4b:s11+s16] =	stream.strided.scatter [tilespmem:s0], [sflag:$0x4], $0x2000, s26, s16, $0x38;
	[tilespmem:$0x1E800] =	vst v63  }
0xa2: {  	p0 =	sne.s32 s21, $0x18;
	s11 =	sadd.s32 $0xFFFFFFFA, s21;
	_ =	swait.ge [sflag:s9], $0x2000  }
0xa3: {  	s13 =	sadd.s32 $0xFFFFFE80, s3;
	s11 =	sshrl.u32 s11, $0x5;
	[sflag:s9] =	ssyncset.done $0x0  }
0xa4: {  	s21 =	sadd.s32 $0x7, s21;
	s11 =	sor.u32 s13, s11;
	[sflag:s9] =	ssyncadd.s32 $0xFFFFE000  }
0xa5: {  	s11 =	sor.u32 s28, s11;
	_ =	swait.ge [sflag:s23], $0x2000  }
0xa6: {  	s13 =	sadd.s32 $0xFFFFFE80, s19;
	s11 =	sshll.u32 s11, $0x7;
	[sflag:s23] =	ssyncset.done $0x0  }
0xa7: {  	s14 =	simm.s32 $0x10800;
	s11 =	sand.u32 $0x1FFFFF80, s11;
	[sflag:s23] =	ssyncadd.s32 $0xFFFFE000  }
0xa8: {  	[tilespmem:s14], [sflag:$0x1] =	stream.indirect.gather [spmem:s8], $0x80, s13, s17, $0xb8;
	[tilespmem:$0x1E800] =	vst v63  }
0xa9: {  	s2 =	simm.s32 $0x18800;
	s11 =	sadd.s32 s1, s11  }
0xaa: {  	[hbm4b:s11+s16] =	stream.strided.scatter [tilespmem:s2], [sflag:$0x5], $0x2000, s26, s16, $0x38;
	[tilespmem:$0x1E800] =	vst v63  }
0xab: {  	s11 =	sadd.s32 $0xFFFFFFFB, s7;
	_ =	swait.ge [sflag:s10], $0x2000  }
0xac: {  	s13 =	sadd.s32 $0xFFFFFEC0, s3;
	s11 =	sshrl.u32 s11, $0x5;
	[sflag:s10] =	ssyncset.done $0x0  }
0xad: {  	s11 =	sor.u32 s13, s11;
	[sflag:s10] =	ssyncadd.s32 $0xFFFFE000  }
0xae: {  	s11 =	sor.u32 s28, s11;
	_ =	swait.ge [sflag:s30], $0x2000  }
0xaf: {  	s15 =	simm.s32 $0x12800;
	s11 =	sshll.u32 s11, $0x7;
	[sflag:s30] =	ssyncset.done $0x0  }
0xb0: {  	s13 =	sadd.s32 $0xFFFFFEC0, s19;
	s11 =	sand.u32 $0x1FFFFF80, s11;
	[sflag:s30] =	ssyncadd.s32 $0xFFFFE000  }
0xb1: {  	[tilespmem:s15], [sflag:$0x2] =	stream.indirect.gather [spmem:s8], $0x80, s13, s17, $0xb8;
	[tilespmem:$0x1E800] =	vst v63  }
0xb2: {  	s11 =	sadd.s32 s1, s11  }
0xb3: {  	[hbm4b:s11+s16] =	stream.strided.scatter [tilespmem:s6], [sflag:$0x6], $0x2000, s26, s16, $0x38;
	[tilespmem:$0x1E800] =	vst v63  }
0xb4: {  	s11 =	sadd.s32 $0xFFFFFFFC, s7;
	_ =	swait.ge [sflag:s12], $0x2000  }
0xb5: {  	s13 =	sadd.s32 $0xFFFFFF00, s3;
	s11 =	sshrl.u32 s11, $0x5;
	[sflag:s12] =	ssyncset.done $0x0  }
0xb6: {  	s11 =	sor.u32 s13, s11;
	[sflag:s12] =	ssyncadd.s32 $0xFFFFE000  }
0xb7: {  	s11 =	sor.u32 s28, s11;
	_ =	swait.ge [sflag:s31], $0x2000  }
0xb8: {  	s11 =	sshll.u32 s11, $0x7;
	[sflag:s31] =	ssyncset.done $0x0  }
0xb9: {  	s13 =	sadd.s32 $0xFFFFFF00, s19;
	s11 =	sand.u32 $0x1FFFFF80, s11;
	[sflag:s31] =	ssyncadd.s32 $0xFFFFE000  }
0xba: {  	[tilespmem:s22], [sflag:$0x3] =	stream.indirect.gather [spmem:s8], $0x80, s13, s17, $0xb8;
	[tilespmem:$0x1E800] =	vst v63  }
0xbb: {  	s11 =	sadd.s32 s1, s11  }
0xbc: {  	[hbm4b:s11+s16] =	stream.strided.scatter [tilespmem:s4], [sflag:$0x7], $0x2000, s26, s16, $0x38;
	[tilespmem:$0x1E800] =	vst v63  }
0xbd: {  	s11 =	sadd.s32 $0xFFFFFFFD, s7;
	_ =	swait.ge [sflag:s23], $0x2000  }
0xbe: {  	s11 =	sshrl.u32 s11, $0x5;
	[sflag:s23] =	ssyncset.done $0x0  }
0xbf: {  	s13 =	sadd.s32 $0xFFFFFF40, s3;
	s11 =	sor.u32 s28, s11;
	[sflag:s23] =	ssyncadd.s32 $0xFFFFE000  }
0xc0: {  	s11 =	sor.u32 s13, s11;
	_ =	swait.ge [sflag:s5], $0x2000  }
0xc1: {  	s11 =	sshll.u32 s11, $0x7;
	[sflag:s5] =	ssyncset.done $0x0  }
0xc2: {  	s13 =	sadd.s32 $0xFFFFFF40, s19;
	s11 =	sand.u32 $0x1FFFFF80, s11;
	[sflag:s5] =	ssyncadd.s32 $0xFFFFE000  }
0xc3: {  	[tilespmem:s0], [sflag:$0x4] =	stream.indirect.gather [spmem:s8], $0x80, s13, s17, $0xb8;
	[tilespmem:$0x1E800] =	vst v63  }
0xc4: {  	s11 =	sadd.s32 s1, s11  }
0xc5: {  	[hbm4b:s11+s16] =	stream.strided.scatter [tilespmem:s14], [sflag:$0x1], $0x2000, s26, s16, $0x38;
	[tilespmem:$0x1E800] =	vst v63  }
0xc6: {  	s11 =	sadd.s32 $0xFFFFFFFE, s7;
	_ =	swait.ge [sflag:s30], $0x2000  }
0xc7: {  	s11 =	sshrl.u32 s11, $0x5;
	[sflag:s30] =	ssyncset.done $0x0  }
0xc8: {  	s13 =	sadd.s32 $0xFFFFFF80, s3;
	s11 =	sor.u32 s28, s11;
	[sflag:s30] =	ssyncadd.s32 $0xFFFFE000  }
0xc9: {  	s11 =	sor.u32 s13, s11;
	_ =	swait.ge [sflag:s9], $0x2000  }
0xca: {  	s11 =	sshll.u32 s11, $0x7;
	[sflag:s9] =	ssyncset.done $0x0  }
0xcb: {  	s13 =	sadd.s32 $0xFFFFFF80, s19;
	s11 =	sand.u32 $0x1FFFFF80, s11;
	[sflag:s9] =	ssyncadd.s32 $0xFFFFE000  }
0xcc: {  	[tilespmem:s2], [sflag:$0x5] =	stream.indirect.gather [spmem:s8], $0x80, s13, s17, $0xb8;
	[tilespmem:$0x1E800] =	vst v63  }
0xcd: {  	s11 =	sadd.s32 s1, s11  }
0xce: {  	[hbm4b:s11+s16] =	stream.strided.scatter [tilespmem:s15], [sflag:$0x2], $0x2000, s26, s16, $0x38;
	[tilespmem:$0x1E800] =	vst v63  }
0xcf: {  	s11 =	sadd.s32 $0xFFFFFFFF, s7;
	_ =	swait.ge [sflag:s31], $0x2000  }
0xd0: {  	s11 =	sshrl.u32 s11, $0x5;
	[sflag:s31] =	ssyncset.done $0x0  }
0xd1: {  	s13 =	sadd.s32 $0xFFFFFFC0, s3;
	s11 =	sor.u32 s28, s11;
	[sflag:s31] =	ssyncadd.s32 $0xFFFFE000  }
0xd2: {  	s11 =	sor.u32 s13, s11;
	_ =	swait.ge [sflag:s10], $0x2000  }
0xd3: {  	s11 =	sshll.u32 s11, $0x7;
	[sflag:s10] =	ssyncset.done $0x0  }
0xd4: {  	s13 =	sadd.s32 $0xFFFFFFC0, s19;
	s11 =	sand.u32 $0x1FFFFF80, s11;
	[sflag:s10] =	ssyncadd.s32 $0xFFFFE000  }
0xd5: {  	[tilespmem:s6], [sflag:$0x6] =	stream.indirect.gather [spmem:s8], $0x80, s13, s17, $0xb8;
	[tilespmem:$0x1E800] =	vst v63  }
0xd6: {  	s11 =	sadd.s32 s1, s11  }
0xd7: {  	[hbm4b:s11+s16] =	stream.strided.scatter [tilespmem:s22], [sflag:$0x3], $0x2000, s26, s16, $0x38;
	[tilespmem:$0x1E800] =	vst v63  }
0xd8: {  	_ =	swait.ge [sflag:s5], $0x2000  }
0xd9: {  	s7 =	sshrl.u32 s7, $0x5;
	[sflag:s5] =	ssyncset.done $0x0  }
.Ltmp0:
0xda: {  	s7 =	sor.u32 s28, s7;
	[sflag:s5] =	ssyncadd.s32 $0xFFFFE000;
	(pc) =	sbr.rel @p0 .LBB2_2-.Ltmp0, $4  }
0xdb: {  	s7 =	sor.u32 s3, s7;
	_ =	swait.ge [sflag:s12], $0x2000  }
0xdc: {  	s7 =	sshll.u32 s7, $0x7;
	[sflag:s12] =	ssyncset.done $0x0  }
0xdd: {  	s7 =	sand.u32 $0x1FFFFF80, s7;
	[sflag:s12] =	ssyncadd.s32 $0xFFFFE000  }
0xde: {  	[tilespmem:s4], [sflag:$0x7] =	stream.indirect.gather [spmem:s8], $0x80, s19, s17, $0xb8;
	[tilespmem:$0x1E800] =	vst v63  }
0xdf: {  	s3 =	sadd.s32 s1, s7;
	s0 =	simm.s32 $0x16800  }
0xe0: {  	[hbm4b:s3+s16] =	stream.strided.scatter [tilespmem:s0], [sflag:$0x4], $0x2000, s26, s16, $0x38;
	[tilespmem:$0x1E800] =	vst v63  }
0xe1: {  	_ =	swait.ge [sflag:s9], $0x2000  }
0xe2: {  	[sflag:s9] =	ssyncset.done $0x0  }
0xe3: {  	[sflag:s9] =	ssyncadd.s32 $0xFFFFE000  }
0xe4: {  	_ =	swait.ge [sflag:s23], $0x2000  }
0xe5: {  	s11 =	simm.s32 $0x10800;
	[sflag:s23] =	ssyncset.done $0x0  }
0xe6: {  	s2 =	simm.s32 $0x10700;
	s13 =	sld [smem:$0x7FB];
	[sflag:s23] =	ssyncadd.s32 $0xFFFFE000  }
0xe7: {  	[tilespmem:s11], [sflag:$0x1] =	stream.indirect.gather [spmem:s8], $0x80, s2, s17, $0xb8;
	[tilespmem:$0x1E800] =	vst v63  }
0xe8: {  	s2 =	simm.s32 $0x18800  }
0xe9: {  	[hbm4b:s13+s16] =	stream.strided.scatter [tilespmem:s2], [sflag:$0x5], $0x2000, s26, s16, $0x38;
	[tilespmem:$0x1E800] =	vst v63  }
0xea: {  	_ =	swait.ge [sflag:s10], $0x2000  }
0xeb: {  	[sflag:s10] =	ssyncset.done $0x0  }
0xec: {  	[sflag:s10] =	ssyncadd.s32 $0xFFFFE000  }
0xed: {  	_ =	swait.ge [sflag:s30], $0x2000  }
0xee: {  	s14 =	simm.s32 $0x10740;
	[sflag:s30] =	ssyncset.done $0x0  }
0xef: {  	s13 =	simm.s32 $0x12800;
	s15 =	sld [smem:$0x7FC];
	[sflag:s30] =	ssyncadd.s32 $0xFFFFE000  }
0xf0: {  	[tilespmem:s13], [sflag:$0x2] =	stream.indirect.gather [spmem:s8], $0x80, s14, s17, $0xb8;
	[tilespmem:$0x1E800] =	vst v63  }
0xf1: {  	_ = 	snop  }
0xf2: {  	[hbm4b:s15+s16] =	stream.strided.scatter [tilespmem:s6], [sflag:$0x6], $0x2000, s26, s16, $0x38;
	[tilespmem:$0x1E800] =	vst v63  }
0xf3: {  	_ =	swait.ge [sflag:s12], $0x2000  }
0xf4: {  	[sflag:s12] =	ssyncset.done $0x0  }
0xf5: {  	[sflag:s12] =	ssyncadd.s32 $0xFFFFE000  }
0xf6: {  	_ =	swait.ge [sflag:s31], $0x2000  }
0xf7: {  	[sflag:s31] =	ssyncset.done $0x0  }
0xf8: {  	s19 =	simm.s32 $0x10780;
	s21 =	sld [smem:$0x7FD];
	[sflag:s31] =	ssyncadd.s32 $0xFFFFE000  }
0xf9: {  	[tilespmem:s22], [sflag:$0x3] =	stream.indirect.gather [spmem:s8], $0x80, s19, s17, $0xb8;
	[tilespmem:$0x1E800] =	vst v63  }
0xfa: {  	_ = 	snop  }
0xfb: {  	[hbm4b:s21+s16] =	stream.strided.scatter [tilespmem:s4], [sflag:$0x7], $0x2000, s26, s16, $0x38;
	[tilespmem:$0x1E800] =	vst v63  }
0xfc: {  	_ =	swait.ge [sflag:s23], $0x2000  }
0xfd: {  	[sflag:s23] =	ssyncset.done $0x0  }
0xfe: {  	[sflag:s23] =	ssyncadd.s32 $0xFFFFE000  }
0xff: {  	_ =	swait.ge [sflag:s5], $0x2000  }
0x100: {  	[sflag:s5] =	ssyncset.done $0x0  }
0x101: {  	[sflag:s5] =	ssyncadd.s32 $0xFFFFE000  }
0x102: {  	[tilespmem:s0], [sflag:$0x4] =	stream.indirect.gather [spmem:s8], $0x80, s29, s17, $0xb8;
	[tilespmem:$0x1E800] =	vst v63  }
0x103: {  	s7 =	rddreg [dreg:$0xc]  }
0x104: {  	[hbm4b:s7+s16] =	stream.strided.scatter [tilespmem:s11], [sflag:$0x1], $0x2000, s26, s16, $0x38;
	[tilespmem:$0x1E800] =	vst v63  }
0x105: {  	_ =	swait.ge [sflag:s30], $0x2000  }
0x106: {  	[sflag:s30] =	ssyncset.done $0x0  }
0x107: {  	[sflag:s30] =	ssyncadd.s32 $0xFFFFE000  }
0x108: {  	_ =	swait.ge [sflag:s9], $0x2000  }
0x109: {  	[sflag:s9] =	ssyncset.done $0x0  }
0x10a: {  	s14 =	rddreg [dreg:$0xd];
	[sflag:s9] =	ssyncadd.s32 $0xFFFFE000  }
0x10b: {  	[hbm4b:s14+s16] =	stream.strided.scatter [tilespmem:s13], [sflag:$0x2], $0x2000, s26, s16, $0x38;
	[tilespmem:$0x1E800] =	vst v63  }
0x10c: {  	_ =	swait.ge [sflag:s31], $0x2000  }
0x10d: {  	[sflag:s31] =	ssyncset.done $0x0  }
0x10e: {  	[sflag:s31] =	ssyncadd.s32 $0xFFFFE000  }
0x10f: {  	_ =	swait.ge [sflag:s10], $0x2000  }
0x110: {  	[sflag:s10] =	ssyncset.done $0x0  }
0x111: {  	s15 =	rddreg [dreg:$0xe];
	[sflag:s10] =	ssyncadd.s32 $0xFFFFE000  }
0x112: {  	[hbm4b:s15+s16] =	stream.strided.scatter [tilespmem:s22], [sflag:$0x3], $0x2000, s26, s16, $0x38;
	[tilespmem:$0x1E800] =	vst v63  }
0x113: {  	_ =	swait.ge [sflag:s5], $0x2000  }
0x114: {  	[sflag:s5] =	ssyncset.done $0x0  }
0x115: {  	[sflag:s5] =	ssyncadd.s32 $0xFFFFE000  }
0x116: {  	_ =	swait.ge [sflag:s12], $0x2000  }
0x117: {  	[sflag:s12] =	ssyncset.done $0x0  }
0x118: {  	s19 =	rddreg [dreg:$0xf];
	[sflag:s12] =	ssyncadd.s32 $0xFFFFE000  }
0x119: {  	[hbm4b:s19+s16] =	stream.strided.scatter [tilespmem:s0], [sflag:$0x4], $0x2000, s26, s16, $0x38;
	[tilespmem:$0x1E800] =	vst v63  }
0x11a: {  	[bflag:$0x0] =	sbarrier.arrive $0xFFFF  }
0x11b: {  	s29 =	sld [smem:$0x7F5]  }
0x11c: {  	s14 =	sld [smem:$0x7F6];
	_ =	sdelay $0x1  }
0x11d: {  	s15 =	simm.s32 $0x80;
	s21 =	rddreg [dreg:$0x6]  }
0x11e: {  	[spmem:s14@s15], [sflag:s29] =	dma.strided [hbm:s21@s16], $0x2000, s20, $0x10   }
0x11f: {  	_ =	swait.ge [sflag:s20], $0x2000  }
0x120: {  	[sflag:s20] =	ssyncset.done $0x0  }
0x121: {  	[sflag:s20] =	ssyncadd.s32 $0xFFFFE000  }
0x122: {  	[bflag:$0x0] =	sbarrier.arrive $0xFFFF  }
0x123: {  	[tilespmem:s2], [sflag:$0x5] =	stream.indirect.gather [spmem:s8], $0x80, s18, s17, $0xb8;
	[tilespmem:$0x1E800] =	vst v63  }
0x124: {  	s15 =	simm.s32 $0x10040  }
0x125: {  	[tilespmem:s6], [sflag:$0x6] =	stream.indirect.gather [spmem:s8], $0x80, s15, s17, $0xb8;
	[tilespmem:$0x1E800] =	vst v63  }
0x126: {  	_ = 	snop  }
0x127: {  	[tilespmem:s4], [sflag:$0x7] =	stream.indirect.gather [spmem:s8], $0x80, s25, s17, $0xb8;
	[tilespmem:$0x1E800] =	vst v63  }
0x128: {  	_ =	swait.ge [sflag:s9], $0x2000  }
0x129: {  	[sflag:s9] =	ssyncset.done $0x0  }
0x12a: {  	[sflag:s9] =	ssyncadd.s32 $0xFFFFE000  }
0x12b: {  	_ =	swait.ge [sflag:s23], $0x2000  }
0x12c: {  	[sflag:s23] =	ssyncset.done $0x0  }
0x12d: {  	s19 =	simm.s32 $0x100C0;
	[sflag:s23] =	ssyncadd.s32 $0xFFFFE000  }
0x12e: {  	[tilespmem:s11], [sflag:$0x1] =	stream.indirect.gather [spmem:s8], $0x80, s19, s17, $0xb8;
	[tilespmem:$0x1E800] =	vst v63  }
0x12f: {  	s15 =	rddreg [dreg:$0x1e]  }
0x130: {  	[hbm4b:s15+s16] =	stream.strided.scatter [tilespmem:s2], [sflag:$0x5], $0x2000, s26, s16, $0x38;
	[tilespmem:$0x1E800] =	vst v63  }
0x131: {  	_ =	swait.ge [sflag:s10], $0x2000  }
0x132: {  	s21 =	simm.s32 $0x40;
	s29 =	simm.s32 $0x1;
	[sflag:s10] =	ssyncset.done $0x0  }
0x133: {  	s3 =	sor.u32 s21, s29;
	[sflag:s10] =	ssyncadd.s32 $0xFFFFE000  }
0x134: {  	s3 =	sor.u32 s28, s3;
	_ =	swait.ge [sflag:s30], $0x2000  }
0x135: {  	s3 =	sshll.u32 s3, $0x7;
	[sflag:s30] =	ssyncset.done $0x0  }
0x136: {  	s14 =	simm.s32 $0x10100;
	s3 =	sand.u32 $0x1FFFFF80, s3;
	[sflag:s30] =	ssyncadd.s32 $0xFFFFE000  }
0x137: {  	[tilespmem:s13], [sflag:$0x2] =	stream.indirect.gather [spmem:s8], $0x80, s14, s17, $0xb8;
	[tilespmem:$0x1E800] =	vst v63  }
0x138: {  	s3 =	sadd.s32 s1, s3  }
0x139: {  	[hbm4b:s3+s16] =	stream.strided.scatter [tilespmem:s6], [sflag:$0x6], $0x2000, s26, s16, $0x38;
	[tilespmem:$0x1E800] =	vst v63  }
0x13a: {  	_ =	swait.ge [sflag:s12], $0x2000  }
0x13b: {  	s21 =	simm.s32 $0x1;
	s19 =	simm.s32 $0x80;
	[sflag:s12] =	ssyncset.done $0x0  }
0x13c: {  	s3 =	sor.u32 s19, s21;
	[sflag:s12] =	ssyncadd.s32 $0xFFFFE000  }
0x13d: {  	s3 =	sor.u32 s28, s3;
	_ =	swait.ge [sflag:s31], $0x2000  }
0x13e: {  	s3 =	sshll.u32 s3, $0x7;
	[sflag:s31] =	ssyncset.done $0x0  }
0x13f: {  	s29 =	simm.s32 $0x10140;
	s3 =	sand.u32 $0x1FFFFF80, s3;
	[sflag:s31] =	ssyncadd.s32 $0xFFFFE000  }
0x140: {  	[tilespmem:s22], [sflag:$0x3] =	stream.indirect.gather [spmem:s8], $0x80, s29, s17, $0xb8;
	[tilespmem:$0x1E800] =	vst v63  }
0x141: {  	s3 =	sadd.s32 s1, s3  }
0x142: {  	[hbm4b:s3+s16] =	stream.strided.scatter [tilespmem:s4], [sflag:$0x7], $0x2000, s26, s16, $0x38;
	[tilespmem:$0x1E800] =	vst v63  }
0x143: {  	_ =	swait.ge [sflag:s23], $0x2000  }
0x144: {  	s14 =	simm.s32 $0x1;
	[sflag:s23] =	ssyncset.done $0x0  }
0x145: {  	s19 =	simm.s32 $0xC0;
	s3 =	sor.u32 s28, s14;
	[sflag:s23] =	ssyncadd.s32 $0xFFFFE000  }
0x146: {  	s3 =	sor.u32 s19, s3;
	_ =	swait.ge [sflag:s5], $0x2000  }
0x147: {  	s3 =	sshll.u32 s3, $0x7;
	[sflag:s5] =	ssyncset.done $0x0  }
0x148: {  	s21 =	simm.s32 $0x10180;
	s3 =	sand.u32 $0x1FFFFF80, s3;
	[sflag:s5] =	ssyncadd.s32 $0xFFFFE000  }
0x149: {  	[tilespmem:s0], [sflag:$0x4] =	stream.indirect.gather [spmem:s8], $0x80, s21, s17, $0xb8;
	[tilespmem:$0x1E800] =	vst v63  }
0x14a: {  	s3 =	sadd.s32 s1, s3  }
0x14b: {  	[hbm4b:s3+s16] =	stream.strided.scatter [tilespmem:s11], [sflag:$0x1], $0x2000, s26, s16, $0x38;
	[tilespmem:$0x1E800] =	vst v63  }
0x14c: {  	_ =	swait.ge [sflag:s30], $0x2000  }
0x14d: {  	s29 =	simm.s32 $0x1;
	[sflag:s30] =	ssyncset.done $0x0  }
0x14e: {  	s0 =	simm.s32 $0x100;
	s3 =	sor.u32 s28, s29;
	[sflag:s30] =	ssyncadd.s32 $0xFFFFE000  }
0x14f: {  	s3 =	sor.u32 s0, s3;
	_ =	swait.ge [sflag:s9], $0x2000  }
0x150: {  	s3 =	sshll.u32 s3, $0x7;
	[sflag:s9] =	ssyncset.done $0x0  }
0x151: {  	s11 =	simm.s32 $0x101C0;
	s3 =	sand.u32 $0x1FFFFF80, s3;
	[sflag:s9] =	ssyncadd.s32 $0xFFFFE000  }
0x152: {  	[tilespmem:s2], [sflag:$0x5] =	stream.indirect.gather [spmem:s8], $0x80, s11, s17, $0xb8;
	[tilespmem:$0x1E800] =	vst v63  }
0x153: {  	s3 =	sadd.s32 s1, s3  }
0x154: {  	[hbm4b:s3+s16] =	stream.strided.scatter [tilespmem:s13], [sflag:$0x2], $0x2000, s26, s16, $0x38;
	[tilespmem:$0x1E800] =	vst v63  }
0x155: {  	_ =	swait.ge [sflag:s31], $0x2000  }
0x156: {  	s14 =	simm.s32 $0x1;
	[sflag:s31] =	ssyncset.done $0x0  }
0x157: {  	s19 =	simm.s32 $0x140;
	s3 =	sor.u32 s28, s14;
	[sflag:s31] =	ssyncadd.s32 $0xFFFFE000  }
0x158: {  	s3 =	sor.u32 s19, s3;
	_ =	swait.ge [sflag:s10], $0x2000  }
0x159: {  	s3 =	sshll.u32 s3, $0x7;
	[sflag:s10] =	ssyncset.done $0x0  }
0x15a: {  	s21 =	simm.s32 $0x10200;
	s3 =	sand.u32 $0x1FFFFF80, s3;
	[sflag:s10] =	ssyncadd.s32 $0xFFFFE000  }
0x15b: {  	[tilespmem:s6], [sflag:$0x6] =	stream.indirect.gather [spmem:s8], $0x80, s21, s17, $0xb8;
	[tilespmem:$0x1E800] =	vst v63  }
0x15c: {  	s3 =	sadd.s32 s1, s3  }
0x15d: {  	[hbm4b:s3+s16] =	stream.strided.scatter [tilespmem:s22], [sflag:$0x3], $0x2000, s26, s16, $0x38;
	[tilespmem:$0x1E800] =	vst v63  }
0x15e: {  	_ =	swait.ge [sflag:s5], $0x2000  }
0x15f: {  	s29 =	simm.s32 $0x10240;
	s22 =	simm.s32 $0x1;
	[sflag:s5] =	ssyncset.done $0x0  }
0x160: {  	s3 =	simm.s32 $0x180;
	s7 =	sor.u32 s28, s22;
	[sflag:s5] =	ssyncadd.s32 $0xFFFFE000  }
0x161: {  	s11 =	simm.s32 $0x26;
	s7 =	sor.u32 s3, s7;
	_ =	swait.ge [sflag:s12], $0x2000  }
0x162: {  	s13 =	simm.s32 $0x700;
	s7 =	sshll.u32 s7, $0x7;
	[sflag:s12] =	ssyncset.done $0x0  }
0x163: {  	s14 =	sand.u32 $0x1FFFFF80, s7;
	s7 =	sadd.s32 $0xE000, s15;
	[sflag:s12] =	ssyncadd.s32 $0xFFFFE000  }
0x164: {  	[tilespmem:s4], [sflag:$0x7] =	stream.indirect.gather [spmem:s8], $0x80, s29, s17, $0xb8;
	[tilespmem:$0x1E800] =	vst v63  }
.LBB2_4:
0x165: {  	s14 =	sadd.s32 s1, s14;
	s11 =	sadd.s32 $0x7, s11  }
0x166: {  	s3 =	sadd.s32 $0x1C0, s3;
	s15 =	smov.u32 s13;
	s29 =	simm.s32 $0x16800  }
0x167: {  	[hbm4b:s14+s16] =	stream.strided.scatter [tilespmem:s29], [sflag:$0x4], $0x2000, s26, s16, $0x38;
	[tilespmem:$0x1E800] =	vst v63  }
0x168: {  	p0 =	sne.s32 s13, $0x1500;
	s13 =	sadd.s32 $0x700, s13;
	_ =	swait.ge [sflag:s9], $0x2000  }
0x169: {  	[sflag:s9] =	ssyncset.done $0x0  }
0x16a: {  	[sflag:s9] =	ssyncadd.s32 $0xFFFFE000  }
0x16b: {  	s15 =	sshra.s32 s15, $0x2;
	_ =	swait.ge [sflag:s23], $0x2000  }
0x16c: {  	s14 =	sadd.s32 $0x100C0, s15;
	[sflag:s23] =	ssyncset.done $0x0  }
0x16d: {  	s2 =	simm.s32 $0x14800;
	s22 =	simm.s32 $0x10800;
	[sflag:s23] =	ssyncadd.s32 $0xFFFFE000  }
0x16e: {  	[tilespmem:s22], [sflag:$0x1] =	stream.indirect.gather [spmem:s8], $0x80, s14, s17, $0xb8;
	[tilespmem:$0x1E800] =	vst v63  }
0x16f: {  	s0 =	simm.s32 $0x18800  }
0x170: {  	[hbm4b:s7+s16] =	stream.strided.scatter [tilespmem:s0], [sflag:$0x5], $0x2000, s26, s16, $0x38;
	[tilespmem:$0x1E800] =	vst v63  }
0x171: {  	s14 =	sadd.s32 $0xFFFFFFFB, s11;
	_ =	swait.ge [sflag:s10], $0x2000  }
0x172: {  	s19 =	sadd.s32 $0xFFFFFEC0, s3;
	s14 =	sshrl.u32 s14, $0x5;
	[sflag:s10] =	ssyncset.done $0x0  }
0x173: {  	s14 =	sor.u32 s19, s14;
	[sflag:s10] =	ssyncadd.s32 $0xFFFFE000  }
0x174: {  	s14 =	sor.u32 s28, s14;
	_ =	swait.ge [sflag:s30], $0x2000  }
0x175: {  	s19 =	sadd.s32 $0x10100, s15;
	s14 =	sshll.u32 s14, $0x7;
	[sflag:s30] =	ssyncset.done $0x0  }
0x176: {  	s21 =	simm.s32 $0x12800;
	s14 =	sand.u32 $0x1FFFFF80, s14;
	[sflag:s30] =	ssyncadd.s32 $0xFFFFE000  }
0x177: {  	[tilespmem:s21], [sflag:$0x2] =	stream.indirect.gather [spmem:s8], $0x80, s19, s17, $0xb8;
	[tilespmem:$0x1E800] =	vst v63  }
0x178: {  	s14 =	sadd.s32 s1, s14  }
0x179: {  	[hbm4b:s14+s16] =	stream.strided.scatter [tilespmem:s6], [sflag:$0x6], $0x2000, s26, s16, $0x38;
	[tilespmem:$0x1E800] =	vst v63  }
0x17a: {  	s14 =	sadd.s32 $0xFFFFFFFC, s11;
	_ =	swait.ge [sflag:s12], $0x2000  }
0x17b: {  	s19 =	sadd.s32 $0xFFFFFF00, s3;
	s14 =	sshrl.u32 s14, $0x5;
	[sflag:s12] =	ssyncset.done $0x0  }
0x17c: {  	s14 =	sor.u32 s19, s14;
	[sflag:s12] =	ssyncadd.s32 $0xFFFFE000  }
0x17d: {  	s14 =	sor.u32 s28, s14;
	_ =	swait.ge [sflag:s31], $0x2000  }
0x17e: {  	s19 =	sadd.s32 $0x10140, s15;
	s14 =	sshll.u32 s14, $0x7;
	[sflag:s31] =	ssyncset.done $0x0  }
0x17f: {  	s14 =	sand.u32 $0x1FFFFF80, s14;
	[sflag:s31] =	ssyncadd.s32 $0xFFFFE000  }
0x180: {  	[tilespmem:s2], [sflag:$0x3] =	stream.indirect.gather [spmem:s8], $0x80, s19, s17, $0xb8;
	[tilespmem:$0x1E800] =	vst v63  }
0x181: {  	s14 =	sadd.s32 s1, s14  }
0x182: {  	[hbm4b:s14+s16] =	stream.strided.scatter [tilespmem:s4], [sflag:$0x7], $0x2000, s26, s16, $0x38;
	[tilespmem:$0x1E800] =	vst v63  }
0x183: {  	s14 =	sadd.s32 $0xFFFFFFFD, s11;
	_ =	swait.ge [sflag:s23], $0x2000  }
0x184: {  	s14 =	sshrl.u32 s14, $0x5;
	[sflag:s23] =	ssyncset.done $0x0  }
0x185: {  	s19 =	sadd.s32 $0xFFFFFF40, s3;
	s14 =	sor.u32 s28, s14;
	[sflag:s23] =	ssyncadd.s32 $0xFFFFE000  }
0x186: {  	s14 =	sor.u32 s19, s14;
	_ =	swait.ge [sflag:s5], $0x2000  }
0x187: {  	s19 =	sadd.s32 $0x10180, s15;
	s14 =	sshll.u32 s14, $0x7;
	[sflag:s5] =	ssyncset.done $0x0  }
0x188: {  	s14 =	sand.u32 $0x1FFFFF80, s14;
	[sflag:s5] =	ssyncadd.s32 $0xFFFFE000  }
0x189: {  	[tilespmem:s29], [sflag:$0x4] =	stream.indirect.gather [spmem:s8], $0x80, s19, s17, $0xb8;
	[tilespmem:$0x1E800] =	vst v63  }
0x18a: {  	s14 =	sadd.s32 s1, s14  }
0x18b: {  	[hbm4b:s14+s16] =	stream.strided.scatter [tilespmem:s22], [sflag:$0x1], $0x2000, s26, s16, $0x38;
	[tilespmem:$0x1E800] =	vst v63  }
0x18c: {  	s22 =	simm.s32 $0x14800  }
0x18d: {  	s14 =	sadd.s32 $0xFFFFFFFE, s11;
	_ =	swait.ge [sflag:s30], $0x2000  }
0x18e: {  	s14 =	sshrl.u32 s14, $0x5;
	[sflag:s30] =	ssyncset.done $0x0  }
0x18f: {  	s19 =	sadd.s32 $0xFFFFFF80, s3;
	s14 =	sor.u32 s28, s14;
	[sflag:s30] =	ssyncadd.s32 $0xFFFFE000  }
0x190: {  	s14 =	sor.u32 s19, s14;
	_ =	swait.ge [sflag:s9], $0x2000  }
0x191: {  	s19 =	sadd.s32 $0x101C0, s15;
	s14 =	sshll.u32 s14, $0x7;
	[sflag:s9] =	ssyncset.done $0x0  }
0x192: {  	s14 =	sand.u32 $0x1FFFFF80, s14;
	[sflag:s9] =	ssyncadd.s32 $0xFFFFE000  }
0x193: {  	[tilespmem:s0], [sflag:$0x5] =	stream.indirect.gather [spmem:s8], $0x80, s19, s17, $0xb8;
	[tilespmem:$0x1E800] =	vst v63  }
0x194: {  	s14 =	sadd.s32 s1, s14  }
0x195: {  	[hbm4b:s14+s16] =	stream.strided.scatter [tilespmem:s21], [sflag:$0x2], $0x2000, s26, s16, $0x38;
	[tilespmem:$0x1E800] =	vst v63  }
0x196: {  	s14 =	sadd.s32 $0xFFFFFFFF, s11;
	_ =	swait.ge [sflag:s31], $0x2000  }
0x197: {  	s14 =	sshrl.u32 s14, $0x5;
	[sflag:s31] =	ssyncset.done $0x0  }
0x198: {  	s19 =	sadd.s32 $0xFFFFFFC0, s3;
	s14 =	sor.u32 s28, s14;
	[sflag:s31] =	ssyncadd.s32 $0xFFFFE000  }
0x199: {  	s14 =	sor.u32 s19, s14;
	_ =	swait.ge [sflag:s10], $0x2000  }
0x19a: {  	s19 =	sadd.s32 $0x10200, s15;
	s14 =	sshll.u32 s14, $0x7;
	[sflag:s10] =	ssyncset.done $0x0  }
0x19b: {  	s14 =	sand.u32 $0x1FFFFF80, s14;
	[sflag:s10] =	ssyncadd.s32 $0xFFFFE000  }
0x19c: {  	[tilespmem:s6], [sflag:$0x6] =	stream.indirect.gather [spmem:s8], $0x80, s19, s17, $0xb8;
	[tilespmem:$0x1E800] =	vst v63  }
0x19d: {  	s14 =	sadd.s32 s1, s14  }
0x19e: {  	[hbm4b:s14+s16] =	stream.strided.scatter [tilespmem:s22], [sflag:$0x3], $0x2000, s26, s16, $0x38;
	[tilespmem:$0x1E800] =	vst v63  }
0x19f: {  	_ =	swait.ge [sflag:s5], $0x2000  }
0x1a0: {  	s14 =	sshrl.u32 s11, $0x5;
	[sflag:s5] =	ssyncset.done $0x0  }
.Ltmp1:
0x1a1: {  	s14 =	sor.u32 s28, s14;
	[sflag:s5] =	ssyncadd.s32 $0xFFFFE000;
	(pc) =	sbr.rel @p0 .LBB2_4-.Ltmp1, $4  }
0x1a2: {  	s14 =	sor.u32 s3, s14;
	_ =	swait.ge [sflag:s12], $0x2000  }
0x1a3: {  	s15 =	sadd.s32 $0x10240, s15;
	s14 =	sshll.u32 s14, $0x7;
	[sflag:s12] =	ssyncset.done $0x0  }
0x1a4: {  	s7 =	sadd.s32 $0xE000, s7;
	s14 =	sand.u32 $0x1FFFFF80, s14;
	[sflag:s12] =	ssyncadd.s32 $0xFFFFE000  }
0x1a5: {  	[tilespmem:s4], [sflag:$0x7] =	stream.indirect.gather [spmem:s8], $0x80, s15, s17, $0xb8;
	[tilespmem:$0x1E800] =	vst v63  }
0x1a6: {  	s3 =	sadd.s32 s1, s14;
	s2 =	simm.s32 $0x16800  }
0x1a7: {  	[hbm4b:s3+s16] =	stream.strided.scatter [tilespmem:s2], [sflag:$0x4], $0x2000, s26, s16, $0x38;
	[tilespmem:$0x1E800] =	vst v63  }
0x1a8: {  	_ =	swait.ge [sflag:s9], $0x2000  }
0x1a9: {  	[sflag:s9] =	ssyncset.done $0x0  }
0x1aa: {  	[sflag:s9] =	ssyncadd.s32 $0xFFFFE000  }
0x1ab: {  	_ =	swait.ge [sflag:s23], $0x2000  }
0x1ac: {  	[sflag:s23] =	ssyncset.done $0x0  }
0x1ad: {  	s11 =	simm.s32 $0x10800;
	s29 =	simm.s32 $0x107C0;
	[sflag:s23] =	ssyncadd.s32 $0xFFFFE000  }
0x1ae: {  	[tilespmem:s11], [sflag:$0x1] =	stream.indirect.gather [spmem:s8], $0x80, s29, s17, $0xb8;
	[tilespmem:$0x1E800] =	vst v63  }
0x1af: {  	s0 =	simm.s32 $0x18800;
	s21 =	rddreg [dreg:$0x10]  }
0x1b0: {  	[hbm4b:s21+s16] =	stream.strided.scatter [tilespmem:s0], [sflag:$0x5], $0x2000, s26, s16, $0x38;
	[tilespmem:$0x1E800] =	vst v63  }
0x1b1: {  	_ =	swait.ge [sflag:s10], $0x2000  }
0x1b2: {  	[sflag:s10] =	ssyncset.done $0x0  }
0x1b3: {  	[sflag:s10] =	ssyncadd.s32 $0xFFFFE000  }
0x1b4: {  	_ =	swait.ge [sflag:s30], $0x2000  }
0x1b5: {  	[sflag:s30] =	ssyncset.done $0x0  }
0x1b6: {  	s7 =	rddreg [dreg:$0x11];
	[sflag:s30] =	ssyncadd.s32 $0xFFFFE000  }
0x1b7: {  	[hbm4b:s7+s16] =	stream.strided.scatter [tilespmem:s6], [sflag:$0x6], $0x2000, s26, s16, $0x38;
	[tilespmem:$0x1E800] =	vst v63  }
0x1b8: {  	_ =	swait.ge [sflag:s12], $0x2000  }
0x1b9: {  	[sflag:s12] =	ssyncset.done $0x0  }
0x1ba: {  	[sflag:s12] =	ssyncadd.s32 $0xFFFFE000  }
0x1bb: {  	_ =	swait.ge [sflag:s31], $0x2000  }
0x1bc: {  	[sflag:s31] =	ssyncset.done $0x0  }
0x1bd: {  	s13 =	rddreg [dreg:$0x12];
	[sflag:s31] =	ssyncadd.s32 $0xFFFFE000  }
0x1be: {  	[hbm4b:s13+s16] =	stream.strided.scatter [tilespmem:s4], [sflag:$0x7], $0x2000, s26, s16, $0x38;
	[tilespmem:$0x1E800] =	vst v63  }
0x1bf: {  	_ =	swait.ge [sflag:s23], $0x2000  }
0x1c0: {  	[sflag:s23] =	ssyncset.done $0x0  }
0x1c1: {  	[sflag:s23] =	ssyncadd.s32 $0xFFFFE000  }
0x1c2: {  	_ =	swait.ge [sflag:s5], $0x2000  }
0x1c3: {  	[sflag:s5] =	ssyncset.done $0x0  }
0x1c4: {  	s14 =	rddreg [dreg:$0x13];
	[sflag:s5] =	ssyncadd.s32 $0xFFFFE000  }
0x1c5: {  	[hbm4b:s14+s16] =	stream.strided.scatter [tilespmem:s11], [sflag:$0x1], $0x2000, s26, s16, $0x38;
	[tilespmem:$0x1E800] =	vst v63  }
0x1c6: {  	[bflag:$0x0] =	sbarrier.arrive $0xFFFF  }
0x1c7: {  	s7 =	sld [smem:$0x7F5]  }
0x1c8: {  	s13 =	sld [smem:$0x7F6];
	_ =	sdelay $0x1  }
0x1c9: {  	s19 =	simm.s32 $0x80;
	s15 =	rddreg [dreg:$0x7]  }
0x1ca: {  	[spmem:s13@s19], [sflag:s7] =	dma.strided [hbm:s15@s16], $0x2000, s20, $0x10   }
0x1cb: {  	_ =	swait.ge [sflag:s20], $0x2000  }
0x1cc: {  	[sflag:s20] =	ssyncset.done $0x0  }
0x1cd: {  	[sflag:s20] =	ssyncadd.s32 $0xFFFFE000  }
0x1ce: {  	s13 =	simm.s32 $0x12800;
	[bflag:$0x0] =	sbarrier.arrive $0xFFFF  }
0x1cf: {  	[tilespmem:s13], [sflag:$0x2] =	stream.indirect.gather [spmem:s8], $0x80, s18, s17, $0xb8;
	[tilespmem:$0x1E800] =	vst v63  }
0x1d0: {  	s21 =	simm.s32 $0x10040  }
0x1d1: {  	[tilespmem:s22], [sflag:$0x3] =	stream.indirect.gather [spmem:s8], $0x80, s21, s17, $0xb8;
	[tilespmem:$0x1E800] =	vst v63  }
0x1d2: {  	_ = 	snop  }
0x1d3: {  	[tilespmem:s2], [sflag:$0x4] =	stream.indirect.gather [spmem:s8], $0x80, s25, s17, $0xb8;
	[tilespmem:$0x1E800] =	vst v63  }
0x1d4: {  	_ =	swait.ge [sflag:s30], $0x2000  }
0x1d5: {  	[sflag:s30] =	ssyncset.done $0x0  }
0x1d6: {  	[sflag:s30] =	ssyncadd.s32 $0xFFFFE000  }
0x1d7: {  	_ =	swait.ge [sflag:s9], $0x2000  }
0x1d8: {  	[sflag:s9] =	ssyncset.done $0x0  }
0x1d9: {  	s7 =	simm.s32 $0x100C0;
	[sflag:s9] =	ssyncadd.s32 $0xFFFFE000  }
0x1da: {  	[tilespmem:s0], [sflag:$0x5] =	stream.indirect.gather [spmem:s8], $0x80, s7, s17, $0xb8;
	[tilespmem:$0x1E800] =	vst v63  }
0x1db: {  	s15 =	rddreg [dreg:$0x1f]  }
0x1dc: {  	[hbm4b:s15+s16] =	stream.strided.scatter [tilespmem:s13], [sflag:$0x2], $0x2000, s26, s16, $0x38;
	[tilespmem:$0x1E800] =	vst v63  }
0x1dd: {  	_ =	swait.ge [sflag:s31], $0x2000  }
0x1de: {  	s14 =	simm.s32 $0x40;
	s19 =	simm.s32 $0x2;
	[sflag:s31] =	ssyncset.done $0x0  }
0x1df: {  	s3 =	sor.u32 s14, s19;
	[sflag:s31] =	ssyncadd.s32 $0xFFFFE000  }
0x1e0: {  	s3 =	sor.u32 s28, s3;
	_ =	swait.ge [sflag:s10], $0x2000  }
0x1e1: {  	s3 =	sshll.u32 s3, $0x7;
	[sflag:s10] =	ssyncset.done $0x0  }
0x1e2: {  	s3 =	sand.u32 $0x1FFFFF80, s3;
	s21 =	simm.s32 $0x10100;
	[sflag:s10] =	ssyncadd.s32 $0xFFFFE000  }
0x1e3: {  	[tilespmem:s6], [sflag:$0x6] =	stream.indirect.gather [spmem:s8], $0x80, s21, s17, $0xb8;
	[tilespmem:$0x1E800] =	vst v63  }
0x1e4: {  	s3 =	sadd.s32 s1, s3  }
0x1e5: {  	[hbm4b:s3+s16] =	stream.strided.scatter [tilespmem:s22], [sflag:$0x3], $0x2000, s26, s16, $0x38;
	[tilespmem:$0x1E800] =	vst v63  }
0x1e6: {  	_ =	swait.ge [sflag:s5], $0x2000  }
0x1e7: {  	s14 =	simm.s32 $0x80;
	s19 =	simm.s32 $0x2;
	[sflag:s5] =	ssyncset.done $0x0  }
0x1e8: {  	s3 =	sor.u32 s14, s19;
	[sflag:s5] =	ssyncadd.s32 $0xFFFFE000  }
0x1e9: {  	s3 =	sor.u32 s28, s3;
	_ =	swait.ge [sflag:s12], $0x2000  }
0x1ea: {  	s3 =	sshll.u32 s3, $0x7;
	[sflag:s12] =	ssyncset.done $0x0  }
0x1eb: {  	s21 =	simm.s32 $0x10140;
	s3 =	sand.u32 $0x1FFFFF80, s3;
	[sflag:s12] =	ssyncadd.s32 $0xFFFFE000  }
0x1ec: {  	[tilespmem:s4], [sflag:$0x7] =	stream.indirect.gather [spmem:s8], $0x80, s21, s17, $0xb8;
	[tilespmem:$0x1E800] =	vst v63  }
0x1ed: {  	s3 =	sadd.s32 s1, s3  }
0x1ee: {  	[hbm4b:s3+s16] =	stream.strided.scatter [tilespmem:s2], [sflag:$0x4], $0x2000, s26, s16, $0x38;
	[tilespmem:$0x1E800] =	vst v63  }
0x1ef: {  	_ =	swait.ge [sflag:s9], $0x2000  }
0x1f0: {  	s7 =	simm.s32 $0x2;
	[sflag:s9] =	ssyncset.done $0x0  }
0x1f1: {  	s14 =	simm.s32 $0xC0;
	s3 =	sor.u32 s28, s7;
	[sflag:s9] =	ssyncadd.s32 $0xFFFFE000  }
0x1f2: {  	s3 =	sor.u32 s14, s3;
	_ =	swait.ge [sflag:s23], $0x2000  }
0x1f3: {  	s3 =	sshll.u32 s3, $0x7;
	[sflag:s23] =	ssyncset.done $0x0  }
0x1f4: {  	s19 =	simm.s32 $0x10180;
	s3 =	sand.u32 $0x1FFFFF80, s3;
	[sflag:s23] =	ssyncadd.s32 $0xFFFFE000  }
0x1f5: {  	[tilespmem:s11], [sflag:$0x1] =	stream.indirect.gather [spmem:s8], $0x80, s19, s17, $0xb8;
	[tilespmem:$0x1E800] =	vst v63  }
0x1f6: {  	s3 =	sadd.s32 s1, s3  }
0x1f7: {  	[hbm4b:s3+s16] =	stream.strided.scatter [tilespmem:s0], [sflag:$0x5], $0x2000, s26, s16, $0x38;
	[tilespmem:$0x1E800] =	vst v63  }
0x1f8: {  	_ =	swait.ge [sflag:s10], $0x2000  }
0x1f9: {  	s21 =	simm.s32 $0x2;
	[sflag:s10] =	ssyncset.done $0x0  }
0x1fa: {  	s0 =	simm.s32 $0x100;
	s3 =	sor.u32 s28, s21;
	[sflag:s10] =	ssyncadd.s32 $0xFFFFE000  }
0x1fb: {  	s3 =	sor.u32 s0, s3;
	_ =	swait.ge [sflag:s30], $0x2000  }
0x1fc: {  	s3 =	sshll.u32 s3, $0x7;
	[sflag:s30] =	ssyncset.done $0x0  }
0x1fd: {  	s11 =	simm.s32 $0x101C0;
	s3 =	sand.u32 $0x1FFFFF80, s3;
	[sflag:s30] =	ssyncadd.s32 $0xFFFFE000  }
0x1fe: {  	[tilespmem:s13], [sflag:$0x2] =	stream.indirect.gather [spmem:s8], $0x80, s11, s17, $0xb8;
	[tilespmem:$0x1E800] =	vst v63  }
0x1ff: {  	s3 =	sadd.s32 s1, s3  }
0x200: {  	[hbm4b:s3+s16] =	stream.strided.scatter [tilespmem:s6], [sflag:$0x6], $0x2000, s26, s16, $0x38;
	[tilespmem:$0x1E800] =	vst v63  }
0x201: {  	_ =	swait.ge [sflag:s12], $0x2000  }
0x202: {  	s13 =	simm.s32 $0x2;
	[sflag:s12] =	ssyncset.done $0x0  }
0x203: {  	s14 =	simm.s32 $0x140;
	s3 =	sor.u32 s28, s13;
	[sflag:s12] =	ssyncadd.s32 $0xFFFFE000  }
0x204: {  	s3 =	sor.u32 s14, s3;
	_ =	swait.ge [sflag:s31], $0x2000  }
0x205: {  	s3 =	sshll.u32 s3, $0x7;
	[sflag:s31] =	ssyncset.done $0x0  }
0x206: {  	s19 =	simm.s32 $0x10200;
	s3 =	sand.u32 $0x1FFFFF80, s3;
	[sflag:s31] =	ssyncadd.s32 $0xFFFFE000  }
0x207: {  	[tilespmem:s22], [sflag:$0x3] =	stream.indirect.gather [spmem:s8], $0x80, s19, s17, $0xb8;
	[tilespmem:$0x1E800] =	vst v63  }
0x208: {  	s3 =	sadd.s32 s1, s3  }
0x209: {  	[hbm4b:s3+s16] =	stream.strided.scatter [tilespmem:s4], [sflag:$0x7], $0x2000, s26, s16, $0x38;
	[tilespmem:$0x1E800] =	vst v63  }
0x20a: {  	s21 =	simm.s32 $0x2;
	_ =	swait.ge [sflag:s23], $0x2000  }
0x20b: {  	s7 =	sor.u32 s28, s21;
	[sflag:s23] =	ssyncset.done $0x0  }
0x20c: {  	s11 =	simm.s32 $0x46;
	s3 =	simm.s32 $0x180;
	[sflag:s23] =	ssyncadd.s32 $0xFFFFE000  }
0x20d: {  	s13 =	simm.s32 $0x700;
	s7 =	sor.u32 s3, s7;
	_ =	swait.ge [sflag:s5], $0x2000  }
0x20e: {  	s22 =	simm.s32 $0x10240;
	s7 =	sshll.u32 s7, $0x7;
	[sflag:s5] =	ssyncset.done $0x0  }
0x20f: {  	s14 =	sand.u32 $0x1FFFFF80, s7;
	s7 =	sadd.s32 $0xE000, s15;
	[sflag:s5] =	ssyncadd.s32 $0xFFFFE000  }
0x210: {  	[tilespmem:s2], [sflag:$0x4] =	stream.indirect.gather [spmem:s8], $0x80, s22, s17, $0xb8;
	[tilespmem:$0x1E800] =	vst v63  }
.LBB2_6:
0x211: {  	s14 =	sadd.s32 s1, s14;
	s11 =	sadd.s32 $0x7, s11;
	s3 =	sadd.s32 $0x1C0, s3  }
0x212: {  	s15 =	smov.u32 s13;
	s2 =	simm.s32 $0x14800;
	s22 =	simm.s32 $0x10800  }
0x213: {  	[hbm4b:s14+s16] =	stream.strided.scatter [tilespmem:s22], [sflag:$0x1], $0x2000, s26, s16, $0x38;
	[tilespmem:$0x1E800] =	vst v63  }
0x214: {  	p0 =	sne.s32 s13, $0x1500;
	s13 =	sadd.s32 $0x700, s13;
	_ =	swait.ge [sflag:s30], $0x2000  }
0x215: {  	[sflag:s30] =	ssyncset.done $0x0  }
0x216: {  	[sflag:s30] =	ssyncadd.s32 $0xFFFFE000  }
0x217: {  	s15 =	sshra.s32 s15, $0x2;
	_ =	swait.ge [sflag:s9], $0x2000  }
0x218: {  	s14 =	sadd.s32 $0x100C0, s15;
	[sflag:s9] =	ssyncset.done $0x0  }
0x219: {  	s0 =	simm.s32 $0x18800;
	[sflag:s9] =	ssyncadd.s32 $0xFFFFE000  }
0x21a: {  	[tilespmem:s0], [sflag:$0x5] =	stream.indirect.gather [spmem:s8], $0x80, s14, s17, $0xb8;
	[tilespmem:$0x1E800] =	vst v63  }
0x21b: {  	s21 =	simm.s32 $0x12800  }
0x21c: {  	[hbm4b:s7+s16] =	stream.strided.scatter [tilespmem:s21], [sflag:$0x2], $0x2000, s26, s16, $0x38;
	[tilespmem:$0x1E800] =	vst v63  }
0x21d: {  	s14 =	sadd.s32 $0xFFFFFFFB, s11;
	_ =	swait.ge [sflag:s31], $0x2000  }
0x21e: {  	s19 =	sadd.s32 $0xFFFFFEC0, s3;
	s14 =	sshrl.u32 s14, $0x5;
	[sflag:s31] =	ssyncset.done $0x0  }
0x21f: {  	s14 =	sor.u32 s19, s14;
	[sflag:s31] =	ssyncadd.s32 $0xFFFFE000  }
0x220: {  	s14 =	sor.u32 s28, s14;
	_ =	swait.ge [sflag:s10], $0x2000  }
0x221: {  	s19 =	sadd.s32 $0x10100, s15;
	s14 =	sshll.u32 s14, $0x7;
	[sflag:s10] =	ssyncset.done $0x0  }
0x222: {  	s14 =	sand.u32 $0x1FFFFF80, s14;
	[sflag:s10] =	ssyncadd.s32 $0xFFFFE000  }
0x223: {  	[tilespmem:s6], [sflag:$0x6] =	stream.indirect.gather [spmem:s8], $0x80, s19, s17, $0xb8;
	[tilespmem:$0x1E800] =	vst v63  }
0x224: {  	s14 =	sadd.s32 s1, s14  }
0x225: {  	[hbm4b:s14+s16] =	stream.strided.scatter [tilespmem:s2], [sflag:$0x3], $0x2000, s26, s16, $0x38;
	[tilespmem:$0x1E800] =	vst v63  }
0x226: {  	s14 =	sadd.s32 $0xFFFFFFFC, s11;
	_ =	swait.ge [sflag:s5], $0x2000  }
0x227: {  	s19 =	sadd.s32 $0xFFFFFF00, s3;
	s14 =	sshrl.u32 s14, $0x5;
	[sflag:s5] =	ssyncset.done $0x0  }
0x228: {  	s14 =	sor.u32 s19, s14;
	[sflag:s5] =	ssyncadd.s32 $0xFFFFE000  }
0x229: {  	s14 =	sor.u32 s28, s14;
	_ =	swait.ge [sflag:s12], $0x2000  }
0x22a: {  	s19 =	sadd.s32 $0x10140, s15;
	s14 =	sshll.u32 s14, $0x7;
	[sflag:s12] =	ssyncset.done $0x0  }
0x22b: {  	s14 =	sand.u32 $0x1FFFFF80, s14;
	[sflag:s12] =	ssyncadd.s32 $0xFFFFE000  }
0x22c: {  	[tilespmem:s4], [sflag:$0x7] =	stream.indirect.gather [spmem:s8], $0x80, s19, s17, $0xb8;
	[tilespmem:$0x1E800] =	vst v63  }
0x22d: {  	s2 =	simm.s32 $0x16800;
	s14 =	sadd.s32 s1, s14  }
0x22e: {  	[hbm4b:s14+s16] =	stream.strided.scatter [tilespmem:s2], [sflag:$0x4], $0x2000, s26, s16, $0x38;
	[tilespmem:$0x1E800] =	vst v63  }
0x22f: {  	s14 =	sadd.s32 $0xFFFFFFFD, s11;
	_ =	swait.ge [sflag:s9], $0x2000  }
0x230: {  	s14 =	sshrl.u32 s14, $0x5;
	[sflag:s9] =	ssyncset.done $0x0  }
0x231: {  	s19 =	sadd.s32 $0xFFFFFF40, s3;
	s14 =	sor.u32 s28, s14;
	[sflag:s9] =	ssyncadd.s32 $0xFFFFE000  }
0x232: {  	s14 =	sor.u32 s19, s14;
	_ =	swait.ge [sflag:s23], $0x2000  }
0x233: {  	s19 =	sadd.s32 $0x10180, s15;
	s14 =	sshll.u32 s14, $0x7;
	[sflag:s23] =	ssyncset.done $0x0  }
0x234: {  	s14 =	sand.u32 $0x1FFFFF80, s14;
	[sflag:s23] =	ssyncadd.s32 $0xFFFFE000  }
0x235: {  	[tilespmem:s22], [sflag:$0x1] =	stream.indirect.gather [spmem:s8], $0x80, s19, s17, $0xb8;
	[tilespmem:$0x1E800] =	vst v63  }
0x236: {  	s22 =	simm.s32 $0x14800  }
0x237: {  	s14 =	sadd.s32 s1, s14  }
0x238: {  	[hbm4b:s14+s16] =	stream.strided.scatter [tilespmem:s0], [sflag:$0x5], $0x2000, s26, s16, $0x38;
	[tilespmem:$0x1E800] =	vst v63  }
0x239: {  	s14 =	sadd.s32 $0xFFFFFFFE, s11;
	_ =	swait.ge [sflag:s10], $0x2000  }
0x23a: {  	s14 =	sshrl.u32 s14, $0x5;
	[sflag:s10] =	ssyncset.done $0x0  }
0x23b: {  	s19 =	sadd.s32 $0xFFFFFF80, s3;
	s14 =	sor.u32 s28, s14;
	[sflag:s10] =	ssyncadd.s32 $0xFFFFE000  }
0x23c: {  	s14 =	sor.u32 s19, s14;
	_ =	swait.ge [sflag:s30], $0x2000  }
0x23d: {  	s19 =	sadd.s32 $0x101C0, s15;
	s14 =	sshll.u32 s14, $0x7;
	[sflag:s30] =	ssyncset.done $0x0  }
0x23e: {  	s14 =	sand.u32 $0x1FFFFF80, s14;
	[sflag:s30] =	ssyncadd.s32 $0xFFFFE000  }
0x23f: {  	[tilespmem:s21], [sflag:$0x2] =	stream.indirect.gather [spmem:s8], $0x80, s19, s17, $0xb8;
	[tilespmem:$0x1E800] =	vst v63  }
0x240: {  	s14 =	sadd.s32 s1, s14  }
0x241: {  	[hbm4b:s14+s16] =	stream.strided.scatter [tilespmem:s6], [sflag:$0x6], $0x2000, s26, s16, $0x38;
	[tilespmem:$0x1E800] =	vst v63  }
0x242: {  	s14 =	sadd.s32 $0xFFFFFFFF, s11;
	_ =	swait.ge [sflag:s12], $0x2000  }
0x243: {  	s14 =	sshrl.u32 s14, $0x5;
	[sflag:s12] =	ssyncset.done $0x0  }
0x244: {  	s19 =	sadd.s32 $0xFFFFFFC0, s3;
	s14 =	sor.u32 s28, s14;
	[sflag:s12] =	ssyncadd.s32 $0xFFFFE000  }
0x245: {  	s14 =	sor.u32 s19, s14;
	_ =	swait.ge [sflag:s31], $0x2000  }
0x246: {  	s19 =	sadd.s32 $0x10200, s15;
	s14 =	sshll.u32 s14, $0x7;
	[sflag:s31] =	ssyncset.done $0x0  }
0x247: {  	s14 =	sand.u32 $0x1FFFFF80, s14;
	[sflag:s31] =	ssyncadd.s32 $0xFFFFE000  }
0x248: {  	[tilespmem:s22], [sflag:$0x3] =	stream.indirect.gather [spmem:s8], $0x80, s19, s17, $0xb8;
	[tilespmem:$0x1E800] =	vst v63  }
0x249: {  	s14 =	sadd.s32 s1, s14  }
0x24a: {  	[hbm4b:s14+s16] =	stream.strided.scatter [tilespmem:s4], [sflag:$0x7], $0x2000, s26, s16, $0x38;
	[tilespmem:$0x1E800] =	vst v63  }
0x24b: {  	_ =	swait.ge [sflag:s23], $0x2000  }
0x24c: {  	s14 =	sshrl.u32 s11, $0x5;
	[sflag:s23] =	ssyncset.done $0x0  }
.Ltmp2:
0x24d: {  	s14 =	sor.u32 s28, s14;
	[sflag:s23] =	ssyncadd.s32 $0xFFFFE000;
	(pc) =	sbr.rel @p0 .LBB2_6-.Ltmp2, $4  }
0x24e: {  	s14 =	sor.u32 s3, s14;
	_ =	swait.ge [sflag:s5], $0x2000  }
0x24f: {  	s15 =	sadd.s32 $0x10240, s15;
	s14 =	sshll.u32 s14, $0x7;
	[sflag:s5] =	ssyncset.done $0x0  }
0x250: {  	s7 =	sadd.s32 $0xE000, s7;
	s14 =	sand.u32 $0x1FFFFF80, s14;
	[sflag:s5] =	ssyncadd.s32 $0xFFFFE000  }
0x251: {  	[tilespmem:s2], [sflag:$0x4] =	stream.indirect.gather [spmem:s8], $0x80, s15, s17, $0xb8;
	[tilespmem:$0x1E800] =	vst v63  }
0x252: {  	s3 =	sadd.s32 s1, s14;
	s13 =	simm.s32 $0x10800  }
0x253: {  	[hbm4b:s3+s16] =	stream.strided.scatter [tilespmem:s13], [sflag:$0x1], $0x2000, s26, s16, $0x38;
	[tilespmem:$0x1E800] =	vst v63  }
0x254: {  	_ =	swait.ge [sflag:s30], $0x2000  }
0x255: {  	[sflag:s30] =	ssyncset.done $0x0  }
0x256: {  	[sflag:s30] =	ssyncadd.s32 $0xFFFFE000  }
0x257: {  	_ =	swait.ge [sflag:s9], $0x2000  }
0x258: {  	[sflag:s9] =	ssyncset.done $0x0  }
0x259: {  	s4 =	simm.s32 $0x18800;
	[sflag:s9] =	ssyncadd.s32 $0xFFFFE000  }
0x25a: {  	[tilespmem:s4], [sflag:$0x5] =	stream.indirect.gather [spmem:s8], $0x80, s29, s17, $0xb8;
	[tilespmem:$0x1E800] =	vst v63  }
0x25b: {  	s7 =	simm.s32 $0x12800;
	s2 =	rddreg [dreg:$0x14]  }
0x25c: {  	[hbm4b:s2+s16] =	stream.strided.scatter [tilespmem:s7], [sflag:$0x2], $0x2000, s26, s16, $0x38;
	[tilespmem:$0x1E800] =	vst v63  }
0x25d: {  	_ =	swait.ge [sflag:s31], $0x2000  }
0x25e: {  	[sflag:s31] =	ssyncset.done $0x0  }
0x25f: {  	[sflag:s31] =	ssyncadd.s32 $0xFFFFE000  }
0x260: {  	_ =	swait.ge [sflag:s10], $0x2000  }
0x261: {  	[sflag:s10] =	ssyncset.done $0x0  }
0x262: {  	s14 =	rddreg [dreg:$0x15];
	[sflag:s10] =	ssyncadd.s32 $0xFFFFE000  }
0x263: {  	[hbm4b:s14+s16] =	stream.strided.scatter [tilespmem:s22], [sflag:$0x3], $0x2000, s26, s16, $0x38;
	[tilespmem:$0x1E800] =	vst v63  }
0x264: {  	_ =	swait.ge [sflag:s5], $0x2000  }
0x265: {  	[sflag:s5] =	ssyncset.done $0x0  }
0x266: {  	[sflag:s5] =	ssyncadd.s32 $0xFFFFE000  }
0x267: {  	_ =	swait.ge [sflag:s12], $0x2000  }
0x268: {  	[sflag:s12] =	ssyncset.done $0x0  }
0x269: {  	s14 =	simm.s32 $0x16800;
	s15 =	rddreg [dreg:$0x16];
	[sflag:s12] =	ssyncadd.s32 $0xFFFFE000  }
0x26a: {  	[hbm4b:s15+s16] =	stream.strided.scatter [tilespmem:s14], [sflag:$0x4], $0x2000, s26, s16, $0x38;
	[tilespmem:$0x1E800] =	vst v63  }
0x26b: {  	_ =	swait.ge [sflag:s9], $0x2000  }
0x26c: {  	[sflag:s9] =	ssyncset.done $0x0  }
0x26d: {  	[sflag:s9] =	ssyncadd.s32 $0xFFFFE000  }
0x26e: {  	_ =	swait.ge [sflag:s23], $0x2000  }
0x26f: {  	[sflag:s23] =	ssyncset.done $0x0  }
0x270: {  	s19 =	rddreg [dreg:$0x17];
	[sflag:s23] =	ssyncadd.s32 $0xFFFFE000  }
0x271: {  	[hbm4b:s19+s16] =	stream.strided.scatter [tilespmem:s4], [sflag:$0x5], $0x2000, s26, s16, $0x38;
	[tilespmem:$0x1E800] =	vst v63  }
0x272: {  	[bflag:$0x0] =	sbarrier.arrive $0xFFFF  }
0x273: {  	s0 =	sld [smem:$0x7F5]  }
0x274: {  	s2 =	sld [smem:$0x7F6];
	_ =	sdelay $0x1  }
0x275: {  	s15 =	simm.s32 $0x80;
	s21 =	rddreg [dreg:$0x8]  }
0x276: {  	[spmem:s2@s15], [sflag:s0] =	dma.strided [hbm:s21@s16], $0x2000, s20, $0x10   }
0x277: {  	_ =	swait.ge [sflag:s20], $0x2000  }
0x278: {  	[sflag:s20] =	ssyncset.done $0x0  }
0x279: {  	[sflag:s20] =	ssyncadd.s32 $0xFFFFE000  }
0x27a: {  	[bflag:$0x0] =	sbarrier.arrive $0xFFFF  }
0x27b: {  	[tilespmem:s6], [sflag:$0x6] =	stream.indirect.gather [spmem:s8], $0x80, s18, s17, $0xb8;
	[tilespmem:$0x1E800] =	vst v63  }
0x27c: {  	s11 =	simm.s32 $0x1C800;
	s15 =	simm.s32 $0x10040  }
0x27d: {  	[tilespmem:s11], [sflag:$0x7] =	stream.indirect.gather [spmem:s8], $0x80, s15, s17, $0xb8;
	[tilespmem:$0x1E800] =	vst v63  }
0x27e: {  	_ = 	snop  }
0x27f: {  	[tilespmem:s13], [sflag:$0x1] =	stream.indirect.gather [spmem:s8], $0x80, s25, s17, $0xb8;
	[tilespmem:$0x1E800] =	vst v63  }
0x280: {  	_ =	swait.ge [sflag:s10], $0x2000  }
0x281: {  	[sflag:s10] =	ssyncset.done $0x0  }
0x282: {  	[sflag:s10] =	ssyncadd.s32 $0xFFFFE000  }
0x283: {  	_ =	swait.ge [sflag:s30], $0x2000  }
0x284: {  	[sflag:s30] =	ssyncset.done $0x0  }
0x285: {  	s18 =	simm.s32 $0x100C0;
	s3 =	sld [smem:$0x7F7];
	[sflag:s30] =	ssyncadd.s32 $0xFFFFE000  }
0x286: {  	[tilespmem:s7], [sflag:$0x2] =	stream.indirect.gather [spmem:s8], $0x80, s18, s17, $0xb8;
	[tilespmem:$0x1E800] =	vst v63  }
0x287: {  	_ = 	snop  }
0x288: {  	[hbm4b:s3+s16] =	stream.strided.scatter [tilespmem:s6], [sflag:$0x6], $0x2000, s26, s16, $0x38;
	[tilespmem:$0x1E800] =	vst v63  }
0x289: {  	_ =	swait.ge [sflag:s12], $0x2000  }
0x28a: {  	s15 =	rddreg [dreg:$0x1d]  }
0x28b: {  	[sflag:s12] =	ssyncset.done $0x0;
	s19 =	sadd.s32 $0x3, s15  }
0x28c: {  	[sflag:s12] =	ssyncadd.s32 $0xFFFFE000;
	s0 =	sadd.s32 $0xFFFFFEC0, s19  }
0x28d: {  	_ =	swait.ge [sflag:s31], $0x2000;
	s0 =	sor.u32 s24, s0  }
0x28e: {  	[sflag:s31] =	ssyncset.done $0x0;
	s0 =	sshll.u32 s0, $0x7  }
0x28f: {  	s20 =	simm.s32 $0x10100;
	[sflag:s31] =	ssyncadd.s32 $0xFFFFE000;
	s0 =	sand.u32 $0x1FFFFF80, s0  }
0x290: {  	[tilespmem:s22], [sflag:$0x3] =	stream.indirect.gather [spmem:s8], $0x80, s20, s17, $0xb8;
	[tilespmem:$0x1E800] =	vst v63  }
0x291: {  	s0 =	sadd.s32 s1, s0  }
0x292: {  	[hbm4b:s0+s16] =	stream.strided.scatter [tilespmem:s11], [sflag:$0x7], $0x2000, s26, s16, $0x38;
	[tilespmem:$0x1E800] =	vst v63  }
0x293: {  	_ =	swait.ge [sflag:s23], $0x2000  }
0x294: {  	s21 =	sadd.s32 $0x3, s15;
	[sflag:s23] =	ssyncset.done $0x0  }
0x295: {  	s0 =	sadd.s32 $0xFFFFFF00, s21;
	[sflag:s23] =	ssyncadd.s32 $0xFFFFE000  }
0x296: {  	s0 =	sor.u32 s24, s0;
	_ =	swait.ge [sflag:s5], $0x2000  }
0x297: {  	s0 =	sshll.u32 s0, $0x7;
	[sflag:s5] =	ssyncset.done $0x0  }
0x298: {  	s25 =	simm.s32 $0x10140;
	s0 =	sand.u32 $0x1FFFFF80, s0;
	[sflag:s5] =	ssyncadd.s32 $0xFFFFE000  }
0x299: {  	[tilespmem:s14], [sflag:$0x4] =	stream.indirect.gather [spmem:s8], $0x80, s25, s17, $0xb8;
	[tilespmem:$0x1E800] =	vst v63  }
0x29a: {  	s0 =	sadd.s32 s1, s0  }
0x29b: {  	[hbm4b:s0+s16] =	stream.strided.scatter [tilespmem:s13], [sflag:$0x1], $0x2000, s26, s16, $0x38;
	[tilespmem:$0x1E800] =	vst v63  }
0x29c: {  	_ =	swait.ge [sflag:s30], $0x2000  }
0x29d: {  	s2 =	sadd.s32 $0x3, s15;
	[sflag:s30] =	ssyncset.done $0x0  }
0x29e: {  	s0 =	sadd.s32 $0xFFFFFF40, s2;
	[sflag:s30] =	ssyncadd.s32 $0xFFFFE000  }
0x29f: {  	s0 =	sor.u32 s24, s0;
	_ =	swait.ge [sflag:s9], $0x2000  }
0x2a0: {  	s0 =	sshll.u32 s0, $0x7;
	[sflag:s9] =	ssyncset.done $0x0  }
0x2a1: {  	s11 =	simm.s32 $0x10180;
	s0 =	sand.u32 $0x1FFFFF80, s0;
	[sflag:s9] =	ssyncadd.s32 $0xFFFFE000  }
0x2a2: {  	[tilespmem:s4], [sflag:$0x5] =	stream.indirect.gather [spmem:s8], $0x80, s11, s17, $0xb8;
	[tilespmem:$0x1E800] =	vst v63  }
0x2a3: {  	s0 =	sadd.s32 s1, s0  }
0x2a4: {  	[hbm4b:s0+s16] =	stream.strided.scatter [tilespmem:s7], [sflag:$0x2], $0x2000, s26, s16, $0x38;
	[tilespmem:$0x1E800] =	vst v63  }
0x2a5: {  	_ =	swait.ge [sflag:s31], $0x2000  }
0x2a6: {  	s19 =	sadd.s32 $0x3, s15;
	[sflag:s31] =	ssyncset.done $0x0  }
0x2a7: {  	s0 =	sadd.s32 $0xFFFFFF80, s19;
	[sflag:s31] =	ssyncadd.s32 $0xFFFFE000  }
0x2a8: {  	s0 =	sor.u32 s24, s0;
	_ =	swait.ge [sflag:s10], $0x2000  }
0x2a9: {  	s0 =	sshll.u32 s0, $0x7;
	[sflag:s10] =	ssyncset.done $0x0  }
0x2aa: {  	s20 =	simm.s32 $0x101C0;
	s0 =	sand.u32 $0x1FFFFF80, s0;
	[sflag:s10] =	ssyncadd.s32 $0xFFFFE000  }
0x2ab: {  	[tilespmem:s6], [sflag:$0x6] =	stream.indirect.gather [spmem:s8], $0x80, s20, s17, $0xb8;
	[tilespmem:$0x1E800] =	vst v63  }
0x2ac: {  	s0 =	sadd.s32 s1, s0  }
0x2ad: {  	[hbm4b:s0+s16] =	stream.strided.scatter [tilespmem:s22], [sflag:$0x3], $0x2000, s26, s16, $0x38;
	[tilespmem:$0x1E800] =	vst v63  }
0x2ae: {  	_ =	swait.ge [sflag:s5], $0x2000  }
0x2af: {  	s21 =	sadd.s32 $0x3, s15;
	[sflag:s5] =	ssyncset.done $0x0  }
0x2b0: {  	s0 =	sadd.s32 $0xFFFFFFC0, s21;
	[sflag:s5] =	ssyncadd.s32 $0xFFFFE000  }
0x2b1: {  	s0 =	sor.u32 s24, s0;
	_ =	swait.ge [sflag:s12], $0x2000  }
0x2b2: {  	s18 =	simm.s32 $0x1C800;
	s0 =	sshll.u32 s0, $0x7;
	[sflag:s12] =	ssyncset.done $0x0  }
0x2b3: {  	s25 =	simm.s32 $0x10200;
	s0 =	sand.u32 $0x1FFFFF80, s0;
	[sflag:s12] =	ssyncadd.s32 $0xFFFFE000  }
0x2b4: {  	[tilespmem:s18], [sflag:$0x7] =	stream.indirect.gather [spmem:s8], $0x80, s25, s17, $0xb8;
	[tilespmem:$0x1E800] =	vst v63  }
0x2b5: {  	s0 =	sadd.s32 s1, s0  }
0x2b6: {  	[hbm4b:s0+s16] =	stream.strided.scatter [tilespmem:s14], [sflag:$0x4], $0x2000, s26, s16, $0x38;
	[tilespmem:$0x1E800] =	vst v63  }
0x2b7: {  	s29 =	simm.s32 $0x16800;
	_ =	swait.ge [sflag:s9], $0x2000  }
0x2b8: {  	s3 =	sadd.s32 $0xE000, s3;
	s2 =	simm.s32 $0x700;
	[sflag:s9] =	ssyncset.done $0x0  }
0x2b9: {  	s30 =	sadd.s32 $0x3, s15;
	s11 =	simm.s32 $0x6B;
	[sflag:s9] =	ssyncadd.s32 $0xFFFFE000  }
0x2ba: {  	s19 =	simm.s32 $0x68;
	s7 =	sor.u32 s24, s30;
	_ =	swait.ge [sflag:s23], $0x2000  }
0x2bb: {  	s7 =	sshll.u32 s7, $0x7;
	s31 =	simm.s32 $0x10240;
	[sflag:s23] =	ssyncset.done $0x0  }
0x2bc: {  	s21 =	simm.s32 $0x6A;
	s0 =	simm.s32 $0x66;
	[sflag:s23] =	ssyncadd.s32 $0xFFFFE000  }
0x2bd: {  	[tilespmem:s13], [sflag:$0x1] =	stream.indirect.gather [spmem:s8], $0x80, s31, s17, $0xb8;
	[tilespmem:$0x1E800] =	vst v63  }
0x2be: {  	s14 =	sand.u32 $0x1FFFFF80, s7;
	s7 =	simm.s32 $0x6C;
	s13 =	simm.s32 $0x69  }
.LBB2_8:
0x2bf: {  	s14 =	sadd.s32 s1, s14;
	s0 =	sadd.s32 $0x7, s0;
	s15 =	sadd.s32 $0x1C0, s15  }
0x2c0: {  	s18 =	smov.u32 s2;
	s30 =	simm.s32 $0x1C800;
	s4 =	simm.s32 $0x18800  }
0x2c1: {  	[hbm4b:s14+s16] =	stream.strided.scatter [tilespmem:s4], [sflag:$0x5], $0x2000, s26, s16, $0x38;
	[tilespmem:$0x1E800] =	vst v63  }
0x2c2: {  	p0 =	sne.s32 s2, $0x1500;
	s2 =	sadd.s32 $0x700, s2;
	_ =	swait.ge [sflag:s10], $0x2000  }
0x2c3: {  	[sflag:s10] =	ssyncset.done $0x0  }
0x2c4: {  	s31 =	simm.s32 $0x2;
	[sflag:s10] =	ssyncadd.s32 $0xFFFFE000  }
0x2c5: {  	s5 =	simm.s32 $0x3;
	s14 =	sshra.s32 s18, $0x2;
	_ =	swait.ge [sflag:s31], $0x2000  }
0x2c6: {  	s18 =	sadd.s32 $0x100C0, s14;
	[sflag:s31] =	ssyncset.done $0x0  }
0x2c7: {  	s25 =	simm.s32 $0x12800;
	[sflag:s31] =	ssyncadd.s32 $0xFFFFE000  }
0x2c8: {  	[tilespmem:s25], [sflag:$0x2] =	stream.indirect.gather [spmem:s8], $0x80, s18, s17, $0xb8;
	[tilespmem:$0x1E800] =	vst v63  }
0x2c9: {  	s6 =	simm.s32 $0x1;
	s23 =	simm.s32 $0x1A800  }
0x2ca: {  	[hbm4b:s3+s16] =	stream.strided.scatter [tilespmem:s23], [sflag:$0x6], $0x2000, s26, s16, $0x38;
	[tilespmem:$0x1E800] =	vst v63  }
0x2cb: {  	s18 =	sshrl.u32 s19, $0x5;
	_ =	swait.ge [sflag:s12], $0x2000  }
0x2cc: {  	s18 =	sadd.s32 s18, s15;
	[sflag:s12] =	ssyncset.done $0x0  }
0x2cd: {  	s18 =	sadd.s32 $0xFFFFFEC0, s18;
	[sflag:s12] =	ssyncadd.s32 $0xFFFFE000  }
0x2ce: {  	s18 =	sor.u32 s24, s18;
	_ =	swait.ge [sflag:s5], $0x2000  }
0x2cf: {  	s20 =	sadd.s32 $0x10100, s14;
	s18 =	sshll.u32 s18, $0x7;
	[sflag:s5] =	ssyncset.done $0x0  }
0x2d0: {  	s18 =	sand.u32 $0x1FFFFF80, s18;
	[sflag:s5] =	ssyncadd.s32 $0xFFFFE000;
	s5 =	simm.s32 $0x4  }
0x2d1: {  	[tilespmem:s22], [sflag:$0x3] =	stream.indirect.gather [spmem:s8], $0x80, s20, s17, $0xb8;
	[tilespmem:$0x1E800] =	vst v63  }
0x2d2: {  	s18 =	sadd.s32 s1, s18  }
0x2d3: {  	[hbm4b:s18+s16] =	stream.strided.scatter [tilespmem:s30], [sflag:$0x7], $0x2000, s26, s16, $0x38;
	[tilespmem:$0x1E800] =	vst v63  }
0x2d4: {  	s18 =	sshrl.u32 s13, $0x5;
	_ =	swait.ge [sflag:s6], $0x2000  }
0x2d5: {  	s18 =	sadd.s32 s18, s15;
	[sflag:s6] =	ssyncset.done $0x0  }
0x2d6: {  	s18 =	sadd.s32 $0xFFFFFF00, s18;
	[sflag:s6] =	ssyncadd.s32 $0xFFFFE000  }
0x2d7: {  	s18 =	sor.u32 s24, s18;
	_ =	swait.ge [sflag:s5], $0x2000  }
0x2d8: {  	s20 =	sadd.s32 $0x10140, s14;
	s18 =	sshll.u32 s18, $0x7;
	[sflag:s5] =	ssyncset.done $0x0  }
0x2d9: {  	s18 =	sand.u32 $0x1FFFFF80, s18;
	[sflag:s5] =	ssyncadd.s32 $0xFFFFE000  }
0x2da: {  	[tilespmem:s29], [sflag:$0x4] =	stream.indirect.gather [spmem:s8], $0x80, s20, s17, $0xb8;
	[tilespmem:$0x1E800] =	vst v63  }
0x2db: {  	s22 =	simm.s32 $0x10800;
	s30 =	simm.s32 $0x14800;
	s18 =	sadd.s32 s1, s18  }
0x2dc: {  	[hbm4b:s18+s16] =	stream.strided.scatter [tilespmem:s22], [sflag:$0x1], $0x2000, s26, s16, $0x38;
	[tilespmem:$0x1E800] =	vst v63  }
0x2dd: {  	s18 =	sshrl.u32 s21, $0x5;
	_ =	swait.ge [sflag:s31], $0x2000  }
0x2de: {  	s18 =	sadd.s32 s18, s15;
	[sflag:s31] =	ssyncset.done $0x0  }
0x2df: {  	s18 =	sadd.s32 $0xFFFFFF40, s18;
	[sflag:s31] =	ssyncadd.s32 $0xFFFFE000;
	s31 =	simm.s32 $0x3  }
0x2e0: {  	s18 =	sor.u32 s24, s18;
	_ =	swait.ge [sflag:s9], $0x2000  }
0x2e1: {  	s20 =	sadd.s32 $0x10180, s14;
	s18 =	sshll.u32 s18, $0x7;
	[sflag:s9] =	ssyncset.done $0x0  }
0x2e2: {  	s18 =	sand.u32 $0x1FFFFF80, s18;
	[sflag:s9] =	ssyncadd.s32 $0xFFFFE000  }
0x2e3: {  	[tilespmem:s4], [sflag:$0x5] =	stream.indirect.gather [spmem:s8], $0x80, s20, s17, $0xb8;
	[tilespmem:$0x1E800] =	vst v63  }
0x2e4: {  	s6 =	simm.s32 $0x18800;
	s4 =	simm.s32 $0x1C800  }
0x2e5: {  	s18 =	sadd.s32 s1, s18  }
0x2e6: {  	[hbm4b:s18+s16] =	stream.strided.scatter [tilespmem:s25], [sflag:$0x2], $0x2000, s26, s16, $0x38;
	[tilespmem:$0x1E800] =	vst v63  }
0x2e7: {  	s18 =	sshrl.u32 s11, $0x5;
	_ =	swait.ge [sflag:s31], $0x2000  }
0x2e8: {  	s18 =	sadd.s32 s18, s15;
	[sflag:s31] =	ssyncset.done $0x0  }
0x2e9: {  	s18 =	sadd.s32 $0xFFFFFF80, s18;
	[sflag:s31] =	ssyncadd.s32 $0xFFFFE000  }
0x2ea: {  	s18 =	sor.u32 s24, s18;
	_ =	swait.ge [sflag:s10], $0x2000  }
0x2eb: {  	s20 =	sadd.s32 $0x101C0, s14;
	s18 =	sshll.u32 s18, $0x7;
	[sflag:s10] =	ssyncset.done $0x0  }
0x2ec: {  	s18 =	sand.u32 $0x1FFFFF80, s18;
	[sflag:s10] =	ssyncadd.s32 $0xFFFFE000  }
0x2ed: {  	[tilespmem:s23], [sflag:$0x6] =	stream.indirect.gather [spmem:s8], $0x80, s20, s17, $0xb8;
	[tilespmem:$0x1E800] =	vst v63  }
0x2ee: {  	s23 =	simm.s32 $0x1  }
0x2ef: {  	s25 =	simm.s32 $0x16800;
	s18 =	sadd.s32 s1, s18  }
0x2f0: {  	[hbm4b:s18+s16] =	stream.strided.scatter [tilespmem:s30], [sflag:$0x3], $0x2000, s26, s16, $0x38;
	[tilespmem:$0x1E800] =	vst v63  }
0x2f1: {  	s18 =	sshrl.u32 s7, $0x5;
	_ =	swait.ge [sflag:s5], $0x2000  }
0x2f2: {  	s18 =	sadd.s32 s18, s15;
	[sflag:s5] =	ssyncset.done $0x0  }
0x2f3: {  	s18 =	sadd.s32 $0xFFFFFFC0, s18;
	[sflag:s5] =	ssyncadd.s32 $0xFFFFE000  }
0x2f4: {  	s18 =	sor.u32 s24, s18;
	_ =	swait.ge [sflag:s12], $0x2000  }
0x2f5: {  	s20 =	sadd.s32 $0x10200, s14;
	s18 =	sshll.u32 s18, $0x7;
	[sflag:s12] =	ssyncset.done $0x0  }
0x2f6: {  	s18 =	sand.u32 $0x1FFFFF80, s18;
	[sflag:s12] =	ssyncadd.s32 $0xFFFFE000  }
0x2f7: {  	[tilespmem:s4], [sflag:$0x7] =	stream.indirect.gather [spmem:s8], $0x80, s20, s17, $0xb8;
	[tilespmem:$0x1E800] =	vst v63  }
0x2f8: {  	s3 =	sadd.s32 $0xE000, s3;
	s29 =	simm.s32 $0x16800;
	s18 =	sadd.s32 s1, s18  }
0x2f9: {  	[hbm4b:s18+s16] =	stream.strided.scatter [tilespmem:s25], [sflag:$0x4], $0x2000, s26, s16, $0x38;
	[tilespmem:$0x1E800] =	vst v63  }
0x2fa: {  	s19 =	sadd.s32 $0x7, s19;
	s21 =	sadd.s32 $0x7, s21;
	_ =	swait.ge [sflag:s9], $0x2000  }
0x2fb: {  	s11 =	sadd.s32 $0x7, s11;
	s18 =	sshrl.u32 s0, $0x5;
	[sflag:s9] =	ssyncset.done $0x0  }
0x2fc: {  	s13 =	sadd.s32 $0x7, s13;
	s18 =	sadd.s32 s18, s15;
	[sflag:s9] =	ssyncadd.s32 $0xFFFFE000  }
.Ltmp3:
0x2fd: {  	s18 =	sor.u32 s24, s18;
	_ =	swait.ge [sflag:s23], $0x2000;
	(pc) =	sbr.rel @p0 .LBB2_8-.Ltmp3, $4  }
0x2fe: {  	s20 =	sadd.s32 $0x10240, s14;
	s14 =	sshll.u32 s18, $0x7;
	[sflag:s23] =	ssyncset.done $0x0  }
0x2ff: {  	s7 =	sadd.s32 $0x7, s7;
	s14 =	sand.u32 $0x1FFFFF80, s14;
	[sflag:s23] =	ssyncadd.s32 $0xFFFFE000  }
0x300: {  	[tilespmem:s22], [sflag:$0x1] =	stream.indirect.gather [spmem:s8], $0x80, s20, s17, $0xb8;
	[tilespmem:$0x1E800] =	vst v63  }
0x301: {  	s18 =	simm.s32 $0x10800;
	s22 =	simm.s32 $0x14800  }
0x302: {  	s0 =	sadd.s32 s1, s14  }
0x303: {  	[hbm4b:s0+s16] =	stream.strided.scatter [tilespmem:s6], [sflag:$0x5], $0x2000, s26, s16, $0x38;
	[tilespmem:$0x1E800] =	vst v63  }
0x304: {  	_ =	swait.ge [sflag:s10], $0x2000  }
0x305: {  	[sflag:s10] =	ssyncset.done $0x0  }
0x306: {  	s30 =	simm.s32 $0x2;
	[sflag:s10] =	ssyncadd.s32 $0xFFFFE000  }
0x307: {  	_ =	swait.ge [sflag:s30], $0x2000  }
0x308: {  	[sflag:s30] =	ssyncset.done $0x0  }
0x309: {  	s2 =	simm.s32 $0x12800;
	s29 =	simm.s32 $0x107C0;
	[sflag:s30] =	ssyncadd.s32 $0xFFFFE000  }
0x30a: {  	[tilespmem:s2], [sflag:$0x2] =	stream.indirect.gather [spmem:s8], $0x80, s29, s17, $0xb8;
	[tilespmem:$0x1E800] =	vst v63  }
0x30b: {  	s6 =	simm.s32 $0x1A800;
	s14 =	rddreg [dreg:$0x18]  }
0x30c: {  	[hbm4b:s14+s16] =	stream.strided.scatter [tilespmem:s6], [sflag:$0x6], $0x2000, s26, s16, $0x38;
	[tilespmem:$0x1E800] =	vst v63  }
0x30d: {  	_ =	swait.ge [sflag:s12], $0x2000  }
0x30e: {  	[sflag:s12] =	ssyncset.done $0x0  }
0x30f: {  	[sflag:s12] =	ssyncadd.s32 $0xFFFFE000  }
0x310: {  	_ =	swait.ge [sflag:s31], $0x2000  }
0x311: {  	[sflag:s31] =	ssyncset.done $0x0  }
0x312: {  	s15 =	rddreg [dreg:$0x19];
	[sflag:s31] =	ssyncadd.s32 $0xFFFFE000  }
0x313: {  	[hbm4b:s15+s16] =	stream.strided.scatter [tilespmem:s4], [sflag:$0x7], $0x2000, s26, s16, $0x38;
	[tilespmem:$0x1E800] =	vst v63  }
0x314: {  	_ =	swait.ge [sflag:s23], $0x2000  }
0x315: {  	[sflag:s23] =	ssyncset.done $0x0  }
0x316: {  	[sflag:s23] =	ssyncadd.s32 $0xFFFFE000  }
0x317: {  	_ =	swait.ge [sflag:s5], $0x2000  }
0x318: {  	[sflag:s5] =	ssyncset.done $0x0  }
0x319: {  	s19 =	rddreg [dreg:$0x1a];
	[sflag:s5] =	ssyncadd.s32 $0xFFFFE000  }
0x31a: {  	[hbm4b:s19+s16] =	stream.strided.scatter [tilespmem:s18], [sflag:$0x1], $0x2000, s26, s16, $0x38;
	[tilespmem:$0x1E800] =	vst v63  }
0x31b: {  	_ =	swait.ge [sflag:s30], $0x2000  }
0x31c: {  	[sflag:s30] =	ssyncset.done $0x0  }
0x31d: {  	[sflag:s30] =	ssyncadd.s32 $0xFFFFE000  }
0x31e: {  	_ =	swait.ge [sflag:s9], $0x2000  }
0x31f: {  	[sflag:s9] =	ssyncset.done $0x0  }
0x320: {  	s20 =	rddreg [dreg:$0x1b];
	[sflag:s9] =	ssyncadd.s32 $0xFFFFE000  }
0x321: {  	[hbm4b:s20+s16] =	stream.strided.scatter [tilespmem:s2], [sflag:$0x2], $0x2000, s26, s16, $0x38;
	[tilespmem:$0x1E800] =	vst v63  }
0x322: {  	_ =	swait.ge [sflag:s10], $0x2000  }
0x323: {  	[sflag:s10] =	ssyncset.done $0x0  }
0x324: {  	[sflag:s10] =	ssyncadd.s32 $0xFFFFE000  }
0x325: {  	_ =	swait.ge [sflag:s12], $0x2000  }
0x326: {  	[sflag:s12] =	ssyncset.done $0x0  }
0x327: {  	[sflag:s12] =	ssyncadd.s32 $0xFFFFE000  }
0x328: {  	_ =	swait.ge [sflag:s23], $0x2000  }
0x329: {  	[sflag:s23] =	ssyncset.done $0x0  }
0x32a: {  	[sflag:s23] =	ssyncadd.s32 $0xFFFFE000  }
0x32b: {  	_ =	swait.ge [sflag:s30], $0x2000  }
0x32c: {  	s21 =	sld [smem:$0x7F4];
	_ =	sdelay $0x2  }
0x32d: {  	s25 =	rddreg [dreg:$0x1c];
	s2 =	sadd.s32 $0x1, s21  }
0x32e: {  	p0 =	sne.s32 s2, s25  }
.Ltmp4:
0x32f: {  	_ = 	snop;
	(pc) =	sbr.rel @p0 .LBB2_1-.Ltmp4, $3  }
0x330: {  	_ =	sdelay $0x1  }
0x331: {  	s7 =	simm.s32 $0x80;
	s18 =	simm.s32 $0x10000;
	[sflag:s30] =	ssyncset.done $0x0  }
0x332: {  	s20 =	simm.s32 $0x8;
	[sflag:s30] =	ssyncadd.s32 $0xFFFFE000;
	s25 =	simm.s32 $0x10080  }
0x333: {  	_ =	sfence.sel $0x180000  }
0x334: {  	[bflag:$0x0] =	sbarrier.arrive $0xFFFF  }
0x335: {  	_ =	strace $0x90000047  }
0x336: {  	s0 =	stileid.u32;
	[bflag:$0x2] =	sbarrier.arrive $0xFFFF  }
0x337: {  	p0 =	sne.s32 s0, $0x0;
	s0 =	rddreg [dreg:$0x4]  }
0x338: {  	s0 =	sadd.s32 @!p0 $0x100000, s0  }
0x339: {  	[sflag:s0] =	ssyncadd.tile.s32 @!p0 $0x1;
	_ =	shalt  }
.Lfunc_end2:
_tile_overlayer_lowered:
.L_overlay_start_2:
0x33a: {  	(tag) =	ssettag $0x2  }
0x33b: {  	s0 =	rddreg [dreg:$0x0];
	s2 =	stileid.u32  }
0x33c: {  	s1 =	rddreg [dreg:$0x1];
	p0 =	sne.s32 s2, $0x0  }
0x33d: {  	s3 =	rddreg [dreg:$0x2];
	[bflag:$0x3] =	sbarrier.arrive $0xFFFF;
	s2 =	simm.s32 @!p0 $0x1C08  }
0x33e: {  	[timem:s3], [sflag:s2] =	dma.local @!p0 [hbm:s0], s1  }
0x33f: {  	s0 =	simm.s32 @!p0 $0x8  }
0x340: {  	_ =	swait.ge @!p0 [sflag:s0], s1  }
0x341: {  	s1 =	ssub.s32 @!p0 $0x0, s1;
	[sflag:s0] =	ssyncset.done @!p0 $0x0  }
0x342: {  	[sflag:s0] =	ssyncadd.s32 @!p0 s1  }
0x343: {  	[bflag:$0x3] =	sbarrier.arrive $0xFFFF  }
0x344: {  	_ =	shalt  }

</sc_bundles>
